<compile_context>
chip_gen: v7x
topology: tpu7x:2x2x1
jax: 0.10.2.dev20260603
libtpu: 0.0.44.dev20260713+nightly
codegen_flags: <defaults>
</compile_context>

<pallas_src>
import functools

import jax
import jax.numpy as jnp
from jax import lax
from jax.experimental import pallas as pl
from jax.experimental.pallas import tpu as pltpu
from jax.experimental.pallas import tpu_sc as plsc


T_SC = 2048
BLOCK_TC = 1024
NW = 32
TOKW = T_SC // NW
SLAB = 32
NG = 2
DHALF = 1024
XPAD = 8


def _tc_gate(x_ref, wt_ref, b_ref, out_ref):
    logits = jnp.dot(x_ref[...], wt_ref[...],
                     preferred_element_type=jnp.float32) + b_ref[...]
    m = jnp.max(logits, axis=-1, keepdims=True)
    e = jnp.exp(logits - m)
    out_ref[...] = e / jnp.sum(e, axis=-1, keepdims=True)


def _sc_gate(t_tc, x_hbm, wt_hbm, b_hbm, out_hbm, wt_v, xbuf, obuf, b_v):
    wid = lax.axis_index("s") * 2 + lax.axis_index("c")
    base = t_tc + wid * TOKW
    pltpu.sync_copy(b_hbm, b_v)
    bvec = b_v[...]
    toks = [lax.iota(jnp.int32, 16) + g * 16 for g in range(NG)]

    for p in range(TOKW // SLAB):
        pltpu.sync_copy(x_hbm.at[pl.ds(base + p * SLAB, SLAB), :],
                        xbuf.at[:, pl.ds(0, 2048)])
        accs = [jnp.zeros((16,), jnp.float32) + bvec[c]
                for c in range(16) for _ in range(NG)]

        for h in range(2048 // DHALF):
            pltpu.sync_copy(wt_hbm.at[pl.ds(h * (DHALF // 8), DHALF // 8), :],
                            wt_v)

            def dim_body(i, accs, h=h):
                accs = list(accs)
                for sub in range(2):
                    dl = i * 2 + sub
                    d = h * DHALF + dl
                    dcol = jnp.full((16,), d, jnp.int32)
                    xg = [plsc.load_gather(xbuf, [toks[g], dcol])
                          for g in range(NG)]
                    wv = wt_v[dl // 8, pl.ds((dl % 8) * 16, 16)]
                    for c in range(16):
                        wc = wv[c]
                        for g in range(NG):
                            accs[c * NG + g] = accs[c * NG + g] + xg[g] * wc
                return tuple(accs)

            accs = list(lax.fori_loop(0, DHALF // 2, dim_body, tuple(accs)))

        for g in range(NG):
            ac = [accs[c * NG + g] for c in range(16)]
            m = ac[0]
            for c in range(1, 16):
                m = jnp.maximum(m, ac[c])
            e = [jnp.exp(a - m) for a in ac]
            s = e[0]
            for c in range(1, 16):
                s = s + e[c]
            inv = 1.0 / s
            row = p * SLAB + g * 16
            ridx = lax.iota(jnp.int32, 16) + row
            for c in range(16):
                plsc.store_scatter(obuf, [ridx, jnp.full((16,), c, jnp.int32)],
                                   e[c] * inv)

    pltpu.sync_copy(obuf, out_hbm.at[pl.ds(wid * TOKW, TOKW), :])


def kernel(payload_tensor, W, b):
    B, S, D = payload_tensor.shape
    C = W.shape[0]
    T = B * S
    t_tc = T - T_SC
    x2 = payload_tensor.reshape(T, D)
    wt = W.T
    wt_packed = W.T.reshape(D // 8, 8 * C)
    b2 = b.reshape(1, C)

    sc_call = functools.partial(
        pl.kernel,
        mesh=plsc.VectorSubcoreMesh(core_axis_name="c", subcore_axis_name="s"),
        out_type=jax.ShapeDtypeStruct((T_SC, C), jnp.float32),
        scratch_types=[
            pltpu.VMEM((DHALF // 8, 8 * C), jnp.float32),
            pltpu.VMEM((SLAB, D + XPAD), jnp.float32),
            pltpu.VMEM((TOKW, C), jnp.float32),
            pltpu.VMEM((C,), jnp.float32),
        ],
        compiler_params=pltpu.CompilerParams(needs_layout_passes=False),
    )(functools.partial(_sc_gate, t_tc))
    out_sc = sc_call(x2, wt_packed, b)

    out_tc = pl.pallas_call(
        _tc_gate,
        grid=(t_tc // BLOCK_TC,),
        in_specs=[
            pl.BlockSpec((BLOCK_TC, D), lambda i: (i, 0)),
            pl.BlockSpec((D, C), lambda i: (0, 0)),
            pl.BlockSpec((1, C), lambda i: (0, 0)),
        ],
        out_specs=pl.BlockSpec((BLOCK_TC, C), lambda i: (i, 0)),
        out_shape=jax.ShapeDtypeStruct((t_tc, C), jnp.float32),
    )(x2, wt, b2)

    out = jnp.concatenate([out_tc, out_sc], axis=0)
    return out.reshape(B, S, C)

# --- scband reference (transcript-rebuilt; emitter-appended) ---
"""Pipeline reference for scband-hmoe-gate-35880156791058 (READ-ONLY COPY).

The authoritative reference and input builder live on the scoring server;
editing this copy changes nothing except your own understanding.
"""

import jax, jax.numpy as jnp
import numpy as np

INPUT_DIM = 2048
NUM_CHILDREN = 16
BATCH = 4
SEQ = 4096

def setup_inputs(seed: int = 0) -> dict:
    key = jax.random.key(seed)
    k1, k2, k3 = jax.random.split(key, 3)
    x = jax.random.normal(k1, (BATCH, SEQ, INPUT_DIM), dtype=jnp.float32)
    # nn.Linear(input_dim, num_children): weight [num_children, input_dim], bias [num_children]
    bound = 1.0 / np.sqrt(INPUT_DIM)
    W = jax.random.uniform(k2, (NUM_CHILDREN, INPUT_DIM), minval=-bound, maxval=bound, dtype=jnp.float32)
    b = jax.random.uniform(k3, (NUM_CHILDREN,), minval=-bound, maxval=bound, dtype=jnp.float32)
    return {"payload_tensor": x, "W": W, "b": b}

def reference(payload_tensor, W, b):
    # HmoeGate.forward: linear projection -> softmax over children
    raw_data = payload_tensor  # HmoeTensor.to_tensor() is identity here
    routing_logits = jnp.einsum('bsd,cd->bsc', raw_data, W) + b
    routing_weights = jax.nn.softmax(routing_logits, axis=-1)
    return routing_weights

if __name__ == "__main__":
    import jax
    _d = setup_inputs()
    print(jax.jit(kernel)(*tuple(_d.values())))

</pallas_src>

<mosaic_0001>
#map = affine_map<(d0, d1) -> (0, 0)>
#map1 = affine_map<(d0, d1) -> (0)>
module attributes {stable_mosaic.version = 14 : i64} {
  func.func @_sc_gate(%arg0: i32, %arg1: i32, %arg2: memref<16384x2048xf32, #tpu.memory_space<hbm>>, %arg3: memref<256x128xf32, #tpu.memory_space<hbm>>, %arg4: memref<16xf32, #tpu.memory_space<hbm>>, %arg5: memref<2048x16xf32, #tpu.memory_space<hbm>>, %arg6: memref<128x128xf32, #tpu.memory_space<vmem>>, %arg7: memref<32x2056xf32, #tpu.memory_space<vmem>>, %arg8: memref<64x16xf32, #tpu.memory_space<vmem>>, %arg9: memref<16xf32, #tpu.memory_space<vmem>>) attributes {dimension_semantics = [#tpu.dimension_semantics<core_parallel>, #tpu.dimension_semantics<subcore_parallel>], iteration_bounds = array<i64: 2, 16>, scalar_prefetch = 0 : i64, scratch_operands = 4 : i64, tpu.core_type = #tpu.core_type<sc_vector_subcore>, window_params = [{transform_indices = #map}, {transform_indices = #map}, {transform_indices = #map1}, {transform_indices = #map}]} {
    %mul3A = arith.constant 2 : i32
    %mul3A_0 = arith.muli %arg1, %mul3A : i32
    %add3A = arith.addi %mul3A_0, %arg0 : i32
    %mul3A_1 = arith.constant 64 : i32
    %mul3A_2 = arith.muli %add3A, %mul3A_1 : i32
    %add3A_3 = arith.constant 14336 : i32
    %add3A_4 = arith.addi %add3A_3, %mul3A_2 : i32
    "tpu.region"() ({
      %run_scoped3A = tpu.sem_alloc : memref<!tpu.dma_semaphore, #tpu.memory_space<semaphore_mem>>
      tpu.enqueue_dma source(%arg4 : memref<16xf32, #tpu.memory_space<hbm>>) target(%arg9 : memref<16xf32, #tpu.memory_space<vmem>>) target_semaphore(%run_scoped3A : memref<!tpu.dma_semaphore, #tpu.memory_space<semaphore_mem>>)
      tpu.wait_dma2 semaphore(%run_scoped3A : memref<!tpu.dma_semaphore, #tpu.memory_space<semaphore_mem>>) src(%arg4 : memref<16xf32, #tpu.memory_space<hbm>>) dst(%arg9 : memref<16xf32, #tpu.memory_space<vmem>>)
      tpu.yield
    }) : () -> ()
    %get3A = arith.constant 0 : index
    %get3A_5 = tpu.vector_load %arg9[%get3A] {strides = array<i32>} : memref<16xf32, #tpu.memory_space<vmem>>, vector<16xf32>,
    %iota3A = tpu.iota {dimensions = array<i32: 0>} : vector<16xi32>
    %add3A_6 = arith.constant 0 : i32
    %add3A_7 = vector.broadcast %add3A_6 : i32 to vector<16xi32>
    %add3A_8 = arith.addi %iota3A, %add3A_7 : vector<16xi32>
    %iota3A_9 = tpu.iota {dimensions = array<i32: 0>} : vector<16xi32>
    %add3A_10 = arith.constant 16 : i32
    %add3A_11 = vector.broadcast %add3A_10 : i32 to vector<16xi32>
    %add3A_12 = arith.addi %iota3A_9, %add3A_11 : vector<16xi32>
    %add3A_13 = arith.constant 0 : i32
    %add3A_14 = arith.addi %add3A_4, %add3A_13 : i32
    "tpu.region"() ({
      %run_scoped3A = tpu.sem_alloc : memref<!tpu.dma_semaphore, #tpu.memory_space<semaphore_mem>>
      %dma_start3A = arith.constant 0 : i32
      %dma_start3A_887 = arith.constant 0 : i32
      %dma_start3A_888 = tpu.memref_slice %arg7[%dma_start3A, %dma_start3A_887] : memref<32x2056xf32, #tpu.memory_space<vmem>> -> memref<32x2048xf32, #tpu.memory_space<vmem>>
      %dma_start3A_889 = arith.constant 0 : i32
      %dma_start3A_890 = tpu.memref_slice %arg2[%add3A_14, %dma_start3A_889] : memref<16384x2048xf32, #tpu.memory_space<hbm>> -> memref<32x2048xf32, #tpu.memory_space<hbm>>
      %dma_start3A_891 = arith.constant 0 : i32
      %dma_start3A_892 = arith.constant 0 : i32
      %dma_start3A_893 = tpu.memref_slice %arg7[%dma_start3A_891, %dma_start3A_892] : memref<32x2056xf32, #tpu.memory_space<vmem>> -> memref<32x2048xf32, #tpu.memory_space<vmem>>
      %dma_start3A_894 = arith.constant 0 : i32
      %dma_start3A_895 = tpu.memref_slice %arg2[%add3A_14, %dma_start3A_894] : memref<16384x2048xf32, #tpu.memory_space<hbm>> -> memref<32x2048xf32, #tpu.memory_space<hbm>>
      tpu.enqueue_dma source(%dma_start3A_895 : memref<32x2048xf32, #tpu.memory_space<hbm>>) target(%dma_start3A_893 : memref<32x2048xf32, #tpu.memory_space<vmem>>) target_semaphore(%run_scoped3A : memref<!tpu.dma_semaphore, #tpu.memory_space<semaphore_mem>>)
      %dma_wait3A = arith.constant 0 : i32
      %dma_wait3A_896 = arith.constant 0 : i32
      %dma_wait3A_897 = tpu.memref_slice %arg7[%dma_wait3A, %dma_wait3A_896] : memref<32x2056xf32, #tpu.memory_space<vmem>> -> memref<32x2048xf32, #tpu.memory_space<vmem>>
      %dma_wait3A_898 = arith.constant 0 : i32
      %dma_wait3A_899 = tpu.memref_slice %arg2[%add3A_14, %dma_wait3A_898] : memref<16384x2048xf32, #tpu.memory_space<hbm>> -> memref<32x2048xf32, #tpu.memory_space<hbm>>
      %dma_wait3A_900 = arith.constant 0 : i32
      %dma_wait3A_901 = arith.constant 0 : i32
      %dma_wait3A_902 = tpu.memref_slice %arg7[%dma_wait3A_900, %dma_wait3A_901] : memref<32x2056xf32, #tpu.memory_space<vmem>> -> memref<32x2048xf32, #tpu.memory_space<vmem>>
      %dma_wait3A_903 = arith.constant 0 : i32
      %dma_wait3A_904 = tpu.memref_slice %arg2[%add3A_14, %dma_wait3A_903] : memref<16384x2048xf32, #tpu.memory_space<hbm>> -> memref<32x2048xf32, #tpu.memory_space<hbm>>
      tpu.wait_dma2 semaphore(%run_scoped3A : memref<!tpu.dma_semaphore, #tpu.memory_space<semaphore_mem>>) src(%dma_wait3A_904 : memref<32x2048xf32, #tpu.memory_space<hbm>>) dst(%dma_wait3A_902 : memref<32x2048xf32, #tpu.memory_space<vmem>>)
      tpu.yield
    }) : () -> ()
    %broadcast_in_dim3A = arith.constant 0.000000e+00 : f32
    %broadcast_in_dim3A_15 = vector.broadcast %broadcast_in_dim3A : f32 to vector<16xf32>
    %slice3A = vector.extract_strided_slice %get3A_5 {offsets = [0], sizes = [1], strides = [1]} : vector<16xf32> to vector<1xf32>
    %squeeze3A = vector.extract %slice3A[0] : f32 from vector<1xf32>
    %add3A_16 = vector.broadcast %squeeze3A : f32 to vector<16xf32>
    %add3A_17 = arith.addf %broadcast_in_dim3A_15, %add3A_16 : vector<16xf32>
    %broadcast_in_dim3A_18 = arith.constant 0.000000e+00 : f32
    %broadcast_in_dim3A_19 = vector.broadcast %broadcast_in_dim3A_18 : f32 to vector<16xf32>
    %slice3A_20 = vector.extract_strided_slice %get3A_5 {offsets = [0], sizes = [1], strides = [1]} : vector<16xf32> to vector<1xf32>
    %squeeze3A_21 = vector.extract %slice3A_20[0] : f32 from vector<1xf32>
    %add3A_22 = vector.broadcast %squeeze3A_21 : f32 to vector<16xf32>
    %add3A_23 = arith.addf %broadcast_in_dim3A_19, %add3A_22 : vector<16xf32>
    %broadcast_in_dim3A_24 = arith.constant 0.000000e+00 : f32
    %broadcast_in_dim3A_25 = vector.broadcast %broadcast_in_dim3A_24 : f32 to vector<16xf32>
    %slice3A_26 = vector.extract_strided_slice %get3A_5 {offsets = [1], sizes = [1], strides = [1]} : vector<16xf32> to vector<1xf32>
    %squeeze3A_27 = vector.extract %slice3A_26[0] : f32 from vector<1xf32>
    %add3A_28 = vector.broadcast %squeeze3A_27 : f32 to vector<16xf32>
    %add3A_29 = arith.addf %broadcast_in_dim3A_25, %add3A_28 : vector<16xf32>
    %broadcast_in_dim3A_30 = arith.constant 0.000000e+00 : f32
    %broadcast_in_dim3A_31 = vector.broadcast %broadcast_in_dim3A_30 : f32 to vector<16xf32>
    %slice3A_32 = vector.extract_strided_slice %get3A_5 {offsets = [1], sizes = [1], strides = [1]} : vector<16xf32> to vector<1xf32>
    %squeeze3A_33 = vector.extract %slice3A_32[0] : f32 from vector<1xf32>
    %add3A_34 = vector.broadcast %squeeze3A_33 : f32 to vector<16xf32>
    %add3A_35 = arith.addf %broadcast_in_dim3A_31, %add3A_34 : vector<16xf32>
    %broadcast_in_dim3A_36 = arith.constant 0.000000e+00 : f32
    %broadcast_in_dim3A_37 = vector.broadcast %broadcast_in_dim3A_36 : f32 to vector<16xf32>
    %slice3A_38 = vector.extract_strided_slice %get3A_5 {offsets = [2], sizes = [1], strides = [1]} : vector<16xf32> to vector<1xf32>
    %squeeze3A_39 = vector.extract %slice3A_38[0] : f32 from vector<1xf32>
    %add3A_40 = vector.broadcast %squeeze3A_39 : f32 to vector<16xf32>
    %add3A_41 = arith.addf %broadcast_in_dim3A_37, %add3A_40 : vector<16xf32>
    %broadcast_in_dim3A_42 = arith.constant 0.000000e+00 : f32
    %broadcast_in_dim3A_43 = vector.broadcast %broadcast_in_dim3A_42 : f32 to vector<16xf32>
    %slice3A_44 = vector.extract_strided_slice %get3A_5 {offsets = [2], sizes = [1], strides = [1]} : vector<16xf32> to vector<1xf32>
    %squeeze3A_45 = vector.extract %slice3A_44[0] : f32 from vector<1xf32>
    %add3A_46 = vector.broadcast %squeeze3A_45 : f32 to vector<16xf32>
    %add3A_47 = arith.addf %broadcast_in_dim3A_43, %add3A_46 : vector<16xf32>
    %broadcast_in_dim3A_48 = arith.constant 0.000000e+00 : f32
    %broadcast_in_dim3A_49 = vector.broadcast %broadcast_in_dim3A_48 : f32 to vector<16xf32>
    %slice3A_50 = vector.extract_strided_slice %get3A_5 {offsets = [3], sizes = [1], strides = [1]} : vector<16xf32> to vector<1xf32>
    %squeeze3A_51 = vector.extract %slice3A_50[0] : f32 from vector<1xf32>
    %add3A_52 = vector.broadcast %squeeze3A_51 : f32 to vector<16xf32>
    %add3A_53 = arith.addf %broadcast_in_dim3A_49, %add3A_52 : vector<16xf32>
    %broadcast_in_dim3A_54 = arith.constant 0.000000e+00 : f32
    %broadcast_in_dim3A_55 = vector.broadcast %broadcast_in_dim3A_54 : f32 to vector<16xf32>
    %slice3A_56 = vector.extract_strided_slice %get3A_5 {offsets = [3], sizes = [1], strides = [1]} : vector<16xf32> to vector<1xf32>
    %squeeze3A_57 = vector.extract %slice3A_56[0] : f32 from vector<1xf32>
    %add3A_58 = vector.broadcast %squeeze3A_57 : f32 to vector<16xf32>
    %add3A_59 = arith.addf %broadcast_in_dim3A_55, %add3A_58 : vector<16xf32>
    %broadcast_in_dim3A_60 = arith.constant 0.000000e+00 : f32
    %broadcast_in_dim3A_61 = vector.broadcast %broadcast_in_dim3A_60 : f32 to vector<16xf32>
    %slice3A_62 = vector.extract_strided_slice %get3A_5 {offsets = [4], sizes = [1], strides = [1]} : vector<16xf32> to vector<1xf32>
    %squeeze3A_63 = vector.extract %slice3A_62[0] : f32 from vector<1xf32>
    %add3A_64 = vector.broadcast %squeeze3A_63 : f32 to vector<16xf32>
    %add3A_65 = arith.addf %broadcast_in_dim3A_61, %add3A_64 : vector<16xf32>
    %broadcast_in_dim3A_66 = arith.constant 0.000000e+00 : f32
    %broadcast_in_dim3A_67 = vector.broadcast %broadcast_in_dim3A_66 : f32 to vector<16xf32>
    %slice3A_68 = vector.extract_strided_slice %get3A_5 {offsets = [4], sizes = [1], strides = [1]} : vector<16xf32> to vector<1xf32>
    %squeeze3A_69 = vector.extract %slice3A_68[0] : f32 from vector<1xf32>
    %add3A_70 = vector.broadcast %squeeze3A_69 : f32 to vector<16xf32>
    %add3A_71 = arith.addf %broadcast_in_dim3A_67, %add3A_70 : vector<16xf32>
    %broadcast_in_dim3A_72 = arith.constant 0.000000e+00 : f32
    %broadcast_in_dim3A_73 = vector.broadcast %broadcast_in_dim3A_72 : f32 to vector<16xf32>
    %slice3A_74 = vector.extract_strided_slice %get3A_5 {offsets = [5], sizes = [1], strides = [1]} : vector<16xf32> to vector<1xf32>
    %squeeze3A_75 = vector.extract %slice3A_74[0] : f32 from vector<1xf32>
    %add3A_76 = vector.broadcast %squeeze3A_75 : f32 to vector<16xf32>
    %add3A_77 = arith.addf %broadcast_in_dim3A_73, %add3A_76 : vector<16xf32>
    %broadcast_in_dim3A_78 = arith.constant 0.000000e+00 : f32
    %broadcast_in_dim3A_79 = vector.broadcast %broadcast_in_dim3A_78 : f32 to vector<16xf32>
    %slice3A_80 = vector.extract_strided_slice %get3A_5 {offsets = [5], sizes = [1], strides = [1]} : vector<16xf32> to vector<1xf32>
    %squeeze3A_81 = vector.extract %slice3A_80[0] : f32 from vector<1xf32>
    %add3A_82 = vector.broadcast %squeeze3A_81 : f32 to vector<16xf32>
    %add3A_83 = arith.addf %broadcast_in_dim3A_79, %add3A_82 : vector<16xf32>
    %broadcast_in_dim3A_84 = arith.constant 0.000000e+00 : f32
    %broadcast_in_dim3A_85 = vector.broadcast %broadcast_in_dim3A_84 : f32 to vector<16xf32>
    %slice3A_86 = vector.extract_strided_slice %get3A_5 {offsets = [6], sizes = [1], strides = [1]} : vector<16xf32> to vector<1xf32>
    %squeeze3A_87 = vector.extract %slice3A_86[0] : f32 from vector<1xf32>
    %add3A_88 = vector.broadcast %squeeze3A_87 : f32 to vector<16xf32>
    %add3A_89 = arith.addf %broadcast_in_dim3A_85, %add3A_88 : vector<16xf32>
    %broadcast_in_dim3A_90 = arith.constant 0.000000e+00 : f32
    %broadcast_in_dim3A_91 = vector.broadcast %broadcast_in_dim3A_90 : f32 to vector<16xf32>
    %slice3A_92 = vector.extract_strided_slice %get3A_5 {offsets = [6], sizes = [1], strides = [1]} : vector<16xf32> to vector<1xf32>
    %squeeze3A_93 = vector.extract %slice3A_92[0] : f32 from vector<1xf32>
    %add3A_94 = vector.broadcast %squeeze3A_93 : f32 to vector<16xf32>
    %add3A_95 = arith.addf %broadcast_in_dim3A_91, %add3A_94 : vector<16xf32>
    %broadcast_in_dim3A_96 = arith.constant 0.000000e+00 : f32
    %broadcast_in_dim3A_97 = vector.broadcast %broadcast_in_dim3A_96 : f32 to vector<16xf32>
    %slice3A_98 = vector.extract_strided_slice %get3A_5 {offsets = [7], sizes = [1], strides = [1]} : vector<16xf32> to vector<1xf32>
    %squeeze3A_99 = vector.extract %slice3A_98[0] : f32 from vector<1xf32>
    %add3A_100 = vector.broadcast %squeeze3A_99 : f32 to vector<16xf32>
    %add3A_101 = arith.addf %broadcast_in_dim3A_97, %add3A_100 : vector<16xf32>
    %broadcast_in_dim3A_102 = arith.constant 0.000000e+00 : f32
    %broadcast_in_dim3A_103 = vector.broadcast %broadcast_in_dim3A_102 : f32 to vector<16xf32>
    %slice3A_104 = vector.extract_strided_slice %get3A_5 {offsets = [7], sizes = [1], strides = [1]} : vector<16xf32> to vector<1xf32>
    %squeeze3A_105 = vector.extract %slice3A_104[0] : f32 from vector<1xf32>
    %add3A_106 = vector.broadcast %squeeze3A_105 : f32 to vector<16xf32>
    %add3A_107 = arith.addf %broadcast_in_dim3A_103, %add3A_106 : vector<16xf32>
    %broadcast_in_dim3A_108 = arith.constant 0.000000e+00 : f32
    %broadcast_in_dim3A_109 = vector.broadcast %broadcast_in_dim3A_108 : f32 to vector<16xf32>
    %slice3A_110 = vector.extract_strided_slice %get3A_5 {offsets = [8], sizes = [1], strides = [1]} : vector<16xf32> to vector<1xf32>
    %squeeze3A_111 = vector.extract %slice3A_110[0] : f32 from vector<1xf32>
    %add3A_112 = vector.broadcast %squeeze3A_111 : f32 to vector<16xf32>
    %add3A_113 = arith.addf %broadcast_in_dim3A_109, %add3A_112 : vector<16xf32>
    %broadcast_in_dim3A_114 = arith.constant 0.000000e+00 : f32
    %broadcast_in_dim3A_115 = vector.broadcast %broadcast_in_dim3A_114 : f32 to vector<16xf32>
    %slice3A_116 = vector.extract_strided_slice %get3A_5 {offsets = [8], sizes = [1], strides = [1]} : vector<16xf32> to vector<1xf32>
    %squeeze3A_117 = vector.extract %slice3A_116[0] : f32 from vector<1xf32>
    %add3A_118 = vector.broadcast %squeeze3A_117 : f32 to vector<16xf32>
    %add3A_119 = arith.addf %broadcast_in_dim3A_115, %add3A_118 : vector<16xf32>
    %broadcast_in_dim3A_120 = arith.constant 0.000000e+00 : f32
    %broadcast_in_dim3A_121 = vector.broadcast %broadcast_in_dim3A_120 : f32 to vector<16xf32>
    %slice3A_122 = vector.extract_strided_slice %get3A_5 {offsets = [9], sizes = [1], strides = [1]} : vector<16xf32> to vector<1xf32>
    %squeeze3A_123 = vector.extract %slice3A_122[0] : f32 from vector<1xf32>
    %add3A_124 = vector.broadcast %squeeze3A_123 : f32 to vector<16xf32>
    %add3A_125 = arith.addf %broadcast_in_dim3A_121, %add3A_124 : vector<16xf32>
    %broadcast_in_dim3A_126 = arith.constant 0.000000e+00 : f32
    %broadcast_in_dim3A_127 = vector.broadcast %broadcast_in_dim3A_126 : f32 to vector<16xf32>
    %slice3A_128 = vector.extract_strided_slice %get3A_5 {offsets = [9], sizes = [1], strides = [1]} : vector<16xf32> to vector<1xf32>
    %squeeze3A_129 = vector.extract %slice3A_128[0] : f32 from vector<1xf32>
    %add3A_130 = vector.broadcast %squeeze3A_129 : f32 to vector<16xf32>
    %add3A_131 = arith.addf %broadcast_in_dim3A_127, %add3A_130 : vector<16xf32>
    %broadcast_in_dim3A_132 = arith.constant 0.000000e+00 : f32
    %broadcast_in_dim3A_133 = vector.broadcast %broadcast_in_dim3A_132 : f32 to vector<16xf32>
    %slice3A_134 = vector.extract_strided_slice %get3A_5 {offsets = [10], sizes = [1], strides = [1]} : vector<16xf32> to vector<1xf32>
    %squeeze3A_135 = vector.extract %slice3A_134[0] : f32 from vector<1xf32>
    %add3A_136 = vector.broadcast %squeeze3A_135 : f32 to vector<16xf32>
    %add3A_137 = arith.addf %broadcast_in_dim3A_133, %add3A_136 : vector<16xf32>
    %broadcast_in_dim3A_138 = arith.constant 0.000000e+00 : f32
    %broadcast_in_dim3A_139 = vector.broadcast %broadcast_in_dim3A_138 : f32 to vector<16xf32>
    %slice3A_140 = vector.extract_strided_slice %get3A_5 {offsets = [10], sizes = [1], strides = [1]} : vector<16xf32> to vector<1xf32>
    %squeeze3A_141 = vector.extract %slice3A_140[0] : f32 from vector<1xf32>
    %add3A_142 = vector.broadcast %squeeze3A_141 : f32 to vector<16xf32>
    %add3A_143 = arith.addf %broadcast_in_dim3A_139, %add3A_142 : vector<16xf32>
    %broadcast_in_dim3A_144 = arith.constant 0.000000e+00 : f32
    %broadcast_in_dim3A_145 = vector.broadcast %broadcast_in_dim3A_144 : f32 to vector<16xf32>
    %slice3A_146 = vector.extract_strided_slice %get3A_5 {offsets = [11], sizes = [1], strides = [1]} : vector<16xf32> to vector<1xf32>
    %squeeze3A_147 = vector.extract %slice3A_146[0] : f32 from vector<1xf32>
    %add3A_148 = vector.broadcast %squeeze3A_147 : f32 to vector<16xf32>
    %add3A_149 = arith.addf %broadcast_in_dim3A_145, %add3A_148 : vector<16xf32>
    %broadcast_in_dim3A_150 = arith.constant 0.000000e+00 : f32
    %broadcast_in_dim3A_151 = vector.broadcast %broadcast_in_dim3A_150 : f32 to vector<16xf32>
    %slice3A_152 = vector.extract_strided_slice %get3A_5 {offsets = [11], sizes = [1], strides = [1]} : vector<16xf32> to vector<1xf32>
    %squeeze3A_153 = vector.extract %slice3A_152[0] : f32 from vector<1xf32>
    %add3A_154 = vector.broadcast %squeeze3A_153 : f32 to vector<16xf32>
    %add3A_155 = arith.addf %broadcast_in_dim3A_151, %add3A_154 : vector<16xf32>
    %broadcast_in_dim3A_156 = arith.constant 0.000000e+00 : f32
    %broadcast_in_dim3A_157 = vector.broadcast %broadcast_in_dim3A_156 : f32 to vector<16xf32>
    %slice3A_158 = vector.extract_strided_slice %get3A_5 {offsets = [12], sizes = [1], strides = [1]} : vector<16xf32> to vector<1xf32>
    %squeeze3A_159 = vector.extract %slice3A_158[0] : f32 from vector<1xf32>
    %add3A_160 = vector.broadcast %squeeze3A_159 : f32 to vector<16xf32>
    %add3A_161 = arith.addf %broadcast_in_dim3A_157, %add3A_160 : vector<16xf32>
    %broadcast_in_dim3A_162 = arith.constant 0.000000e+00 : f32
    %broadcast_in_dim3A_163 = vector.broadcast %broadcast_in_dim3A_162 : f32 to vector<16xf32>
    %slice3A_164 = vector.extract_strided_slice %get3A_5 {offsets = [12], sizes = [1], strides = [1]} : vector<16xf32> to vector<1xf32>
    %squeeze3A_165 = vector.extract %slice3A_164[0] : f32 from vector<1xf32>
    %add3A_166 = vector.broadcast %squeeze3A_165 : f32 to vector<16xf32>
    %add3A_167 = arith.addf %broadcast_in_dim3A_163, %add3A_166 : vector<16xf32>
    %broadcast_in_dim3A_168 = arith.constant 0.000000e+00 : f32
    %broadcast_in_dim3A_169 = vector.broadcast %broadcast_in_dim3A_168 : f32 to vector<16xf32>
    %slice3A_170 = vector.extract_strided_slice %get3A_5 {offsets = [13], sizes = [1], strides = [1]} : vector<16xf32> to vector<1xf32>
    %squeeze3A_171 = vector.extract %slice3A_170[0] : f32 from vector<1xf32>
    %add3A_172 = vector.broadcast %squeeze3A_171 : f32 to vector<16xf32>
    %add3A_173 = arith.addf %broadcast_in_dim3A_169, %add3A_172 : vector<16xf32>
    %broadcast_in_dim3A_174 = arith.constant 0.000000e+00 : f32
    %broadcast_in_dim3A_175 = vector.broadcast %broadcast_in_dim3A_174 : f32 to vector<16xf32>
    %slice3A_176 = vector.extract_strided_slice %get3A_5 {offsets = [13], sizes = [1], strides = [1]} : vector<16xf32> to vector<1xf32>
    %squeeze3A_177 = vector.extract %slice3A_176[0] : f32 from vector<1xf32>
    %add3A_178 = vector.broadcast %squeeze3A_177 : f32 to vector<16xf32>
    %add3A_179 = arith.addf %broadcast_in_dim3A_175, %add3A_178 : vector<16xf32>
    %broadcast_in_dim3A_180 = arith.constant 0.000000e+00 : f32
    %broadcast_in_dim3A_181 = vector.broadcast %broadcast_in_dim3A_180 : f32 to vector<16xf32>
    %slice3A_182 = vector.extract_strided_slice %get3A_5 {offsets = [14], sizes = [1], strides = [1]} : vector<16xf32> to vector<1xf32>
    %squeeze3A_183 = vector.extract %slice3A_182[0] : f32 from vector<1xf32>
    %add3A_184 = vector.broadcast %squeeze3A_183 : f32 to vector<16xf32>
    %add3A_185 = arith.addf %broadcast_in_dim3A_181, %add3A_184 : vector<16xf32>
    %broadcast_in_dim3A_186 = arith.constant 0.000000e+00 : f32
    %broadcast_in_dim3A_187 = vector.broadcast %broadcast_in_dim3A_186 : f32 to vector<16xf32>
    %slice3A_188 = vector.extract_strided_slice %get3A_5 {offsets = [14], sizes = [1], strides = [1]} : vector<16xf32> to vector<1xf32>
    %squeeze3A_189 = vector.extract %slice3A_188[0] : f32 from vector<1xf32>
    %add3A_190 = vector.broadcast %squeeze3A_189 : f32 to vector<16xf32>
    %add3A_191 = arith.addf %broadcast_in_dim3A_187, %add3A_190 : vector<16xf32>
    %broadcast_in_dim3A_192 = arith.constant 0.000000e+00 : f32
    %broadcast_in_dim3A_193 = vector.broadcast %broadcast_in_dim3A_192 : f32 to vector<16xf32>
    %slice3A_194 = vector.extract_strided_slice %get3A_5 {offsets = [15], sizes = [1], strides = [1]} : vector<16xf32> to vector<1xf32>
    %squeeze3A_195 = vector.extract %slice3A_194[0] : f32 from vector<1xf32>
    %add3A_196 = vector.broadcast %squeeze3A_195 : f32 to vector<16xf32>
    %add3A_197 = arith.addf %broadcast_in_dim3A_193, %add3A_196 : vector<16xf32>
    %broadcast_in_dim3A_198 = arith.constant 0.000000e+00 : f32
    %broadcast_in_dim3A_199 = vector.broadcast %broadcast_in_dim3A_198 : f32 to vector<16xf32>
    %slice3A_200 = vector.extract_strided_slice %get3A_5 {offsets = [15], sizes = [1], strides = [1]} : vector<16xf32> to vector<1xf32>
    %squeeze3A_201 = vector.extract %slice3A_200[0] : f32 from vector<1xf32>
    %add3A_202 = vector.broadcast %squeeze3A_201 : f32 to vector<16xf32>
    %add3A_203 = arith.addf %broadcast_in_dim3A_199, %add3A_202 : vector<16xf32>
    "tpu.region"() ({
      %run_scoped3A = tpu.sem_alloc : memref<!tpu.dma_semaphore, #tpu.memory_space<semaphore_mem>>
      %dma_start3A = arith.constant 0 : i32
      %dma_start3A_887 = arith.constant 0 : i32
      %dma_start3A_888 = tpu.memref_slice %arg3[%dma_start3A, %dma_start3A_887] : memref<256x128xf32, #tpu.memory_space<hbm>> -> memref<128x128xf32, #tpu.memory_space<hbm>>
      %dma_start3A_889 = arith.constant 0 : i32
      %dma_start3A_890 = arith.constant 0 : i32
      %dma_start3A_891 = tpu.memref_slice %arg3[%dma_start3A_889, %dma_start3A_890] : memref<256x128xf32, #tpu.memory_space<hbm>> -> memref<128x128xf32, #tpu.memory_space<hbm>>
      tpu.enqueue_dma source(%dma_start3A_891 : memref<128x128xf32, #tpu.memory_space<hbm>>) target(%arg6 : memref<128x128xf32, #tpu.memory_space<vmem>>) target_semaphore(%run_scoped3A : memref<!tpu.dma_semaphore, #tpu.memory_space<semaphore_mem>>)
      %dma_wait3A = arith.constant 0 : i32
      %dma_wait3A_892 = arith.constant 0 : i32
      %dma_wait3A_893 = tpu.memref_slice %arg3[%dma_wait3A, %dma_wait3A_892] : memref<256x128xf32, #tpu.memory_space<hbm>> -> memref<128x128xf32, #tpu.memory_space<hbm>>
      %dma_wait3A_894 = arith.constant 0 : i32
      %dma_wait3A_895 = arith.constant 0 : i32
      %dma_wait3A_896 = tpu.memref_slice %arg3[%dma_wait3A_894, %dma_wait3A_895] : memref<256x128xf32, #tpu.memory_space<hbm>> -> memref<128x128xf32, #tpu.memory_space<hbm>>
      tpu.wait_dma2 semaphore(%run_scoped3A : memref<!tpu.dma_semaphore, #tpu.memory_space<semaphore_mem>>) src(%dma_wait3A_896 : memref<128x128xf32, #tpu.memory_space<hbm>>) dst(%arg6 : memref<128x128xf32, #tpu.memory_space<vmem>>)
      tpu.yield
    }) : () -> ()
    %scan3A = arith.constant 0 : i32
    %scan3A_204 = arith.constant 512 : i32
    %scan3A_205 = arith.addi %scan3A, %scan3A_204 : i32
    %scan3A_206 = arith.constant 1 : i32
    %scan3A_207:32 = scf.for %scan3A_887 = %scan3A to %scan3A_205 step %scan3A_206 iter_args(%scan3A_888 = %add3A_17, %scan3A_889 = %add3A_23, %scan3A_890 = %add3A_29, %scan3A_891 = %add3A_35, %scan3A_892 = %add3A_41, %scan3A_893 = %add3A_47, %scan3A_894 = %add3A_53, %scan3A_895 = %add3A_59, %scan3A_896 = %add3A_65, %scan3A_897 = %add3A_71, %scan3A_898 = %add3A_77, %scan3A_899 = %add3A_83, %scan3A_900 = %add3A_89, %scan3A_901 = %add3A_95, %scan3A_902 = %add3A_101, %scan3A_903 = %add3A_107, %scan3A_904 = %add3A_113, %scan3A_905 = %add3A_119, %scan3A_906 = %add3A_125, %scan3A_907 = %add3A_131, %scan3A_908 = %add3A_137, %scan3A_909 = %add3A_143, %scan3A_910 = %add3A_149, %scan3A_911 = %add3A_155, %scan3A_912 = %add3A_161, %scan3A_913 = %add3A_167, %scan3A_914 = %add3A_173, %scan3A_915 = %add3A_179, %scan3A_916 = %add3A_185, %scan3A_917 = %add3A_191, %scan3A_918 = %add3A_197, %scan3A_919 = %add3A_203) -> (vector<16xf32>, vector<16xf32>, vector<16xf32>, vector<16xf32>, vector<16xf32>, vector<16xf32>, vector<16xf32>, vector<16xf32>, vector<16xf32>, vector<16xf32>, vector<16xf32>, vector<16xf32>, vector<16xf32>, vector<16xf32>, vector<16xf32>, vector<16xf32>, vector<16xf32>, vector<16xf32>, vector<16xf32>, vector<16xf32>, vector<16xf32>, vector<16xf32>, vector<16xf32>, vector<16xf32>, vector<16xf32>, vector<16xf32>, vector<16xf32>, vector<16xf32>, vector<16xf32>, vector<16xf32>, vector<16xf32>, vector<16xf32>)  : i32 {
      %mul3A_920 = arith.constant 2 : i32
      %mul3A_921 = arith.muli %scan3A_887, %mul3A_920 : i32
      %add3A_922 = arith.constant 0 : i32
      %add3A_923 = arith.addi %mul3A_921, %add3A_922 : i32
      %add3A_924 = arith.constant 0 : i32
      %add3A_925 = arith.addi %add3A_924, %add3A_923 : i32
      %broadcast_in_dim3A_926 = vector.broadcast %add3A_925 : i32 to vector<16xi32>
      %gather3A = tpu.vector_load_idx %arg7[%add3A_8, %broadcast_in_dim3A_926] : memref<32x2056xf32, #tpu.memory_space<vmem>>[vector<16xi32>, vector<16xi32>], vector<16xf32>,
      %gather3A_927 = tpu.vector_load_idx %arg7[%add3A_12, %broadcast_in_dim3A_926] : memref<32x2056xf32, #tpu.memory_space<vmem>>[vector<16xi32>, vector<16xi32>], vector<16xf32>,
      %jit3A = arith.constant 8 : i32
      %div3A_928 = arith.divsi %add3A_923, %jit3A : i32
      %sign3A = arith.constant 0 : i32
      %sign3A_929 = arith.cmpi sgt, %add3A_923, %sign3A : i32
      %sign3A_930 = arith.extui %sign3A_929 : i1 to i32
      %sign3A_931 = arith.constant 0 : i32
      %sign3A_932 = arith.cmpi slt, %add3A_923, %sign3A_931 : i32
      %sign3A_933 = arith.extui %sign3A_932 : i1 to i32
      %sign3A_934 = arith.subi %sign3A_930, %sign3A_933 : i32
      %sign3A_935 = arith.constant 0 : i32
      %sign3A_936 = arith.cmpi sgt, %jit3A, %sign3A_935 : i32
      %sign3A_937 = arith.extui %sign3A_936 : i1 to i32
      %sign3A_938 = arith.constant 0 : i32
      %sign3A_939 = arith.cmpi slt, %jit3A, %sign3A_938 : i32
      %sign3A_940 = arith.extui %sign3A_939 : i1 to i32
      %sign3A_941 = arith.subi %sign3A_937, %sign3A_940 : i32
      %ne3A = arith.cmpi ne, %sign3A_934, %sign3A_941 : i32
      %rem3A = arith.remsi %add3A_923, %jit3A : i32
      %ne3A_942 = arith.constant 0 : i32
      %ne3A_943 = arith.cmpi ne, %rem3A, %ne3A_942 : i32
      %and3A = arith.andi %ne3A, %ne3A_943 : i1
      %sub3A_944 = arith.constant 1 : i32
      %sub3A_945 = arith.subi %div3A_928, %sub3A_944 : i32
      %select_n3A = arith.select %and3A, %sub3A_945, %div3A_928 : i32
      %jit3A_946 = arith.constant 8 : i32
      %eq3A = arith.constant 0 : i32
      %eq3A_947 = arith.cmpi eq, %jit3A_946, %eq3A : i32
      %jit3A_948 = arith.constant 1 : i32
      %select_n3A_949 = arith.select %eq3A_947, %jit3A_948, %jit3A_946 : i32
      %rem3A_950 = arith.remsi %add3A_923, %select_n3A_949 : i32
      %ne3A_951 = arith.constant 0 : i32
      %ne3A_952 = arith.cmpi ne, %rem3A_950, %ne3A_951 : i32
      %lt3A = arith.constant 0 : i32
      %lt3A_953 = arith.cmpi slt, %rem3A_950, %lt3A : i32
      %lt3A_954 = arith.constant 0 : i32
      %lt3A_955 = arith.cmpi slt, %select_n3A_949, %lt3A_954 : i32
      %ne3A_956 = arith.xori %lt3A_953, %lt3A_955 : i1
      %and3A_957 = arith.andi %ne3A_956, %ne3A_952 : i1
      %add3A_958 = arith.addi %rem3A_950, %select_n3A_949 : i32
      %select_n3A_959 = arith.select %and3A_957, %add3A_958, %rem3A_950 : i32
      %mul3A_960 = arith.constant 16 : i32
      %mul3A_961 = arith.muli %select_n3A_959, %mul3A_960 : i32
      %get3A_962 = arith.index_cast %select_n3A : i32 to index
      %get3A_963 = arith.index_cast %mul3A_961 : i32 to index
      %get3A_964 = tpu.vector_load %arg6[%get3A_962, %get3A_963] {strides = array<i32>} : memref<128x128xf32, #tpu.memory_space<vmem>>, vector<16xf32>,
      %slice3A_965 = vector.extract_strided_slice %get3A_964 {offsets = [0], sizes = [1], strides = [1]} : vector<16xf32> to vector<1xf32>
      %squeeze3A_966 = vector.extract %slice3A_965[0] : f32 from vector<1xf32>
      %mul3A_967 = vector.broadcast %squeeze3A_966 : f32 to vector<16xf32>
      %mul3A_968 = arith.mulf %gather3A, %mul3A_967 : vector<16xf32>
      %add3A_969 = arith.addf %scan3A_888, %mul3A_968 : vector<16xf32>
      %mul3A_970 = vector.broadcast %squeeze3A_966 : f32 to vector<16xf32>
      %mul3A_971 = arith.mulf %gather3A_927, %mul3A_970 : vector<16xf32>
      %add3A_972 = arith.addf %scan3A_889, %mul3A_971 : vector<16xf32>
      %slice3A_973 = vector.extract_strided_slice %get3A_964 {offsets = [1], sizes = [1], strides = [1]} : vector<16xf32> to vector<1xf32>
      %squeeze3A_974 = vector.extract %slice3A_973[0] : f32 from vector<1xf32>
      %mul3A_975 = vector.broadcast %squeeze3A_974 : f32 to vector<16xf32>
      %mul3A_976 = arith.mulf %gather3A, %mul3A_975 : vector<16xf32>
      %add3A_977 = arith.addf %scan3A_890, %mul3A_976 : vector<16xf32>
      %mul3A_978 = vector.broadcast %squeeze3A_974 : f32 to vector<16xf32>
      %mul3A_979 = arith.mulf %gather3A_927, %mul3A_978 : vector<16xf32>
      %add3A_980 = arith.addf %scan3A_891, %mul3A_979 : vector<16xf32>
      %slice3A_981 = vector.extract_strided_slice %get3A_964 {offsets = [2], sizes = [1], strides = [1]} : vector<16xf32> to vector<1xf32>
      %squeeze3A_982 = vector.extract %slice3A_981[0] : f32 from vector<1xf32>
      %mul3A_983 = vector.broadcast %squeeze3A_982 : f32 to vector<16xf32>
      %mul3A_984 = arith.mulf %gather3A, %mul3A_983 : vector<16xf32>
      %add3A_985 = arith.addf %scan3A_892, %mul3A_984 : vector<16xf32>
      %mul3A_986 = vector.broadcast %squeeze3A_982 : f32 to vector<16xf32>
      %mul3A_987 = arith.mulf %gather3A_927, %mul3A_986 : vector<16xf32>
      %add3A_988 = arith.addf %scan3A_893, %mul3A_987 : vector<16xf32>
      %slice3A_989 = vector.extract_strided_slice %get3A_964 {offsets = [3], sizes = [1], strides = [1]} : vector<16xf32> to vector<1xf32>
      %squeeze3A_990 = vector.extract %slice3A_989[0] : f32 from vector<1xf32>
      %mul3A_991 = vector.broadcast %squeeze3A_990 : f32 to vector<16xf32>
      %mul3A_992 = arith.mulf %gather3A, %mul3A_991 : vector<16xf32>
      %add3A_993 = arith.addf %scan3A_894, %mul3A_992 : vector<16xf32>
      %mul3A_994 = vector.broadcast %squeeze3A_990 : f32 to vector<16xf32>
      %mul3A_995 = arith.mulf %gather3A_927, %mul3A_994 : vector<16xf32>
      %add3A_996 = arith.addf %scan3A_895, %mul3A_995 : vector<16xf32>
      %slice3A_997 = vector.extract_strided_slice %get3A_964 {offsets = [4], sizes = [1], strides = [1]} : vector<16xf32> to vector<1xf32>
      %squeeze3A_998 = vector.extract %slice3A_997[0] : f32 from vector<1xf32>
      %mul3A_999 = vector.broadcast %squeeze3A_998 : f32 to vector<16xf32>
      %mul3A_1000 = arith.mulf %gather3A, %mul3A_999 : vector<16xf32>
      %add3A_1001 = arith.addf %scan3A_896, %mul3A_1000 : vector<16xf32>
      %mul3A_1002 = vector.broadcast %squeeze3A_998 : f32 to vector<16xf32>
      %mul3A_1003 = arith.mulf %gather3A_927, %mul3A_1002 : vector<16xf32>
      %add3A_1004 = arith.addf %scan3A_897, %mul3A_1003 : vector<16xf32>
      %slice3A_1005 = vector.extract_strided_slice %get3A_964 {offsets = [5], sizes = [1], strides = [1]} : vector<16xf32> to vector<1xf32>
      %squeeze3A_1006 = vector.extract %slice3A_1005[0] : f32 from vector<1xf32>
      %mul3A_1007 = vector.broadcast %squeeze3A_1006 : f32 to vector<16xf32>
      %mul3A_1008 = arith.mulf %gather3A, %mul3A_1007 : vector<16xf32>
      %add3A_1009 = arith.addf %scan3A_898, %mul3A_1008 : vector<16xf32>
      %mul3A_1010 = vector.broadcast %squeeze3A_1006 : f32 to vector<16xf32>
      %mul3A_1011 = arith.mulf %gather3A_927, %mul3A_1010 : vector<16xf32>
      %add3A_1012 = arith.addf %scan3A_899, %mul3A_1011 : vector<16xf32>
      %slice3A_1013 = vector.extract_strided_slice %get3A_964 {offsets = [6], sizes = [1], strides = [1]} : vector<16xf32> to vector<1xf32>
      %squeeze3A_1014 = vector.extract %slice3A_1013[0] : f32 from vector<1xf32>
      %mul3A_1015 = vector.broadcast %squeeze3A_1014 : f32 to vector<16xf32>
      %mul3A_1016 = arith.mulf %gather3A, %mul3A_1015 : vector<16xf32>
      %add3A_1017 = arith.addf %scan3A_900, %mul3A_1016 : vector<16xf32>
      %mul3A_1018 = vector.broadcast %squeeze3A_1014 : f32 to vector<16xf32>
      %mul3A_1019 = arith.mulf %gather3A_927, %mul3A_1018 : vector<16xf32>
      %add3A_1020 = arith.addf %scan3A_901, %mul3A_1019 : vector<16xf32>
      %slice3A_1021 = vector.extract_strided_slice %get3A_964 {offsets = [7], sizes = [1], strides = [1]} : vector<16xf32> to vector<1xf32>
      %squeeze3A_1022 = vector.extract %slice3A_1021[0] : f32 from vector<1xf32>
      %mul3A_1023 = vector.broadcast %squeeze3A_1022 : f32 to vector<16xf32>
      %mul3A_1024 = arith.mulf %gather3A, %mul3A_1023 : vector<16xf32>
      %add3A_1025 = arith.addf %scan3A_902, %mul3A_1024 : vector<16xf32>
      %mul3A_1026 = vector.broadcast %squeeze3A_1022 : f32 to vector<16xf32>
      %mul3A_1027 = arith.mulf %gather3A_927, %mul3A_1026 : vector<16xf32>
      %add3A_1028 = arith.addf %scan3A_903, %mul3A_1027 : vector<16xf32>
      %slice3A_1029 = vector.extract_strided_slice %get3A_964 {offsets = [8], sizes = [1], strides = [1]} : vector<16xf32> to vector<1xf32>
      %squeeze3A_1030 = vector.extract %slice3A_1029[0] : f32 from vector<1xf32>
      %mul3A_1031 = vector.broadcast %squeeze3A_1030 : f32 to vector<16xf32>
      %mul3A_1032 = arith.mulf %gather3A, %mul3A_1031 : vector<16xf32>
      %add3A_1033 = arith.addf %scan3A_904, %mul3A_1032 : vector<16xf32>
      %mul3A_1034 = vector.broadcast %squeeze3A_1030 : f32 to vector<16xf32>
      %mul3A_1035 = arith.mulf %gather3A_927, %mul3A_1034 : vector<16xf32>
      %add3A_1036 = arith.addf %scan3A_905, %mul3A_1035 : vector<16xf32>
      %slice3A_1037 = vector.extract_strided_slice %get3A_964 {offsets = [9], sizes = [1], strides = [1]} : vector<16xf32> to vector<1xf32>
      %squeeze3A_1038 = vector.extract %slice3A_1037[0] : f32 from vector<1xf32>
      %mul3A_1039 = vector.broadcast %squeeze3A_1038 : f32 to vector<16xf32>
      %mul3A_1040 = arith.mulf %gather3A, %mul3A_1039 : vector<16xf32>
      %add3A_1041 = arith.addf %scan3A_906, %mul3A_1040 : vector<16xf32>
      %mul3A_1042 = vector.broadcast %squeeze3A_1038 : f32 to vector<16xf32>
      %mul3A_1043 = arith.mulf %gather3A_927, %mul3A_1042 : vector<16xf32>
      %add3A_1044 = arith.addf %scan3A_907, %mul3A_1043 : vector<16xf32>
      %slice3A_1045 = vector.extract_strided_slice %get3A_964 {offsets = [10], sizes = [1], strides = [1]} : vector<16xf32> to vector<1xf32>
      %squeeze3A_1046 = vector.extract %slice3A_1045[0] : f32 from vector<1xf32>
      %mul3A_1047 = vector.broadcast %squeeze3A_1046 : f32 to vector<16xf32>
      %mul3A_1048 = arith.mulf %gather3A, %mul3A_1047 : vector<16xf32>
      %add3A_1049 = arith.addf %scan3A_908, %mul3A_1048 : vector<16xf32>
      %mul3A_1050 = vector.broadcast %squeeze3A_1046 : f32 to vector<16xf32>
      %mul3A_1051 = arith.mulf %gather3A_927, %mul3A_1050 : vector<16xf32>
      %add3A_1052 = arith.addf %scan3A_909, %mul3A_1051 : vector<16xf32>
      %slice3A_1053 = vector.extract_strided_slice %get3A_964 {offsets = [11], sizes = [1], strides = [1]} : vector<16xf32> to vector<1xf32>
      %squeeze3A_1054 = vector.extract %slice3A_1053[0] : f32 from vector<1xf32>
      %mul3A_1055 = vector.broadcast %squeeze3A_1054 : f32 to vector<16xf32>
      %mul3A_1056 = arith.mulf %gather3A, %mul3A_1055 : vector<16xf32>
      %add3A_1057 = arith.addf %scan3A_910, %mul3A_1056 : vector<16xf32>
      %mul3A_1058 = vector.broadcast %squeeze3A_1054 : f32 to vector<16xf32>
      %mul3A_1059 = arith.mulf %gather3A_927, %mul3A_1058 : vector<16xf32>
      %add3A_1060 = arith.addf %scan3A_911, %mul3A_1059 : vector<16xf32>
      %slice3A_1061 = vector.extract_strided_slice %get3A_964 {offsets = [12], sizes = [1], strides = [1]} : vector<16xf32> to vector<1xf32>
      %squeeze3A_1062 = vector.extract %slice3A_1061[0] : f32 from vector<1xf32>
      %mul3A_1063 = vector.broadcast %squeeze3A_1062 : f32 to vector<16xf32>
      %mul3A_1064 = arith.mulf %gather3A, %mul3A_1063 : vector<16xf32>
      %add3A_1065 = arith.addf %scan3A_912, %mul3A_1064 : vector<16xf32>
      %mul3A_1066 = vector.broadcast %squeeze3A_1062 : f32 to vector<16xf32>
      %mul3A_1067 = arith.mulf %gather3A_927, %mul3A_1066 : vector<16xf32>
      %add3A_1068 = arith.addf %scan3A_913, %mul3A_1067 : vector<16xf32>
      %slice3A_1069 = vector.extract_strided_slice %get3A_964 {offsets = [13], sizes = [1], strides = [1]} : vector<16xf32> to vector<1xf32>
      %squeeze3A_1070 = vector.extract %slice3A_1069[0] : f32 from vector<1xf32>
      %mul3A_1071 = vector.broadcast %squeeze3A_1070 : f32 to vector<16xf32>
      %mul3A_1072 = arith.mulf %gather3A, %mul3A_1071 : vector<16xf32>
      %add3A_1073 = arith.addf %scan3A_914, %mul3A_1072 : vector<16xf32>
      %mul3A_1074 = vector.broadcast %squeeze3A_1070 : f32 to vector<16xf32>
      %mul3A_1075 = arith.mulf %gather3A_927, %mul3A_1074 : vector<16xf32>
      %add3A_1076 = arith.addf %scan3A_915, %mul3A_1075 : vector<16xf32>
      %slice3A_1077 = vector.extract_strided_slice %get3A_964 {offsets = [14], sizes = [1], strides = [1]} : vector<16xf32> to vector<1xf32>
      %squeeze3A_1078 = vector.extract %slice3A_1077[0] : f32 from vector<1xf32>
      %mul3A_1079 = vector.broadcast %squeeze3A_1078 : f32 to vector<16xf32>
      %mul3A_1080 = arith.mulf %gather3A, %mul3A_1079 : vector<16xf32>
      %add3A_1081 = arith.addf %scan3A_916, %mul3A_1080 : vector<16xf32>
      %mul3A_1082 = vector.broadcast %squeeze3A_1078 : f32 to vector<16xf32>
      %mul3A_1083 = arith.mulf %gather3A_927, %mul3A_1082 : vector<16xf32>
      %add3A_1084 = arith.addf %scan3A_917, %mul3A_1083 : vector<16xf32>
      %slice3A_1085 = vector.extract_strided_slice %get3A_964 {offsets = [15], sizes = [1], strides = [1]} : vector<16xf32> to vector<1xf32>
      %squeeze3A_1086 = vector.extract %slice3A_1085[0] : f32 from vector<1xf32>
      %mul3A_1087 = vector.broadcast %squeeze3A_1086 : f32 to vector<16xf32>
      %mul3A_1088 = arith.mulf %gather3A, %mul3A_1087 : vector<16xf32>
      %add3A_1089 = arith.addf %scan3A_918, %mul3A_1088 : vector<16xf32>
      %mul3A_1090 = vector.broadcast %squeeze3A_1086 : f32 to vector<16xf32>
      %mul3A_1091 = arith.mulf %gather3A_927, %mul3A_1090 : vector<16xf32>
      %add3A_1092 = arith.addf %scan3A_919, %mul3A_1091 : vector<16xf32>
      %mul3A_1093 = arith.constant 2 : i32
      %mul3A_1094 = arith.muli %scan3A_887, %mul3A_1093 : i32
      %add3A_1095 = arith.constant 1 : i32
      %add3A_1096 = arith.addi %mul3A_1094, %add3A_1095 : i32
      %add3A_1097 = arith.constant 0 : i32
      %add3A_1098 = arith.addi %add3A_1097, %add3A_1096 : i32
      %broadcast_in_dim3A_1099 = vector.broadcast %add3A_1098 : i32 to vector<16xi32>
      %gather3A_1100 = tpu.vector_load_idx %arg7[%add3A_8, %broadcast_in_dim3A_1099] : memref<32x2056xf32, #tpu.memory_space<vmem>>[vector<16xi32>, vector<16xi32>], vector<16xf32>,
      %gather3A_1101 = tpu.vector_load_idx %arg7[%add3A_12, %broadcast_in_dim3A_1099] : memref<32x2056xf32, #tpu.memory_space<vmem>>[vector<16xi32>, vector<16xi32>], vector<16xf32>,
      %jit3A_1102 = arith.constant 8 : i32
      %div3A_1103 = arith.divsi %add3A_1096, %jit3A_1102 : i32
      %sign3A_1104 = arith.constant 0 : i32
      %sign3A_1105 = arith.cmpi sgt, %add3A_1096, %sign3A_1104 : i32
      %sign3A_1106 = arith.extui %sign3A_1105 : i1 to i32
      %sign3A_1107 = arith.constant 0 : i32
      %sign3A_1108 = arith.cmpi slt, %add3A_1096, %sign3A_1107 : i32
      %sign3A_1109 = arith.extui %sign3A_1108 : i1 to i32
      %sign3A_1110 = arith.subi %sign3A_1106, %sign3A_1109 : i32
      %sign3A_1111 = arith.constant 0 : i32
      %sign3A_1112 = arith.cmpi sgt, %jit3A_1102, %sign3A_1111 : i32
      %sign3A_1113 = arith.extui %sign3A_1112 : i1 to i32
      %sign3A_1114 = arith.constant 0 : i32
      %sign3A_1115 = arith.cmpi slt, %jit3A_1102, %sign3A_1114 : i32
      %sign3A_1116 = arith.extui %sign3A_1115 : i1 to i32
      %sign3A_1117 = arith.subi %sign3A_1113, %sign3A_1116 : i32
      %ne3A_1118 = arith.cmpi ne, %sign3A_1110, %sign3A_1117 : i32
      %rem3A_1119 = arith.remsi %add3A_1096, %jit3A_1102 : i32
      %ne3A_1120 = arith.constant 0 : i32
      %ne3A_1121 = arith.cmpi ne, %rem3A_1119, %ne3A_1120 : i32
      %and3A_1122 = arith.andi %ne3A_1118, %ne3A_1121 : i1
      %sub3A_1123 = arith.constant 1 : i32
      %sub3A_1124 = arith.subi %div3A_1103, %sub3A_1123 : i32
      %select_n3A_1125 = arith.select %and3A_1122, %sub3A_1124, %div3A_1103 : i32
      %jit3A_1126 = arith.constant 8 : i32
      %eq3A_1127 = arith.constant 0 : i32
      %eq3A_1128 = arith.cmpi eq, %jit3A_1126, %eq3A_1127 : i32
      %jit3A_1129 = arith.constant 1 : i32
      %select_n3A_1130 = arith.select %eq3A_1128, %jit3A_1129, %jit3A_1126 : i32
      %rem3A_1131 = arith.remsi %add3A_1096, %select_n3A_1130 : i32
      %ne3A_1132 = arith.constant 0 : i32
      %ne3A_1133 = arith.cmpi ne, %rem3A_1131, %ne3A_1132 : i32
      %lt3A_1134 = arith.constant 0 : i32
      %lt3A_1135 = arith.cmpi slt, %rem3A_1131, %lt3A_1134 : i32
      %lt3A_1136 = arith.constant 0 : i32
      %lt3A_1137 = arith.cmpi slt, %select_n3A_1130, %lt3A_1136 : i32
      %ne3A_1138 = arith.xori %lt3A_1135, %lt3A_1137 : i1
      %and3A_1139 = arith.andi %ne3A_1138, %ne3A_1133 : i1
      %add3A_1140 = arith.addi %rem3A_1131, %select_n3A_1130 : i32
      %select_n3A_1141 = arith.select %and3A_1139, %add3A_1140, %rem3A_1131 : i32
      %mul3A_1142 = arith.constant 16 : i32
      %mul3A_1143 = arith.muli %select_n3A_1141, %mul3A_1142 : i32
      %get3A_1144 = arith.index_cast %select_n3A_1125 : i32 to index
      %get3A_1145 = arith.index_cast %mul3A_1143 : i32 to index
      %get3A_1146 = tpu.vector_load %arg6[%get3A_1144, %get3A_1145] {strides = array<i32>} : memref<128x128xf32, #tpu.memory_space<vmem>>, vector<16xf32>,
      %slice3A_1147 = vector.extract_strided_slice %get3A_1146 {offsets = [0], sizes = [1], strides = [1]} : vector<16xf32> to vector<1xf32>
      %squeeze3A_1148 = vector.extract %slice3A_1147[0] : f32 from vector<1xf32>
      %mul3A_1149 = vector.broadcast %squeeze3A_1148 : f32 to vector<16xf32>
      %mul3A_1150 = arith.mulf %gather3A_1100, %mul3A_1149 : vector<16xf32>
      %add3A_1151 = arith.addf %add3A_969, %mul3A_1150 : vector<16xf32>
      %mul3A_1152 = vector.broadcast %squeeze3A_1148 : f32 to vector<16xf32>
      %mul3A_1153 = arith.mulf %gather3A_1101, %mul3A_1152 : vector<16xf32>
      %add3A_1154 = arith.addf %add3A_972, %mul3A_1153 : vector<16xf32>
      %slice3A_1155 = vector.extract_strided_slice %get3A_1146 {offsets = [1], sizes = [1], strides = [1]} : vector<16xf32> to vector<1xf32>
      %squeeze3A_1156 = vector.extract %slice3A_1155[0] : f32 from vector<1xf32>
      %mul3A_1157 = vector.broadcast %squeeze3A_1156 : f32 to vector<16xf32>
      %mul3A_1158 = arith.mulf %gather3A_1100, %mul3A_1157 : vector<16xf32>
      %add3A_1159 = arith.addf %add3A_977, %mul3A_1158 : vector<16xf32>
      %mul3A_1160 = vector.broadcast %squeeze3A_1156 : f32 to vector<16xf32>
      %mul3A_1161 = arith.mulf %gather3A_1101, %mul3A_1160 : vector<16xf32>
      %add3A_1162 = arith.addf %add3A_980, %mul3A_1161 : vector<16xf32>
      %slice3A_1163 = vector.extract_strided_slice %get3A_1146 {offsets = [2], sizes = [1], strides = [1]} : vector<16xf32> to vector<1xf32>
      %squeeze3A_1164 = vector.extract %slice3A_1163[0] : f32 from vector<1xf32>
      %mul3A_1165 = vector.broadcast %squeeze3A_1164 : f32 to vector<16xf32>
      %mul3A_1166 = arith.mulf %gather3A_1100, %mul3A_1165 : vector<16xf32>
      %add3A_1167 = arith.addf %add3A_985, %mul3A_1166 : vector<16xf32>
      %mul3A_1168 = vector.broadcast %squeeze3A_1164 : f32 to vector<16xf32>
      %mul3A_1169 = arith.mulf %gather3A_1101, %mul3A_1168 : vector<16xf32>
      %add3A_1170 = arith.addf %add3A_988, %mul3A_1169 : vector<16xf32>
      %slice3A_1171 = vector.extract_strided_slice %get3A_1146 {offsets = [3], sizes = [1], strides = [1]} : vector<16xf32> to vector<1xf32>
      %squeeze3A_1172 = vector.extract %slice3A_1171[0] : f32 from vector<1xf32>
      %mul3A_1173 = vector.broadcast %squeeze3A_1172 : f32 to vector<16xf32>
      %mul3A_1174 = arith.mulf %gather3A_1100, %mul3A_1173 : vector<16xf32>
      %add3A_1175 = arith.addf %add3A_993, %mul3A_1174 : vector<16xf32>
      %mul3A_1176 = vector.broadcast %squeeze3A_1172 : f32 to vector<16xf32>
      %mul3A_1177 = arith.mulf %gather3A_1101, %mul3A_1176 : vector<16xf32>
      %add3A_1178 = arith.addf %add3A_996, %mul3A_1177 : vector<16xf32>
      %slice3A_1179 = vector.extract_strided_slice %get3A_1146 {offsets = [4], sizes = [1], strides = [1]} : vector<16xf32> to vector<1xf32>
      %squeeze3A_1180 = vector.extract %slice3A_1179[0] : f32 from vector<1xf32>
      %mul3A_1181 = vector.broadcast %squeeze3A_1180 : f32 to vector<16xf32>
      %mul3A_1182 = arith.mulf %gather3A_1100, %mul3A_1181 : vector<16xf32>
      %add3A_1183 = arith.addf %add3A_1001, %mul3A_1182 : vector<16xf32>
      %mul3A_1184 = vector.broadcast %squeeze3A_1180 : f32 to vector<16xf32>
      %mul3A_1185 = arith.mulf %gather3A_1101, %mul3A_1184 : vector<16xf32>
      %add3A_1186 = arith.addf %add3A_1004, %mul3A_1185 : vector<16xf32>
      %slice3A_1187 = vector.extract_strided_slice %get3A_1146 {offsets = [5], sizes = [1], strides = [1]} : vector<16xf32> to vector<1xf32>
      %squeeze3A_1188 = vector.extract %slice3A_1187[0] : f32 from vector<1xf32>
      %mul3A_1189 = vector.broadcast %squeeze3A_1188 : f32 to vector<16xf32>
      %mul3A_1190 = arith.mulf %gather3A_1100, %mul3A_1189 : vector<16xf32>
      %add3A_1191 = arith.addf %add3A_1009, %mul3A_1190 : vector<16xf32>
      %mul3A_1192 = vector.broadcast %squeeze3A_1188 : f32 to vector<16xf32>
      %mul3A_1193 = arith.mulf %gather3A_1101, %mul3A_1192 : vector<16xf32>
      %add3A_1194 = arith.addf %add3A_1012, %mul3A_1193 : vector<16xf32>
      %slice3A_1195 = vector.extract_strided_slice %get3A_1146 {offsets = [6], sizes = [1], strides = [1]} : vector<16xf32> to vector<1xf32>
      %squeeze3A_1196 = vector.extract %slice3A_1195[0] : f32 from vector<1xf32>
      %mul3A_1197 = vector.broadcast %squeeze3A_1196 : f32 to vector<16xf32>
      %mul3A_1198 = arith.mulf %gather3A_1100, %mul3A_1197 : vector<16xf32>
      %add3A_1199 = arith.addf %add3A_1017, %mul3A_1198 : vector<16xf32>
      %mul3A_1200 = vector.broadcast %squeeze3A_1196 : f32 to vector<16xf32>
      %mul3A_1201 = arith.mulf %gather3A_1101, %mul3A_1200 : vector<16xf32>
      %add3A_1202 = arith.addf %add3A_1020, %mul3A_1201 : vector<16xf32>
      %slice3A_1203 = vector.extract_strided_slice %get3A_1146 {offsets = [7], sizes = [1], strides = [1]} : vector<16xf32> to vector<1xf32>
      %squeeze3A_1204 = vector.extract %slice3A_1203[0] : f32 from vector<1xf32>
      %mul3A_1205 = vector.broadcast %squeeze3A_1204 : f32 to vector<16xf32>
      %mul3A_1206 = arith.mulf %gather3A_1100, %mul3A_1205 : vector<16xf32>
      %add3A_1207 = arith.addf %add3A_1025, %mul3A_1206 : vector<16xf32>
      %mul3A_1208 = vector.broadcast %squeeze3A_1204 : f32 to vector<16xf32>
      %mul3A_1209 = arith.mulf %gather3A_1101, %mul3A_1208 : vector<16xf32>
      %add3A_1210 = arith.addf %add3A_1028, %mul3A_1209 : vector<16xf32>
      %slice3A_1211 = vector.extract_strided_slice %get3A_1146 {offsets = [8], sizes = [1], strides = [1]} : vector<16xf32> to vector<1xf32>
      %squeeze3A_1212 = vector.extract %slice3A_1211[0] : f32 from vector<1xf32>
      %mul3A_1213 = vector.broadcast %squeeze3A_1212 : f32 to vector<16xf32>
      %mul3A_1214 = arith.mulf %gather3A_1100, %mul3A_1213 : vector<16xf32>
      %add3A_1215 = arith.addf %add3A_1033, %mul3A_1214 : vector<16xf32>
      %mul3A_1216 = vector.broadcast %squeeze3A_1212 : f32 to vector<16xf32>
      %mul3A_1217 = arith.mulf %gather3A_1101, %mul3A_1216 : vector<16xf32>
      %add3A_1218 = arith.addf %add3A_1036, %mul3A_1217 : vector<16xf32>
      %slice3A_1219 = vector.extract_strided_slice %get3A_1146 {offsets = [9], sizes = [1], strides = [1]} : vector<16xf32> to vector<1xf32>
      %squeeze3A_1220 = vector.extract %slice3A_1219[0] : f32 from vector<1xf32>
      %mul3A_1221 = vector.broadcast %squeeze3A_1220 : f32 to vector<16xf32>
      %mul3A_1222 = arith.mulf %gather3A_1100, %mul3A_1221 : vector<16xf32>
      %add3A_1223 = arith.addf %add3A_1041, %mul3A_1222 : vector<16xf32>
      %mul3A_1224 = vector.broadcast %squeeze3A_1220 : f32 to vector<16xf32>
      %mul3A_1225 = arith.mulf %gather3A_1101, %mul3A_1224 : vector<16xf32>
      %add3A_1226 = arith.addf %add3A_1044, %mul3A_1225 : vector<16xf32>
      %slice3A_1227 = vector.extract_strided_slice %get3A_1146 {offsets = [10], sizes = [1], strides = [1]} : vector<16xf32> to vector<1xf32>
      %squeeze3A_1228 = vector.extract %slice3A_1227[0] : f32 from vector<1xf32>
      %mul3A_1229 = vector.broadcast %squeeze3A_1228 : f32 to vector<16xf32>
      %mul3A_1230 = arith.mulf %gather3A_1100, %mul3A_1229 : vector<16xf32>
      %add3A_1231 = arith.addf %add3A_1049, %mul3A_1230 : vector<16xf32>
      %mul3A_1232 = vector.broadcast %squeeze3A_1228 : f32 to vector<16xf32>
      %mul3A_1233 = arith.mulf %gather3A_1101, %mul3A_1232 : vector<16xf32>
      %add3A_1234 = arith.addf %add3A_1052, %mul3A_1233 : vector<16xf32>
      %slice3A_1235 = vector.extract_strided_slice %get3A_1146 {offsets = [11], sizes = [1], strides = [1]} : vector<16xf32> to vector<1xf32>
      %squeeze3A_1236 = vector.extract %slice3A_1235[0] : f32 from vector<1xf32>
      %mul3A_1237 = vector.broadcast %squeeze3A_1236 : f32 to vector<16xf32>
      %mul3A_1238 = arith.mulf %gather3A_1100, %mul3A_1237 : vector<16xf32>
      %add3A_1239 = arith.addf %add3A_1057, %mul3A_1238 : vector<16xf32>
      %mul3A_1240 = vector.broadcast %squeeze3A_1236 : f32 to vector<16xf32>
      %mul3A_1241 = arith.mulf %gather3A_1101, %mul3A_1240 : vector<16xf32>
      %add3A_1242 = arith.addf %add3A_1060, %mul3A_1241 : vector<16xf32>
      %slice3A_1243 = vector.extract_strided_slice %get3A_1146 {offsets = [12], sizes = [1], strides = [1]} : vector<16xf32> to vector<1xf32>
      %squeeze3A_1244 = vector.extract %slice3A_1243[0] : f32 from vector<1xf32>
      %mul3A_1245 = vector.broadcast %squeeze3A_1244 : f32 to vector<16xf32>
      %mul3A_1246 = arith.mulf %gather3A_1100, %mul3A_1245 : vector<16xf32>
      %add3A_1247 = arith.addf %add3A_1065, %mul3A_1246 : vector<16xf32>
      %mul3A_1248 = vector.broadcast %squeeze3A_1244 : f32 to vector<16xf32>
      %mul3A_1249 = arith.mulf %gather3A_1101, %mul3A_1248 : vector<16xf32>
      %add3A_1250 = arith.addf %add3A_1068, %mul3A_1249 : vector<16xf32>
      %slice3A_1251 = vector.extract_strided_slice %get3A_1146 {offsets = [13], sizes = [1], strides = [1]} : vector<16xf32> to vector<1xf32>
      %squeeze3A_1252 = vector.extract %slice3A_1251[0] : f32 from vector<1xf32>
      %mul3A_1253 = vector.broadcast %squeeze3A_1252 : f32 to vector<16xf32>
      %mul3A_1254 = arith.mulf %gather3A_1100, %mul3A_1253 : vector<16xf32>
      %add3A_1255 = arith.addf %add3A_1073, %mul3A_1254 : vector<16xf32>
      %mul3A_1256 = vector.broadcast %squeeze3A_1252 : f32 to vector<16xf32>
      %mul3A_1257 = arith.mulf %gather3A_1101, %mul3A_1256 : vector<16xf32>
      %add3A_1258 = arith.addf %add3A_1076, %mul3A_1257 : vector<16xf32>
      %slice3A_1259 = vector.extract_strided_slice %get3A_1146 {offsets = [14], sizes = [1], strides = [1]} : vector<16xf32> to vector<1xf32>
      %squeeze3A_1260 = vector.extract %slice3A_1259[0] : f32 from vector<1xf32>
      %mul3A_1261 = vector.broadcast %squeeze3A_1260 : f32 to vector<16xf32>
      %mul3A_1262 = arith.mulf %gather3A_1100, %mul3A_1261 : vector<16xf32>
      %add3A_1263 = arith.addf %add3A_1081, %mul3A_1262 : vector<16xf32>
      %mul3A_1264 = vector.broadcast %squeeze3A_1260 : f32 to vector<16xf32>
      %mul3A_1265 = arith.mulf %gather3A_1101, %mul3A_1264 : vector<16xf32>
      %add3A_1266 = arith.addf %add3A_1084, %mul3A_1265 : vector<16xf32>
      %slice3A_1267 = vector.extract_strided_slice %get3A_1146 {offsets = [15], sizes = [1], strides = [1]} : vector<16xf32> to vector<1xf32>
      %squeeze3A_1268 = vector.extract %slice3A_1267[0] : f32 from vector<1xf32>
      %mul3A_1269 = vector.broadcast %squeeze3A_1268 : f32 to vector<16xf32>
      %mul3A_1270 = arith.mulf %gather3A_1100, %mul3A_1269 : vector<16xf32>
      %add3A_1271 = arith.addf %add3A_1089, %mul3A_1270 : vector<16xf32>
      %mul3A_1272 = vector.broadcast %squeeze3A_1268 : f32 to vector<16xf32>
      %mul3A_1273 = arith.mulf %gather3A_1101, %mul3A_1272 : vector<16xf32>
      %add3A_1274 = arith.addf %add3A_1092, %mul3A_1273 : vector<16xf32>
      scf.yield %add3A_1151, %add3A_1154, %add3A_1159, %add3A_1162, %add3A_1167, %add3A_1170, %add3A_1175, %add3A_1178, %add3A_1183, %add3A_1186, %add3A_1191, %add3A_1194, %add3A_1199, %add3A_1202, %add3A_1207, %add3A_1210, %add3A_1215, %add3A_1218, %add3A_1223, %add3A_1226, %add3A_1231, %add3A_1234, %add3A_1239, %add3A_1242, %add3A_1247, %add3A_1250, %add3A_1255, %add3A_1258, %add3A_1263, %add3A_1266, %add3A_1271, %add3A_1274 : vector<16xf32>, vector<16xf32>, vector<16xf32>, vector<16xf32>, vector<16xf32>, vector<16xf32>, vector<16xf32>, vector<16xf32>, vector<16xf32>, vector<16xf32>, vector<16xf32>, vector<16xf32>, vector<16xf32>, vector<16xf32>, vector<16xf32>, vector<16xf32>, vector<16xf32>, vector<16xf32>, vector<16xf32>, vector<16xf32>, vector<16xf32>, vector<16xf32>, vector<16xf32>, vector<16xf32>, vector<16xf32>, vector<16xf32>, vector<16xf32>, vector<16xf32>, vector<16xf32>, vector<16xf32>, vector<16xf32>, vector<16xf32>
    }
    %scan3A_208 = arith.constant 512 : i32
    "tpu.region"() ({
      %run_scoped3A = tpu.sem_alloc : memref<!tpu.dma_semaphore, #tpu.memory_space<semaphore_mem>>
      %dma_start3A = arith.constant 128 : i32
      %dma_start3A_887 = arith.constant 0 : i32
      %dma_start3A_888 = tpu.memref_slice %arg3[%dma_start3A, %dma_start3A_887] : memref<256x128xf32, #tpu.memory_space<hbm>> -> memref<128x128xf32, #tpu.memory_space<hbm>>
      %dma_start3A_889 = arith.constant 128 : i32
      %dma_start3A_890 = arith.constant 0 : i32
      %dma_start3A_891 = tpu.memref_slice %arg3[%dma_start3A_889, %dma_start3A_890] : memref<256x128xf32, #tpu.memory_space<hbm>> -> memref<128x128xf32, #tpu.memory_space<hbm>>
      tpu.enqueue_dma source(%dma_start3A_891 : memref<128x128xf32, #tpu.memory_space<hbm>>) target(%arg6 : memref<128x128xf32, #tpu.memory_space<vmem>>) target_semaphore(%run_scoped3A : memref<!tpu.dma_semaphore, #tpu.memory_space<semaphore_mem>>)
      %dma_wait3A = arith.constant 128 : i32
      %dma_wait3A_892 = arith.constant 0 : i32
      %dma_wait3A_893 = tpu.memref_slice %arg3[%dma_wait3A, %dma_wait3A_892] : memref<256x128xf32, #tpu.memory_space<hbm>> -> memref<128x128xf32, #tpu.memory_space<hbm>>
      %dma_wait3A_894 = arith.constant 128 : i32
      %dma_wait3A_895 = arith.constant 0 : i32
      %dma_wait3A_896 = tpu.memref_slice %arg3[%dma_wait3A_894, %dma_wait3A_895] : memref<256x128xf32, #tpu.memory_space<hbm>> -> memref<128x128xf32, #tpu.memory_space<hbm>>
      tpu.wait_dma2 semaphore(%run_scoped3A : memref<!tpu.dma_semaphore, #tpu.memory_space<semaphore_mem>>) src(%dma_wait3A_896 : memref<128x128xf32, #tpu.memory_space<hbm>>) dst(%arg6 : memref<128x128xf32, #tpu.memory_space<vmem>>)
      tpu.yield
    }) : () -> ()
    %scan3A_209 = arith.constant 0 : i32
    %scan3A_210 = arith.constant 512 : i32
    %scan3A_211 = arith.addi %scan3A_209, %scan3A_210 : i32
    %scan3A_212 = arith.constant 1 : i32
    %scan3A_213:32 = scf.for %scan3A_887 = %scan3A_209 to %scan3A_211 step %scan3A_212 iter_args(%scan3A_888 = %scan3A_207#0, %scan3A_889 = %scan3A_207#1, %scan3A_890 = %scan3A_207#2, %scan3A_891 = %scan3A_207#3, %scan3A_892 = %scan3A_207#4, %scan3A_893 = %scan3A_207#5, %scan3A_894 = %scan3A_207#6, %scan3A_895 = %scan3A_207#7, %scan3A_896 = %scan3A_207#8, %scan3A_897 = %scan3A_207#9, %scan3A_898 = %scan3A_207#10, %scan3A_899 = %scan3A_207#11, %scan3A_900 = %scan3A_207#12, %scan3A_901 = %scan3A_207#13, %scan3A_902 = %scan3A_207#14, %scan3A_903 = %scan3A_207#15, %scan3A_904 = %scan3A_207#16, %scan3A_905 = %scan3A_207#17, %scan3A_906 = %scan3A_207#18, %scan3A_907 = %scan3A_207#19, %scan3A_908 = %scan3A_207#20, %scan3A_909 = %scan3A_207#21, %scan3A_910 = %scan3A_207#22, %scan3A_911 = %scan3A_207#23, %scan3A_912 = %scan3A_207#24, %scan3A_913 = %scan3A_207#25, %scan3A_914 = %scan3A_207#26, %scan3A_915 = %scan3A_207#27, %scan3A_916 = %scan3A_207#28, %scan3A_917 = %scan3A_207#29, %scan3A_918 = %scan3A_207#30, %scan3A_919 = %scan3A_207#31) -> (vector<16xf32>, vector<16xf32>, vector<16xf32>, vector<16xf32>, vector<16xf32>, vector<16xf32>, vector<16xf32>, vector<16xf32>, vector<16xf32>, vector<16xf32>, vector<16xf32>, vector<16xf32>, vector<16xf32>, vector<16xf32>, vector<16xf32>, vector<16xf32>, vector<16xf32>, vector<16xf32>, vector<16xf32>, vector<16xf32>, vector<16xf32>, vector<16xf32>, vector<16xf32>, vector<16xf32>, vector<16xf32>, vector<16xf32>, vector<16xf32>, vector<16xf32>, vector<16xf32>, vector<16xf32>, vector<16xf32>, vector<16xf32>)  : i32 {
      %mul3A_920 = arith.constant 2 : i32
      %mul3A_921 = arith.muli %scan3A_887, %mul3A_920 : i32
      %add3A_922 = arith.constant 0 : i32
      %add3A_923 = arith.addi %mul3A_921, %add3A_922 : i32
      %add3A_924 = arith.constant 1024 : i32
      %add3A_925 = arith.addi %add3A_924, %add3A_923 : i32
      %broadcast_in_dim3A_926 = vector.broadcast %add3A_925 : i32 to vector<16xi32>
      %gather3A = tpu.vector_load_idx %arg7[%add3A_8, %broadcast_in_dim3A_926] : memref<32x2056xf32, #tpu.memory_space<vmem>>[vector<16xi32>, vector<16xi32>], vector<16xf32>,
      %gather3A_927 = tpu.vector_load_idx %arg7[%add3A_12, %broadcast_in_dim3A_926] : memref<32x2056xf32, #tpu.memory_space<vmem>>[vector<16xi32>, vector<16xi32>], vector<16xf32>,
      %jit3A = arith.constant 8 : i32
      %div3A_928 = arith.divsi %add3A_923, %jit3A : i32
      %sign3A = arith.constant 0 : i32
      %sign3A_929 = arith.cmpi sgt, %add3A_923, %sign3A : i32
      %sign3A_930 = arith.extui %sign3A_929 : i1 to i32
      %sign3A_931 = arith.constant 0 : i32
      %sign3A_932 = arith.cmpi slt, %add3A_923, %sign3A_931 : i32
      %sign3A_933 = arith.extui %sign3A_932 : i1 to i32
      %sign3A_934 = arith.subi %sign3A_930, %sign3A_933 : i32
      %sign3A_935 = arith.constant 0 : i32
      %sign3A_936 = arith.cmpi sgt, %jit3A, %sign3A_935 : i32
      %sign3A_937 = arith.extui %sign3A_936 : i1 to i32
      %sign3A_938 = arith.constant 0 : i32
      %sign3A_939 = arith.cmpi slt, %jit3A, %sign3A_938 : i32
      %sign3A_940 = arith.extui %sign3A_939 : i1 to i32
      %sign3A_941 = arith.subi %sign3A_937, %sign3A_940 : i32
      %ne3A = arith.cmpi ne, %sign3A_934, %sign3A_941 : i32
      %rem3A = arith.remsi %add3A_923, %jit3A : i32
      %ne3A_942 = arith.constant 0 : i32
      %ne3A_943 = arith.cmpi ne, %rem3A, %ne3A_942 : i32
      %and3A = arith.andi %ne3A, %ne3A_943 : i1
      %sub3A_944 = arith.constant 1 : i32
      %sub3A_945 = arith.subi %div3A_928, %sub3A_944 : i32
      %select_n3A = arith.select %and3A, %sub3A_945, %div3A_928 : i32
      %jit3A_946 = arith.constant 8 : i32
      %eq3A = arith.constant 0 : i32
      %eq3A_947 = arith.cmpi eq, %jit3A_946, %eq3A : i32
      %jit3A_948 = arith.constant 1 : i32
      %select_n3A_949 = arith.select %eq3A_947, %jit3A_948, %jit3A_946 : i32
      %rem3A_950 = arith.remsi %add3A_923, %select_n3A_949 : i32
      %ne3A_951 = arith.constant 0 : i32
      %ne3A_952 = arith.cmpi ne, %rem3A_950, %ne3A_951 : i32
      %lt3A = arith.constant 0 : i32
      %lt3A_953 = arith.cmpi slt, %rem3A_950, %lt3A : i32
      %lt3A_954 = arith.constant 0 : i32
      %lt3A_955 = arith.cmpi slt, %select_n3A_949, %lt3A_954 : i32
      %ne3A_956 = arith.xori %lt3A_953, %lt3A_955 : i1
      %and3A_957 = arith.andi %ne3A_956, %ne3A_952 : i1
      %add3A_958 = arith.addi %rem3A_950, %select_n3A_949 : i32
      %select_n3A_959 = arith.select %and3A_957, %add3A_958, %rem3A_950 : i32
      %mul3A_960 = arith.constant 16 : i32
      %mul3A_961 = arith.muli %select_n3A_959, %mul3A_960 : i32
      %get3A_962 = arith.index_cast %select_n3A : i32 to index
      %get3A_963 = arith.index_cast %mul3A_961 : i32 to index
      %get3A_964 = tpu.vector_load %arg6[%get3A_962, %get3A_963] {strides = array<i32>} : memref<128x128xf32, #tpu.memory_space<vmem>>, vector<16xf32>,
      %slice3A_965 = vector.extract_strided_slice %get3A_964 {offsets = [0], sizes = [1], strides = [1]} : vector<16xf32> to vector<1xf32>
      %squeeze3A_966 = vector.extract %slice3A_965[0] : f32 from vector<1xf32>
      %mul3A_967 = vector.broadcast %squeeze3A_966 : f32 to vector<16xf32>
      %mul3A_968 = arith.mulf %gather3A, %mul3A_967 : vector<16xf32>
      %add3A_969 = arith.addf %scan3A_888, %mul3A_968 : vector<16xf32>
      %mul3A_970 = vector.broadcast %squeeze3A_966 : f32 to vector<16xf32>
      %mul3A_971 = arith.mulf %gather3A_927, %mul3A_970 : vector<16xf32>
      %add3A_972 = arith.addf %scan3A_889, %mul3A_971 : vector<16xf32>
      %slice3A_973 = vector.extract_strided_slice %get3A_964 {offsets = [1], sizes = [1], strides = [1]} : vector<16xf32> to vector<1xf32>
      %squeeze3A_974 = vector.extract %slice3A_973[0] : f32 from vector<1xf32>
      %mul3A_975 = vector.broadcast %squeeze3A_974 : f32 to vector<16xf32>
      %mul3A_976 = arith.mulf %gather3A, %mul3A_975 : vector<16xf32>
      %add3A_977 = arith.addf %scan3A_890, %mul3A_976 : vector<16xf32>
      %mul3A_978 = vector.broadcast %squeeze3A_974 : f32 to vector<16xf32>
      %mul3A_979 = arith.mulf %gather3A_927, %mul3A_978 : vector<16xf32>
      %add3A_980 = arith.addf %scan3A_891, %mul3A_979 : vector<16xf32>
      %slice3A_981 = vector.extract_strided_slice %get3A_964 {offsets = [2], sizes = [1], strides = [1]} : vector<16xf32> to vector<1xf32>
      %squeeze3A_982 = vector.extract %slice3A_981[0] : f32 from vector<1xf32>
      %mul3A_983 = vector.broadcast %squeeze3A_982 : f32 to vector<16xf32>
      %mul3A_984 = arith.mulf %gather3A, %mul3A_983 : vector<16xf32>
      %add3A_985 = arith.addf %scan3A_892, %mul3A_984 : vector<16xf32>
      %mul3A_986 = vector.broadcast %squeeze3A_982 : f32 to vector<16xf32>
      %mul3A_987 = arith.mulf %gather3A_927, %mul3A_986 : vector<16xf32>
      %add3A_988 = arith.addf %scan3A_893, %mul3A_987 : vector<16xf32>
      %slice3A_989 = vector.extract_strided_slice %get3A_964 {offsets = [3], sizes = [1], strides = [1]} : vector<16xf32> to vector<1xf32>
      %squeeze3A_990 = vector.extract %slice3A_989[0] : f32 from vector<1xf32>
      %mul3A_991 = vector.broadcast %squeeze3A_990 : f32 to vector<16xf32>
      %mul3A_992 = arith.mulf %gather3A, %mul3A_991 : vector<16xf32>
      %add3A_993 = arith.addf %scan3A_894, %mul3A_992 : vector<16xf32>
      %mul3A_994 = vector.broadcast %squeeze3A_990 : f32 to vector<16xf32>
      %mul3A_995 = arith.mulf %gather3A_927, %mul3A_994 : vector<16xf32>
      %add3A_996 = arith.addf %scan3A_895, %mul3A_995 : vector<16xf32>
      %slice3A_997 = vector.extract_strided_slice %get3A_964 {offsets = [4], sizes = [1], strides = [1]} : vector<16xf32> to vector<1xf32>
      %squeeze3A_998 = vector.extract %slice3A_997[0] : f32 from vector<1xf32>
      %mul3A_999 = vector.broadcast %squeeze3A_998 : f32 to vector<16xf32>
      %mul3A_1000 = arith.mulf %gather3A, %mul3A_999 : vector<16xf32>
      %add3A_1001 = arith.addf %scan3A_896, %mul3A_1000 : vector<16xf32>
      %mul3A_1002 = vector.broadcast %squeeze3A_998 : f32 to vector<16xf32>
      %mul3A_1003 = arith.mulf %gather3A_927, %mul3A_1002 : vector<16xf32>
      %add3A_1004 = arith.addf %scan3A_897, %mul3A_1003 : vector<16xf32>
      %slice3A_1005 = vector.extract_strided_slice %get3A_964 {offsets = [5], sizes = [1], strides = [1]} : vector<16xf32> to vector<1xf32>
      %squeeze3A_1006 = vector.extract %slice3A_1005[0] : f32 from vector<1xf32>
      %mul3A_1007 = vector.broadcast %squeeze3A_1006 : f32 to vector<16xf32>
      %mul3A_1008 = arith.mulf %gather3A, %mul3A_1007 : vector<16xf32>
      %add3A_1009 = arith.addf %scan3A_898, %mul3A_1008 : vector<16xf32>
      %mul3A_1010 = vector.broadcast %squeeze3A_1006 : f32 to vector<16xf32>
      %mul3A_1011 = arith.mulf %gather3A_927, %mul3A_1010 : vector<16xf32>
      %add3A_1012 = arith.addf %scan3A_899, %mul3A_1011 : vector<16xf32>
      %slice3A_1013 = vector.extract_strided_slice %get3A_964 {offsets = [6], sizes = [1], strides = [1]} : vector<16xf32> to vector<1xf32>
      %squeeze3A_1014 = vector.extract %slice3A_1013[0] : f32 from vector<1xf32>
      %mul3A_1015 = vector.broadcast %squeeze3A_1014 : f32 to vector<16xf32>
      %mul3A_1016 = arith.mulf %gather3A, %mul3A_1015 : vector<16xf32>
      %add3A_1017 = arith.addf %scan3A_900, %mul3A_1016 : vector<16xf32>
      %mul3A_1018 = vector.broadcast %squeeze3A_1014 : f32 to vector<16xf32>
      %mul3A_1019 = arith.mulf %gather3A_927, %mul3A_1018 : vector<16xf32>
      %add3A_1020 = arith.addf %scan3A_901, %mul3A_1019 : vector<16xf32>
      %slice3A_1021 = vector.extract_strided_slice %get3A_964 {offsets = [7], sizes = [1], strides = [1]} : vector<16xf32> to vector<1xf32>
      %squeeze3A_1022 = vector.extract %slice3A_1021[0] : f32 from vector<1xf32>
      %mul3A_1023 = vector.broadcast %squeeze3A_1022 : f32 to vector<16xf32>
      %mul3A_1024 = arith.mulf %gather3A, %mul3A_1023 : vector<16xf32>
      %add3A_1025 = arith.addf %scan3A_902, %mul3A_1024 : vector<16xf32>
      %mul3A_1026 = vector.broadcast %squeeze3A_1022 : f32 to vector<16xf32>
      %mul3A_1027 = arith.mulf %gather3A_927, %mul3A_1026 : vector<16xf32>
      %add3A_1028 = arith.addf %scan3A_903, %mul3A_1027 : vector<16xf32>
      %slice3A_1029 = vector.extract_strided_slice %get3A_964 {offsets = [8], sizes = [1], strides = [1]} : vector<16xf32> to vector<1xf32>
      %squeeze3A_1030 = vector.extract %slice3A_1029[0] : f32 from vector<1xf32>
      %mul3A_1031 = vector.broadcast %squeeze3A_1030 : f32 to vector<16xf32>
      %mul3A_1032 = arith.mulf %gather3A, %mul3A_1031 : vector<16xf32>
      %add3A_1033 = arith.addf %scan3A_904, %mul3A_1032 : vector<16xf32>
      %mul3A_1034 = vector.broadcast %squeeze3A_1030 : f32 to vector<16xf32>
      %mul3A_1035 = arith.mulf %gather3A_927, %mul3A_1034 : vector<16xf32>
      %add3A_1036 = arith.addf %scan3A_905, %mul3A_1035 : vector<16xf32>
      %slice3A_1037 = vector.extract_strided_slice %get3A_964 {offsets = [9], sizes = [1], strides = [1]} : vector<16xf32> to vector<1xf32>
      %squeeze3A_1038 = vector.extract %slice3A_1037[0] : f32 from vector<1xf32>
      %mul3A_1039 = vector.broadcast %squeeze3A_1038 : f32 to vector<16xf32>
      %mul3A_1040 = arith.mulf %gather3A, %mul3A_1039 : vector<16xf32>
      %add3A_1041 = arith.addf %scan3A_906, %mul3A_1040 : vector<16xf32>
      %mul3A_1042 = vector.broadcast %squeeze3A_1038 : f32 to vector<16xf32>
      %mul3A_1043 = arith.mulf %gather3A_927, %mul3A_1042 : vector<16xf32>
      %add3A_1044 = arith.addf %scan3A_907, %mul3A_1043 : vector<16xf32>
      %slice3A_1045 = vector.extract_strided_slice %get3A_964 {offsets = [10], sizes = [1], strides = [1]} : vector<16xf32> to vector<1xf32>
      %squeeze3A_1046 = vector.extract %slice3A_1045[0] : f32 from vector<1xf32>
      %mul3A_1047 = vector.broadcast %squeeze3A_1046 : f32 to vector<16xf32>
      %mul3A_1048 = arith.mulf %gather3A, %mul3A_1047 : vector<16xf32>
      %add3A_1049 = arith.addf %scan3A_908, %mul3A_1048 : vector<16xf32>
      %mul3A_1050 = vector.broadcast %squeeze3A_1046 : f32 to vector<16xf32>
      %mul3A_1051 = arith.mulf %gather3A_927, %mul3A_1050 : vector<16xf32>
      %add3A_1052 = arith.addf %scan3A_909, %mul3A_1051 : vector<16xf32>
      %slice3A_1053 = vector.extract_strided_slice %get3A_964 {offsets = [11], sizes = [1], strides = [1]} : vector<16xf32> to vector<1xf32>
      %squeeze3A_1054 = vector.extract %slice3A_1053[0] : f32 from vector<1xf32>
      %mul3A_1055 = vector.broadcast %squeeze3A_1054 : f32 to vector<16xf32>
      %mul3A_1056 = arith.mulf %gather3A, %mul3A_1055 : vector<16xf32>
      %add3A_1057 = arith.addf %scan3A_910, %mul3A_1056 : vector<16xf32>
      %mul3A_1058 = vector.broadcast %squeeze3A_1054 : f32 to vector<16xf32>
      %mul3A_1059 = arith.mulf %gather3A_927, %mul3A_1058 : vector<16xf32>
      %add3A_1060 = arith.addf %scan3A_911, %mul3A_1059 : vector<16xf32>
      %slice3A_1061 = vector.extract_strided_slice %get3A_964 {offsets = [12], sizes = [1], strides = [1]} : vector<16xf32> to vector<1xf32>
      %squeeze3A_1062 = vector.extract %slice3A_1061[0] : f32 from vector<1xf32>
      %mul3A_1063 = vector.broadcast %squeeze3A_1062 : f32 to vector<16xf32>
      %mul3A_1064 = arith.mulf %gather3A, %mul3A_1063 : vector<16xf32>
      %add3A_1065 = arith.addf %scan3A_912, %mul3A_1064 : vector<16xf32>
      %mul3A_1066 = vector.broadcast %squeeze3A_1062 : f32 to vector<16xf32>
      %mul3A_1067 = arith.mulf %gather3A_927, %mul3A_1066 : vector<16xf32>
      %add3A_1068 = arith.addf %scan3A_913, %mul3A_1067 : vector<16xf32>
      %slice3A_1069 = vector.extract_strided_slice %get3A_964 {offsets = [13], sizes = [1], strides = [1]} : vector<16xf32> to vector<1xf32>
      %squeeze3A_1070 = vector.extract %slice3A_1069[0] : f32 from vector<1xf32>
      %mul3A_1071 = vector.broadcast %squeeze3A_1070 : f32 to vector<16xf32>
      %mul3A_1072 = arith.mulf %gather3A, %mul3A_1071 : vector<16xf32>
      %add3A_1073 = arith.addf %scan3A_914, %mul3A_1072 : vector<16xf32>
      %mul3A_1074 = vector.broadcast %squeeze3A_1070 : f32 to vector<16xf32>
      %mul3A_1075 = arith.mulf %gather3A_927, %mul3A_1074 : vector<16xf32>
      %add3A_1076 = arith.addf %scan3A_915, %mul3A_1075 : vector<16xf32>
      %slice3A_1077 = vector.extract_strided_slice %get3A_964 {offsets = [14], sizes = [1], strides = [1]} : vector<16xf32> to vector<1xf32>
      %squeeze3A_1078 = vector.extract %slice3A_1077[0] : f32 from vector<1xf32>
      %mul3A_1079 = vector.broadcast %squeeze3A_1078 : f32 to vector<16xf32>
      %mul3A_1080 = arith.mulf %gather3A, %mul3A_1079 : vector<16xf32>
      %add3A_1081 = arith.addf %scan3A_916, %mul3A_1080 : vector<16xf32>
      %mul3A_1082 = vector.broadcast %squeeze3A_1078 : f32 to vector<16xf32>
      %mul3A_1083 = arith.mulf %gather3A_927, %mul3A_1082 : vector<16xf32>
      %add3A_1084 = arith.addf %scan3A_917, %mul3A_1083 : vector<16xf32>
      %slice3A_1085 = vector.extract_strided_slice %get3A_964 {offsets = [15], sizes = [1], strides = [1]} : vector<16xf32> to vector<1xf32>
      %squeeze3A_1086 = vector.extract %slice3A_1085[0] : f32 from vector<1xf32>
      %mul3A_1087 = vector.broadcast %squeeze3A_1086 : f32 to vector<16xf32>
      %mul3A_1088 = arith.mulf %gather3A, %mul3A_1087 : vector<16xf32>
      %add3A_1089 = arith.addf %scan3A_918, %mul3A_1088 : vector<16xf32>
      %mul3A_1090 = vector.broadcast %squeeze3A_1086 : f32 to vector<16xf32>
      %mul3A_1091 = arith.mulf %gather3A_927, %mul3A_1090 : vector<16xf32>
      %add3A_1092 = arith.addf %scan3A_919, %mul3A_1091 : vector<16xf32>
      %mul3A_1093 = arith.constant 2 : i32
      %mul3A_1094 = arith.muli %scan3A_887, %mul3A_1093 : i32
      %add3A_1095 = arith.constant 1 : i32
      %add3A_1096 = arith.addi %mul3A_1094, %add3A_1095 : i32
      %add3A_1097 = arith.constant 1024 : i32
      %add3A_1098 = arith.addi %add3A_1097, %add3A_1096 : i32
      %broadcast_in_dim3A_1099 = vector.broadcast %add3A_1098 : i32 to vector<16xi32>
      %gather3A_1100 = tpu.vector_load_idx %arg7[%add3A_8, %broadcast_in_dim3A_1099] : memref<32x2056xf32, #tpu.memory_space<vmem>>[vector<16xi32>, vector<16xi32>], vector<16xf32>,
      %gather3A_1101 = tpu.vector_load_idx %arg7[%add3A_12, %broadcast_in_dim3A_1099] : memref<32x2056xf32, #tpu.memory_space<vmem>>[vector<16xi32>, vector<16xi32>], vector<16xf32>,
      %jit3A_1102 = arith.constant 8 : i32
      %div3A_1103 = arith.divsi %add3A_1096, %jit3A_1102 : i32
      %sign3A_1104 = arith.constant 0 : i32
      %sign3A_1105 = arith.cmpi sgt, %add3A_1096, %sign3A_1104 : i32
      %sign3A_1106 = arith.extui %sign3A_1105 : i1 to i32
      %sign3A_1107 = arith.constant 0 : i32
      %sign3A_1108 = arith.cmpi slt, %add3A_1096, %sign3A_1107 : i32
      %sign3A_1109 = arith.extui %sign3A_1108 : i1 to i32
      %sign3A_1110 = arith.subi %sign3A_1106, %sign3A_1109 : i32
      %sign3A_1111 = arith.constant 0 : i32
      %sign3A_1112 = arith.cmpi sgt, %jit3A_1102, %sign3A_1111 : i32
      %sign3A_1113 = arith.extui %sign3A_1112 : i1 to i32
      %sign3A_1114 = arith.constant 0 : i32
      %sign3A_1115 = arith.cmpi slt, %jit3A_1102, %sign3A_1114 : i32
      %sign3A_1116 = arith.extui %sign3A_1115 : i1 to i32
      %sign3A_1117 = arith.subi %sign3A_1113, %sign3A_1116 : i32
      %ne3A_1118 = arith.cmpi ne, %sign3A_1110, %sign3A_1117 : i32
      %rem3A_1119 = arith.remsi %add3A_1096, %jit3A_1102 : i32
      %ne3A_1120 = arith.constant 0 : i32
      %ne3A_1121 = arith.cmpi ne, %rem3A_1119, %ne3A_1120 : i32
      %and3A_1122 = arith.andi %ne3A_1118, %ne3A_1121 : i1
      %sub3A_1123 = arith.constant 1 : i32
      %sub3A_1124 = arith.subi %div3A_1103, %sub3A_1123 : i32
      %select_n3A_1125 = arith.select %and3A_1122, %sub3A_1124, %div3A_1103 : i32
      %jit3A_1126 = arith.constant 8 : i32
      %eq3A_1127 = arith.constant 0 : i32
      %eq3A_1128 = arith.cmpi eq, %jit3A_1126, %eq3A_1127 : i32
      %jit3A_1129 = arith.constant 1 : i32
      %select_n3A_1130 = arith.select %eq3A_1128, %jit3A_1129, %jit3A_1126 : i32
      %rem3A_1131 = arith.remsi %add3A_1096, %select_n3A_1130 : i32
      %ne3A_1132 = arith.constant 0 : i32
      %ne3A_1133 = arith.cmpi ne, %rem3A_1131, %ne3A_1132 : i32
      %lt3A_1134 = arith.constant 0 : i32
      %lt3A_1135 = arith.cmpi slt, %rem3A_1131, %lt3A_1134 : i32
      %lt3A_1136 = arith.constant 0 : i32
      %lt3A_1137 = arith.cmpi slt, %select_n3A_1130, %lt3A_1136 : i32
      %ne3A_1138 = arith.xori %lt3A_1135, %lt3A_1137 : i1
      %and3A_1139 = arith.andi %ne3A_1138, %ne3A_1133 : i1
      %add3A_1140 = arith.addi %rem3A_1131, %select_n3A_1130 : i32
      %select_n3A_1141 = arith.select %and3A_1139, %add3A_1140, %rem3A_1131 : i32
      %mul3A_1142 = arith.constant 16 : i32
      %mul3A_1143 = arith.muli %select_n3A_1141, %mul3A_1142 : i32
      %get3A_1144 = arith.index_cast %select_n3A_1125 : i32 to index
      %get3A_1145 = arith.index_cast %mul3A_1143 : i32 to index
      %get3A_1146 = tpu.vector_load %arg6[%get3A_1144, %get3A_1145] {strides = array<i32>} : memref<128x128xf32, #tpu.memory_space<vmem>>, vector<16xf32>,
      %slice3A_1147 = vector.extract_strided_slice %get3A_1146 {offsets = [0], sizes = [1], strides = [1]} : vector<16xf32> to vector<1xf32>
      %squeeze3A_1148 = vector.extract %slice3A_1147[0] : f32 from vector<1xf32>
      %mul3A_1149 = vector.broadcast %squeeze3A_1148 : f32 to vector<16xf32>
      %mul3A_1150 = arith.mulf %gather3A_1100, %mul3A_1149 : vector<16xf32>
      %add3A_1151 = arith.addf %add3A_969, %mul3A_1150 : vector<16xf32>
      %mul3A_1152 = vector.broadcast %squeeze3A_1148 : f32 to vector<16xf32>
      %mul3A_1153 = arith.mulf %gather3A_1101, %mul3A_1152 : vector<16xf32>
      %add3A_1154 = arith.addf %add3A_972, %mul3A_1153 : vector<16xf32>
      %slice3A_1155 = vector.extract_strided_slice %get3A_1146 {offsets = [1], sizes = [1], strides = [1]} : vector<16xf32> to vector<1xf32>
      %squeeze3A_1156 = vector.extract %slice3A_1155[0] : f32 from vector<1xf32>
      %mul3A_1157 = vector.broadcast %squeeze3A_1156 : f32 to vector<16xf32>
      %mul3A_1158 = arith.mulf %gather3A_1100, %mul3A_1157 : vector<16xf32>
      %add3A_1159 = arith.addf %add3A_977, %mul3A_1158 : vector<16xf32>
      %mul3A_1160 = vector.broadcast %squeeze3A_1156 : f32 to vector<16xf32>
      %mul3A_1161 = arith.mulf %gather3A_1101, %mul3A_1160 : vector<16xf32>
      %add3A_1162 = arith.addf %add3A_980, %mul3A_1161 : vector<16xf32>
      %slice3A_1163 = vector.extract_strided_slice %get3A_1146 {offsets = [2], sizes = [1], strides = [1]} : vector<16xf32> to vector<1xf32>
      %squeeze3A_1164 = vector.extract %slice3A_1163[0] : f32 from vector<1xf32>
      %mul3A_1165 = vector.broadcast %squeeze3A_1164 : f32 to vector<16xf32>
      %mul3A_1166 = arith.mulf %gather3A_1100, %mul3A_1165 : vector<16xf32>
      %add3A_1167 = arith.addf %add3A_985, %mul3A_1166 : vector<16xf32>
      %mul3A_1168 = vector.broadcast %squeeze3A_1164 : f32 to vector<16xf32>
      %mul3A_1169 = arith.mulf %gather3A_1101, %mul3A_1168 : vector<16xf32>
      %add3A_1170 = arith.addf %add3A_988, %mul3A_1169 : vector<16xf32>
      %slice3A_1171 = vector.extract_strided_slice %get3A_1146 {offsets = [3], sizes = [1], strides = [1]} : vector<16xf32> to vector<1xf32>
      %squeeze3A_1172 = vector.extract %slice3A_1171[0] : f32 from vector<1xf32>
      %mul3A_1173 = vector.broadcast %squeeze3A_1172 : f32 to vector<16xf32>
      %mul3A_1174 = arith.mulf %gather3A_1100, %mul3A_1173 : vector<16xf32>
      %add3A_1175 = arith.addf %add3A_993, %mul3A_1174 : vector<16xf32>
      %mul3A_1176 = vector.broadcast %squeeze3A_1172 : f32 to vector<16xf32>
      %mul3A_1177 = arith.mulf %gather3A_1101, %mul3A_1176 : vector<16xf32>
      %add3A_1178 = arith.addf %add3A_996, %mul3A_1177 : vector<16xf32>
      %slice3A_1179 = vector.extract_strided_slice %get3A_1146 {offsets = [4], sizes = [1], strides = [1]} : vector<16xf32> to vector<1xf32>
      %squeeze3A_1180 = vector.extract %slice3A_1179[0] : f32 from vector<1xf32>
      %mul3A_1181 = vector.broadcast %squeeze3A_1180 : f32 to vector<16xf32>
      %mul3A_1182 = arith.mulf %gather3A_1100, %mul3A_1181 : vector<16xf32>
      %add3A_1183 = arith.addf %add3A_1001, %mul3A_1182 : vector<16xf32>
      %mul3A_1184 = vector.broadcast %squeeze3A_1180 : f32 to vector<16xf32>
      %mul3A_1185 = arith.mulf %gather3A_1101, %mul3A_1184 : vector<16xf32>
      %add3A_1186 = arith.addf %add3A_1004, %mul3A_1185 : vector<16xf32>
      %slice3A_1187 = vector.extract_strided_slice %get3A_1146 {offsets = [5], sizes = [1], strides = [1]} : vector<16xf32> to vector<1xf32>
      %squeeze3A_1188 = vector.extract %slice3A_1187[0] : f32 from vector<1xf32>
      %mul3A_1189 = vector.broadcast %squeeze3A_1188 : f32 to vector<16xf32>
      %mul3A_1190 = arith.mulf %gather3A_1100, %mul3A_1189 : vector<16xf32>
      %add3A_1191 = arith.addf %add3A_1009, %mul3A_1190 : vector<16xf32>
      %mul3A_1192 = vector.broadcast %squeeze3A_1188 : f32 to vector<16xf32>
      %mul3A_1193 = arith.mulf %gather3A_1101, %mul3A_1192 : vector<16xf32>
      %add3A_1194 = arith.addf %add3A_1012, %mul3A_1193 : vector<16xf32>
      %slice3A_1195 = vector.extract_strided_slice %get3A_1146 {offsets = [6], sizes = [1], strides = [1]} : vector<16xf32> to vector<1xf32>
      %squeeze3A_1196 = vector.extract %slice3A_1195[0] : f32 from vector<1xf32>
      %mul3A_1197 = vector.broadcast %squeeze3A_1196 : f32 to vector<16xf32>
      %mul3A_1198 = arith.mulf %gather3A_1100, %mul3A_1197 : vector<16xf32>
      %add3A_1199 = arith.addf %add3A_1017, %mul3A_1198 : vector<16xf32>
      %mul3A_1200 = vector.broadcast %squeeze3A_1196 : f32 to vector<16xf32>
      %mul3A_1201 = arith.mulf %gather3A_1101, %mul3A_1200 : vector<16xf32>
      %add3A_1202 = arith.addf %add3A_1020, %mul3A_1201 : vector<16xf32>
      %slice3A_1203 = vector.extract_strided_slice %get3A_1146 {offsets = [7], sizes = [1], strides = [1]} : vector<16xf32> to vector<1xf32>
      %squeeze3A_1204 = vector.extract %slice3A_1203[0] : f32 from vector<1xf32>
      %mul3A_1205 = vector.broadcast %squeeze3A_1204 : f32 to vector<16xf32>
      %mul3A_1206 = arith.mulf %gather3A_1100, %mul3A_1205 : vector<16xf32>
      %add3A_1207 = arith.addf %add3A_1025, %mul3A_1206 : vector<16xf32>
      %mul3A_1208 = vector.broadcast %squeeze3A_1204 : f32 to vector<16xf32>
      %mul3A_1209 = arith.mulf %gather3A_1101, %mul3A_1208 : vector<16xf32>
      %add3A_1210 = arith.addf %add3A_1028, %mul3A_1209 : vector<16xf32>
      %slice3A_1211 = vector.extract_strided_slice %get3A_1146 {offsets = [8], sizes = [1], strides = [1]} : vector<16xf32> to vector<1xf32>
      %squeeze3A_1212 = vector.extract %slice3A_1211[0] : f32 from vector<1xf32>
      %mul3A_1213 = vector.broadcast %squeeze3A_1212 : f32 to vector<16xf32>
      %mul3A_1214 = arith.mulf %gather3A_1100, %mul3A_1213 : vector<16xf32>
      %add3A_1215 = arith.addf %add3A_1033, %mul3A_1214 : vector<16xf32>
      %mul3A_1216 = vector.broadcast %squeeze3A_1212 : f32 to vector<16xf32>
      %mul3A_1217 = arith.mulf %gather3A_1101, %mul3A_1216 : vector<16xf32>
      %add3A_1218 = arith.addf %add3A_1036, %mul3A_1217 : vector<16xf32>
      %slice3A_1219 = vector.extract_strided_slice %get3A_1146 {offsets = [9], sizes = [1], strides = [1]} : vector<16xf32> to vector<1xf32>
      %squeeze3A_1220 = vector.extract %slice3A_1219[0] : f32 from vector<1xf32>
      %mul3A_1221 = vector.broadcast %squeeze3A_1220 : f32 to vector<16xf32>
      %mul3A_1222 = arith.mulf %gather3A_1100, %mul3A_1221 : vector<16xf32>
      %add3A_1223 = arith.addf %add3A_1041, %mul3A_1222 : vector<16xf32>
      %mul3A_1224 = vector.broadcast %squeeze3A_1220 : f32 to vector<16xf32>
      %mul3A_1225 = arith.mulf %gather3A_1101, %mul3A_1224 : vector<16xf32>
      %add3A_1226 = arith.addf %add3A_1044, %mul3A_1225 : vector<16xf32>
      %slice3A_1227 = vector.extract_strided_slice %get3A_1146 {offsets = [10], sizes = [1], strides = [1]} : vector<16xf32> to vector<1xf32>
      %squeeze3A_1228 = vector.extract %slice3A_1227[0] : f32 from vector<1xf32>
      %mul3A_1229 = vector.broadcast %squeeze3A_1228 : f32 to vector<16xf32>
      %mul3A_1230 = arith.mulf %gather3A_1100, %mul3A_1229 : vector<16xf32>
      %add3A_1231 = arith.addf %add3A_1049, %mul3A_1230 : vector<16xf32>
      %mul3A_1232 = vector.broadcast %squeeze3A_1228 : f32 to vector<16xf32>
      %mul3A_1233 = arith.mulf %gather3A_1101, %mul3A_1232 : vector<16xf32>
      %add3A_1234 = arith.addf %add3A_1052, %mul3A_1233 : vector<16xf32>
      %slice3A_1235 = vector.extract_strided_slice %get3A_1146 {offsets = [11], sizes = [1], strides = [1]} : vector<16xf32> to vector<1xf32>
      %squeeze3A_1236 = vector.extract %slice3A_1235[0] : f32 from vector<1xf32>
      %mul3A_1237 = vector.broadcast %squeeze3A_1236 : f32 to vector<16xf32>
      %mul3A_1238 = arith.mulf %gather3A_1100, %mul3A_1237 : vector<16xf32>
      %add3A_1239 = arith.addf %add3A_1057, %mul3A_1238 : vector<16xf32>
      %mul3A_1240 = vector.broadcast %squeeze3A_1236 : f32 to vector<16xf32>
      %mul3A_1241 = arith.mulf %gather3A_1101, %mul3A_1240 : vector<16xf32>
      %add3A_1242 = arith.addf %add3A_1060, %mul3A_1241 : vector<16xf32>
      %slice3A_1243 = vector.extract_strided_slice %get3A_1146 {offsets = [12], sizes = [1], strides = [1]} : vector<16xf32> to vector<1xf32>
      %squeeze3A_1244 = vector.extract %slice3A_1243[0] : f32 from vector<1xf32>
      %mul3A_1245 = vector.broadcast %squeeze3A_1244 : f32 to vector<16xf32>
      %mul3A_1246 = arith.mulf %gather3A_1100, %mul3A_1245 : vector<16xf32>
      %add3A_1247 = arith.addf %add3A_1065, %mul3A_1246 : vector<16xf32>
      %mul3A_1248 = vector.broadcast %squeeze3A_1244 : f32 to vector<16xf32>
      %mul3A_1249 = arith.mulf %gather3A_1101, %mul3A_1248 : vector<16xf32>
      %add3A_1250 = arith.addf %add3A_1068, %mul3A_1249 : vector<16xf32>
      %slice3A_1251 = vector.extract_strided_slice %get3A_1146 {offsets = [13], sizes = [1], strides = [1]} : vector<16xf32> to vector<1xf32>
      %squeeze3A_1252 = vector.extract %slice3A_1251[0] : f32 from vector<1xf32>
      %mul3A_1253 = vector.broadcast %squeeze3A_1252 : f32 to vector<16xf32>
      %mul3A_1254 = arith.mulf %gather3A_1100, %mul3A_1253 : vector<16xf32>
      %add3A_1255 = arith.addf %add3A_1073, %mul3A_1254 : vector<16xf32>
      %mul3A_1256 = vector.broadcast %squeeze3A_1252 : f32 to vector<16xf32>
      %mul3A_1257 = arith.mulf %gather3A_1101, %mul3A_1256 : vector<16xf32>
      %add3A_1258 = arith.addf %add3A_1076, %mul3A_1257 : vector<16xf32>
      %slice3A_1259 = vector.extract_strided_slice %get3A_1146 {offsets = [14], sizes = [1], strides = [1]} : vector<16xf32> to vector<1xf32>
      %squeeze3A_1260 = vector.extract %slice3A_1259[0] : f32 from vector<1xf32>
      %mul3A_1261 = vector.broadcast %squeeze3A_1260 : f32 to vector<16xf32>
      %mul3A_1262 = arith.mulf %gather3A_1100, %mul3A_1261 : vector<16xf32>
      %add3A_1263 = arith.addf %add3A_1081, %mul3A_1262 : vector<16xf32>
      %mul3A_1264 = vector.broadcast %squeeze3A_1260 : f32 to vector<16xf32>
      %mul3A_1265 = arith.mulf %gather3A_1101, %mul3A_1264 : vector<16xf32>
      %add3A_1266 = arith.addf %add3A_1084, %mul3A_1265 : vector<16xf32>
      %slice3A_1267 = vector.extract_strided_slice %get3A_1146 {offsets = [15], sizes = [1], strides = [1]} : vector<16xf32> to vector<1xf32>
      %squeeze3A_1268 = vector.extract %slice3A_1267[0] : f32 from vector<1xf32>
      %mul3A_1269 = vector.broadcast %squeeze3A_1268 : f32 to vector<16xf32>
      %mul3A_1270 = arith.mulf %gather3A_1100, %mul3A_1269 : vector<16xf32>
      %add3A_1271 = arith.addf %add3A_1089, %mul3A_1270 : vector<16xf32>
      %mul3A_1272 = vector.broadcast %squeeze3A_1268 : f32 to vector<16xf32>
      %mul3A_1273 = arith.mulf %gather3A_1101, %mul3A_1272 : vector<16xf32>
      %add3A_1274 = arith.addf %add3A_1092, %mul3A_1273 : vector<16xf32>
      scf.yield %add3A_1151, %add3A_1154, %add3A_1159, %add3A_1162, %add3A_1167, %add3A_1170, %add3A_1175, %add3A_1178, %add3A_1183, %add3A_1186, %add3A_1191, %add3A_1194, %add3A_1199, %add3A_1202, %add3A_1207, %add3A_1210, %add3A_1215, %add3A_1218, %add3A_1223, %add3A_1226, %add3A_1231, %add3A_1234, %add3A_1239, %add3A_1242, %add3A_1247, %add3A_1250, %add3A_1255, %add3A_1258, %add3A_1263, %add3A_1266, %add3A_1271, %add3A_1274 : vector<16xf32>, vector<16xf32>, vector<16xf32>, vector<16xf32>, vector<16xf32>, vector<16xf32>, vector<16xf32>, vector<16xf32>, vector<16xf32>, vector<16xf32>, vector<16xf32>, vector<16xf32>, vector<16xf32>, vector<16xf32>, vector<16xf32>, vector<16xf32>, vector<16xf32>, vector<16xf32>, vector<16xf32>, vector<16xf32>, vector<16xf32>, vector<16xf32>, vector<16xf32>, vector<16xf32>, vector<16xf32>, vector<16xf32>, vector<16xf32>, vector<16xf32>, vector<16xf32>, vector<16xf32>, vector<16xf32>, vector<16xf32>
    }
    %scan3A_214 = arith.constant 512 : i32
    %max3A = arith.maximumf %scan3A_213#0, %scan3A_213#2 : vector<16xf32>
    %max3A_215 = arith.maximumf %max3A, %scan3A_213#4 : vector<16xf32>
    %max3A_216 = arith.maximumf %max3A_215, %scan3A_213#6 : vector<16xf32>
    %max3A_217 = arith.maximumf %max3A_216, %scan3A_213#8 : vector<16xf32>
    %max3A_218 = arith.maximumf %max3A_217, %scan3A_213#10 : vector<16xf32>
    %max3A_219 = arith.maximumf %max3A_218, %scan3A_213#12 : vector<16xf32>
    %max3A_220 = arith.maximumf %max3A_219, %scan3A_213#14 : vector<16xf32>
    %max3A_221 = arith.maximumf %max3A_220, %scan3A_213#16 : vector<16xf32>
    %max3A_222 = arith.maximumf %max3A_221, %scan3A_213#18 : vector<16xf32>
    %max3A_223 = arith.maximumf %max3A_222, %scan3A_213#20 : vector<16xf32>
    %max3A_224 = arith.maximumf %max3A_223, %scan3A_213#22 : vector<16xf32>
    %max3A_225 = arith.maximumf %max3A_224, %scan3A_213#24 : vector<16xf32>
    %max3A_226 = arith.maximumf %max3A_225, %scan3A_213#26 : vector<16xf32>
    %max3A_227 = arith.maximumf %max3A_226, %scan3A_213#28 : vector<16xf32>
    %max3A_228 = arith.maximumf %max3A_227, %scan3A_213#30 : vector<16xf32>
    %sub3A = arith.subf %scan3A_213#0, %max3A_228 : vector<16xf32>
    %exp3A = math.exp %sub3A : vector<16xf32>
    %sub3A_229 = arith.subf %scan3A_213#2, %max3A_228 : vector<16xf32>
    %exp3A_230 = math.exp %sub3A_229 : vector<16xf32>
    %sub3A_231 = arith.subf %scan3A_213#4, %max3A_228 : vector<16xf32>
    %exp3A_232 = math.exp %sub3A_231 : vector<16xf32>
    %sub3A_233 = arith.subf %scan3A_213#6, %max3A_228 : vector<16xf32>
    %exp3A_234 = math.exp %sub3A_233 : vector<16xf32>
    %sub3A_235 = arith.subf %scan3A_213#8, %max3A_228 : vector<16xf32>
    %exp3A_236 = math.exp %sub3A_235 : vector<16xf32>
    %sub3A_237 = arith.subf %scan3A_213#10, %max3A_228 : vector<16xf32>
    %exp3A_238 = math.exp %sub3A_237 : vector<16xf32>
    %sub3A_239 = arith.subf %scan3A_213#12, %max3A_228 : vector<16xf32>
    %exp3A_240 = math.exp %sub3A_239 : vector<16xf32>
    %sub3A_241 = arith.subf %scan3A_213#14, %max3A_228 : vector<16xf32>
    %exp3A_242 = math.exp %sub3A_241 : vector<16xf32>
    %sub3A_243 = arith.subf %scan3A_213#16, %max3A_228 : vector<16xf32>
    %exp3A_244 = math.exp %sub3A_243 : vector<16xf32>
    %sub3A_245 = arith.subf %scan3A_213#18, %max3A_228 : vector<16xf32>
    %exp3A_246 = math.exp %sub3A_245 : vector<16xf32>
    %sub3A_247 = arith.subf %scan3A_213#20, %max3A_228 : vector<16xf32>
    %exp3A_248 = math.exp %sub3A_247 : vector<16xf32>
    %sub3A_249 = arith.subf %scan3A_213#22, %max3A_228 : vector<16xf32>
    %exp3A_250 = math.exp %sub3A_249 : vector<16xf32>
    %sub3A_251 = arith.subf %scan3A_213#24, %max3A_228 : vector<16xf32>
    %exp3A_252 = math.exp %sub3A_251 : vector<16xf32>
    %sub3A_253 = arith.subf %scan3A_213#26, %max3A_228 : vector<16xf32>
    %exp3A_254 = math.exp %sub3A_253 : vector<16xf32>
    %sub3A_255 = arith.subf %scan3A_213#28, %max3A_228 : vector<16xf32>
    %exp3A_256 = math.exp %sub3A_255 : vector<16xf32>
    %sub3A_257 = arith.subf %scan3A_213#30, %max3A_228 : vector<16xf32>
    %exp3A_258 = math.exp %sub3A_257 : vector<16xf32>
    %add3A_259 = arith.addf %exp3A, %exp3A_230 : vector<16xf32>
    %add3A_260 = arith.addf %add3A_259, %exp3A_232 : vector<16xf32>
    %add3A_261 = arith.addf %add3A_260, %exp3A_234 : vector<16xf32>
    %add3A_262 = arith.addf %add3A_261, %exp3A_236 : vector<16xf32>
    %add3A_263 = arith.addf %add3A_262, %exp3A_238 : vector<16xf32>
    %add3A_264 = arith.addf %add3A_263, %exp3A_240 : vector<16xf32>
    %add3A_265 = arith.addf %add3A_264, %exp3A_242 : vector<16xf32>
    %add3A_266 = arith.addf %add3A_265, %exp3A_244 : vector<16xf32>
    %add3A_267 = arith.addf %add3A_266, %exp3A_246 : vector<16xf32>
    %add3A_268 = arith.addf %add3A_267, %exp3A_248 : vector<16xf32>
    %add3A_269 = arith.addf %add3A_268, %exp3A_250 : vector<16xf32>
    %add3A_270 = arith.addf %add3A_269, %exp3A_252 : vector<16xf32>
    %add3A_271 = arith.addf %add3A_270, %exp3A_254 : vector<16xf32>
    %add3A_272 = arith.addf %add3A_271, %exp3A_256 : vector<16xf32>
    %add3A_273 = arith.addf %add3A_272, %exp3A_258 : vector<16xf32>
    %div3A = arith.constant 1.000000e+00 : f32
    %div3A_274 = vector.broadcast %div3A : f32 to vector<16xf32>
    %div3A_275 = arith.divf %div3A_274, %add3A_273 : vector<16xf32>
    %iota3A_276 = tpu.iota {dimensions = array<i32: 0>} : vector<16xi32>
    %add3A_277 = arith.constant 0 : i32
    %add3A_278 = vector.broadcast %add3A_277 : i32 to vector<16xi32>
    %add3A_279 = arith.addi %iota3A_276, %add3A_278 : vector<16xi32>
    %broadcast_in_dim3A_280 = arith.constant 0 : i32
    %broadcast_in_dim3A_281 = vector.broadcast %broadcast_in_dim3A_280 : i32 to vector<16xi32>
    %mul3A_282 = arith.mulf %exp3A, %div3A_275 : vector<16xf32>
    tpu.vector_store_idx %arg8[%add3A_279, %broadcast_in_dim3A_281], %mul3A_282 : memref<64x16xf32, #tpu.memory_space<vmem>>[vector<16xi32>, vector<16xi32>], vector<16xf32>,
    %broadcast_in_dim3A_283 = arith.constant 1 : i32
    %broadcast_in_dim3A_284 = vector.broadcast %broadcast_in_dim3A_283 : i32 to vector<16xi32>
    %mul3A_285 = arith.mulf %exp3A_230, %div3A_275 : vector<16xf32>
    tpu.vector_store_idx %arg8[%add3A_279, %broadcast_in_dim3A_284], %mul3A_285 : memref<64x16xf32, #tpu.memory_space<vmem>>[vector<16xi32>, vector<16xi32>], vector<16xf32>,
    %broadcast_in_dim3A_286 = arith.constant 2 : i32
    %broadcast_in_dim3A_287 = vector.broadcast %broadcast_in_dim3A_286 : i32 to vector<16xi32>
    %mul3A_288 = arith.mulf %exp3A_232, %div3A_275 : vector<16xf32>
    tpu.vector_store_idx %arg8[%add3A_279, %broadcast_in_dim3A_287], %mul3A_288 : memref<64x16xf32, #tpu.memory_space<vmem>>[vector<16xi32>, vector<16xi32>], vector<16xf32>,
    %broadcast_in_dim3A_289 = arith.constant 3 : i32
    %broadcast_in_dim3A_290 = vector.broadcast %broadcast_in_dim3A_289 : i32 to vector<16xi32>
    %mul3A_291 = arith.mulf %exp3A_234, %div3A_275 : vector<16xf32>
    tpu.vector_store_idx %arg8[%add3A_279, %broadcast_in_dim3A_290], %mul3A_291 : memref<64x16xf32, #tpu.memory_space<vmem>>[vector<16xi32>, vector<16xi32>], vector<16xf32>,
    %broadcast_in_dim3A_292 = arith.constant 4 : i32
    %broadcast_in_dim3A_293 = vector.broadcast %broadcast_in_dim3A_292 : i32 to vector<16xi32>
    %mul3A_294 = arith.mulf %exp3A_236, %div3A_275 : vector<16xf32>
    tpu.vector_store_idx %arg8[%add3A_279, %broadcast_in_dim3A_293], %mul3A_294 : memref<64x16xf32, #tpu.memory_space<vmem>>[vector<16xi32>, vector<16xi32>], vector<16xf32>,
    %broadcast_in_dim3A_295 = arith.constant 5 : i32
    %broadcast_in_dim3A_296 = vector.broadcast %broadcast_in_dim3A_295 : i32 to vector<16xi32>
    %mul3A_297 = arith.mulf %exp3A_238, %div3A_275 : vector<16xf32>
    tpu.vector_store_idx %arg8[%add3A_279, %broadcast_in_dim3A_296], %mul3A_297 : memref<64x16xf32, #tpu.memory_space<vmem>>[vector<16xi32>, vector<16xi32>], vector<16xf32>,
    %broadcast_in_dim3A_298 = arith.constant 6 : i32
    %broadcast_in_dim3A_299 = vector.broadcast %broadcast_in_dim3A_298 : i32 to vector<16xi32>
    %mul3A_300 = arith.mulf %exp3A_240, %div3A_275 : vector<16xf32>
    tpu.vector_store_idx %arg8[%add3A_279, %broadcast_in_dim3A_299], %mul3A_300 : memref<64x16xf32, #tpu.memory_space<vmem>>[vector<16xi32>, vector<16xi32>], vector<16xf32>,
    %broadcast_in_dim3A_301 = arith.constant 7 : i32
    %broadcast_in_dim3A_302 = vector.broadcast %broadcast_in_dim3A_301 : i32 to vector<16xi32>
    %mul3A_303 = arith.mulf %exp3A_242, %div3A_275 : vector<16xf32>
    tpu.vector_store_idx %arg8[%add3A_279, %broadcast_in_dim3A_302], %mul3A_303 : memref<64x16xf32, #tpu.memory_space<vmem>>[vector<16xi32>, vector<16xi32>], vector<16xf32>,
    %broadcast_in_dim3A_304 = arith.constant 8 : i32
    %broadcast_in_dim3A_305 = vector.broadcast %broadcast_in_dim3A_304 : i32 to vector<16xi32>
    %mul3A_306 = arith.mulf %exp3A_244, %div3A_275 : vector<16xf32>
    tpu.vector_store_idx %arg8[%add3A_279, %broadcast_in_dim3A_305], %mul3A_306 : memref<64x16xf32, #tpu.memory_space<vmem>>[vector<16xi32>, vector<16xi32>], vector<16xf32>,
    %broadcast_in_dim3A_307 = arith.constant 9 : i32
    %broadcast_in_dim3A_308 = vector.broadcast %broadcast_in_dim3A_307 : i32 to vector<16xi32>
    %mul3A_309 = arith.mulf %exp3A_246, %div3A_275 : vector<16xf32>
    tpu.vector_store_idx %arg8[%add3A_279, %broadcast_in_dim3A_308], %mul3A_309 : memref<64x16xf32, #tpu.memory_space<vmem>>[vector<16xi32>, vector<16xi32>], vector<16xf32>,
    %broadcast_in_dim3A_310 = arith.constant 10 : i32
    %broadcast_in_dim3A_311 = vector.broadcast %broadcast_in_dim3A_310 : i32 to vector<16xi32>
    %mul3A_312 = arith.mulf %exp3A_248, %div3A_275 : vector<16xf32>
    tpu.vector_store_idx %arg8[%add3A_279, %broadcast_in_dim3A_311], %mul3A_312 : memref<64x16xf32, #tpu.memory_space<vmem>>[vector<16xi32>, vector<16xi32>], vector<16xf32>,
    %broadcast_in_dim3A_313 = arith.constant 11 : i32
    %broadcast_in_dim3A_314 = vector.broadcast %broadcast_in_dim3A_313 : i32 to vector<16xi32>
    %mul3A_315 = arith.mulf %exp3A_250, %div3A_275 : vector<16xf32>
    tpu.vector_store_idx %arg8[%add3A_279, %broadcast_in_dim3A_314], %mul3A_315 : memref<64x16xf32, #tpu.memory_space<vmem>>[vector<16xi32>, vector<16xi32>], vector<16xf32>,
    %broadcast_in_dim3A_316 = arith.constant 12 : i32
    %broadcast_in_dim3A_317 = vector.broadcast %broadcast_in_dim3A_316 : i32 to vector<16xi32>
    %mul3A_318 = arith.mulf %exp3A_252, %div3A_275 : vector<16xf32>
    tpu.vector_store_idx %arg8[%add3A_279, %broadcast_in_dim3A_317], %mul3A_318 : memref<64x16xf32, #tpu.memory_space<vmem>>[vector<16xi32>, vector<16xi32>], vector<16xf32>,
    %broadcast_in_dim3A_319 = arith.constant 13 : i32
    %broadcast_in_dim3A_320 = vector.broadcast %broadcast_in_dim3A_319 : i32 to vector<16xi32>
    %mul3A_321 = arith.mulf %exp3A_254, %div3A_275 : vector<16xf32>
    tpu.vector_store_idx %arg8[%add3A_279, %broadcast_in_dim3A_320], %mul3A_321 : memref<64x16xf32, #tpu.memory_space<vmem>>[vector<16xi32>, vector<16xi32>], vector<16xf32>,
    %broadcast_in_dim3A_322 = arith.constant 14 : i32
    %broadcast_in_dim3A_323 = vector.broadcast %broadcast_in_dim3A_322 : i32 to vector<16xi32>
    %mul3A_324 = arith.mulf %exp3A_256, %div3A_275 : vector<16xf32>
    tpu.vector_store_idx %arg8[%add3A_279, %broadcast_in_dim3A_323], %mul3A_324 : memref<64x16xf32, #tpu.memory_space<vmem>>[vector<16xi32>, vector<16xi32>], vector<16xf32>,
    %broadcast_in_dim3A_325 = arith.constant 15 : i32
    %broadcast_in_dim3A_326 = vector.broadcast %broadcast_in_dim3A_325 : i32 to vector<16xi32>
    %mul3A_327 = arith.mulf %exp3A_258, %div3A_275 : vector<16xf32>
    tpu.vector_store_idx %arg8[%add3A_279, %broadcast_in_dim3A_326], %mul3A_327 : memref<64x16xf32, #tpu.memory_space<vmem>>[vector<16xi32>, vector<16xi32>], vector<16xf32>,
    %max3A_328 = arith.maximumf %scan3A_213#1, %scan3A_213#3 : vector<16xf32>
    %max3A_329 = arith.maximumf %max3A_328, %scan3A_213#5 : vector<16xf32>
    %max3A_330 = arith.maximumf %max3A_329, %scan3A_213#7 : vector<16xf32>
    %max3A_331 = arith.maximumf %max3A_330, %scan3A_213#9 : vector<16xf32>
    %max3A_332 = arith.maximumf %max3A_331, %scan3A_213#11 : vector<16xf32>
    %max3A_333 = arith.maximumf %max3A_332, %scan3A_213#13 : vector<16xf32>
    %max3A_334 = arith.maximumf %max3A_333, %scan3A_213#15 : vector<16xf32>
    %max3A_335 = arith.maximumf %max3A_334, %scan3A_213#17 : vector<16xf32>
    %max3A_336 = arith.maximumf %max3A_335, %scan3A_213#19 : vector<16xf32>
    %max3A_337 = arith.maximumf %max3A_336, %scan3A_213#21 : vector<16xf32>
    %max3A_338 = arith.maximumf %max3A_337, %scan3A_213#23 : vector<16xf32>
    %max3A_339 = arith.maximumf %max3A_338, %scan3A_213#25 : vector<16xf32>
    %max3A_340 = arith.maximumf %max3A_339, %scan3A_213#27 : vector<16xf32>
    %max3A_341 = arith.maximumf %max3A_340, %scan3A_213#29 : vector<16xf32>
    %max3A_342 = arith.maximumf %max3A_341, %scan3A_213#31 : vector<16xf32>
    %sub3A_343 = arith.subf %scan3A_213#1, %max3A_342 : vector<16xf32>
    %exp3A_344 = math.exp %sub3A_343 : vector<16xf32>
    %sub3A_345 = arith.subf %scan3A_213#3, %max3A_342 : vector<16xf32>
    %exp3A_346 = math.exp %sub3A_345 : vector<16xf32>
    %sub3A_347 = arith.subf %scan3A_213#5, %max3A_342 : vector<16xf32>
    %exp3A_348 = math.exp %sub3A_347 : vector<16xf32>
    %sub3A_349 = arith.subf %scan3A_213#7, %max3A_342 : vector<16xf32>
    %exp3A_350 = math.exp %sub3A_349 : vector<16xf32>
    %sub3A_351 = arith.subf %scan3A_213#9, %max3A_342 : vector<16xf32>
    %exp3A_352 = math.exp %sub3A_351 : vector<16xf32>
    %sub3A_353 = arith.subf %scan3A_213#11, %max3A_342 : vector<16xf32>
    %exp3A_354 = math.exp %sub3A_353 : vector<16xf32>
    %sub3A_355 = arith.subf %scan3A_213#13, %max3A_342 : vector<16xf32>
    %exp3A_356 = math.exp %sub3A_355 : vector<16xf32>
    %sub3A_357 = arith.subf %scan3A_213#15, %max3A_342 : vector<16xf32>
    %exp3A_358 = math.exp %sub3A_357 : vector<16xf32>
    %sub3A_359 = arith.subf %scan3A_213#17, %max3A_342 : vector<16xf32>
    %exp3A_360 = math.exp %sub3A_359 : vector<16xf32>
    %sub3A_361 = arith.subf %scan3A_213#19, %max3A_342 : vector<16xf32>
    %exp3A_362 = math.exp %sub3A_361 : vector<16xf32>
    %sub3A_363 = arith.subf %scan3A_213#21, %max3A_342 : vector<16xf32>
    %exp3A_364 = math.exp %sub3A_363 : vector<16xf32>
    %sub3A_365 = arith.subf %scan3A_213#23, %max3A_342 : vector<16xf32>
    %exp3A_366 = math.exp %sub3A_365 : vector<16xf32>
    %sub3A_367 = arith.subf %scan3A_213#25, %max3A_342 : vector<16xf32>
    %exp3A_368 = math.exp %sub3A_367 : vector<16xf32>
    %sub3A_369 = arith.subf %scan3A_213#27, %max3A_342 : vector<16xf32>
    %exp3A_370 = math.exp %sub3A_369 : vector<16xf32>
    %sub3A_371 = arith.subf %scan3A_213#29, %max3A_342 : vector<16xf32>
    %exp3A_372 = math.exp %sub3A_371 : vector<16xf32>
    %sub3A_373 = arith.subf %scan3A_213#31, %max3A_342 : vector<16xf32>
    %exp3A_374 = math.exp %sub3A_373 : vector<16xf32>
    %add3A_375 = arith.addf %exp3A_344, %exp3A_346 : vector<16xf32>
    %add3A_376 = arith.addf %add3A_375, %exp3A_348 : vector<16xf32>
    %add3A_377 = arith.addf %add3A_376, %exp3A_350 : vector<16xf32>
    %add3A_378 = arith.addf %add3A_377, %exp3A_352 : vector<16xf32>
    %add3A_379 = arith.addf %add3A_378, %exp3A_354 : vector<16xf32>
    %add3A_380 = arith.addf %add3A_379, %exp3A_356 : vector<16xf32>
    %add3A_381 = arith.addf %add3A_380, %exp3A_358 : vector<16xf32>
    %add3A_382 = arith.addf %add3A_381, %exp3A_360 : vector<16xf32>
    %add3A_383 = arith.addf %add3A_382, %exp3A_362 : vector<16xf32>
    %add3A_384 = arith.addf %add3A_383, %exp3A_364 : vector<16xf32>
    %add3A_385 = arith.addf %add3A_384, %exp3A_366 : vector<16xf32>
    %add3A_386 = arith.addf %add3A_385, %exp3A_368 : vector<16xf32>
    %add3A_387 = arith.addf %add3A_386, %exp3A_370 : vector<16xf32>
    %add3A_388 = arith.addf %add3A_387, %exp3A_372 : vector<16xf32>
    %add3A_389 = arith.addf %add3A_388, %exp3A_374 : vector<16xf32>
    %div3A_390 = arith.constant 1.000000e+00 : f32
    %div3A_391 = vector.broadcast %div3A_390 : f32 to vector<16xf32>
    %div3A_392 = arith.divf %div3A_391, %add3A_389 : vector<16xf32>
    %iota3A_393 = tpu.iota {dimensions = array<i32: 0>} : vector<16xi32>
    %add3A_394 = arith.constant 16 : i32
    %add3A_395 = vector.broadcast %add3A_394 : i32 to vector<16xi32>
    %add3A_396 = arith.addi %iota3A_393, %add3A_395 : vector<16xi32>
    %broadcast_in_dim3A_397 = arith.constant 0 : i32
    %broadcast_in_dim3A_398 = vector.broadcast %broadcast_in_dim3A_397 : i32 to vector<16xi32>
    %mul3A_399 = arith.mulf %exp3A_344, %div3A_392 : vector<16xf32>
    tpu.vector_store_idx %arg8[%add3A_396, %broadcast_in_dim3A_398], %mul3A_399 : memref<64x16xf32, #tpu.memory_space<vmem>>[vector<16xi32>, vector<16xi32>], vector<16xf32>,
    %broadcast_in_dim3A_400 = arith.constant 1 : i32
    %broadcast_in_dim3A_401 = vector.broadcast %broadcast_in_dim3A_400 : i32 to vector<16xi32>
    %mul3A_402 = arith.mulf %exp3A_346, %div3A_392 : vector<16xf32>
    tpu.vector_store_idx %arg8[%add3A_396, %broadcast_in_dim3A_401], %mul3A_402 : memref<64x16xf32, #tpu.memory_space<vmem>>[vector<16xi32>, vector<16xi32>], vector<16xf32>,
    %broadcast_in_dim3A_403 = arith.constant 2 : i32
    %broadcast_in_dim3A_404 = vector.broadcast %broadcast_in_dim3A_403 : i32 to vector<16xi32>
    %mul3A_405 = arith.mulf %exp3A_348, %div3A_392 : vector<16xf32>
    tpu.vector_store_idx %arg8[%add3A_396, %broadcast_in_dim3A_404], %mul3A_405 : memref<64x16xf32, #tpu.memory_space<vmem>>[vector<16xi32>, vector<16xi32>], vector<16xf32>,
    %broadcast_in_dim3A_406 = arith.constant 3 : i32
    %broadcast_in_dim3A_407 = vector.broadcast %broadcast_in_dim3A_406 : i32 to vector<16xi32>
    %mul3A_408 = arith.mulf %exp3A_350, %div3A_392 : vector<16xf32>
    tpu.vector_store_idx %arg8[%add3A_396, %broadcast_in_dim3A_407], %mul3A_408 : memref<64x16xf32, #tpu.memory_space<vmem>>[vector<16xi32>, vector<16xi32>], vector<16xf32>,
    %broadcast_in_dim3A_409 = arith.constant 4 : i32
    %broadcast_in_dim3A_410 = vector.broadcast %broadcast_in_dim3A_409 : i32 to vector<16xi32>
    %mul3A_411 = arith.mulf %exp3A_352, %div3A_392 : vector<16xf32>
    tpu.vector_store_idx %arg8[%add3A_396, %broadcast_in_dim3A_410], %mul3A_411 : memref<64x16xf32, #tpu.memory_space<vmem>>[vector<16xi32>, vector<16xi32>], vector<16xf32>,
    %broadcast_in_dim3A_412 = arith.constant 5 : i32
    %broadcast_in_dim3A_413 = vector.broadcast %broadcast_in_dim3A_412 : i32 to vector<16xi32>
    %mul3A_414 = arith.mulf %exp3A_354, %div3A_392 : vector<16xf32>
    tpu.vector_store_idx %arg8[%add3A_396, %broadcast_in_dim3A_413], %mul3A_414 : memref<64x16xf32, #tpu.memory_space<vmem>>[vector<16xi32>, vector<16xi32>], vector<16xf32>,
    %broadcast_in_dim3A_415 = arith.constant 6 : i32
    %broadcast_in_dim3A_416 = vector.broadcast %broadcast_in_dim3A_415 : i32 to vector<16xi32>
    %mul3A_417 = arith.mulf %exp3A_356, %div3A_392 : vector<16xf32>
    tpu.vector_store_idx %arg8[%add3A_396, %broadcast_in_dim3A_416], %mul3A_417 : memref<64x16xf32, #tpu.memory_space<vmem>>[vector<16xi32>, vector<16xi32>], vector<16xf32>,
    %broadcast_in_dim3A_418 = arith.constant 7 : i32
    %broadcast_in_dim3A_419 = vector.broadcast %broadcast_in_dim3A_418 : i32 to vector<16xi32>
    %mul3A_420 = arith.mulf %exp3A_358, %div3A_392 : vector<16xf32>
    tpu.vector_store_idx %arg8[%add3A_396, %broadcast_in_dim3A_419], %mul3A_420 : memref<64x16xf32, #tpu.memory_space<vmem>>[vector<16xi32>, vector<16xi32>], vector<16xf32>,
    %broadcast_in_dim3A_421 = arith.constant 8 : i32
    %broadcast_in_dim3A_422 = vector.broadcast %broadcast_in_dim3A_421 : i32 to vector<16xi32>
    %mul3A_423 = arith.mulf %exp3A_360, %div3A_392 : vector<16xf32>
    tpu.vector_store_idx %arg8[%add3A_396, %broadcast_in_dim3A_422], %mul3A_423 : memref<64x16xf32, #tpu.memory_space<vmem>>[vector<16xi32>, vector<16xi32>], vector<16xf32>,
    %broadcast_in_dim3A_424 = arith.constant 9 : i32
    %broadcast_in_dim3A_425 = vector.broadcast %broadcast_in_dim3A_424 : i32 to vector<16xi32>
    %mul3A_426 = arith.mulf %exp3A_362, %div3A_392 : vector<16xf32>
    tpu.vector_store_idx %arg8[%add3A_396, %broadcast_in_dim3A_425], %mul3A_426 : memref<64x16xf32, #tpu.memory_space<vmem>>[vector<16xi32>, vector<16xi32>], vector<16xf32>,
    %broadcast_in_dim3A_427 = arith.constant 10 : i32
    %broadcast_in_dim3A_428 = vector.broadcast %broadcast_in_dim3A_427 : i32 to vector<16xi32>
    %mul3A_429 = arith.mulf %exp3A_364, %div3A_392 : vector<16xf32>
    tpu.vector_store_idx %arg8[%add3A_396, %broadcast_in_dim3A_428], %mul3A_429 : memref<64x16xf32, #tpu.memory_space<vmem>>[vector<16xi32>, vector<16xi32>], vector<16xf32>,
    %broadcast_in_dim3A_430 = arith.constant 11 : i32
    %broadcast_in_dim3A_431 = vector.broadcast %broadcast_in_dim3A_430 : i32 to vector<16xi32>
    %mul3A_432 = arith.mulf %exp3A_366, %div3A_392 : vector<16xf32>
    tpu.vector_store_idx %arg8[%add3A_396, %broadcast_in_dim3A_431], %mul3A_432 : memref<64x16xf32, #tpu.memory_space<vmem>>[vector<16xi32>, vector<16xi32>], vector<16xf32>,
    %broadcast_in_dim3A_433 = arith.constant 12 : i32
    %broadcast_in_dim3A_434 = vector.broadcast %broadcast_in_dim3A_433 : i32 to vector<16xi32>
    %mul3A_435 = arith.mulf %exp3A_368, %div3A_392 : vector<16xf32>
    tpu.vector_store_idx %arg8[%add3A_396, %broadcast_in_dim3A_434], %mul3A_435 : memref<64x16xf32, #tpu.memory_space<vmem>>[vector<16xi32>, vector<16xi32>], vector<16xf32>,
    %broadcast_in_dim3A_436 = arith.constant 13 : i32
    %broadcast_in_dim3A_437 = vector.broadcast %broadcast_in_dim3A_436 : i32 to vector<16xi32>
    %mul3A_438 = arith.mulf %exp3A_370, %div3A_392 : vector<16xf32>
    tpu.vector_store_idx %arg8[%add3A_396, %broadcast_in_dim3A_437], %mul3A_438 : memref<64x16xf32, #tpu.memory_space<vmem>>[vector<16xi32>, vector<16xi32>], vector<16xf32>,
    %broadcast_in_dim3A_439 = arith.constant 14 : i32
    %broadcast_in_dim3A_440 = vector.broadcast %broadcast_in_dim3A_439 : i32 to vector<16xi32>
    %mul3A_441 = arith.mulf %exp3A_372, %div3A_392 : vector<16xf32>
    tpu.vector_store_idx %arg8[%add3A_396, %broadcast_in_dim3A_440], %mul3A_441 : memref<64x16xf32, #tpu.memory_space<vmem>>[vector<16xi32>, vector<16xi32>], vector<16xf32>,
    %broadcast_in_dim3A_442 = arith.constant 15 : i32
    %broadcast_in_dim3A_443 = vector.broadcast %broadcast_in_dim3A_442 : i32 to vector<16xi32>
    %mul3A_444 = arith.mulf %exp3A_374, %div3A_392 : vector<16xf32>
    tpu.vector_store_idx %arg8[%add3A_396, %broadcast_in_dim3A_443], %mul3A_444 : memref<64x16xf32, #tpu.memory_space<vmem>>[vector<16xi32>, vector<16xi32>], vector<16xf32>,
    %add3A_445 = arith.constant 32 : i32
    %add3A_446 = arith.addi %add3A_4, %add3A_445 : i32
    "tpu.region"() ({
      %run_scoped3A = tpu.sem_alloc : memref<!tpu.dma_semaphore, #tpu.memory_space<semaphore_mem>>
      %dma_start3A = arith.constant 0 : i32
      %dma_start3A_887 = arith.constant 0 : i32
      %dma_start3A_888 = tpu.memref_slice %arg7[%dma_start3A, %dma_start3A_887] : memref<32x2056xf32, #tpu.memory_space<vmem>> -> memref<32x2048xf32, #tpu.memory_space<vmem>>
      %dma_start3A_889 = arith.constant 0 : i32
      %dma_start3A_890 = tpu.memref_slice %arg2[%add3A_446, %dma_start3A_889] : memref<16384x2048xf32, #tpu.memory_space<hbm>> -> memref<32x2048xf32, #tpu.memory_space<hbm>>
      %dma_start3A_891 = arith.constant 0 : i32
      %dma_start3A_892 = arith.constant 0 : i32
      %dma_start3A_893 = tpu.memref_slice %arg7[%dma_start3A_891, %dma_start3A_892] : memref<32x2056xf32, #tpu.memory_space<vmem>> -> memref<32x2048xf32, #tpu.memory_space<vmem>>
      %dma_start3A_894 = arith.constant 0 : i32
      %dma_start3A_895 = tpu.memref_slice %arg2[%add3A_446, %dma_start3A_894] : memref<16384x2048xf32, #tpu.memory_space<hbm>> -> memref<32x2048xf32, #tpu.memory_space<hbm>>
      tpu.enqueue_dma source(%dma_start3A_895 : memref<32x2048xf32, #tpu.memory_space<hbm>>) target(%dma_start3A_893 : memref<32x2048xf32, #tpu.memory_space<vmem>>) target_semaphore(%run_scoped3A : memref<!tpu.dma_semaphore, #tpu.memory_space<semaphore_mem>>)
      %dma_wait3A = arith.constant 0 : i32
      %dma_wait3A_896 = arith.constant 0 : i32
      %dma_wait3A_897 = tpu.memref_slice %arg7[%dma_wait3A, %dma_wait3A_896] : memref<32x2056xf32, #tpu.memory_space<vmem>> -> memref<32x2048xf32, #tpu.memory_space<vmem>>
      %dma_wait3A_898 = arith.constant 0 : i32
      %dma_wait3A_899 = tpu.memref_slice %arg2[%add3A_446, %dma_wait3A_898] : memref<16384x2048xf32, #tpu.memory_space<hbm>> -> memref<32x2048xf32, #tpu.memory_space<hbm>>
      %dma_wait3A_900 = arith.constant 0 : i32
      %dma_wait3A_901 = arith.constant 0 : i32
      %dma_wait3A_902 = tpu.memref_slice %arg7[%dma_wait3A_900, %dma_wait3A_901] : memref<32x2056xf32, #tpu.memory_space<vmem>> -> memref<32x2048xf32, #tpu.memory_space<vmem>>
      %dma_wait3A_903 = arith.constant 0 : i32
      %dma_wait3A_904 = tpu.memref_slice %arg2[%add3A_446, %dma_wait3A_903] : memref<16384x2048xf32, #tpu.memory_space<hbm>> -> memref<32x2048xf32, #tpu.memory_space<hbm>>
      tpu.wait_dma2 semaphore(%run_scoped3A : memref<!tpu.dma_semaphore, #tpu.memory_space<semaphore_mem>>) src(%dma_wait3A_904 : memref<32x2048xf32, #tpu.memory_space<hbm>>) dst(%dma_wait3A_902 : memref<32x2048xf32, #tpu.memory_space<vmem>>)
      tpu.yield
    }) : () -> ()
    %broadcast_in_dim3A_447 = arith.constant 0.000000e+00 : f32
    %broadcast_in_dim3A_448 = vector.broadcast %broadcast_in_dim3A_447 : f32 to vector<16xf32>
    %slice3A_449 = vector.extract_strided_slice %get3A_5 {offsets = [0], sizes = [1], strides = [1]} : vector<16xf32> to vector<1xf32>
    %squeeze3A_450 = vector.extract %slice3A_449[0] : f32 from vector<1xf32>
    %add3A_451 = vector.broadcast %squeeze3A_450 : f32 to vector<16xf32>
    %add3A_452 = arith.addf %broadcast_in_dim3A_448, %add3A_451 : vector<16xf32>
    %broadcast_in_dim3A_453 = arith.constant 0.000000e+00 : f32
    %broadcast_in_dim3A_454 = vector.broadcast %broadcast_in_dim3A_453 : f32 to vector<16xf32>
    %slice3A_455 = vector.extract_strided_slice %get3A_5 {offsets = [0], sizes = [1], strides = [1]} : vector<16xf32> to vector<1xf32>
    %squeeze3A_456 = vector.extract %slice3A_455[0] : f32 from vector<1xf32>
    %add3A_457 = vector.broadcast %squeeze3A_456 : f32 to vector<16xf32>
    %add3A_458 = arith.addf %broadcast_in_dim3A_454, %add3A_457 : vector<16xf32>
    %broadcast_in_dim3A_459 = arith.constant 0.000000e+00 : f32
    %broadcast_in_dim3A_460 = vector.broadcast %broadcast_in_dim3A_459 : f32 to vector<16xf32>
    %slice3A_461 = vector.extract_strided_slice %get3A_5 {offsets = [1], sizes = [1], strides = [1]} : vector<16xf32> to vector<1xf32>
    %squeeze3A_462 = vector.extract %slice3A_461[0] : f32 from vector<1xf32>
    %add3A_463 = vector.broadcast %squeeze3A_462 : f32 to vector<16xf32>
    %add3A_464 = arith.addf %broadcast_in_dim3A_460, %add3A_463 : vector<16xf32>
    %broadcast_in_dim3A_465 = arith.constant 0.000000e+00 : f32
    %broadcast_in_dim3A_466 = vector.broadcast %broadcast_in_dim3A_465 : f32 to vector<16xf32>
    %slice3A_467 = vector.extract_strided_slice %get3A_5 {offsets = [1], sizes = [1], strides = [1]} : vector<16xf32> to vector<1xf32>
    %squeeze3A_468 = vector.extract %slice3A_467[0] : f32 from vector<1xf32>
    %add3A_469 = vector.broadcast %squeeze3A_468 : f32 to vector<16xf32>
    %add3A_470 = arith.addf %broadcast_in_dim3A_466, %add3A_469 : vector<16xf32>
    %broadcast_in_dim3A_471 = arith.constant 0.000000e+00 : f32
    %broadcast_in_dim3A_472 = vector.broadcast %broadcast_in_dim3A_471 : f32 to vector<16xf32>
    %slice3A_473 = vector.extract_strided_slice %get3A_5 {offsets = [2], sizes = [1], strides = [1]} : vector<16xf32> to vector<1xf32>
    %squeeze3A_474 = vector.extract %slice3A_473[0] : f32 from vector<1xf32>
    %add3A_475 = vector.broadcast %squeeze3A_474 : f32 to vector<16xf32>
    %add3A_476 = arith.addf %broadcast_in_dim3A_472, %add3A_475 : vector<16xf32>
    %broadcast_in_dim3A_477 = arith.constant 0.000000e+00 : f32
    %broadcast_in_dim3A_478 = vector.broadcast %broadcast_in_dim3A_477 : f32 to vector<16xf32>
    %slice3A_479 = vector.extract_strided_slice %get3A_5 {offsets = [2], sizes = [1], strides = [1]} : vector<16xf32> to vector<1xf32>
    %squeeze3A_480 = vector.extract %slice3A_479[0] : f32 from vector<1xf32>
    %add3A_481 = vector.broadcast %squeeze3A_480 : f32 to vector<16xf32>
    %add3A_482 = arith.addf %broadcast_in_dim3A_478, %add3A_481 : vector<16xf32>
    %broadcast_in_dim3A_483 = arith.constant 0.000000e+00 : f32
    %broadcast_in_dim3A_484 = vector.broadcast %broadcast_in_dim3A_483 : f32 to vector<16xf32>
    %slice3A_485 = vector.extract_strided_slice %get3A_5 {offsets = [3], sizes = [1], strides = [1]} : vector<16xf32> to vector<1xf32>
    %squeeze3A_486 = vector.extract %slice3A_485[0] : f32 from vector<1xf32>
    %add3A_487 = vector.broadcast %squeeze3A_486 : f32 to vector<16xf32>
    %add3A_488 = arith.addf %broadcast_in_dim3A_484, %add3A_487 : vector<16xf32>
    %broadcast_in_dim3A_489 = arith.constant 0.000000e+00 : f32
    %broadcast_in_dim3A_490 = vector.broadcast %broadcast_in_dim3A_489 : f32 to vector<16xf32>
    %slice3A_491 = vector.extract_strided_slice %get3A_5 {offsets = [3], sizes = [1], strides = [1]} : vector<16xf32> to vector<1xf32>
    %squeeze3A_492 = vector.extract %slice3A_491[0] : f32 from vector<1xf32>
    %add3A_493 = vector.broadcast %squeeze3A_492 : f32 to vector<16xf32>
    %add3A_494 = arith.addf %broadcast_in_dim3A_490, %add3A_493 : vector<16xf32>
    %broadcast_in_dim3A_495 = arith.constant 0.000000e+00 : f32
    %broadcast_in_dim3A_496 = vector.broadcast %broadcast_in_dim3A_495 : f32 to vector<16xf32>
    %slice3A_497 = vector.extract_strided_slice %get3A_5 {offsets = [4], sizes = [1], strides = [1]} : vector<16xf32> to vector<1xf32>
    %squeeze3A_498 = vector.extract %slice3A_497[0] : f32 from vector<1xf32>
    %add3A_499 = vector.broadcast %squeeze3A_498 : f32 to vector<16xf32>
    %add3A_500 = arith.addf %broadcast_in_dim3A_496, %add3A_499 : vector<16xf32>
    %broadcast_in_dim3A_501 = arith.constant 0.000000e+00 : f32
    %broadcast_in_dim3A_502 = vector.broadcast %broadcast_in_dim3A_501 : f32 to vector<16xf32>
    %slice3A_503 = vector.extract_strided_slice %get3A_5 {offsets = [4], sizes = [1], strides = [1]} : vector<16xf32> to vector<1xf32>
    %squeeze3A_504 = vector.extract %slice3A_503[0] : f32 from vector<1xf32>
    %add3A_505 = vector.broadcast %squeeze3A_504 : f32 to vector<16xf32>
    %add3A_506 = arith.addf %broadcast_in_dim3A_502, %add3A_505 : vector<16xf32>
    %broadcast_in_dim3A_507 = arith.constant 0.000000e+00 : f32
    %broadcast_in_dim3A_508 = vector.broadcast %broadcast_in_dim3A_507 : f32 to vector<16xf32>
    %slice3A_509 = vector.extract_strided_slice %get3A_5 {offsets = [5], sizes = [1], strides = [1]} : vector<16xf32> to vector<1xf32>
    %squeeze3A_510 = vector.extract %slice3A_509[0] : f32 from vector<1xf32>
    %add3A_511 = vector.broadcast %squeeze3A_510 : f32 to vector<16xf32>
    %add3A_512 = arith.addf %broadcast_in_dim3A_508, %add3A_511 : vector<16xf32>
    %broadcast_in_dim3A_513 = arith.constant 0.000000e+00 : f32
    %broadcast_in_dim3A_514 = vector.broadcast %broadcast_in_dim3A_513 : f32 to vector<16xf32>
    %slice3A_515 = vector.extract_strided_slice %get3A_5 {offsets = [5], sizes = [1], strides = [1]} : vector<16xf32> to vector<1xf32>
    %squeeze3A_516 = vector.extract %slice3A_515[0] : f32 from vector<1xf32>
    %add3A_517 = vector.broadcast %squeeze3A_516 : f32 to vector<16xf32>
    %add3A_518 = arith.addf %broadcast_in_dim3A_514, %add3A_517 : vector<16xf32>
    %broadcast_in_dim3A_519 = arith.constant 0.000000e+00 : f32
    %broadcast_in_dim3A_520 = vector.broadcast %broadcast_in_dim3A_519 : f32 to vector<16xf32>
    %slice3A_521 = vector.extract_strided_slice %get3A_5 {offsets = [6], sizes = [1], strides = [1]} : vector<16xf32> to vector<1xf32>
    %squeeze3A_522 = vector.extract %slice3A_521[0] : f32 from vector<1xf32>
    %add3A_523 = vector.broadcast %squeeze3A_522 : f32 to vector<16xf32>
    %add3A_524 = arith.addf %broadcast_in_dim3A_520, %add3A_523 : vector<16xf32>
    %broadcast_in_dim3A_525 = arith.constant 0.000000e+00 : f32
    %broadcast_in_dim3A_526 = vector.broadcast %broadcast_in_dim3A_525 : f32 to vector<16xf32>
    %slice3A_527 = vector.extract_strided_slice %get3A_5 {offsets = [6], sizes = [1], strides = [1]} : vector<16xf32> to vector<1xf32>
    %squeeze3A_528 = vector.extract %slice3A_527[0] : f32 from vector<1xf32>
    %add3A_529 = vector.broadcast %squeeze3A_528 : f32 to vector<16xf32>
    %add3A_530 = arith.addf %broadcast_in_dim3A_526, %add3A_529 : vector<16xf32>
    %broadcast_in_dim3A_531 = arith.constant 0.000000e+00 : f32
    %broadcast_in_dim3A_532 = vector.broadcast %broadcast_in_dim3A_531 : f32 to vector<16xf32>
    %slice3A_533 = vector.extract_strided_slice %get3A_5 {offsets = [7], sizes = [1], strides = [1]} : vector<16xf32> to vector<1xf32>
    %squeeze3A_534 = vector.extract %slice3A_533[0] : f32 from vector<1xf32>
    %add3A_535 = vector.broadcast %squeeze3A_534 : f32 to vector<16xf32>
    %add3A_536 = arith.addf %broadcast_in_dim3A_532, %add3A_535 : vector<16xf32>
    %broadcast_in_dim3A_537 = arith.constant 0.000000e+00 : f32
    %broadcast_in_dim3A_538 = vector.broadcast %broadcast_in_dim3A_537 : f32 to vector<16xf32>
    %slice3A_539 = vector.extract_strided_slice %get3A_5 {offsets = [7], sizes = [1], strides = [1]} : vector<16xf32> to vector<1xf32>
    %squeeze3A_540 = vector.extract %slice3A_539[0] : f32 from vector<1xf32>
    %add3A_541 = vector.broadcast %squeeze3A_540 : f32 to vector<16xf32>
    %add3A_542 = arith.addf %broadcast_in_dim3A_538, %add3A_541 : vector<16xf32>
    %broadcast_in_dim3A_543 = arith.constant 0.000000e+00 : f32
    %broadcast_in_dim3A_544 = vector.broadcast %broadcast_in_dim3A_543 : f32 to vector<16xf32>
    %slice3A_545 = vector.extract_strided_slice %get3A_5 {offsets = [8], sizes = [1], strides = [1]} : vector<16xf32> to vector<1xf32>
    %squeeze3A_546 = vector.extract %slice3A_545[0] : f32 from vector<1xf32>
    %add3A_547 = vector.broadcast %squeeze3A_546 : f32 to vector<16xf32>
    %add3A_548 = arith.addf %broadcast_in_dim3A_544, %add3A_547 : vector<16xf32>
    %broadcast_in_dim3A_549 = arith.constant 0.000000e+00 : f32
    %broadcast_in_dim3A_550 = vector.broadcast %broadcast_in_dim3A_549 : f32 to vector<16xf32>
    %slice3A_551 = vector.extract_strided_slice %get3A_5 {offsets = [8], sizes = [1], strides = [1]} : vector<16xf32> to vector<1xf32>
    %squeeze3A_552 = vector.extract %slice3A_551[0] : f32 from vector<1xf32>
    %add3A_553 = vector.broadcast %squeeze3A_552 : f32 to vector<16xf32>
    %add3A_554 = arith.addf %broadcast_in_dim3A_550, %add3A_553 : vector<16xf32>
    %broadcast_in_dim3A_555 = arith.constant 0.000000e+00 : f32
    %broadcast_in_dim3A_556 = vector.broadcast %broadcast_in_dim3A_555 : f32 to vector<16xf32>
    %slice3A_557 = vector.extract_strided_slice %get3A_5 {offsets = [9], sizes = [1], strides = [1]} : vector<16xf32> to vector<1xf32>
    %squeeze3A_558 = vector.extract %slice3A_557[0] : f32 from vector<1xf32>
    %add3A_559 = vector.broadcast %squeeze3A_558 : f32 to vector<16xf32>
    %add3A_560 = arith.addf %broadcast_in_dim3A_556, %add3A_559 : vector<16xf32>
    %broadcast_in_dim3A_561 = arith.constant 0.000000e+00 : f32
    %broadcast_in_dim3A_562 = vector.broadcast %broadcast_in_dim3A_561 : f32 to vector<16xf32>
    %slice3A_563 = vector.extract_strided_slice %get3A_5 {offsets = [9], sizes = [1], strides = [1]} : vector<16xf32> to vector<1xf32>
    %squeeze3A_564 = vector.extract %slice3A_563[0] : f32 from vector<1xf32>
    %add3A_565 = vector.broadcast %squeeze3A_564 : f32 to vector<16xf32>
    %add3A_566 = arith.addf %broadcast_in_dim3A_562, %add3A_565 : vector<16xf32>
    %broadcast_in_dim3A_567 = arith.constant 0.000000e+00 : f32
    %broadcast_in_dim3A_568 = vector.broadcast %broadcast_in_dim3A_567 : f32 to vector<16xf32>
    %slice3A_569 = vector.extract_strided_slice %get3A_5 {offsets = [10], sizes = [1], strides = [1]} : vector<16xf32> to vector<1xf32>
    %squeeze3A_570 = vector.extract %slice3A_569[0] : f32 from vector<1xf32>
    %add3A_571 = vector.broadcast %squeeze3A_570 : f32 to vector<16xf32>
    %add3A_572 = arith.addf %broadcast_in_dim3A_568, %add3A_571 : vector<16xf32>
    %broadcast_in_dim3A_573 = arith.constant 0.000000e+00 : f32
    %broadcast_in_dim3A_574 = vector.broadcast %broadcast_in_dim3A_573 : f32 to vector<16xf32>
    %slice3A_575 = vector.extract_strided_slice %get3A_5 {offsets = [10], sizes = [1], strides = [1]} : vector<16xf32> to vector<1xf32>
    %squeeze3A_576 = vector.extract %slice3A_575[0] : f32 from vector<1xf32>
    %add3A_577 = vector.broadcast %squeeze3A_576 : f32 to vector<16xf32>
    %add3A_578 = arith.addf %broadcast_in_dim3A_574, %add3A_577 : vector<16xf32>
    %broadcast_in_dim3A_579 = arith.constant 0.000000e+00 : f32
    %broadcast_in_dim3A_580 = vector.broadcast %broadcast_in_dim3A_579 : f32 to vector<16xf32>
    %slice3A_581 = vector.extract_strided_slice %get3A_5 {offsets = [11], sizes = [1], strides = [1]} : vector<16xf32> to vector<1xf32>
    %squeeze3A_582 = vector.extract %slice3A_581[0] : f32 from vector<1xf32>
    %add3A_583 = vector.broadcast %squeeze3A_582 : f32 to vector<16xf32>
    %add3A_584 = arith.addf %broadcast_in_dim3A_580, %add3A_583 : vector<16xf32>
    %broadcast_in_dim3A_585 = arith.constant 0.000000e+00 : f32
    %broadcast_in_dim3A_586 = vector.broadcast %broadcast_in_dim3A_585 : f32 to vector<16xf32>
    %slice3A_587 = vector.extract_strided_slice %get3A_5 {offsets = [11], sizes = [1], strides = [1]} : vector<16xf32> to vector<1xf32>
    %squeeze3A_588 = vector.extract %slice3A_587[0] : f32 from vector<1xf32>
    %add3A_589 = vector.broadcast %squeeze3A_588 : f32 to vector<16xf32>
    %add3A_590 = arith.addf %broadcast_in_dim3A_586, %add3A_589 : vector<16xf32>
    %broadcast_in_dim3A_591 = arith.constant 0.000000e+00 : f32
    %broadcast_in_dim3A_592 = vector.broadcast %broadcast_in_dim3A_591 : f32 to vector<16xf32>
    %slice3A_593 = vector.extract_strided_slice %get3A_5 {offsets = [12], sizes = [1], strides = [1]} : vector<16xf32> to vector<1xf32>
    %squeeze3A_594 = vector.extract %slice3A_593[0] : f32 from vector<1xf32>
    %add3A_595 = vector.broadcast %squeeze3A_594 : f32 to vector<16xf32>
    %add3A_596 = arith.addf %broadcast_in_dim3A_592, %add3A_595 : vector<16xf32>
    %broadcast_in_dim3A_597 = arith.constant 0.000000e+00 : f32
    %broadcast_in_dim3A_598 = vector.broadcast %broadcast_in_dim3A_597 : f32 to vector<16xf32>
    %slice3A_599 = vector.extract_strided_slice %get3A_5 {offsets = [12], sizes = [1], strides = [1]} : vector<16xf32> to vector<1xf32>
    %squeeze3A_600 = vector.extract %slice3A_599[0] : f32 from vector<1xf32>
    %add3A_601 = vector.broadcast %squeeze3A_600 : f32 to vector<16xf32>
    %add3A_602 = arith.addf %broadcast_in_dim3A_598, %add3A_601 : vector<16xf32>
    %broadcast_in_dim3A_603 = arith.constant 0.000000e+00 : f32
    %broadcast_in_dim3A_604 = vector.broadcast %broadcast_in_dim3A_603 : f32 to vector<16xf32>
    %slice3A_605 = vector.extract_strided_slice %get3A_5 {offsets = [13], sizes = [1], strides = [1]} : vector<16xf32> to vector<1xf32>
    %squeeze3A_606 = vector.extract %slice3A_605[0] : f32 from vector<1xf32>
    %add3A_607 = vector.broadcast %squeeze3A_606 : f32 to vector<16xf32>
    %add3A_608 = arith.addf %broadcast_in_dim3A_604, %add3A_607 : vector<16xf32>
    %broadcast_in_dim3A_609 = arith.constant 0.000000e+00 : f32
    %broadcast_in_dim3A_610 = vector.broadcast %broadcast_in_dim3A_609 : f32 to vector<16xf32>
    %slice3A_611 = vector.extract_strided_slice %get3A_5 {offsets = [13], sizes = [1], strides = [1]} : vector<16xf32> to vector<1xf32>
    %squeeze3A_612 = vector.extract %slice3A_611[0] : f32 from vector<1xf32>
    %add3A_613 = vector.broadcast %squeeze3A_612 : f32 to vector<16xf32>
    %add3A_614 = arith.addf %broadcast_in_dim3A_610, %add3A_613 : vector<16xf32>
    %broadcast_in_dim3A_615 = arith.constant 0.000000e+00 : f32
    %broadcast_in_dim3A_616 = vector.broadcast %broadcast_in_dim3A_615 : f32 to vector<16xf32>
    %slice3A_617 = vector.extract_strided_slice %get3A_5 {offsets = [14], sizes = [1], strides = [1]} : vector<16xf32> to vector<1xf32>
    %squeeze3A_618 = vector.extract %slice3A_617[0] : f32 from vector<1xf32>
    %add3A_619 = vector.broadcast %squeeze3A_618 : f32 to vector<16xf32>
    %add3A_620 = arith.addf %broadcast_in_dim3A_616, %add3A_619 : vector<16xf32>
    %broadcast_in_dim3A_621 = arith.constant 0.000000e+00 : f32
    %broadcast_in_dim3A_622 = vector.broadcast %broadcast_in_dim3A_621 : f32 to vector<16xf32>
    %slice3A_623 = vector.extract_strided_slice %get3A_5 {offsets = [14], sizes = [1], strides = [1]} : vector<16xf32> to vector<1xf32>
    %squeeze3A_624 = vector.extract %slice3A_623[0] : f32 from vector<1xf32>
    %add3A_625 = vector.broadcast %squeeze3A_624 : f32 to vector<16xf32>
    %add3A_626 = arith.addf %broadcast_in_dim3A_622, %add3A_625 : vector<16xf32>
    %broadcast_in_dim3A_627 = arith.constant 0.000000e+00 : f32
    %broadcast_in_dim3A_628 = vector.broadcast %broadcast_in_dim3A_627 : f32 to vector<16xf32>
    %slice3A_629 = vector.extract_strided_slice %get3A_5 {offsets = [15], sizes = [1], strides = [1]} : vector<16xf32> to vector<1xf32>
    %squeeze3A_630 = vector.extract %slice3A_629[0] : f32 from vector<1xf32>
    %add3A_631 = vector.broadcast %squeeze3A_630 : f32 to vector<16xf32>
    %add3A_632 = arith.addf %broadcast_in_dim3A_628, %add3A_631 : vector<16xf32>
    %broadcast_in_dim3A_633 = arith.constant 0.000000e+00 : f32
    %broadcast_in_dim3A_634 = vector.broadcast %broadcast_in_dim3A_633 : f32 to vector<16xf32>
    %slice3A_635 = vector.extract_strided_slice %get3A_5 {offsets = [15], sizes = [1], strides = [1]} : vector<16xf32> to vector<1xf32>
    %squeeze3A_636 = vector.extract %slice3A_635[0] : f32 from vector<1xf32>
    %add3A_637 = vector.broadcast %squeeze3A_636 : f32 to vector<16xf32>
    %add3A_638 = arith.addf %broadcast_in_dim3A_634, %add3A_637 : vector<16xf32>
    "tpu.region"() ({
      %run_scoped3A = tpu.sem_alloc : memref<!tpu.dma_semaphore, #tpu.memory_space<semaphore_mem>>
      %dma_start3A = arith.constant 0 : i32
      %dma_start3A_887 = arith.constant 0 : i32
      %dma_start3A_888 = tpu.memref_slice %arg3[%dma_start3A, %dma_start3A_887] : memref<256x128xf32, #tpu.memory_space<hbm>> -> memref<128x128xf32, #tpu.memory_space<hbm>>
      %dma_start3A_889 = arith.constant 0 : i32
      %dma_start3A_890 = arith.constant 0 : i32
      %dma_start3A_891 = tpu.memref_slice %arg3[%dma_start3A_889, %dma_start3A_890] : memref<256x128xf32, #tpu.memory_space<hbm>> -> memref<128x128xf32, #tpu.memory_space<hbm>>
      tpu.enqueue_dma source(%dma_start3A_891 : memref<128x128xf32, #tpu.memory_space<hbm>>) target(%arg6 : memref<128x128xf32, #tpu.memory_space<vmem>>) target_semaphore(%run_scoped3A : memref<!tpu.dma_semaphore, #tpu.memory_space<semaphore_mem>>)
      %dma_wait3A = arith.constant 0 : i32
      %dma_wait3A_892 = arith.constant 0 : i32
      %dma_wait3A_893 = tpu.memref_slice %arg3[%dma_wait3A, %dma_wait3A_892] : memref<256x128xf32, #tpu.memory_space<hbm>> -> memref<128x128xf32, #tpu.memory_space<hbm>>
      %dma_wait3A_894 = arith.constant 0 : i32
      %dma_wait3A_895 = arith.constant 0 : i32
      %dma_wait3A_896 = tpu.memref_slice %arg3[%dma_wait3A_894, %dma_wait3A_895] : memref<256x128xf32, #tpu.memory_space<hbm>> -> memref<128x128xf32, #tpu.memory_space<hbm>>
      tpu.wait_dma2 semaphore(%run_scoped3A : memref<!tpu.dma_semaphore, #tpu.memory_space<semaphore_mem>>) src(%dma_wait3A_896 : memref<128x128xf32, #tpu.memory_space<hbm>>) dst(%arg6 : memref<128x128xf32, #tpu.memory_space<vmem>>)
      tpu.yield
    }) : () -> ()
    %scan3A_639 = arith.constant 0 : i32
    %scan3A_640 = arith.constant 512 : i32
    %scan3A_641 = arith.addi %scan3A_639, %scan3A_640 : i32
    %scan3A_642 = arith.constant 1 : i32
    %scan3A_643:32 = scf.for %scan3A_887 = %scan3A_639 to %scan3A_641 step %scan3A_642 iter_args(%scan3A_888 = %add3A_452, %scan3A_889 = %add3A_458, %scan3A_890 = %add3A_464, %scan3A_891 = %add3A_470, %scan3A_892 = %add3A_476, %scan3A_893 = %add3A_482, %scan3A_894 = %add3A_488, %scan3A_895 = %add3A_494, %scan3A_896 = %add3A_500, %scan3A_897 = %add3A_506, %scan3A_898 = %add3A_512, %scan3A_899 = %add3A_518, %scan3A_900 = %add3A_524, %scan3A_901 = %add3A_530, %scan3A_902 = %add3A_536, %scan3A_903 = %add3A_542, %scan3A_904 = %add3A_548, %scan3A_905 = %add3A_554, %scan3A_906 = %add3A_560, %scan3A_907 = %add3A_566, %scan3A_908 = %add3A_572, %scan3A_909 = %add3A_578, %scan3A_910 = %add3A_584, %scan3A_911 = %add3A_590, %scan3A_912 = %add3A_596, %scan3A_913 = %add3A_602, %scan3A_914 = %add3A_608, %scan3A_915 = %add3A_614, %scan3A_916 = %add3A_620, %scan3A_917 = %add3A_626, %scan3A_918 = %add3A_632, %scan3A_919 = %add3A_638) -> (vector<16xf32>, vector<16xf32>, vector<16xf32>, vector<16xf32>, vector<16xf32>, vector<16xf32>, vector<16xf32>, vector<16xf32>, vector<16xf32>, vector<16xf32>, vector<16xf32>, vector<16xf32>, vector<16xf32>, vector<16xf32>, vector<16xf32>, vector<16xf32>, vector<16xf32>, vector<16xf32>, vector<16xf32>, vector<16xf32>, vector<16xf32>, vector<16xf32>, vector<16xf32>, vector<16xf32>, vector<16xf32>, vector<16xf32>, vector<16xf32>, vector<16xf32>, vector<16xf32>, vector<16xf32>, vector<16xf32>, vector<16xf32>)  : i32 {
      %mul3A_920 = arith.constant 2 : i32
      %mul3A_921 = arith.muli %scan3A_887, %mul3A_920 : i32
      %add3A_922 = arith.constant 0 : i32
      %add3A_923 = arith.addi %mul3A_921, %add3A_922 : i32
      %add3A_924 = arith.constant 0 : i32
      %add3A_925 = arith.addi %add3A_924, %add3A_923 : i32
      %broadcast_in_dim3A_926 = vector.broadcast %add3A_925 : i32 to vector<16xi32>
      %gather3A = tpu.vector_load_idx %arg7[%add3A_8, %broadcast_in_dim3A_926] : memref<32x2056xf32, #tpu.memory_space<vmem>>[vector<16xi32>, vector<16xi32>], vector<16xf32>,
      %gather3A_927 = tpu.vector_load_idx %arg7[%add3A_12, %broadcast_in_dim3A_926] : memref<32x2056xf32, #tpu.memory_space<vmem>>[vector<16xi32>, vector<16xi32>], vector<16xf32>,
      %jit3A = arith.constant 8 : i32
      %div3A_928 = arith.divsi %add3A_923, %jit3A : i32
      %sign3A = arith.constant 0 : i32
      %sign3A_929 = arith.cmpi sgt, %add3A_923, %sign3A : i32
      %sign3A_930 = arith.extui %sign3A_929 : i1 to i32
      %sign3A_931 = arith.constant 0 : i32
      %sign3A_932 = arith.cmpi slt, %add3A_923, %sign3A_931 : i32
      %sign3A_933 = arith.extui %sign3A_932 : i1 to i32
      %sign3A_934 = arith.subi %sign3A_930, %sign3A_933 : i32
      %sign3A_935 = arith.constant 0 : i32
      %sign3A_936 = arith.cmpi sgt, %jit3A, %sign3A_935 : i32
      %sign3A_937 = arith.extui %sign3A_936 : i1 to i32
      %sign3A_938 = arith.constant 0 : i32
      %sign3A_939 = arith.cmpi slt, %jit3A, %sign3A_938 : i32
      %sign3A_940 = arith.extui %sign3A_939 : i1 to i32
      %sign3A_941 = arith.subi %sign3A_937, %sign3A_940 : i32
      %ne3A = arith.cmpi ne, %sign3A_934, %sign3A_941 : i32
      %rem3A = arith.remsi %add3A_923, %jit3A : i32
      %ne3A_942 = arith.constant 0 : i32
      %ne3A_943 = arith.cmpi ne, %rem3A, %ne3A_942 : i32
      %and3A = arith.andi %ne3A, %ne3A_943 : i1
      %sub3A_944 = arith.constant 1 : i32
      %sub3A_945 = arith.subi %div3A_928, %sub3A_944 : i32
      %select_n3A = arith.select %and3A, %sub3A_945, %div3A_928 : i32
      %jit3A_946 = arith.constant 8 : i32
      %eq3A = arith.constant 0 : i32
      %eq3A_947 = arith.cmpi eq, %jit3A_946, %eq3A : i32
      %jit3A_948 = arith.constant 1 : i32
      %select_n3A_949 = arith.select %eq3A_947, %jit3A_948, %jit3A_946 : i32
      %rem3A_950 = arith.remsi %add3A_923, %select_n3A_949 : i32
      %ne3A_951 = arith.constant 0 : i32
      %ne3A_952 = arith.cmpi ne, %rem3A_950, %ne3A_951 : i32
      %lt3A = arith.constant 0 : i32
      %lt3A_953 = arith.cmpi slt, %rem3A_950, %lt3A : i32
      %lt3A_954 = arith.constant 0 : i32
      %lt3A_955 = arith.cmpi slt, %select_n3A_949, %lt3A_954 : i32
      %ne3A_956 = arith.xori %lt3A_953, %lt3A_955 : i1
      %and3A_957 = arith.andi %ne3A_956, %ne3A_952 : i1
      %add3A_958 = arith.addi %rem3A_950, %select_n3A_949 : i32
      %select_n3A_959 = arith.select %and3A_957, %add3A_958, %rem3A_950 : i32
      %mul3A_960 = arith.constant 16 : i32
      %mul3A_961 = arith.muli %select_n3A_959, %mul3A_960 : i32
      %get3A_962 = arith.index_cast %select_n3A : i32 to index
      %get3A_963 = arith.index_cast %mul3A_961 : i32 to index
      %get3A_964 = tpu.vector_load %arg6[%get3A_962, %get3A_963] {strides = array<i32>} : memref<128x128xf32, #tpu.memory_space<vmem>>, vector<16xf32>,
      %slice3A_965 = vector.extract_strided_slice %get3A_964 {offsets = [0], sizes = [1], strides = [1]} : vector<16xf32> to vector<1xf32>
      %squeeze3A_966 = vector.extract %slice3A_965[0] : f32 from vector<1xf32>
      %mul3A_967 = vector.broadcast %squeeze3A_966 : f32 to vector<16xf32>
      %mul3A_968 = arith.mulf %gather3A, %mul3A_967 : vector<16xf32>
      %add3A_969 = arith.addf %scan3A_888, %mul3A_968 : vector<16xf32>
      %mul3A_970 = vector.broadcast %squeeze3A_966 : f32 to vector<16xf32>
      %mul3A_971 = arith.mulf %gather3A_927, %mul3A_970 : vector<16xf32>
      %add3A_972 = arith.addf %scan3A_889, %mul3A_971 : vector<16xf32>
      %slice3A_973 = vector.extract_strided_slice %get3A_964 {offsets = [1], sizes = [1], strides = [1]} : vector<16xf32> to vector<1xf32>
      %squeeze3A_974 = vector.extract %slice3A_973[0] : f32 from vector<1xf32>
      %mul3A_975 = vector.broadcast %squeeze3A_974 : f32 to vector<16xf32>
      %mul3A_976 = arith.mulf %gather3A, %mul3A_975 : vector<16xf32>
      %add3A_977 = arith.addf %scan3A_890, %mul3A_976 : vector<16xf32>
      %mul3A_978 = vector.broadcast %squeeze3A_974 : f32 to vector<16xf32>
      %mul3A_979 = arith.mulf %gather3A_927, %mul3A_978 : vector<16xf32>
      %add3A_980 = arith.addf %scan3A_891, %mul3A_979 : vector<16xf32>
      %slice3A_981 = vector.extract_strided_slice %get3A_964 {offsets = [2], sizes = [1], strides = [1]} : vector<16xf32> to vector<1xf32>
      %squeeze3A_982 = vector.extract %slice3A_981[0] : f32 from vector<1xf32>
      %mul3A_983 = vector.broadcast %squeeze3A_982 : f32 to vector<16xf32>
      %mul3A_984 = arith.mulf %gather3A, %mul3A_983 : vector<16xf32>
      %add3A_985 = arith.addf %scan3A_892, %mul3A_984 : vector<16xf32>
      %mul3A_986 = vector.broadcast %squeeze3A_982 : f32 to vector<16xf32>
      %mul3A_987 = arith.mulf %gather3A_927, %mul3A_986 : vector<16xf32>
      %add3A_988 = arith.addf %scan3A_893, %mul3A_987 : vector<16xf32>
      %slice3A_989 = vector.extract_strided_slice %get3A_964 {offsets = [3], sizes = [1], strides = [1]} : vector<16xf32> to vector<1xf32>
      %squeeze3A_990 = vector.extract %slice3A_989[0] : f32 from vector<1xf32>
      %mul3A_991 = vector.broadcast %squeeze3A_990 : f32 to vector<16xf32>
      %mul3A_992 = arith.mulf %gather3A, %mul3A_991 : vector<16xf32>
      %add3A_993 = arith.addf %scan3A_894, %mul3A_992 : vector<16xf32>
      %mul3A_994 = vector.broadcast %squeeze3A_990 : f32 to vector<16xf32>
      %mul3A_995 = arith.mulf %gather3A_927, %mul3A_994 : vector<16xf32>
      %add3A_996 = arith.addf %scan3A_895, %mul3A_995 : vector<16xf32>
      %slice3A_997 = vector.extract_strided_slice %get3A_964 {offsets = [4], sizes = [1], strides = [1]} : vector<16xf32> to vector<1xf32>
      %squeeze3A_998 = vector.extract %slice3A_997[0] : f32 from vector<1xf32>
      %mul3A_999 = vector.broadcast %squeeze3A_998 : f32 to vector<16xf32>
      %mul3A_1000 = arith.mulf %gather3A, %mul3A_999 : vector<16xf32>
      %add3A_1001 = arith.addf %scan3A_896, %mul3A_1000 : vector<16xf32>
      %mul3A_1002 = vector.broadcast %squeeze3A_998 : f32 to vector<16xf32>
      %mul3A_1003 = arith.mulf %gather3A_927, %mul3A_1002 : vector<16xf32>
      %add3A_1004 = arith.addf %scan3A_897, %mul3A_1003 : vector<16xf32>
      %slice3A_1005 = vector.extract_strided_slice %get3A_964 {offsets = [5], sizes = [1], strides = [1]} : vector<16xf32> to vector<1xf32>
      %squeeze3A_1006 = vector.extract %slice3A_1005[0] : f32 from vector<1xf32>
      %mul3A_1007 = vector.broadcast %squeeze3A_1006 : f32 to vector<16xf32>
      %mul3A_1008 = arith.mulf %gather3A, %mul3A_1007 : vector<16xf32>
      %add3A_1009 = arith.addf %scan3A_898, %mul3A_1008 : vector<16xf32>
      %mul3A_1010 = vector.broadcast %squeeze3A_1006 : f32 to vector<16xf32>
      %mul3A_1011 = arith.mulf %gather3A_927, %mul3A_1010 : vector<16xf32>
      %add3A_1012 = arith.addf %scan3A_899, %mul3A_1011 : vector<16xf32>
      %slice3A_1013 = vector.extract_strided_slice %get3A_964 {offsets = [6], sizes = [1], strides = [1]} : vector<16xf32> to vector<1xf32>
      %squeeze3A_1014 = vector.extract %slice3A_1013[0] : f32 from vector<1xf32>
      %mul3A_1015 = vector.broadcast %squeeze3A_1014 : f32 to vector<16xf32>
      %mul3A_1016 = arith.mulf %gather3A, %mul3A_1015 : vector<16xf32>
      %add3A_1017 = arith.addf %scan3A_900, %mul3A_1016 : vector<16xf32>
      %mul3A_1018 = vector.broadcast %squeeze3A_1014 : f32 to vector<16xf32>
      %mul3A_1019 = arith.mulf %gather3A_927, %mul3A_1018 : vector<16xf32>
      %add3A_1020 = arith.addf %scan3A_901, %mul3A_1019 : vector<16xf32>
      %slice3A_1021 = vector.extract_strided_slice %get3A_964 {offsets = [7], sizes = [1], strides = [1]} : vector<16xf32> to vector<1xf32>
      %squeeze3A_1022 = vector.extract %slice3A_1021[0] : f32 from vector<1xf32>
      %mul3A_1023 = vector.broadcast %squeeze3A_1022 : f32 to vector<16xf32>
      %mul3A_1024 = arith.mulf %gather3A, %mul3A_1023 : vector<16xf32>
      %add3A_1025 = arith.addf %scan3A_902, %mul3A_1024 : vector<16xf32>
      %mul3A_1026 = vector.broadcast %squeeze3A_1022 : f32 to vector<16xf32>
      %mul3A_1027 = arith.mulf %gather3A_927, %mul3A_1026 : vector<16xf32>
      %add3A_1028 = arith.addf %scan3A_903, %mul3A_1027 : vector<16xf32>
      %slice3A_1029 = vector.extract_strided_slice %get3A_964 {offsets = [8], sizes = [1], strides = [1]} : vector<16xf32> to vector<1xf32>
      %squeeze3A_1030 = vector.extract %slice3A_1029[0] : f32 from vector<1xf32>
      %mul3A_1031 = vector.broadcast %squeeze3A_1030 : f32 to vector<16xf32>
      %mul3A_1032 = arith.mulf %gather3A, %mul3A_1031 : vector<16xf32>
      %add3A_1033 = arith.addf %scan3A_904, %mul3A_1032 : vector<16xf32>
      %mul3A_1034 = vector.broadcast %squeeze3A_1030 : f32 to vector<16xf32>
      %mul3A_1035 = arith.mulf %gather3A_927, %mul3A_1034 : vector<16xf32>
      %add3A_1036 = arith.addf %scan3A_905, %mul3A_1035 : vector<16xf32>
      %slice3A_1037 = vector.extract_strided_slice %get3A_964 {offsets = [9], sizes = [1], strides = [1]} : vector<16xf32> to vector<1xf32>
      %squeeze3A_1038 = vector.extract %slice3A_1037[0] : f32 from vector<1xf32>
      %mul3A_1039 = vector.broadcast %squeeze3A_1038 : f32 to vector<16xf32>
      %mul3A_1040 = arith.mulf %gather3A, %mul3A_1039 : vector<16xf32>
      %add3A_1041 = arith.addf %scan3A_906, %mul3A_1040 : vector<16xf32>
      %mul3A_1042 = vector.broadcast %squeeze3A_1038 : f32 to vector<16xf32>
      %mul3A_1043 = arith.mulf %gather3A_927, %mul3A_1042 : vector<16xf32>
      %add3A_1044 = arith.addf %scan3A_907, %mul3A_1043 : vector<16xf32>
      %slice3A_1045 = vector.extract_strided_slice %get3A_964 {offsets = [10], sizes = [1], strides = [1]} : vector<16xf32> to vector<1xf32>
      %squeeze3A_1046 = vector.extract %slice3A_1045[0] : f32 from vector<1xf32>
      %mul3A_1047 = vector.broadcast %squeeze3A_1046 : f32 to vector<16xf32>
      %mul3A_1048 = arith.mulf %gather3A, %mul3A_1047 : vector<16xf32>
      %add3A_1049 = arith.addf %scan3A_908, %mul3A_1048 : vector<16xf32>
      %mul3A_1050 = vector.broadcast %squeeze3A_1046 : f32 to vector<16xf32>
      %mul3A_1051 = arith.mulf %gather3A_927, %mul3A_1050 : vector<16xf32>
      %add3A_1052 = arith.addf %scan3A_909, %mul3A_1051 : vector<16xf32>
      %slice3A_1053 = vector.extract_strided_slice %get3A_964 {offsets = [11], sizes = [1], strides = [1]} : vector<16xf32> to vector<1xf32>
      %squeeze3A_1054 = vector.extract %slice3A_1053[0] : f32 from vector<1xf32>
      %mul3A_1055 = vector.broadcast %squeeze3A_1054 : f32 to vector<16xf32>
      %mul3A_1056 = arith.mulf %gather3A, %mul3A_1055 : vector<16xf32>
      %add3A_1057 = arith.addf %scan3A_910, %mul3A_1056 : vector<16xf32>
      %mul3A_1058 = vector.broadcast %squeeze3A_1054 : f32 to vector<16xf32>
      %mul3A_1059 = arith.mulf %gather3A_927, %mul3A_1058 : vector<16xf32>
      %add3A_1060 = arith.addf %scan3A_911, %mul3A_1059 : vector<16xf32>
      %slice3A_1061 = vector.extract_strided_slice %get3A_964 {offsets = [12], sizes = [1], strides = [1]} : vector<16xf32> to vector<1xf32>
      %squeeze3A_1062 = vector.extract %slice3A_1061[0] : f32 from vector<1xf32>
      %mul3A_1063 = vector.broadcast %squeeze3A_1062 : f32 to vector<16xf32>
      %mul3A_1064 = arith.mulf %gather3A, %mul3A_1063 : vector<16xf32>
      %add3A_1065 = arith.addf %scan3A_912, %mul3A_1064 : vector<16xf32>
      %mul3A_1066 = vector.broadcast %squeeze3A_1062 : f32 to vector<16xf32>
      %mul3A_1067 = arith.mulf %gather3A_927, %mul3A_1066 : vector<16xf32>
      %add3A_1068 = arith.addf %scan3A_913, %mul3A_1067 : vector<16xf32>
      %slice3A_1069 = vector.extract_strided_slice %get3A_964 {offsets = [13], sizes = [1], strides = [1]} : vector<16xf32> to vector<1xf32>
      %squeeze3A_1070 = vector.extract %slice3A_1069[0] : f32 from vector<1xf32>
      %mul3A_1071 = vector.broadcast %squeeze3A_1070 : f32 to vector<16xf32>
      %mul3A_1072 = arith.mulf %gather3A, %mul3A_1071 : vector<16xf32>
      %add3A_1073 = arith.addf %scan3A_914, %mul3A_1072 : vector<16xf32>
      %mul3A_1074 = vector.broadcast %squeeze3A_1070 : f32 to vector<16xf32>
      %mul3A_1075 = arith.mulf %gather3A_927, %mul3A_1074 : vector<16xf32>
      %add3A_1076 = arith.addf %scan3A_915, %mul3A_1075 : vector<16xf32>
      %slice3A_1077 = vector.extract_strided_slice %get3A_964 {offsets = [14], sizes = [1], strides = [1]} : vector<16xf32> to vector<1xf32>
      %squeeze3A_1078 = vector.extract %slice3A_1077[0] : f32 from vector<1xf32>
      %mul3A_1079 = vector.broadcast %squeeze3A_1078 : f32 to vector<16xf32>
      %mul3A_1080 = arith.mulf %gather3A, %mul3A_1079 : vector<16xf32>
      %add3A_1081 = arith.addf %scan3A_916, %mul3A_1080 : vector<16xf32>
      %mul3A_1082 = vector.broadcast %squeeze3A_1078 : f32 to vector<16xf32>
      %mul3A_1083 = arith.mulf %gather3A_927, %mul3A_1082 : vector<16xf32>
      %add3A_1084 = arith.addf %scan3A_917, %mul3A_1083 : vector<16xf32>
      %slice3A_1085 = vector.extract_strided_slice %get3A_964 {offsets = [15], sizes = [1], strides = [1]} : vector<16xf32> to vector<1xf32>
      %squeeze3A_1086 = vector.extract %slice3A_1085[0] : f32 from vector<1xf32>
      %mul3A_1087 = vector.broadcast %squeeze3A_1086 : f32 to vector<16xf32>
      %mul3A_1088 = arith.mulf %gather3A, %mul3A_1087 : vector<16xf32>
      %add3A_1089 = arith.addf %scan3A_918, %mul3A_1088 : vector<16xf32>
      %mul3A_1090 = vector.broadcast %squeeze3A_1086 : f32 to vector<16xf32>
      %mul3A_1091 = arith.mulf %gather3A_927, %mul3A_1090 : vector<16xf32>
      %add3A_1092 = arith.addf %scan3A_919, %mul3A_1091 : vector<16xf32>
      %mul3A_1093 = arith.constant 2 : i32
      %mul3A_1094 = arith.muli %scan3A_887, %mul3A_1093 : i32
      %add3A_1095 = arith.constant 1 : i32
      %add3A_1096 = arith.addi %mul3A_1094, %add3A_1095 : i32
      %add3A_1097 = arith.constant 0 : i32
      %add3A_1098 = arith.addi %add3A_1097, %add3A_1096 : i32
      %broadcast_in_dim3A_1099 = vector.broadcast %add3A_1098 : i32 to vector<16xi32>
      %gather3A_1100 = tpu.vector_load_idx %arg7[%add3A_8, %broadcast_in_dim3A_1099] : memref<32x2056xf32, #tpu.memory_space<vmem>>[vector<16xi32>, vector<16xi32>], vector<16xf32>,
      %gather3A_1101 = tpu.vector_load_idx %arg7[%add3A_12, %broadcast_in_dim3A_1099] : memref<32x2056xf32, #tpu.memory_space<vmem>>[vector<16xi32>, vector<16xi32>], vector<16xf32>,
      %jit3A_1102 = arith.constant 8 : i32
      %div3A_1103 = arith.divsi %add3A_1096, %jit3A_1102 : i32
      %sign3A_1104 = arith.constant 0 : i32
      %sign3A_1105 = arith.cmpi sgt, %add3A_1096, %sign3A_1104 : i32
      %sign3A_1106 = arith.extui %sign3A_1105 : i1 to i32
      %sign3A_1107 = arith.constant 0 : i32
      %sign3A_1108 = arith.cmpi slt, %add3A_1096, %sign3A_1107 : i32
      %sign3A_1109 = arith.extui %sign3A_1108 : i1 to i32
      %sign3A_1110 = arith.subi %sign3A_1106, %sign3A_1109 : i32
      %sign3A_1111 = arith.constant 0 : i32
      %sign3A_1112 = arith.cmpi sgt, %jit3A_1102, %sign3A_1111 : i32
      %sign3A_1113 = arith.extui %sign3A_1112 : i1 to i32
      %sign3A_1114 = arith.constant 0 : i32
      %sign3A_1115 = arith.cmpi slt, %jit3A_1102, %sign3A_1114 : i32
      %sign3A_1116 = arith.extui %sign3A_1115 : i1 to i32
      %sign3A_1117 = arith.subi %sign3A_1113, %sign3A_1116 : i32
      %ne3A_1118 = arith.cmpi ne, %sign3A_1110, %sign3A_1117 : i32
      %rem3A_1119 = arith.remsi %add3A_1096, %jit3A_1102 : i32
      %ne3A_1120 = arith.constant 0 : i32
      %ne3A_1121 = arith.cmpi ne, %rem3A_1119, %ne3A_1120 : i32
      %and3A_1122 = arith.andi %ne3A_1118, %ne3A_1121 : i1
      %sub3A_1123 = arith.constant 1 : i32
      %sub3A_1124 = arith.subi %div3A_1103, %sub3A_1123 : i32
      %select_n3A_1125 = arith.select %and3A_1122, %sub3A_1124, %div3A_1103 : i32
      %jit3A_1126 = arith.constant 8 : i32
      %eq3A_1127 = arith.constant 0 : i32
      %eq3A_1128 = arith.cmpi eq, %jit3A_1126, %eq3A_1127 : i32
      %jit3A_1129 = arith.constant 1 : i32
      %select_n3A_1130 = arith.select %eq3A_1128, %jit3A_1129, %jit3A_1126 : i32
      %rem3A_1131 = arith.remsi %add3A_1096, %select_n3A_1130 : i32
      %ne3A_1132 = arith.constant 0 : i32
      %ne3A_1133 = arith.cmpi ne, %rem3A_1131, %ne3A_1132 : i32
      %lt3A_1134 = arith.constant 0 : i32
      %lt3A_1135 = arith.cmpi slt, %rem3A_1131, %lt3A_1134 : i32
      %lt3A_1136 = arith.constant 0 : i32
      %lt3A_1137 = arith.cmpi slt, %select_n3A_1130, %lt3A_1136 : i32
      %ne3A_1138 = arith.xori %lt3A_1135, %lt3A_1137 : i1
      %and3A_1139 = arith.andi %ne3A_1138, %ne3A_1133 : i1
      %add3A_1140 = arith.addi %rem3A_1131, %select_n3A_1130 : i32
      %select_n3A_1141 = arith.select %and3A_1139, %add3A_1140, %rem3A_1131 : i32
      %mul3A_1142 = arith.constant 16 : i32
      %mul3A_1143 = arith.muli %select_n3A_1141, %mul3A_1142 : i32
      %get3A_1144 = arith.index_cast %select_n3A_1125 : i32 to index
      %get3A_1145 = arith.index_cast %mul3A_1143 : i32 to index
      %get3A_1146 = tpu.vector_load %arg6[%get3A_1144, %get3A_1145] {strides = array<i32>} : memref<128x128xf32, #tpu.memory_space<vmem>>, vector<16xf32>,
      %slice3A_1147 = vector.extract_strided_slice %get3A_1146 {offsets = [0], sizes = [1], strides = [1]} : vector<16xf32> to vector<1xf32>
      %squeeze3A_1148 = vector.extract %slice3A_1147[0] : f32 from vector<1xf32>
      %mul3A_1149 = vector.broadcast %squeeze3A_1148 : f32 to vector<16xf32>
      %mul3A_1150 = arith.mulf %gather3A_1100, %mul3A_1149 : vector<16xf32>
      %add3A_1151 = arith.addf %add3A_969, %mul3A_1150 : vector<16xf32>
      %mul3A_1152 = vector.broadcast %squeeze3A_1148 : f32 to vector<16xf32>
      %mul3A_1153 = arith.mulf %gather3A_1101, %mul3A_1152 : vector<16xf32>
      %add3A_1154 = arith.addf %add3A_972, %mul3A_1153 : vector<16xf32>
      %slice3A_1155 = vector.extract_strided_slice %get3A_1146 {offsets = [1], sizes = [1], strides = [1]} : vector<16xf32> to vector<1xf32>
      %squeeze3A_1156 = vector.extract %slice3A_1155[0] : f32 from vector<1xf32>
      %mul3A_1157 = vector.broadcast %squeeze3A_1156 : f32 to vector<16xf32>
      %mul3A_1158 = arith.mulf %gather3A_1100, %mul3A_1157 : vector<16xf32>
      %add3A_1159 = arith.addf %add3A_977, %mul3A_1158 : vector<16xf32>
      %mul3A_1160 = vector.broadcast %squeeze3A_1156 : f32 to vector<16xf32>
      %mul3A_1161 = arith.mulf %gather3A_1101, %mul3A_1160 : vector<16xf32>
      %add3A_1162 = arith.addf %add3A_980, %mul3A_1161 : vector<16xf32>
      %slice3A_1163 = vector.extract_strided_slice %get3A_1146 {offsets = [2], sizes = [1], strides = [1]} : vector<16xf32> to vector<1xf32>
      %squeeze3A_1164 = vector.extract %slice3A_1163[0] : f32 from vector<1xf32>
      %mul3A_1165 = vector.broadcast %squeeze3A_1164 : f32 to vector<16xf32>
      %mul3A_1166 = arith.mulf %gather3A_1100, %mul3A_1165 : vector<16xf32>
      %add3A_1167 = arith.addf %add3A_985, %mul3A_1166 : vector<16xf32>
      %mul3A_1168 = vector.broadcast %squeeze3A_1164 : f32 to vector<16xf32>
      %mul3A_1169 = arith.mulf %gather3A_1101, %mul3A_1168 : vector<16xf32>
      %add3A_1170 = arith.addf %add3A_988, %mul3A_1169 : vector<16xf32>
      %slice3A_1171 = vector.extract_strided_slice %get3A_1146 {offsets = [3], sizes = [1], strides = [1]} : vector<16xf32> to vector<1xf32>
      %squeeze3A_1172 = vector.extract %slice3A_1171[0] : f32 from vector<1xf32>
      %mul3A_1173 = vector.broadcast %squeeze3A_1172 : f32 to vector<16xf32>
      %mul3A_1174 = arith.mulf %gather3A_1100, %mul3A_1173 : vector<16xf32>
      %add3A_1175 = arith.addf %add3A_993, %mul3A_1174 : vector<16xf32>
      %mul3A_1176 = vector.broadcast %squeeze3A_1172 : f32 to vector<16xf32>
      %mul3A_1177 = arith.mulf %gather3A_1101, %mul3A_1176 : vector<16xf32>
      %add3A_1178 = arith.addf %add3A_996, %mul3A_1177 : vector<16xf32>
      %slice3A_1179 = vector.extract_strided_slice %get3A_1146 {offsets = [4], sizes = [1], strides = [1]} : vector<16xf32> to vector<1xf32>
      %squeeze3A_1180 = vector.extract %slice3A_1179[0] : f32 from vector<1xf32>
      %mul3A_1181 = vector.broadcast %squeeze3A_1180 : f32 to vector<16xf32>
      %mul3A_1182 = arith.mulf %gather3A_1100, %mul3A_1181 : vector<16xf32>
      %add3A_1183 = arith.addf %add3A_1001, %mul3A_1182 : vector<16xf32>
      %mul3A_1184 = vector.broadcast %squeeze3A_1180 : f32 to vector<16xf32>
      %mul3A_1185 = arith.mulf %gather3A_1101, %mul3A_1184 : vector<16xf32>
      %add3A_1186 = arith.addf %add3A_1004, %mul3A_1185 : vector<16xf32>
      %slice3A_1187 = vector.extract_strided_slice %get3A_1146 {offsets = [5], sizes = [1], strides = [1]} : vector<16xf32> to vector<1xf32>
      %squeeze3A_1188 = vector.extract %slice3A_1187[0] : f32 from vector<1xf32>
      %mul3A_1189 = vector.broadcast %squeeze3A_1188 : f32 to vector<16xf32>
      %mul3A_1190 = arith.mulf %gather3A_1100, %mul3A_1189 : vector<16xf32>
      %add3A_1191 = arith.addf %add3A_1009, %mul3A_1190 : vector<16xf32>
      %mul3A_1192 = vector.broadcast %squeeze3A_1188 : f32 to vector<16xf32>
      %mul3A_1193 = arith.mulf %gather3A_1101, %mul3A_1192 : vector<16xf32>
      %add3A_1194 = arith.addf %add3A_1012, %mul3A_1193 : vector<16xf32>
      %slice3A_1195 = vector.extract_strided_slice %get3A_1146 {offsets = [6], sizes = [1], strides = [1]} : vector<16xf32> to vector<1xf32>
      %squeeze3A_1196 = vector.extract %slice3A_1195[0] : f32 from vector<1xf32>
      %mul3A_1197 = vector.broadcast %squeeze3A_1196 : f32 to vector<16xf32>
      %mul3A_1198 = arith.mulf %gather3A_1100, %mul3A_1197 : vector<16xf32>
      %add3A_1199 = arith.addf %add3A_1017, %mul3A_1198 : vector<16xf32>
      %mul3A_1200 = vector.broadcast %squeeze3A_1196 : f32 to vector<16xf32>
      %mul3A_1201 = arith.mulf %gather3A_1101, %mul3A_1200 : vector<16xf32>
      %add3A_1202 = arith.addf %add3A_1020, %mul3A_1201 : vector<16xf32>
      %slice3A_1203 = vector.extract_strided_slice %get3A_1146 {offsets = [7], sizes = [1], strides = [1]} : vector<16xf32> to vector<1xf32>
      %squeeze3A_1204 = vector.extract %slice3A_1203[0] : f32 from vector<1xf32>
      %mul3A_1205 = vector.broadcast %squeeze3A_1204 : f32 to vector<16xf32>
      %mul3A_1206 = arith.mulf %gather3A_1100, %mul3A_1205 : vector<16xf32>
      %add3A_1207 = arith.addf %add3A_1025, %mul3A_1206 : vector<16xf32>
      %mul3A_1208 = vector.broadcast %squeeze3A_1204 : f32 to vector<16xf32>
      %mul3A_1209 = arith.mulf %gather3A_1101, %mul3A_1208 : vector<16xf32>
      %add3A_1210 = arith.addf %add3A_1028, %mul3A_1209 : vector<16xf32>
      %slice3A_1211 = vector.extract_strided_slice %get3A_1146 {offsets = [8], sizes = [1], strides = [1]} : vector<16xf32> to vector<1xf32>
      %squeeze3A_1212 = vector.extract %slice3A_1211[0] : f32 from vector<1xf32>
      %mul3A_1213 = vector.broadcast %squeeze3A_1212 : f32 to vector<16xf32>
      %mul3A_1214 = arith.mulf %gather3A_1100, %mul3A_1213 : vector<16xf32>
      %add3A_1215 = arith.addf %add3A_1033, %mul3A_1214 : vector<16xf32>
      %mul3A_1216 = vector.broadcast %squeeze3A_1212 : f32 to vector<16xf32>
      %mul3A_1217 = arith.mulf %gather3A_1101, %mul3A_1216 : vector<16xf32>
      %add3A_1218 = arith.addf %add3A_1036, %mul3A_1217 : vector<16xf32>
      %slice3A_1219 = vector.extract_strided_slice %get3A_1146 {offsets = [9], sizes = [1], strides = [1]} : vector<16xf32> to vector<1xf32>
      %squeeze3A_1220 = vector.extract %slice3A_1219[0] : f32 from vector<1xf32>
      %mul3A_1221 = vector.broadcast %squeeze3A_1220 : f32 to vector<16xf32>
      %mul3A_1222 = arith.mulf %gather3A_1100, %mul3A_1221 : vector<16xf32>
      %add3A_1223 = arith.addf %add3A_1041, %mul3A_1222 : vector<16xf32>
      %mul3A_1224 = vector.broadcast %squeeze3A_1220 : f32 to vector<16xf32>
      %mul3A_1225 = arith.mulf %gather3A_1101, %mul3A_1224 : vector<16xf32>
      %add3A_1226 = arith.addf %add3A_1044, %mul3A_1225 : vector<16xf32>
      %slice3A_1227 = vector.extract_strided_slice %get3A_1146 {offsets = [10], sizes = [1], strides = [1]} : vector<16xf32> to vector<1xf32>
      %squeeze3A_1228 = vector.extract %slice3A_1227[0] : f32 from vector<1xf32>
      %mul3A_1229 = vector.broadcast %squeeze3A_1228 : f32 to vector<16xf32>
      %mul3A_1230 = arith.mulf %gather3A_1100, %mul3A_1229 : vector<16xf32>
      %add3A_1231 = arith.addf %add3A_1049, %mul3A_1230 : vector<16xf32>
      %mul3A_1232 = vector.broadcast %squeeze3A_1228 : f32 to vector<16xf32>
      %mul3A_1233 = arith.mulf %gather3A_1101, %mul3A_1232 : vector<16xf32>
      %add3A_1234 = arith.addf %add3A_1052, %mul3A_1233 : vector<16xf32>
      %slice3A_1235 = vector.extract_strided_slice %get3A_1146 {offsets = [11], sizes = [1], strides = [1]} : vector<16xf32> to vector<1xf32>
      %squeeze3A_1236 = vector.extract %slice3A_1235[0] : f32 from vector<1xf32>
      %mul3A_1237 = vector.broadcast %squeeze3A_1236 : f32 to vector<16xf32>
      %mul3A_1238 = arith.mulf %gather3A_1100, %mul3A_1237 : vector<16xf32>
      %add3A_1239 = arith.addf %add3A_1057, %mul3A_1238 : vector<16xf32>
      %mul3A_1240 = vector.broadcast %squeeze3A_1236 : f32 to vector<16xf32>
      %mul3A_1241 = arith.mulf %gather3A_1101, %mul3A_1240 : vector<16xf32>
      %add3A_1242 = arith.addf %add3A_1060, %mul3A_1241 : vector<16xf32>
      %slice3A_1243 = vector.extract_strided_slice %get3A_1146 {offsets = [12], sizes = [1], strides = [1]} : vector<16xf32> to vector<1xf32>
      %squeeze3A_1244 = vector.extract %slice3A_1243[0] : f32 from vector<1xf32>
      %mul3A_1245 = vector.broadcast %squeeze3A_1244 : f32 to vector<16xf32>
      %mul3A_1246 = arith.mulf %gather3A_1100, %mul3A_1245 : vector<16xf32>
      %add3A_1247 = arith.addf %add3A_1065, %mul3A_1246 : vector<16xf32>
      %mul3A_1248 = vector.broadcast %squeeze3A_1244 : f32 to vector<16xf32>
      %mul3A_1249 = arith.mulf %gather3A_1101, %mul3A_1248 : vector<16xf32>
      %add3A_1250 = arith.addf %add3A_1068, %mul3A_1249 : vector<16xf32>
      %slice3A_1251 = vector.extract_strided_slice %get3A_1146 {offsets = [13], sizes = [1], strides = [1]} : vector<16xf32> to vector<1xf32>
      %squeeze3A_1252 = vector.extract %slice3A_1251[0] : f32 from vector<1xf32>
      %mul3A_1253 = vector.broadcast %squeeze3A_1252 : f32 to vector<16xf32>
      %mul3A_1254 = arith.mulf %gather3A_1100, %mul3A_1253 : vector<16xf32>
      %add3A_1255 = arith.addf %add3A_1073, %mul3A_1254 : vector<16xf32>
      %mul3A_1256 = vector.broadcast %squeeze3A_1252 : f32 to vector<16xf32>
      %mul3A_1257 = arith.mulf %gather3A_1101, %mul3A_1256 : vector<16xf32>
      %add3A_1258 = arith.addf %add3A_1076, %mul3A_1257 : vector<16xf32>
      %slice3A_1259 = vector.extract_strided_slice %get3A_1146 {offsets = [14], sizes = [1], strides = [1]} : vector<16xf32> to vector<1xf32>
      %squeeze3A_1260 = vector.extract %slice3A_1259[0] : f32 from vector<1xf32>
      %mul3A_1261 = vector.broadcast %squeeze3A_1260 : f32 to vector<16xf32>
      %mul3A_1262 = arith.mulf %gather3A_1100, %mul3A_1261 : vector<16xf32>
      %add3A_1263 = arith.addf %add3A_1081, %mul3A_1262 : vector<16xf32>
      %mul3A_1264 = vector.broadcast %squeeze3A_1260 : f32 to vector<16xf32>
      %mul3A_1265 = arith.mulf %gather3A_1101, %mul3A_1264 : vector<16xf32>
      %add3A_1266 = arith.addf %add3A_1084, %mul3A_1265 : vector<16xf32>
      %slice3A_1267 = vector.extract_strided_slice %get3A_1146 {offsets = [15], sizes = [1], strides = [1]} : vector<16xf32> to vector<1xf32>
      %squeeze3A_1268 = vector.extract %slice3A_1267[0] : f32 from vector<1xf32>
      %mul3A_1269 = vector.broadcast %squeeze3A_1268 : f32 to vector<16xf32>
      %mul3A_1270 = arith.mulf %gather3A_1100, %mul3A_1269 : vector<16xf32>
      %add3A_1271 = arith.addf %add3A_1089, %mul3A_1270 : vector<16xf32>
      %mul3A_1272 = vector.broadcast %squeeze3A_1268 : f32 to vector<16xf32>
      %mul3A_1273 = arith.mulf %gather3A_1101, %mul3A_1272 : vector<16xf32>
      %add3A_1274 = arith.addf %add3A_1092, %mul3A_1273 : vector<16xf32>
      scf.yield %add3A_1151, %add3A_1154, %add3A_1159, %add3A_1162, %add3A_1167, %add3A_1170, %add3A_1175, %add3A_1178, %add3A_1183, %add3A_1186, %add3A_1191, %add3A_1194, %add3A_1199, %add3A_1202, %add3A_1207, %add3A_1210, %add3A_1215, %add3A_1218, %add3A_1223, %add3A_1226, %add3A_1231, %add3A_1234, %add3A_1239, %add3A_1242, %add3A_1247, %add3A_1250, %add3A_1255, %add3A_1258, %add3A_1263, %add3A_1266, %add3A_1271, %add3A_1274 : vector<16xf32>, vector<16xf32>, vector<16xf32>, vector<16xf32>, vector<16xf32>, vector<16xf32>, vector<16xf32>, vector<16xf32>, vector<16xf32>, vector<16xf32>, vector<16xf32>, vector<16xf32>, vector<16xf32>, vector<16xf32>, vector<16xf32>, vector<16xf32>, vector<16xf32>, vector<16xf32>, vector<16xf32>, vector<16xf32>, vector<16xf32>, vector<16xf32>, vector<16xf32>, vector<16xf32>, vector<16xf32>, vector<16xf32>, vector<16xf32>, vector<16xf32>, vector<16xf32>, vector<16xf32>, vector<16xf32>, vector<16xf32>
    }
    %scan3A_644 = arith.constant 512 : i32
    "tpu.region"() ({
      %run_scoped3A = tpu.sem_alloc : memref<!tpu.dma_semaphore, #tpu.memory_space<semaphore_mem>>
      %dma_start3A = arith.constant 128 : i32
      %dma_start3A_887 = arith.constant 0 : i32
      %dma_start3A_888 = tpu.memref_slice %arg3[%dma_start3A, %dma_start3A_887] : memref<256x128xf32, #tpu.memory_space<hbm>> -> memref<128x128xf32, #tpu.memory_space<hbm>>
      %dma_start3A_889 = arith.constant 128 : i32
      %dma_start3A_890 = arith.constant 0 : i32
      %dma_start3A_891 = tpu.memref_slice %arg3[%dma_start3A_889, %dma_start3A_890] : memref<256x128xf32, #tpu.memory_space<hbm>> -> memref<128x128xf32, #tpu.memory_space<hbm>>
      tpu.enqueue_dma source(%dma_start3A_891 : memref<128x128xf32, #tpu.memory_space<hbm>>) target(%arg6 : memref<128x128xf32, #tpu.memory_space<vmem>>) target_semaphore(%run_scoped3A : memref<!tpu.dma_semaphore, #tpu.memory_space<semaphore_mem>>)
      %dma_wait3A = arith.constant 128 : i32
      %dma_wait3A_892 = arith.constant 0 : i32
      %dma_wait3A_893 = tpu.memref_slice %arg3[%dma_wait3A, %dma_wait3A_892] : memref<256x128xf32, #tpu.memory_space<hbm>> -> memref<128x128xf32, #tpu.memory_space<hbm>>
      %dma_wait3A_894 = arith.constant 128 : i32
      %dma_wait3A_895 = arith.constant 0 : i32
      %dma_wait3A_896 = tpu.memref_slice %arg3[%dma_wait3A_894, %dma_wait3A_895] : memref<256x128xf32, #tpu.memory_space<hbm>> -> memref<128x128xf32, #tpu.memory_space<hbm>>
      tpu.wait_dma2 semaphore(%run_scoped3A : memref<!tpu.dma_semaphore, #tpu.memory_space<semaphore_mem>>) src(%dma_wait3A_896 : memref<128x128xf32, #tpu.memory_space<hbm>>) dst(%arg6 : memref<128x128xf32, #tpu.memory_space<vmem>>)
      tpu.yield
    }) : () -> ()
    %scan3A_645 = arith.constant 0 : i32
    %scan3A_646 = arith.constant 512 : i32
    %scan3A_647 = arith.addi %scan3A_645, %scan3A_646 : i32
    %scan3A_648 = arith.constant 1 : i32
    %scan3A_649:32 = scf.for %scan3A_887 = %scan3A_645 to %scan3A_647 step %scan3A_648 iter_args(%scan3A_888 = %scan3A_643#0, %scan3A_889 = %scan3A_643#1, %scan3A_890 = %scan3A_643#2, %scan3A_891 = %scan3A_643#3, %scan3A_892 = %scan3A_643#4, %scan3A_893 = %scan3A_643#5, %scan3A_894 = %scan3A_643#6, %scan3A_895 = %scan3A_643#7, %scan3A_896 = %scan3A_643#8, %scan3A_897 = %scan3A_643#9, %scan3A_898 = %scan3A_643#10, %scan3A_899 = %scan3A_643#11, %scan3A_900 = %scan3A_643#12, %scan3A_901 = %scan3A_643#13, %scan3A_902 = %scan3A_643#14, %scan3A_903 = %scan3A_643#15, %scan3A_904 = %scan3A_643#16, %scan3A_905 = %scan3A_643#17, %scan3A_906 = %scan3A_643#18, %scan3A_907 = %scan3A_643#19, %scan3A_908 = %scan3A_643#20, %scan3A_909 = %scan3A_643#21, %scan3A_910 = %scan3A_643#22, %scan3A_911 = %scan3A_643#23, %scan3A_912 = %scan3A_643#24, %scan3A_913 = %scan3A_643#25, %scan3A_914 = %scan3A_643#26, %scan3A_915 = %scan3A_643#27, %scan3A_916 = %scan3A_643#28, %scan3A_917 = %scan3A_643#29, %scan3A_918 = %scan3A_643#30, %scan3A_919 = %scan3A_643#31) -> (vector<16xf32>, vector<16xf32>, vector<16xf32>, vector<16xf32>, vector<16xf32>, vector<16xf32>, vector<16xf32>, vector<16xf32>, vector<16xf32>, vector<16xf32>, vector<16xf32>, vector<16xf32>, vector<16xf32>, vector<16xf32>, vector<16xf32>, vector<16xf32>, vector<16xf32>, vector<16xf32>, vector<16xf32>, vector<16xf32>, vector<16xf32>, vector<16xf32>, vector<16xf32>, vector<16xf32>, vector<16xf32>, vector<16xf32>, vector<16xf32>, vector<16xf32>, vector<16xf32>, vector<16xf32>, vector<16xf32>, vector<16xf32>)  : i32 {
      %mul3A_920 = arith.constant 2 : i32
      %mul3A_921 = arith.muli %scan3A_887, %mul3A_920 : i32
      %add3A_922 = arith.constant 0 : i32
      %add3A_923 = arith.addi %mul3A_921, %add3A_922 : i32
      %add3A_924 = arith.constant 1024 : i32
      %add3A_925 = arith.addi %add3A_924, %add3A_923 : i32
      %broadcast_in_dim3A_926 = vector.broadcast %add3A_925 : i32 to vector<16xi32>
      %gather3A = tpu.vector_load_idx %arg7[%add3A_8, %broadcast_in_dim3A_926] : memref<32x2056xf32, #tpu.memory_space<vmem>>[vector<16xi32>, vector<16xi32>], vector<16xf32>,
      %gather3A_927 = tpu.vector_load_idx %arg7[%add3A_12, %broadcast_in_dim3A_926] : memref<32x2056xf32, #tpu.memory_space<vmem>>[vector<16xi32>, vector<16xi32>], vector<16xf32>,
      %jit3A = arith.constant 8 : i32
      %div3A_928 = arith.divsi %add3A_923, %jit3A : i32
      %sign3A = arith.constant 0 : i32
      %sign3A_929 = arith.cmpi sgt, %add3A_923, %sign3A : i32
      %sign3A_930 = arith.extui %sign3A_929 : i1 to i32
      %sign3A_931 = arith.constant 0 : i32
      %sign3A_932 = arith.cmpi slt, %add3A_923, %sign3A_931 : i32
      %sign3A_933 = arith.extui %sign3A_932 : i1 to i32
      %sign3A_934 = arith.subi %sign3A_930, %sign3A_933 : i32
      %sign3A_935 = arith.constant 0 : i32
      %sign3A_936 = arith.cmpi sgt, %jit3A, %sign3A_935 : i32
      %sign3A_937 = arith.extui %sign3A_936 : i1 to i32
      %sign3A_938 = arith.constant 0 : i32
      %sign3A_939 = arith.cmpi slt, %jit3A, %sign3A_938 : i32
      %sign3A_940 = arith.extui %sign3A_939 : i1 to i32
      %sign3A_941 = arith.subi %sign3A_937, %sign3A_940 : i32
      %ne3A = arith.cmpi ne, %sign3A_934, %sign3A_941 : i32
      %rem3A = arith.remsi %add3A_923, %jit3A : i32
      %ne3A_942 = arith.constant 0 : i32
      %ne3A_943 = arith.cmpi ne, %rem3A, %ne3A_942 : i32
      %and3A = arith.andi %ne3A, %ne3A_943 : i1
      %sub3A_944 = arith.constant 1 : i32
      %sub3A_945 = arith.subi %div3A_928, %sub3A_944 : i32
      %select_n3A = arith.select %and3A, %sub3A_945, %div3A_928 : i32
      %jit3A_946 = arith.constant 8 : i32
      %eq3A = arith.constant 0 : i32
      %eq3A_947 = arith.cmpi eq, %jit3A_946, %eq3A : i32
      %jit3A_948 = arith.constant 1 : i32
      %select_n3A_949 = arith.select %eq3A_947, %jit3A_948, %jit3A_946 : i32
      %rem3A_950 = arith.remsi %add3A_923, %select_n3A_949 : i32
      %ne3A_951 = arith.constant 0 : i32
      %ne3A_952 = arith.cmpi ne, %rem3A_950, %ne3A_951 : i32
      %lt3A = arith.constant 0 : i32
      %lt3A_953 = arith.cmpi slt, %rem3A_950, %lt3A : i32
      %lt3A_954 = arith.constant 0 : i32
      %lt3A_955 = arith.cmpi slt, %select_n3A_949, %lt3A_954 : i32
      %ne3A_956 = arith.xori %lt3A_953, %lt3A_955 : i1
      %and3A_957 = arith.andi %ne3A_956, %ne3A_952 : i1
      %add3A_958 = arith.addi %rem3A_950, %select_n3A_949 : i32
      %select_n3A_959 = arith.select %and3A_957, %add3A_958, %rem3A_950 : i32
      %mul3A_960 = arith.constant 16 : i32
      %mul3A_961 = arith.muli %select_n3A_959, %mul3A_960 : i32
      %get3A_962 = arith.index_cast %select_n3A : i32 to index
      %get3A_963 = arith.index_cast %mul3A_961 : i32 to index
      %get3A_964 = tpu.vector_load %arg6[%get3A_962, %get3A_963] {strides = array<i32>} : memref<128x128xf32, #tpu.memory_space<vmem>>, vector<16xf32>,
      %slice3A_965 = vector.extract_strided_slice %get3A_964 {offsets = [0], sizes = [1], strides = [1]} : vector<16xf32> to vector<1xf32>
      %squeeze3A_966 = vector.extract %slice3A_965[0] : f32 from vector<1xf32>
      %mul3A_967 = vector.broadcast %squeeze3A_966 : f32 to vector<16xf32>
      %mul3A_968 = arith.mulf %gather3A, %mul3A_967 : vector<16xf32>
      %add3A_969 = arith.addf %scan3A_888, %mul3A_968 : vector<16xf32>
      %mul3A_970 = vector.broadcast %squeeze3A_966 : f32 to vector<16xf32>
      %mul3A_971 = arith.mulf %gather3A_927, %mul3A_970 : vector<16xf32>
      %add3A_972 = arith.addf %scan3A_889, %mul3A_971 : vector<16xf32>
      %slice3A_973 = vector.extract_strided_slice %get3A_964 {offsets = [1], sizes = [1], strides = [1]} : vector<16xf32> to vector<1xf32>
      %squeeze3A_974 = vector.extract %slice3A_973[0] : f32 from vector<1xf32>
      %mul3A_975 = vector.broadcast %squeeze3A_974 : f32 to vector<16xf32>
      %mul3A_976 = arith.mulf %gather3A, %mul3A_975 : vector<16xf32>
      %add3A_977 = arith.addf %scan3A_890, %mul3A_976 : vector<16xf32>
      %mul3A_978 = vector.broadcast %squeeze3A_974 : f32 to vector<16xf32>
      %mul3A_979 = arith.mulf %gather3A_927, %mul3A_978 : vector<16xf32>
      %add3A_980 = arith.addf %scan3A_891, %mul3A_979 : vector<16xf32>
      %slice3A_981 = vector.extract_strided_slice %get3A_964 {offsets = [2], sizes = [1], strides = [1]} : vector<16xf32> to vector<1xf32>
      %squeeze3A_982 = vector.extract %slice3A_981[0] : f32 from vector<1xf32>
      %mul3A_983 = vector.broadcast %squeeze3A_982 : f32 to vector<16xf32>
      %mul3A_984 = arith.mulf %gather3A, %mul3A_983 : vector<16xf32>
      %add3A_985 = arith.addf %scan3A_892, %mul3A_984 : vector<16xf32>
      %mul3A_986 = vector.broadcast %squeeze3A_982 : f32 to vector<16xf32>
      %mul3A_987 = arith.mulf %gather3A_927, %mul3A_986 : vector<16xf32>
      %add3A_988 = arith.addf %scan3A_893, %mul3A_987 : vector<16xf32>
      %slice3A_989 = vector.extract_strided_slice %get3A_964 {offsets = [3], sizes = [1], strides = [1]} : vector<16xf32> to vector<1xf32>
      %squeeze3A_990 = vector.extract %slice3A_989[0] : f32 from vector<1xf32>
      %mul3A_991 = vector.broadcast %squeeze3A_990 : f32 to vector<16xf32>
      %mul3A_992 = arith.mulf %gather3A, %mul3A_991 : vector<16xf32>
      %add3A_993 = arith.addf %scan3A_894, %mul3A_992 : vector<16xf32>
      %mul3A_994 = vector.broadcast %squeeze3A_990 : f32 to vector<16xf32>
      %mul3A_995 = arith.mulf %gather3A_927, %mul3A_994 : vector<16xf32>
      %add3A_996 = arith.addf %scan3A_895, %mul3A_995 : vector<16xf32>
      %slice3A_997 = vector.extract_strided_slice %get3A_964 {offsets = [4], sizes = [1], strides = [1]} : vector<16xf32> to vector<1xf32>
      %squeeze3A_998 = vector.extract %slice3A_997[0] : f32 from vector<1xf32>
      %mul3A_999 = vector.broadcast %squeeze3A_998 : f32 to vector<16xf32>
      %mul3A_1000 = arith.mulf %gather3A, %mul3A_999 : vector<16xf32>
      %add3A_1001 = arith.addf %scan3A_896, %mul3A_1000 : vector<16xf32>
      %mul3A_1002 = vector.broadcast %squeeze3A_998 : f32 to vector<16xf32>
      %mul3A_1003 = arith.mulf %gather3A_927, %mul3A_1002 : vector<16xf32>
      %add3A_1004 = arith.addf %scan3A_897, %mul3A_1003 : vector<16xf32>
      %slice3A_1005 = vector.extract_strided_slice %get3A_964 {offsets = [5], sizes = [1], strides = [1]} : vector<16xf32> to vector<1xf32>
      %squeeze3A_1006 = vector.extract %slice3A_1005[0] : f32 from vector<1xf32>
      %mul3A_1007 = vector.broadcast %squeeze3A_1006 : f32 to vector<16xf32>
      %mul3A_1008 = arith.mulf %gather3A, %mul3A_1007 : vector<16xf32>
      %add3A_1009 = arith.addf %scan3A_898, %mul3A_1008 : vector<16xf32>
      %mul3A_1010 = vector.broadcast %squeeze3A_1006 : f32 to vector<16xf32>
      %mul3A_1011 = arith.mulf %gather3A_927, %mul3A_1010 : vector<16xf32>
      %add3A_1012 = arith.addf %scan3A_899, %mul3A_1011 : vector<16xf32>
      %slice3A_1013 = vector.extract_strided_slice %get3A_964 {offsets = [6], sizes = [1], strides = [1]} : vector<16xf32> to vector<1xf32>
      %squeeze3A_1014 = vector.extract %slice3A_1013[0] : f32 from vector<1xf32>
      %mul3A_1015 = vector.broadcast %squeeze3A_1014 : f32 to vector<16xf32>
      %mul3A_1016 = arith.mulf %gather3A, %mul3A_1015 : vector<16xf32>
      %add3A_1017 = arith.addf %scan3A_900, %mul3A_1016 : vector<16xf32>
      %mul3A_1018 = vector.broadcast %squeeze3A_1014 : f32 to vector<16xf32>
      %mul3A_1019 = arith.mulf %gather3A_927, %mul3A_1018 : vector<16xf32>
      %add3A_1020 = arith.addf %scan3A_901, %mul3A_1019 : vector<16xf32>
      %slice3A_1021 = vector.extract_strided_slice %get3A_964 {offsets = [7], sizes = [1], strides = [1]} : vector<16xf32> to vector<1xf32>
      %squeeze3A_1022 = vector.extract %slice3A_1021[0] : f32 from vector<1xf32>
      %mul3A_1023 = vector.broadcast %squeeze3A_1022 : f32 to vector<16xf32>
      %mul3A_1024 = arith.mulf %gather3A, %mul3A_1023 : vector<16xf32>
      %add3A_1025 = arith.addf %scan3A_902, %mul3A_1024 : vector<16xf32>
      %mul3A_1026 = vector.broadcast %squeeze3A_1022 : f32 to vector<16xf32>
      %mul3A_1027 = arith.mulf %gather3A_927, %mul3A_1026 : vector<16xf32>
      %add3A_1028 = arith.addf %scan3A_903, %mul3A_1027 : vector<16xf32>
      %slice3A_1029 = vector.extract_strided_slice %get3A_964 {offsets = [8], sizes = [1], strides = [1]} : vector<16xf32> to vector<1xf32>
      %squeeze3A_1030 = vector.extract %slice3A_1029[0] : f32 from vector<1xf32>
      %mul3A_1031 = vector.broadcast %squeeze3A_1030 : f32 to vector<16xf32>
      %mul3A_1032 = arith.mulf %gather3A, %mul3A_1031 : vector<16xf32>
      %add3A_1033 = arith.addf %scan3A_904, %mul3A_1032 : vector<16xf32>
      %mul3A_1034 = vector.broadcast %squeeze3A_1030 : f32 to vector<16xf32>
      %mul3A_1035 = arith.mulf %gather3A_927, %mul3A_1034 : vector<16xf32>
      %add3A_1036 = arith.addf %scan3A_905, %mul3A_1035 : vector<16xf32>
      %slice3A_1037 = vector.extract_strided_slice %get3A_964 {offsets = [9], sizes = [1], strides = [1]} : vector<16xf32> to vector<1xf32>
      %squeeze3A_1038 = vector.extract %slice3A_1037[0] : f32 from vector<1xf32>
      %mul3A_1039 = vector.broadcast %squeeze3A_1038 : f32 to vector<16xf32>
      %mul3A_1040 = arith.mulf %gather3A, %mul3A_1039 : vector<16xf32>
      %add3A_1041 = arith.addf %scan3A_906, %mul3A_1040 : vector<16xf32>
      %mul3A_1042 = vector.broadcast %squeeze3A_1038 : f32 to vector<16xf32>
      %mul3A_1043 = arith.mulf %gather3A_927, %mul3A_1042 : vector<16xf32>
      %add3A_1044 = arith.addf %scan3A_907, %mul3A_1043 : vector<16xf32>
      %slice3A_1045 = vector.extract_strided_slice %get3A_964 {offsets = [10], sizes = [1], strides = [1]} : vector<16xf32> to vector<1xf32>
      %squeeze3A_1046 = vector.extract %slice3A_1045[0] : f32 from vector<1xf32>
      %mul3A_1047 = vector.broadcast %squeeze3A_1046 : f32 to vector<16xf32>
      %mul3A_1048 = arith.mulf %gather3A, %mul3A_1047 : vector<16xf32>
      %add3A_1049 = arith.addf %scan3A_908, %mul3A_1048 : vector<16xf32>
      %mul3A_1050 = vector.broadcast %squeeze3A_1046 : f32 to vector<16xf32>
      %mul3A_1051 = arith.mulf %gather3A_927, %mul3A_1050 : vector<16xf32>
      %add3A_1052 = arith.addf %scan3A_909, %mul3A_1051 : vector<16xf32>
      %slice3A_1053 = vector.extract_strided_slice %get3A_964 {offsets = [11], sizes = [1], strides = [1]} : vector<16xf32> to vector<1xf32>
      %squeeze3A_1054 = vector.extract %slice3A_1053[0] : f32 from vector<1xf32>
      %mul3A_1055 = vector.broadcast %squeeze3A_1054 : f32 to vector<16xf32>
      %mul3A_1056 = arith.mulf %gather3A, %mul3A_1055 : vector<16xf32>
      %add3A_1057 = arith.addf %scan3A_910, %mul3A_1056 : vector<16xf32>
      %mul3A_1058 = vector.broadcast %squeeze3A_1054 : f32 to vector<16xf32>
      %mul3A_1059 = arith.mulf %gather3A_927, %mul3A_1058 : vector<16xf32>
      %add3A_1060 = arith.addf %scan3A_911, %mul3A_1059 : vector<16xf32>
      %slice3A_1061 = vector.extract_strided_slice %get3A_964 {offsets = [12], sizes = [1], strides = [1]} : vector<16xf32> to vector<1xf32>
      %squeeze3A_1062 = vector.extract %slice3A_1061[0] : f32 from vector<1xf32>
      %mul3A_1063 = vector.broadcast %squeeze3A_1062 : f32 to vector<16xf32>
      %mul3A_1064 = arith.mulf %gather3A, %mul3A_1063 : vector<16xf32>
      %add3A_1065 = arith.addf %scan3A_912, %mul3A_1064 : vector<16xf32>
      %mul3A_1066 = vector.broadcast %squeeze3A_1062 : f32 to vector<16xf32>
      %mul3A_1067 = arith.mulf %gather3A_927, %mul3A_1066 : vector<16xf32>
      %add3A_1068 = arith.addf %scan3A_913, %mul3A_1067 : vector<16xf32>
      %slice3A_1069 = vector.extract_strided_slice %get3A_964 {offsets = [13], sizes = [1], strides = [1]} : vector<16xf32> to vector<1xf32>
      %squeeze3A_1070 = vector.extract %slice3A_1069[0] : f32 from vector<1xf32>
      %mul3A_1071 = vector.broadcast %squeeze3A_1070 : f32 to vector<16xf32>
      %mul3A_1072 = arith.mulf %gather3A, %mul3A_1071 : vector<16xf32>
      %add3A_1073 = arith.addf %scan3A_914, %mul3A_1072 : vector<16xf32>
      %mul3A_1074 = vector.broadcast %squeeze3A_1070 : f32 to vector<16xf32>
      %mul3A_1075 = arith.mulf %gather3A_927, %mul3A_1074 : vector<16xf32>
      %add3A_1076 = arith.addf %scan3A_915, %mul3A_1075 : vector<16xf32>
      %slice3A_1077 = vector.extract_strided_slice %get3A_964 {offsets = [14], sizes = [1], strides = [1]} : vector<16xf32> to vector<1xf32>
      %squeeze3A_1078 = vector.extract %slice3A_1077[0] : f32 from vector<1xf32>
      %mul3A_1079 = vector.broadcast %squeeze3A_1078 : f32 to vector<16xf32>
      %mul3A_1080 = arith.mulf %gather3A, %mul3A_1079 : vector<16xf32>
      %add3A_1081 = arith.addf %scan3A_916, %mul3A_1080 : vector<16xf32>
      %mul3A_1082 = vector.broadcast %squeeze3A_1078 : f32 to vector<16xf32>
      %mul3A_1083 = arith.mulf %gather3A_927, %mul3A_1082 : vector<16xf32>
      %add3A_1084 = arith.addf %scan3A_917, %mul3A_1083 : vector<16xf32>
      %slice3A_1085 = vector.extract_strided_slice %get3A_964 {offsets = [15], sizes = [1], strides = [1]} : vector<16xf32> to vector<1xf32>
      %squeeze3A_1086 = vector.extract %slice3A_1085[0] : f32 from vector<1xf32>
      %mul3A_1087 = vector.broadcast %squeeze3A_1086 : f32 to vector<16xf32>
      %mul3A_1088 = arith.mulf %gather3A, %mul3A_1087 : vector<16xf32>
      %add3A_1089 = arith.addf %scan3A_918, %mul3A_1088 : vector<16xf32>
      %mul3A_1090 = vector.broadcast %squeeze3A_1086 : f32 to vector<16xf32>
      %mul3A_1091 = arith.mulf %gather3A_927, %mul3A_1090 : vector<16xf32>
      %add3A_1092 = arith.addf %scan3A_919, %mul3A_1091 : vector<16xf32>
      %mul3A_1093 = arith.constant 2 : i32
      %mul3A_1094 = arith.muli %scan3A_887, %mul3A_1093 : i32
      %add3A_1095 = arith.constant 1 : i32
      %add3A_1096 = arith.addi %mul3A_1094, %add3A_1095 : i32
      %add3A_1097 = arith.constant 1024 : i32
      %add3A_1098 = arith.addi %add3A_1097, %add3A_1096 : i32
      %broadcast_in_dim3A_1099 = vector.broadcast %add3A_1098 : i32 to vector<16xi32>
      %gather3A_1100 = tpu.vector_load_idx %arg7[%add3A_8, %broadcast_in_dim3A_1099] : memref<32x2056xf32, #tpu.memory_space<vmem>>[vector<16xi32>, vector<16xi32>], vector<16xf32>,
      %gather3A_1101 = tpu.vector_load_idx %arg7[%add3A_12, %broadcast_in_dim3A_1099] : memref<32x2056xf32, #tpu.memory_space<vmem>>[vector<16xi32>, vector<16xi32>], vector<16xf32>,
      %jit3A_1102 = arith.constant 8 : i32
      %div3A_1103 = arith.divsi %add3A_1096, %jit3A_1102 : i32
      %sign3A_1104 = arith.constant 0 : i32
      %sign3A_1105 = arith.cmpi sgt, %add3A_1096, %sign3A_1104 : i32
      %sign3A_1106 = arith.extui %sign3A_1105 : i1 to i32
      %sign3A_1107 = arith.constant 0 : i32
      %sign3A_1108 = arith.cmpi slt, %add3A_1096, %sign3A_1107 : i32
      %sign3A_1109 = arith.extui %sign3A_1108 : i1 to i32
      %sign3A_1110 = arith.subi %sign3A_1106, %sign3A_1109 : i32
      %sign3A_1111 = arith.constant 0 : i32
      %sign3A_1112 = arith.cmpi sgt, %jit3A_1102, %sign3A_1111 : i32
      %sign3A_1113 = arith.extui %sign3A_1112 : i1 to i32
      %sign3A_1114 = arith.constant 0 : i32
      %sign3A_1115 = arith.cmpi slt, %jit3A_1102, %sign3A_1114 : i32
      %sign3A_1116 = arith.extui %sign3A_1115 : i1 to i32
      %sign3A_1117 = arith.subi %sign3A_1113, %sign3A_1116 : i32
      %ne3A_1118 = arith.cmpi ne, %sign3A_1110, %sign3A_1117 : i32
      %rem3A_1119 = arith.remsi %add3A_1096, %jit3A_1102 : i32
      %ne3A_1120 = arith.constant 0 : i32
      %ne3A_1121 = arith.cmpi ne, %rem3A_1119, %ne3A_1120 : i32
      %and3A_1122 = arith.andi %ne3A_1118, %ne3A_1121 : i1
      %sub3A_1123 = arith.constant 1 : i32
      %sub3A_1124 = arith.subi %div3A_1103, %sub3A_1123 : i32
      %select_n3A_1125 = arith.select %and3A_1122, %sub3A_1124, %div3A_1103 : i32
      %jit3A_1126 = arith.constant 8 : i32
      %eq3A_1127 = arith.constant 0 : i32
      %eq3A_1128 = arith.cmpi eq, %jit3A_1126, %eq3A_1127 : i32
      %jit3A_1129 = arith.constant 1 : i32
      %select_n3A_1130 = arith.select %eq3A_1128, %jit3A_1129, %jit3A_1126 : i32
      %rem3A_1131 = arith.remsi %add3A_1096, %select_n3A_1130 : i32
      %ne3A_1132 = arith.constant 0 : i32
      %ne3A_1133 = arith.cmpi ne, %rem3A_1131, %ne3A_1132 : i32
      %lt3A_1134 = arith.constant 0 : i32
      %lt3A_1135 = arith.cmpi slt, %rem3A_1131, %lt3A_1134 : i32
      %lt3A_1136 = arith.constant 0 : i32
      %lt3A_1137 = arith.cmpi slt, %select_n3A_1130, %lt3A_1136 : i32
      %ne3A_1138 = arith.xori %lt3A_1135, %lt3A_1137 : i1
      %and3A_1139 = arith.andi %ne3A_1138, %ne3A_1133 : i1
      %add3A_1140 = arith.addi %rem3A_1131, %select_n3A_1130 : i32
      %select_n3A_1141 = arith.select %and3A_1139, %add3A_1140, %rem3A_1131 : i32
      %mul3A_1142 = arith.constant 16 : i32
      %mul3A_1143 = arith.muli %select_n3A_1141, %mul3A_1142 : i32
      %get3A_1144 = arith.index_cast %select_n3A_1125 : i32 to index
      %get3A_1145 = arith.index_cast %mul3A_1143 : i32 to index
      %get3A_1146 = tpu.vector_load %arg6[%get3A_1144, %get3A_1145] {strides = array<i32>} : memref<128x128xf32, #tpu.memory_space<vmem>>, vector<16xf32>,
      %slice3A_1147 = vector.extract_strided_slice %get3A_1146 {offsets = [0], sizes = [1], strides = [1]} : vector<16xf32> to vector<1xf32>
      %squeeze3A_1148 = vector.extract %slice3A_1147[0] : f32 from vector<1xf32>
      %mul3A_1149 = vector.broadcast %squeeze3A_1148 : f32 to vector<16xf32>
      %mul3A_1150 = arith.mulf %gather3A_1100, %mul3A_1149 : vector<16xf32>
      %add3A_1151 = arith.addf %add3A_969, %mul3A_1150 : vector<16xf32>
      %mul3A_1152 = vector.broadcast %squeeze3A_1148 : f32 to vector<16xf32>
      %mul3A_1153 = arith.mulf %gather3A_1101, %mul3A_1152 : vector<16xf32>
      %add3A_1154 = arith.addf %add3A_972, %mul3A_1153 : vector<16xf32>
      %slice3A_1155 = vector.extract_strided_slice %get3A_1146 {offsets = [1], sizes = [1], strides = [1]} : vector<16xf32> to vector<1xf32>
      %squeeze3A_1156 = vector.extract %slice3A_1155[0] : f32 from vector<1xf32>
      %mul3A_1157 = vector.broadcast %squeeze3A_1156 : f32 to vector<16xf32>
      %mul3A_1158 = arith.mulf %gather3A_1100, %mul3A_1157 : vector<16xf32>
      %add3A_1159 = arith.addf %add3A_977, %mul3A_1158 : vector<16xf32>
      %mul3A_1160 = vector.broadcast %squeeze3A_1156 : f32 to vector<16xf32>
      %mul3A_1161 = arith.mulf %gather3A_1101, %mul3A_1160 : vector<16xf32>
      %add3A_1162 = arith.addf %add3A_980, %mul3A_1161 : vector<16xf32>
      %slice3A_1163 = vector.extract_strided_slice %get3A_1146 {offsets = [2], sizes = [1], strides = [1]} : vector<16xf32> to vector<1xf32>
      %squeeze3A_1164 = vector.extract %slice3A_1163[0] : f32 from vector<1xf32>
      %mul3A_1165 = vector.broadcast %squeeze3A_1164 : f32 to vector<16xf32>
      %mul3A_1166 = arith.mulf %gather3A_1100, %mul3A_1165 : vector<16xf32>
      %add3A_1167 = arith.addf %add3A_985, %mul3A_1166 : vector<16xf32>
      %mul3A_1168 = vector.broadcast %squeeze3A_1164 : f32 to vector<16xf32>
      %mul3A_1169 = arith.mulf %gather3A_1101, %mul3A_1168 : vector<16xf32>
      %add3A_1170 = arith.addf %add3A_988, %mul3A_1169 : vector<16xf32>
      %slice3A_1171 = vector.extract_strided_slice %get3A_1146 {offsets = [3], sizes = [1], strides = [1]} : vector<16xf32> to vector<1xf32>
      %squeeze3A_1172 = vector.extract %slice3A_1171[0] : f32 from vector<1xf32>
      %mul3A_1173 = vector.broadcast %squeeze3A_1172 : f32 to vector<16xf32>
      %mul3A_1174 = arith.mulf %gather3A_1100, %mul3A_1173 : vector<16xf32>
      %add3A_1175 = arith.addf %add3A_993, %mul3A_1174 : vector<16xf32>
      %mul3A_1176 = vector.broadcast %squeeze3A_1172 : f32 to vector<16xf32>
      %mul3A_1177 = arith.mulf %gather3A_1101, %mul3A_1176 : vector<16xf32>
      %add3A_1178 = arith.addf %add3A_996, %mul3A_1177 : vector<16xf32>
      %slice3A_1179 = vector.extract_strided_slice %get3A_1146 {offsets = [4], sizes = [1], strides = [1]} : vector<16xf32> to vector<1xf32>
      %squeeze3A_1180 = vector.extract %slice3A_1179[0] : f32 from vector<1xf32>
      %mul3A_1181 = vector.broadcast %squeeze3A_1180 : f32 to vector<16xf32>
      %mul3A_1182 = arith.mulf %gather3A_1100, %mul3A_1181 : vector<16xf32>
      %add3A_1183 = arith.addf %add3A_1001, %mul3A_1182 : vector<16xf32>
      %mul3A_1184 = vector.broadcast %squeeze3A_1180 : f32 to vector<16xf32>
      %mul3A_1185 = arith.mulf %gather3A_1101, %mul3A_1184 : vector<16xf32>
      %add3A_1186 = arith.addf %add3A_1004, %mul3A_1185 : vector<16xf32>
      %slice3A_1187 = vector.extract_strided_slice %get3A_1146 {offsets = [5], sizes = [1], strides = [1]} : vector<16xf32> to vector<1xf32>
      %squeeze3A_1188 = vector.extract %slice3A_1187[0] : f32 from vector<1xf32>
      %mul3A_1189 = vector.broadcast %squeeze3A_1188 : f32 to vector<16xf32>
      %mul3A_1190 = arith.mulf %gather3A_1100, %mul3A_1189 : vector<16xf32>
      %add3A_1191 = arith.addf %add3A_1009, %mul3A_1190 : vector<16xf32>
      %mul3A_1192 = vector.broadcast %squeeze3A_1188 : f32 to vector<16xf32>
      %mul3A_1193 = arith.mulf %gather3A_1101, %mul3A_1192 : vector<16xf32>
      %add3A_1194 = arith.addf %add3A_1012, %mul3A_1193 : vector<16xf32>
      %slice3A_1195 = vector.extract_strided_slice %get3A_1146 {offsets = [6], sizes = [1], strides = [1]} : vector<16xf32> to vector<1xf32>
      %squeeze3A_1196 = vector.extract %slice3A_1195[0] : f32 from vector<1xf32>
      %mul3A_1197 = vector.broadcast %squeeze3A_1196 : f32 to vector<16xf32>
      %mul3A_1198 = arith.mulf %gather3A_1100, %mul3A_1197 : vector<16xf32>
      %add3A_1199 = arith.addf %add3A_1017, %mul3A_1198 : vector<16xf32>
      %mul3A_1200 = vector.broadcast %squeeze3A_1196 : f32 to vector<16xf32>
      %mul3A_1201 = arith.mulf %gather3A_1101, %mul3A_1200 : vector<16xf32>
      %add3A_1202 = arith.addf %add3A_1020, %mul3A_1201 : vector<16xf32>
      %slice3A_1203 = vector.extract_strided_slice %get3A_1146 {offsets = [7], sizes = [1], strides = [1]} : vector<16xf32> to vector<1xf32>
      %squeeze3A_1204 = vector.extract %slice3A_1203[0] : f32 from vector<1xf32>
      %mul3A_1205 = vector.broadcast %squeeze3A_1204 : f32 to vector<16xf32>
      %mul3A_1206 = arith.mulf %gather3A_1100, %mul3A_1205 : vector<16xf32>
      %add3A_1207 = arith.addf %add3A_1025, %mul3A_1206 : vector<16xf32>
      %mul3A_1208 = vector.broadcast %squeeze3A_1204 : f32 to vector<16xf32>
      %mul3A_1209 = arith.mulf %gather3A_1101, %mul3A_1208 : vector<16xf32>
      %add3A_1210 = arith.addf %add3A_1028, %mul3A_1209 : vector<16xf32>
      %slice3A_1211 = vector.extract_strided_slice %get3A_1146 {offsets = [8], sizes = [1], strides = [1]} : vector<16xf32> to vector<1xf32>
      %squeeze3A_1212 = vector.extract %slice3A_1211[0] : f32 from vector<1xf32>
      %mul3A_1213 = vector.broadcast %squeeze3A_1212 : f32 to vector<16xf32>
      %mul3A_1214 = arith.mulf %gather3A_1100, %mul3A_1213 : vector<16xf32>
      %add3A_1215 = arith.addf %add3A_1033, %mul3A_1214 : vector<16xf32>
      %mul3A_1216 = vector.broadcast %squeeze3A_1212 : f32 to vector<16xf32>
      %mul3A_1217 = arith.mulf %gather3A_1101, %mul3A_1216 : vector<16xf32>
      %add3A_1218 = arith.addf %add3A_1036, %mul3A_1217 : vector<16xf32>
      %slice3A_1219 = vector.extract_strided_slice %get3A_1146 {offsets = [9], sizes = [1], strides = [1]} : vector<16xf32> to vector<1xf32>
      %squeeze3A_1220 = vector.extract %slice3A_1219[0] : f32 from vector<1xf32>
      %mul3A_1221 = vector.broadcast %squeeze3A_1220 : f32 to vector<16xf32>
      %mul3A_1222 = arith.mulf %gather3A_1100, %mul3A_1221 : vector<16xf32>
      %add3A_1223 = arith.addf %add3A_1041, %mul3A_1222 : vector<16xf32>
      %mul3A_1224 = vector.broadcast %squeeze3A_1220 : f32 to vector<16xf32>
      %mul3A_1225 = arith.mulf %gather3A_1101, %mul3A_1224 : vector<16xf32>
      %add3A_1226 = arith.addf %add3A_1044, %mul3A_1225 : vector<16xf32>
      %slice3A_1227 = vector.extract_strided_slice %get3A_1146 {offsets = [10], sizes = [1], strides = [1]} : vector<16xf32> to vector<1xf32>
      %squeeze3A_1228 = vector.extract %slice3A_1227[0] : f32 from vector<1xf32>
      %mul3A_1229 = vector.broadcast %squeeze3A_1228 : f32 to vector<16xf32>
      %mul3A_1230 = arith.mulf %gather3A_1100, %mul3A_1229 : vector<16xf32>
      %add3A_1231 = arith.addf %add3A_1049, %mul3A_1230 : vector<16xf32>
      %mul3A_1232 = vector.broadcast %squeeze3A_1228 : f32 to vector<16xf32>
      %mul3A_1233 = arith.mulf %gather3A_1101, %mul3A_1232 : vector<16xf32>
      %add3A_1234 = arith.addf %add3A_1052, %mul3A_1233 : vector<16xf32>
      %slice3A_1235 = vector.extract_strided_slice %get3A_1146 {offsets = [11], sizes = [1], strides = [1]} : vector<16xf32> to vector<1xf32>
      %squeeze3A_1236 = vector.extract %slice3A_1235[0] : f32 from vector<1xf32>
      %mul3A_1237 = vector.broadcast %squeeze3A_1236 : f32 to vector<16xf32>
      %mul3A_1238 = arith.mulf %gather3A_1100, %mul3A_1237 : vector<16xf32>
      %add3A_1239 = arith.addf %add3A_1057, %mul3A_1238 : vector<16xf32>
      %mul3A_1240 = vector.broadcast %squeeze3A_1236 : f32 to vector<16xf32>
      %mul3A_1241 = arith.mulf %gather3A_1101, %mul3A_1240 : vector<16xf32>
      %add3A_1242 = arith.addf %add3A_1060, %mul3A_1241 : vector<16xf32>
      %slice3A_1243 = vector.extract_strided_slice %get3A_1146 {offsets = [12], sizes = [1], strides = [1]} : vector<16xf32> to vector<1xf32>
      %squeeze3A_1244 = vector.extract %slice3A_1243[0] : f32 from vector<1xf32>
      %mul3A_1245 = vector.broadcast %squeeze3A_1244 : f32 to vector<16xf32>
      %mul3A_1246 = arith.mulf %gather3A_1100, %mul3A_1245 : vector<16xf32>
      %add3A_1247 = arith.addf %add3A_1065, %mul3A_1246 : vector<16xf32>
      %mul3A_1248 = vector.broadcast %squeeze3A_1244 : f32 to vector<16xf32>
      %mul3A_1249 = arith.mulf %gather3A_1101, %mul3A_1248 : vector<16xf32>
      %add3A_1250 = arith.addf %add3A_1068, %mul3A_1249 : vector<16xf32>
      %slice3A_1251 = vector.extract_strided_slice %get3A_1146 {offsets = [13], sizes = [1], strides = [1]} : vector<16xf32> to vector<1xf32>
      %squeeze3A_1252 = vector.extract %slice3A_1251[0] : f32 from vector<1xf32>
      %mul3A_1253 = vector.broadcast %squeeze3A_1252 : f32 to vector<16xf32>
      %mul3A_1254 = arith.mulf %gather3A_1100, %mul3A_1253 : vector<16xf32>
      %add3A_1255 = arith.addf %add3A_1073, %mul3A_1254 : vector<16xf32>
      %mul3A_1256 = vector.broadcast %squeeze3A_1252 : f32 to vector<16xf32>
      %mul3A_1257 = arith.mulf %gather3A_1101, %mul3A_1256 : vector<16xf32>
      %add3A_1258 = arith.addf %add3A_1076, %mul3A_1257 : vector<16xf32>
      %slice3A_1259 = vector.extract_strided_slice %get3A_1146 {offsets = [14], sizes = [1], strides = [1]} : vector<16xf32> to vector<1xf32>
      %squeeze3A_1260 = vector.extract %slice3A_1259[0] : f32 from vector<1xf32>
      %mul3A_1261 = vector.broadcast %squeeze3A_1260 : f32 to vector<16xf32>
      %mul3A_1262 = arith.mulf %gather3A_1100, %mul3A_1261 : vector<16xf32>
      %add3A_1263 = arith.addf %add3A_1081, %mul3A_1262 : vector<16xf32>
      %mul3A_1264 = vector.broadcast %squeeze3A_1260 : f32 to vector<16xf32>
      %mul3A_1265 = arith.mulf %gather3A_1101, %mul3A_1264 : vector<16xf32>
      %add3A_1266 = arith.addf %add3A_1084, %mul3A_1265 : vector<16xf32>
      %slice3A_1267 = vector.extract_strided_slice %get3A_1146 {offsets = [15], sizes = [1], strides = [1]} : vector<16xf32> to vector<1xf32>
      %squeeze3A_1268 = vector.extract %slice3A_1267[0] : f32 from vector<1xf32>
      %mul3A_1269 = vector.broadcast %squeeze3A_1268 : f32 to vector<16xf32>
      %mul3A_1270 = arith.mulf %gather3A_1100, %mul3A_1269 : vector<16xf32>
      %add3A_1271 = arith.addf %add3A_1089, %mul3A_1270 : vector<16xf32>
      %mul3A_1272 = vector.broadcast %squeeze3A_1268 : f32 to vector<16xf32>
      %mul3A_1273 = arith.mulf %gather3A_1101, %mul3A_1272 : vector<16xf32>
      %add3A_1274 = arith.addf %add3A_1092, %mul3A_1273 : vector<16xf32>
      scf.yield %add3A_1151, %add3A_1154, %add3A_1159, %add3A_1162, %add3A_1167, %add3A_1170, %add3A_1175, %add3A_1178, %add3A_1183, %add3A_1186, %add3A_1191, %add3A_1194, %add3A_1199, %add3A_1202, %add3A_1207, %add3A_1210, %add3A_1215, %add3A_1218, %add3A_1223, %add3A_1226, %add3A_1231, %add3A_1234, %add3A_1239, %add3A_1242, %add3A_1247, %add3A_1250, %add3A_1255, %add3A_1258, %add3A_1263, %add3A_1266, %add3A_1271, %add3A_1274 : vector<16xf32>, vector<16xf32>, vector<16xf32>, vector<16xf32>, vector<16xf32>, vector<16xf32>, vector<16xf32>, vector<16xf32>, vector<16xf32>, vector<16xf32>, vector<16xf32>, vector<16xf32>, vector<16xf32>, vector<16xf32>, vector<16xf32>, vector<16xf32>, vector<16xf32>, vector<16xf32>, vector<16xf32>, vector<16xf32>, vector<16xf32>, vector<16xf32>, vector<16xf32>, vector<16xf32>, vector<16xf32>, vector<16xf32>, vector<16xf32>, vector<16xf32>, vector<16xf32>, vector<16xf32>, vector<16xf32>, vector<16xf32>
    }
    %scan3A_650 = arith.constant 512 : i32
    %max3A_651 = arith.maximumf %scan3A_649#0, %scan3A_649#2 : vector<16xf32>
    %max3A_652 = arith.maximumf %max3A_651, %scan3A_649#4 : vector<16xf32>
    %max3A_653 = arith.maximumf %max3A_652, %scan3A_649#6 : vector<16xf32>
    %max3A_654 = arith.maximumf %max3A_653, %scan3A_649#8 : vector<16xf32>
    %max3A_655 = arith.maximumf %max3A_654, %scan3A_649#10 : vector<16xf32>
    %max3A_656 = arith.maximumf %max3A_655, %scan3A_649#12 : vector<16xf32>
    %max3A_657 = arith.maximumf %max3A_656, %scan3A_649#14 : vector<16xf32>
    %max3A_658 = arith.maximumf %max3A_657, %scan3A_649#16 : vector<16xf32>
    %max3A_659 = arith.maximumf %max3A_658, %scan3A_649#18 : vector<16xf32>
    %max3A_660 = arith.maximumf %max3A_659, %scan3A_649#20 : vector<16xf32>
    %max3A_661 = arith.maximumf %max3A_660, %scan3A_649#22 : vector<16xf32>
    %max3A_662 = arith.maximumf %max3A_661, %scan3A_649#24 : vector<16xf32>
    %max3A_663 = arith.maximumf %max3A_662, %scan3A_649#26 : vector<16xf32>
    %max3A_664 = arith.maximumf %max3A_663, %scan3A_649#28 : vector<16xf32>
    %max3A_665 = arith.maximumf %max3A_664, %scan3A_649#30 : vector<16xf32>
    %sub3A_666 = arith.subf %scan3A_649#0, %max3A_665 : vector<16xf32>
    %exp3A_667 = math.exp %sub3A_666 : vector<16xf32>
    %sub3A_668 = arith.subf %scan3A_649#2, %max3A_665 : vector<16xf32>
    %exp3A_669 = math.exp %sub3A_668 : vector<16xf32>
    %sub3A_670 = arith.subf %scan3A_649#4, %max3A_665 : vector<16xf32>
    %exp3A_671 = math.exp %sub3A_670 : vector<16xf32>
    %sub3A_672 = arith.subf %scan3A_649#6, %max3A_665 : vector<16xf32>
    %exp3A_673 = math.exp %sub3A_672 : vector<16xf32>
    %sub3A_674 = arith.subf %scan3A_649#8, %max3A_665 : vector<16xf32>
    %exp3A_675 = math.exp %sub3A_674 : vector<16xf32>
    %sub3A_676 = arith.subf %scan3A_649#10, %max3A_665 : vector<16xf32>
    %exp3A_677 = math.exp %sub3A_676 : vector<16xf32>
    %sub3A_678 = arith.subf %scan3A_649#12, %max3A_665 : vector<16xf32>
    %exp3A_679 = math.exp %sub3A_678 : vector<16xf32>
    %sub3A_680 = arith.subf %scan3A_649#14, %max3A_665 : vector<16xf32>
    %exp3A_681 = math.exp %sub3A_680 : vector<16xf32>
    %sub3A_682 = arith.subf %scan3A_649#16, %max3A_665 : vector<16xf32>
    %exp3A_683 = math.exp %sub3A_682 : vector<16xf32>
    %sub3A_684 = arith.subf %scan3A_649#18, %max3A_665 : vector<16xf32>
    %exp3A_685 = math.exp %sub3A_684 : vector<16xf32>
    %sub3A_686 = arith.subf %scan3A_649#20, %max3A_665 : vector<16xf32>
    %exp3A_687 = math.exp %sub3A_686 : vector<16xf32>
    %sub3A_688 = arith.subf %scan3A_649#22, %max3A_665 : vector<16xf32>
    %exp3A_689 = math.exp %sub3A_688 : vector<16xf32>
    %sub3A_690 = arith.subf %scan3A_649#24, %max3A_665 : vector<16xf32>
    %exp3A_691 = math.exp %sub3A_690 : vector<16xf32>
    %sub3A_692 = arith.subf %scan3A_649#26, %max3A_665 : vector<16xf32>
    %exp3A_693 = math.exp %sub3A_692 : vector<16xf32>
    %sub3A_694 = arith.subf %scan3A_649#28, %max3A_665 : vector<16xf32>
    %exp3A_695 = math.exp %sub3A_694 : vector<16xf32>
    %sub3A_696 = arith.subf %scan3A_649#30, %max3A_665 : vector<16xf32>
    %exp3A_697 = math.exp %sub3A_696 : vector<16xf32>
    %add3A_698 = arith.addf %exp3A_667, %exp3A_669 : vector<16xf32>
    %add3A_699 = arith.addf %add3A_698, %exp3A_671 : vector<16xf32>
    %add3A_700 = arith.addf %add3A_699, %exp3A_673 : vector<16xf32>
    %add3A_701 = arith.addf %add3A_700, %exp3A_675 : vector<16xf32>
    %add3A_702 = arith.addf %add3A_701, %exp3A_677 : vector<16xf32>
    %add3A_703 = arith.addf %add3A_702, %exp3A_679 : vector<16xf32>
    %add3A_704 = arith.addf %add3A_703, %exp3A_681 : vector<16xf32>
    %add3A_705 = arith.addf %add3A_704, %exp3A_683 : vector<16xf32>
    %add3A_706 = arith.addf %add3A_705, %exp3A_685 : vector<16xf32>
    %add3A_707 = arith.addf %add3A_706, %exp3A_687 : vector<16xf32>
    %add3A_708 = arith.addf %add3A_707, %exp3A_689 : vector<16xf32>
    %add3A_709 = arith.addf %add3A_708, %exp3A_691 : vector<16xf32>
    %add3A_710 = arith.addf %add3A_709, %exp3A_693 : vector<16xf32>
    %add3A_711 = arith.addf %add3A_710, %exp3A_695 : vector<16xf32>
    %add3A_712 = arith.addf %add3A_711, %exp3A_697 : vector<16xf32>
    %div3A_713 = arith.constant 1.000000e+00 : f32
    %div3A_714 = vector.broadcast %div3A_713 : f32 to vector<16xf32>
    %div3A_715 = arith.divf %div3A_714, %add3A_712 : vector<16xf32>
    %iota3A_716 = tpu.iota {dimensions = array<i32: 0>} : vector<16xi32>
    %add3A_717 = arith.constant 32 : i32
    %add3A_718 = vector.broadcast %add3A_717 : i32 to vector<16xi32>
    %add3A_719 = arith.addi %iota3A_716, %add3A_718 : vector<16xi32>
    %broadcast_in_dim3A_720 = arith.constant 0 : i32
    %broadcast_in_dim3A_721 = vector.broadcast %broadcast_in_dim3A_720 : i32 to vector<16xi32>
    %mul3A_722 = arith.mulf %exp3A_667, %div3A_715 : vector<16xf32>
    tpu.vector_store_idx %arg8[%add3A_719, %broadcast_in_dim3A_721], %mul3A_722 : memref<64x16xf32, #tpu.memory_space<vmem>>[vector<16xi32>, vector<16xi32>], vector<16xf32>,
    %broadcast_in_dim3A_723 = arith.constant 1 : i32
    %broadcast_in_dim3A_724 = vector.broadcast %broadcast_in_dim3A_723 : i32 to vector<16xi32>
    %mul3A_725 = arith.mulf %exp3A_669, %div3A_715 : vector<16xf32>
    tpu.vector_store_idx %arg8[%add3A_719, %broadcast_in_dim3A_724], %mul3A_725 : memref<64x16xf32, #tpu.memory_space<vmem>>[vector<16xi32>, vector<16xi32>], vector<16xf32>,
    %broadcast_in_dim3A_726 = arith.constant 2 : i32
    %broadcast_in_dim3A_727 = vector.broadcast %broadcast_in_dim3A_726 : i32 to vector<16xi32>
    %mul3A_728 = arith.mulf %exp3A_671, %div3A_715 : vector<16xf32>
    tpu.vector_store_idx %arg8[%add3A_719, %broadcast_in_dim3A_727], %mul3A_728 : memref<64x16xf32, #tpu.memory_space<vmem>>[vector<16xi32>, vector<16xi32>], vector<16xf32>,
    %broadcast_in_dim3A_729 = arith.constant 3 : i32
    %broadcast_in_dim3A_730 = vector.broadcast %broadcast_in_dim3A_729 : i32 to vector<16xi32>
    %mul3A_731 = arith.mulf %exp3A_673, %div3A_715 : vector<16xf32>
    tpu.vector_store_idx %arg8[%add3A_719, %broadcast_in_dim3A_730], %mul3A_731 : memref<64x16xf32, #tpu.memory_space<vmem>>[vector<16xi32>, vector<16xi32>], vector<16xf32>,
    %broadcast_in_dim3A_732 = arith.constant 4 : i32
    %broadcast_in_dim3A_733 = vector.broadcast %broadcast_in_dim3A_732 : i32 to vector<16xi32>
    %mul3A_734 = arith.mulf %exp3A_675, %div3A_715 : vector<16xf32>
    tpu.vector_store_idx %arg8[%add3A_719, %broadcast_in_dim3A_733], %mul3A_734 : memref<64x16xf32, #tpu.memory_space<vmem>>[vector<16xi32>, vector<16xi32>], vector<16xf32>,
    %broadcast_in_dim3A_735 = arith.constant 5 : i32
    %broadcast_in_dim3A_736 = vector.broadcast %broadcast_in_dim3A_735 : i32 to vector<16xi32>
    %mul3A_737 = arith.mulf %exp3A_677, %div3A_715 : vector<16xf32>
    tpu.vector_store_idx %arg8[%add3A_719, %broadcast_in_dim3A_736], %mul3A_737 : memref<64x16xf32, #tpu.memory_space<vmem>>[vector<16xi32>, vector<16xi32>], vector<16xf32>,
    %broadcast_in_dim3A_738 = arith.constant 6 : i32
    %broadcast_in_dim3A_739 = vector.broadcast %broadcast_in_dim3A_738 : i32 to vector<16xi32>
    %mul3A_740 = arith.mulf %exp3A_679, %div3A_715 : vector<16xf32>
    tpu.vector_store_idx %arg8[%add3A_719, %broadcast_in_dim3A_739], %mul3A_740 : memref<64x16xf32, #tpu.memory_space<vmem>>[vector<16xi32>, vector<16xi32>], vector<16xf32>,
    %broadcast_in_dim3A_741 = arith.constant 7 : i32
    %broadcast_in_dim3A_742 = vector.broadcast %broadcast_in_dim3A_741 : i32 to vector<16xi32>
    %mul3A_743 = arith.mulf %exp3A_681, %div3A_715 : vector<16xf32>
    tpu.vector_store_idx %arg8[%add3A_719, %broadcast_in_dim3A_742], %mul3A_743 : memref<64x16xf32, #tpu.memory_space<vmem>>[vector<16xi32>, vector<16xi32>], vector<16xf32>,
    %broadcast_in_dim3A_744 = arith.constant 8 : i32
    %broadcast_in_dim3A_745 = vector.broadcast %broadcast_in_dim3A_744 : i32 to vector<16xi32>
    %mul3A_746 = arith.mulf %exp3A_683, %div3A_715 : vector<16xf32>
    tpu.vector_store_idx %arg8[%add3A_719, %broadcast_in_dim3A_745], %mul3A_746 : memref<64x16xf32, #tpu.memory_space<vmem>>[vector<16xi32>, vector<16xi32>], vector<16xf32>,
    %broadcast_in_dim3A_747 = arith.constant 9 : i32
    %broadcast_in_dim3A_748 = vector.broadcast %broadcast_in_dim3A_747 : i32 to vector<16xi32>
    %mul3A_749 = arith.mulf %exp3A_685, %div3A_715 : vector<16xf32>
    tpu.vector_store_idx %arg8[%add3A_719, %broadcast_in_dim3A_748], %mul3A_749 : memref<64x16xf32, #tpu.memory_space<vmem>>[vector<16xi32>, vector<16xi32>], vector<16xf32>,
    %broadcast_in_dim3A_750 = arith.constant 10 : i32
    %broadcast_in_dim3A_751 = vector.broadcast %broadcast_in_dim3A_750 : i32 to vector<16xi32>
    %mul3A_752 = arith.mulf %exp3A_687, %div3A_715 : vector<16xf32>
    tpu.vector_store_idx %arg8[%add3A_719, %broadcast_in_dim3A_751], %mul3A_752 : memref<64x16xf32, #tpu.memory_space<vmem>>[vector<16xi32>, vector<16xi32>], vector<16xf32>,
    %broadcast_in_dim3A_753 = arith.constant 11 : i32
    %broadcast_in_dim3A_754 = vector.broadcast %broadcast_in_dim3A_753 : i32 to vector<16xi32>
    %mul3A_755 = arith.mulf %exp3A_689, %div3A_715 : vector<16xf32>
    tpu.vector_store_idx %arg8[%add3A_719, %broadcast_in_dim3A_754], %mul3A_755 : memref<64x16xf32, #tpu.memory_space<vmem>>[vector<16xi32>, vector<16xi32>], vector<16xf32>,
    %broadcast_in_dim3A_756 = arith.constant 12 : i32
    %broadcast_in_dim3A_757 = vector.broadcast %broadcast_in_dim3A_756 : i32 to vector<16xi32>
    %mul3A_758 = arith.mulf %exp3A_691, %div3A_715 : vector<16xf32>
    tpu.vector_store_idx %arg8[%add3A_719, %broadcast_in_dim3A_757], %mul3A_758 : memref<64x16xf32, #tpu.memory_space<vmem>>[vector<16xi32>, vector<16xi32>], vector<16xf32>,
    %broadcast_in_dim3A_759 = arith.constant 13 : i32
    %broadcast_in_dim3A_760 = vector.broadcast %broadcast_in_dim3A_759 : i32 to vector<16xi32>
    %mul3A_761 = arith.mulf %exp3A_693, %div3A_715 : vector<16xf32>
    tpu.vector_store_idx %arg8[%add3A_719, %broadcast_in_dim3A_760], %mul3A_761 : memref<64x16xf32, #tpu.memory_space<vmem>>[vector<16xi32>, vector<16xi32>], vector<16xf32>,
    %broadcast_in_dim3A_762 = arith.constant 14 : i32
    %broadcast_in_dim3A_763 = vector.broadcast %broadcast_in_dim3A_762 : i32 to vector<16xi32>
    %mul3A_764 = arith.mulf %exp3A_695, %div3A_715 : vector<16xf32>
    tpu.vector_store_idx %arg8[%add3A_719, %broadcast_in_dim3A_763], %mul3A_764 : memref<64x16xf32, #tpu.memory_space<vmem>>[vector<16xi32>, vector<16xi32>], vector<16xf32>,
    %broadcast_in_dim3A_765 = arith.constant 15 : i32
    %broadcast_in_dim3A_766 = vector.broadcast %broadcast_in_dim3A_765 : i32 to vector<16xi32>
    %mul3A_767 = arith.mulf %exp3A_697, %div3A_715 : vector<16xf32>
    tpu.vector_store_idx %arg8[%add3A_719, %broadcast_in_dim3A_766], %mul3A_767 : memref<64x16xf32, #tpu.memory_space<vmem>>[vector<16xi32>, vector<16xi32>], vector<16xf32>,
    %max3A_768 = arith.maximumf %scan3A_649#1, %scan3A_649#3 : vector<16xf32>
    %max3A_769 = arith.maximumf %max3A_768, %scan3A_649#5 : vector<16xf32>
    %max3A_770 = arith.maximumf %max3A_769, %scan3A_649#7 : vector<16xf32>
    %max3A_771 = arith.maximumf %max3A_770, %scan3A_649#9 : vector<16xf32>
    %max3A_772 = arith.maximumf %max3A_771, %scan3A_649#11 : vector<16xf32>
    %max3A_773 = arith.maximumf %max3A_772, %scan3A_649#13 : vector<16xf32>
    %max3A_774 = arith.maximumf %max3A_773, %scan3A_649#15 : vector<16xf32>
    %max3A_775 = arith.maximumf %max3A_774, %scan3A_649#17 : vector<16xf32>
    %max3A_776 = arith.maximumf %max3A_775, %scan3A_649#19 : vector<16xf32>
    %max3A_777 = arith.maximumf %max3A_776, %scan3A_649#21 : vector<16xf32>
    %max3A_778 = arith.maximumf %max3A_777, %scan3A_649#23 : vector<16xf32>
    %max3A_779 = arith.maximumf %max3A_778, %scan3A_649#25 : vector<16xf32>
    %max3A_780 = arith.maximumf %max3A_779, %scan3A_649#27 : vector<16xf32>
    %max3A_781 = arith.maximumf %max3A_780, %scan3A_649#29 : vector<16xf32>
    %max3A_782 = arith.maximumf %max3A_781, %scan3A_649#31 : vector<16xf32>
    %sub3A_783 = arith.subf %scan3A_649#1, %max3A_782 : vector<16xf32>
    %exp3A_784 = math.exp %sub3A_783 : vector<16xf32>
    %sub3A_785 = arith.subf %scan3A_649#3, %max3A_782 : vector<16xf32>
    %exp3A_786 = math.exp %sub3A_785 : vector<16xf32>
    %sub3A_787 = arith.subf %scan3A_649#5, %max3A_782 : vector<16xf32>
    %exp3A_788 = math.exp %sub3A_787 : vector<16xf32>
    %sub3A_789 = arith.subf %scan3A_649#7, %max3A_782 : vector<16xf32>
    %exp3A_790 = math.exp %sub3A_789 : vector<16xf32>
    %sub3A_791 = arith.subf %scan3A_649#9, %max3A_782 : vector<16xf32>
    %exp3A_792 = math.exp %sub3A_791 : vector<16xf32>
    %sub3A_793 = arith.subf %scan3A_649#11, %max3A_782 : vector<16xf32>
    %exp3A_794 = math.exp %sub3A_793 : vector<16xf32>
    %sub3A_795 = arith.subf %scan3A_649#13, %max3A_782 : vector<16xf32>
    %exp3A_796 = math.exp %sub3A_795 : vector<16xf32>
    %sub3A_797 = arith.subf %scan3A_649#15, %max3A_782 : vector<16xf32>
    %exp3A_798 = math.exp %sub3A_797 : vector<16xf32>
    %sub3A_799 = arith.subf %scan3A_649#17, %max3A_782 : vector<16xf32>
    %exp3A_800 = math.exp %sub3A_799 : vector<16xf32>
    %sub3A_801 = arith.subf %scan3A_649#19, %max3A_782 : vector<16xf32>
    %exp3A_802 = math.exp %sub3A_801 : vector<16xf32>
    %sub3A_803 = arith.subf %scan3A_649#21, %max3A_782 : vector<16xf32>
    %exp3A_804 = math.exp %sub3A_803 : vector<16xf32>
    %sub3A_805 = arith.subf %scan3A_649#23, %max3A_782 : vector<16xf32>
    %exp3A_806 = math.exp %sub3A_805 : vector<16xf32>
    %sub3A_807 = arith.subf %scan3A_649#25, %max3A_782 : vector<16xf32>
    %exp3A_808 = math.exp %sub3A_807 : vector<16xf32>
    %sub3A_809 = arith.subf %scan3A_649#27, %max3A_782 : vector<16xf32>
    %exp3A_810 = math.exp %sub3A_809 : vector<16xf32>
    %sub3A_811 = arith.subf %scan3A_649#29, %max3A_782 : vector<16xf32>
    %exp3A_812 = math.exp %sub3A_811 : vector<16xf32>
    %sub3A_813 = arith.subf %scan3A_649#31, %max3A_782 : vector<16xf32>
    %exp3A_814 = math.exp %sub3A_813 : vector<16xf32>
    %add3A_815 = arith.addf %exp3A_784, %exp3A_786 : vector<16xf32>
    %add3A_816 = arith.addf %add3A_815, %exp3A_788 : vector<16xf32>
    %add3A_817 = arith.addf %add3A_816, %exp3A_790 : vector<16xf32>
    %add3A_818 = arith.addf %add3A_817, %exp3A_792 : vector<16xf32>
    %add3A_819 = arith.addf %add3A_818, %exp3A_794 : vector<16xf32>
    %add3A_820 = arith.addf %add3A_819, %exp3A_796 : vector<16xf32>
    %add3A_821 = arith.addf %add3A_820, %exp3A_798 : vector<16xf32>
    %add3A_822 = arith.addf %add3A_821, %exp3A_800 : vector<16xf32>
    %add3A_823 = arith.addf %add3A_822, %exp3A_802 : vector<16xf32>
    %add3A_824 = arith.addf %add3A_823, %exp3A_804 : vector<16xf32>
    %add3A_825 = arith.addf %add3A_824, %exp3A_806 : vector<16xf32>
    %add3A_826 = arith.addf %add3A_825, %exp3A_808 : vector<16xf32>
    %add3A_827 = arith.addf %add3A_826, %exp3A_810 : vector<16xf32>
    %add3A_828 = arith.addf %add3A_827, %exp3A_812 : vector<16xf32>
    %add3A_829 = arith.addf %add3A_828, %exp3A_814 : vector<16xf32>
    %div3A_830 = arith.constant 1.000000e+00 : f32
    %div3A_831 = vector.broadcast %div3A_830 : f32 to vector<16xf32>
    %div3A_832 = arith.divf %div3A_831, %add3A_829 : vector<16xf32>
    %iota3A_833 = tpu.iota {dimensions = array<i32: 0>} : vector<16xi32>
    %add3A_834 = arith.constant 48 : i32
    %add3A_835 = vector.broadcast %add3A_834 : i32 to vector<16xi32>
    %add3A_836 = arith.addi %iota3A_833, %add3A_835 : vector<16xi32>
    %broadcast_in_dim3A_837 = arith.constant 0 : i32
    %broadcast_in_dim3A_838 = vector.broadcast %broadcast_in_dim3A_837 : i32 to vector<16xi32>
    %mul3A_839 = arith.mulf %exp3A_784, %div3A_832 : vector<16xf32>
    tpu.vector_store_idx %arg8[%add3A_836, %broadcast_in_dim3A_838], %mul3A_839 : memref<64x16xf32, #tpu.memory_space<vmem>>[vector<16xi32>, vector<16xi32>], vector<16xf32>,
    %broadcast_in_dim3A_840 = arith.constant 1 : i32
    %broadcast_in_dim3A_841 = vector.broadcast %broadcast_in_dim3A_840 : i32 to vector<16xi32>
    %mul3A_842 = arith.mulf %exp3A_786, %div3A_832 : vector<16xf32>
    tpu.vector_store_idx %arg8[%add3A_836, %broadcast_in_dim3A_841], %mul3A_842 : memref<64x16xf32, #tpu.memory_space<vmem>>[vector<16xi32>, vector<16xi32>], vector<16xf32>,
    %broadcast_in_dim3A_843 = arith.constant 2 : i32
    %broadcast_in_dim3A_844 = vector.broadcast %broadcast_in_dim3A_843 : i32 to vector<16xi32>
    %mul3A_845 = arith.mulf %exp3A_788, %div3A_832 : vector<16xf32>
    tpu.vector_store_idx %arg8[%add3A_836, %broadcast_in_dim3A_844], %mul3A_845 : memref<64x16xf32, #tpu.memory_space<vmem>>[vector<16xi32>, vector<16xi32>], vector<16xf32>,
    %broadcast_in_dim3A_846 = arith.constant 3 : i32
    %broadcast_in_dim3A_847 = vector.broadcast %broadcast_in_dim3A_846 : i32 to vector<16xi32>
    %mul3A_848 = arith.mulf %exp3A_790, %div3A_832 : vector<16xf32>
    tpu.vector_store_idx %arg8[%add3A_836, %broadcast_in_dim3A_847], %mul3A_848 : memref<64x16xf32, #tpu.memory_space<vmem>>[vector<16xi32>, vector<16xi32>], vector<16xf32>,
    %broadcast_in_dim3A_849 = arith.constant 4 : i32
    %broadcast_in_dim3A_850 = vector.broadcast %broadcast_in_dim3A_849 : i32 to vector<16xi32>
    %mul3A_851 = arith.mulf %exp3A_792, %div3A_832 : vector<16xf32>
    tpu.vector_store_idx %arg8[%add3A_836, %broadcast_in_dim3A_850], %mul3A_851 : memref<64x16xf32, #tpu.memory_space<vmem>>[vector<16xi32>, vector<16xi32>], vector<16xf32>,
    %broadcast_in_dim3A_852 = arith.constant 5 : i32
    %broadcast_in_dim3A_853 = vector.broadcast %broadcast_in_dim3A_852 : i32 to vector<16xi32>
    %mul3A_854 = arith.mulf %exp3A_794, %div3A_832 : vector<16xf32>
    tpu.vector_store_idx %arg8[%add3A_836, %broadcast_in_dim3A_853], %mul3A_854 : memref<64x16xf32, #tpu.memory_space<vmem>>[vector<16xi32>, vector<16xi32>], vector<16xf32>,
    %broadcast_in_dim3A_855 = arith.constant 6 : i32
    %broadcast_in_dim3A_856 = vector.broadcast %broadcast_in_dim3A_855 : i32 to vector<16xi32>
    %mul3A_857 = arith.mulf %exp3A_796, %div3A_832 : vector<16xf32>
    tpu.vector_store_idx %arg8[%add3A_836, %broadcast_in_dim3A_856], %mul3A_857 : memref<64x16xf32, #tpu.memory_space<vmem>>[vector<16xi32>, vector<16xi32>], vector<16xf32>,
    %broadcast_in_dim3A_858 = arith.constant 7 : i32
    %broadcast_in_dim3A_859 = vector.broadcast %broadcast_in_dim3A_858 : i32 to vector<16xi32>
    %mul3A_860 = arith.mulf %exp3A_798, %div3A_832 : vector<16xf32>
    tpu.vector_store_idx %arg8[%add3A_836, %broadcast_in_dim3A_859], %mul3A_860 : memref<64x16xf32, #tpu.memory_space<vmem>>[vector<16xi32>, vector<16xi32>], vector<16xf32>,
    %broadcast_in_dim3A_861 = arith.constant 8 : i32
    %broadcast_in_dim3A_862 = vector.broadcast %broadcast_in_dim3A_861 : i32 to vector<16xi32>
    %mul3A_863 = arith.mulf %exp3A_800, %div3A_832 : vector<16xf32>
    tpu.vector_store_idx %arg8[%add3A_836, %broadcast_in_dim3A_862], %mul3A_863 : memref<64x16xf32, #tpu.memory_space<vmem>>[vector<16xi32>, vector<16xi32>], vector<16xf32>,
    %broadcast_in_dim3A_864 = arith.constant 9 : i32
    %broadcast_in_dim3A_865 = vector.broadcast %broadcast_in_dim3A_864 : i32 to vector<16xi32>
    %mul3A_866 = arith.mulf %exp3A_802, %div3A_832 : vector<16xf32>
    tpu.vector_store_idx %arg8[%add3A_836, %broadcast_in_dim3A_865], %mul3A_866 : memref<64x16xf32, #tpu.memory_space<vmem>>[vector<16xi32>, vector<16xi32>], vector<16xf32>,
    %broadcast_in_dim3A_867 = arith.constant 10 : i32
    %broadcast_in_dim3A_868 = vector.broadcast %broadcast_in_dim3A_867 : i32 to vector<16xi32>
    %mul3A_869 = arith.mulf %exp3A_804, %div3A_832 : vector<16xf32>
    tpu.vector_store_idx %arg8[%add3A_836, %broadcast_in_dim3A_868], %mul3A_869 : memref<64x16xf32, #tpu.memory_space<vmem>>[vector<16xi32>, vector<16xi32>], vector<16xf32>,
    %broadcast_in_dim3A_870 = arith.constant 11 : i32
    %broadcast_in_dim3A_871 = vector.broadcast %broadcast_in_dim3A_870 : i32 to vector<16xi32>
    %mul3A_872 = arith.mulf %exp3A_806, %div3A_832 : vector<16xf32>
    tpu.vector_store_idx %arg8[%add3A_836, %broadcast_in_dim3A_871], %mul3A_872 : memref<64x16xf32, #tpu.memory_space<vmem>>[vector<16xi32>, vector<16xi32>], vector<16xf32>,
    %broadcast_in_dim3A_873 = arith.constant 12 : i32
    %broadcast_in_dim3A_874 = vector.broadcast %broadcast_in_dim3A_873 : i32 to vector<16xi32>
    %mul3A_875 = arith.mulf %exp3A_808, %div3A_832 : vector<16xf32>
    tpu.vector_store_idx %arg8[%add3A_836, %broadcast_in_dim3A_874], %mul3A_875 : memref<64x16xf32, #tpu.memory_space<vmem>>[vector<16xi32>, vector<16xi32>], vector<16xf32>,
    %broadcast_in_dim3A_876 = arith.constant 13 : i32
    %broadcast_in_dim3A_877 = vector.broadcast %broadcast_in_dim3A_876 : i32 to vector<16xi32>
    %mul3A_878 = arith.mulf %exp3A_810, %div3A_832 : vector<16xf32>
    tpu.vector_store_idx %arg8[%add3A_836, %broadcast_in_dim3A_877], %mul3A_878 : memref<64x16xf32, #tpu.memory_space<vmem>>[vector<16xi32>, vector<16xi32>], vector<16xf32>,
    %broadcast_in_dim3A_879 = arith.constant 14 : i32
    %broadcast_in_dim3A_880 = vector.broadcast %broadcast_in_dim3A_879 : i32 to vector<16xi32>
    %mul3A_881 = arith.mulf %exp3A_812, %div3A_832 : vector<16xf32>
    tpu.vector_store_idx %arg8[%add3A_836, %broadcast_in_dim3A_880], %mul3A_881 : memref<64x16xf32, #tpu.memory_space<vmem>>[vector<16xi32>, vector<16xi32>], vector<16xf32>,
    %broadcast_in_dim3A_882 = arith.constant 15 : i32
    %broadcast_in_dim3A_883 = vector.broadcast %broadcast_in_dim3A_882 : i32 to vector<16xi32>
    %mul3A_884 = arith.mulf %exp3A_814, %div3A_832 : vector<16xf32>
    tpu.vector_store_idx %arg8[%add3A_836, %broadcast_in_dim3A_883], %mul3A_884 : memref<64x16xf32, #tpu.memory_space<vmem>>[vector<16xi32>, vector<16xi32>], vector<16xf32>,
    %mul3A_885 = arith.constant 64 : i32
    %mul3A_886 = arith.muli %add3A, %mul3A_885 : i32
    "tpu.region"() ({
      %run_scoped3A = tpu.sem_alloc : memref<!tpu.dma_semaphore, #tpu.memory_space<semaphore_mem>>
      %dma_start3A = arith.constant 0 : i32
      %dma_start3A_887 = tpu.memref_slice %arg5[%mul3A_886, %dma_start3A] : memref<2048x16xf32, #tpu.memory_space<hbm>> -> memref<64x16xf32, #tpu.memory_space<hbm>>
      %dma_start3A_888 = arith.constant 0 : i32
      %dma_start3A_889 = tpu.memref_slice %arg5[%mul3A_886, %dma_start3A_888] : memref<2048x16xf32, #tpu.memory_space<hbm>> -> memref<64x16xf32, #tpu.memory_space<hbm>>
      tpu.enqueue_dma source(%arg8 : memref<64x16xf32, #tpu.memory_space<vmem>>) target(%dma_start3A_889 : memref<64x16xf32, #tpu.memory_space<hbm>>) target_semaphore(%run_scoped3A : memref<!tpu.dma_semaphore, #tpu.memory_space<semaphore_mem>>)
      %dma_wait3A = arith.constant 0 : i32
      %dma_wait3A_890 = tpu.memref_slice %arg5[%mul3A_886, %dma_wait3A] : memref<2048x16xf32, #tpu.memory_space<hbm>> -> memref<64x16xf32, #tpu.memory_space<hbm>>
      %dma_wait3A_891 = arith.constant 0 : i32
      %dma_wait3A_892 = tpu.memref_slice %arg5[%mul3A_886, %dma_wait3A_891] : memref<2048x16xf32, #tpu.memory_space<hbm>> -> memref<64x16xf32, #tpu.memory_space<hbm>>
      tpu.wait_dma2 semaphore(%run_scoped3A : memref<!tpu.dma_semaphore, #tpu.memory_space<semaphore_mem>>) src(%arg8 : memref<64x16xf32, #tpu.memory_space<vmem>>) dst(%dma_wait3A_892 : memref<64x16xf32, #tpu.memory_space<hbm>>)
      tpu.yield
    }) : () -> ()
    return
  }
}

module attributes {stable_mosaic.version = 14 : i64} {
  func.func @_tc_gate(%arg0: i32, %arg1: memref<1024x2048xf32, #tpu.memory_space<vmem>>, %arg2: memref<2048x16xf32, #tpu.memory_space<vmem>>, %arg3: memref<1x16xf32, #tpu.memory_space<vmem>>, %arg4: memref<1024x16xf32, #tpu.memory_space<vmem>>) attributes {dimension_semantics = [#tpu.dimension_semantics<arbitrary>], iteration_bounds = array<i64: 14>, scalar_prefetch = 0 : i64, scratch_operands = 0 : i64, tpu.core_type = #tpu.core_type<tc>, window_params = [{transform_indices = @transform_0, window_bounds = array<i64: 1024, 2048>}, {pipeline_mode = #tpu.pipeline_mode<synchronous>, transform_indices = @transform_1, window_bounds = array<i64: 2048, 16>}, {pipeline_mode = #tpu.pipeline_mode<synchronous>, transform_indices = @transform_2, window_bounds = array<i64: 1, 16>}, {transform_indices = @transform_3, window_bounds = array<i64: 1024, 16>}]} {
    %get3A = arith.constant 0 : index
    %get3A_0 = arith.constant 0 : index
    %get3A_1 = vector.load %arg1[%get3A, %get3A_0] : memref<1024x2048xf32, #tpu.memory_space<vmem>>, vector<1024x2048xf32>
    %get3A_2 = arith.constant 0 : index
    %get3A_3 = arith.constant 0 : index
    %get3A_4 = vector.load %arg2[%get3A_2, %get3A_3] : memref<2048x16xf32, #tpu.memory_space<vmem>>, vector<2048x16xf32>
    %dot_general3A = arith.constant dense<0.000000e+00> : vector<1024x16xf32>
    %dot_general3A_5 = tpu.matmul %get3A_1, %get3A_4, %dot_general3A {dimension_numbers = #tpu.dot_dimension_numbers<[1], [0], [0], [1], [0, 0, 1, 1], [], []>, transpose_lhs_hint = false} : vector<1024x2048xf32>, vector<2048x16xf32>, vector<1024x16xf32> -> vector<1024x16xf32>
    %get3A_6 = arith.constant 0 : index
    %get3A_7 = arith.constant 0 : index
    %get3A_8 = vector.load %arg3[%get3A_6, %get3A_7] : memref<1x16xf32, #tpu.memory_space<vmem>>, vector<1x16xf32>
    %add3A = vector.broadcast %get3A_8 : vector<1x16xf32> to vector<1024x16xf32>
    %add3A_9 = arith.addf %dot_general3A_5, %add3A : vector<1024x16xf32>
    %reduce_max3A = arith.constant dense<0xFF800000> : vector<1024xf32>
    %reduce_max3A_10 = vector.multi_reduction <maximumf>, %add3A_9, %reduce_max3A [1] : vector<1024x16xf32> to vector<1024xf32>
    %broadcast_in_dim3A = vector.shape_cast %reduce_max3A_10 : vector<1024xf32> to vector<1024x1xf32>
    %sub3A = vector.broadcast %broadcast_in_dim3A : vector<1024x1xf32> to vector<1024x16xf32>
    %sub3A_11 = arith.subf %add3A_9, %sub3A : vector<1024x16xf32>
    %exp3A = math.exp %sub3A_11 : vector<1024x16xf32>
    %reduce_sum3A = arith.constant dense<0.000000e+00> : vector<1024xf32>
    %reduce_sum3A_12 = vector.multi_reduction <add>, %exp3A, %reduce_sum3A [1] : vector<1024x16xf32> to vector<1024xf32>
    %broadcast_in_dim3A_13 = vector.shape_cast %reduce_sum3A_12 : vector<1024xf32> to vector<1024x1xf32>
    %div3A = vector.broadcast %broadcast_in_dim3A_13 : vector<1024x1xf32> to vector<1024x16xf32>
    %div3A_14 = arith.divf %exp3A, %div3A : vector<1024x16xf32>
    %swap3A = arith.constant 0 : index
    %swap3A_15 = arith.constant 0 : index
    %swap3A_16 = vector.load %arg4[%swap3A, %swap3A_15] : memref<1024x16xf32, #tpu.memory_space<vmem>>, vector<1024x16xf32>
    tpu.vector_store %arg4[%swap3A, %swap3A_15], %div3A_14 {strides = array<i32>} : memref<1024x16xf32, #tpu.memory_space<vmem>>, vector<1024x16xf32>,
    return
  }
  func.func @transform_0(%arg0: i32) -> (i32, i32) {
    %c0_i32 = arith.constant 0 : i32
    %c0_i32_0 = arith.constant 0 : i32
    return %arg0, %c0_i32 : i32, i32
  }
  func.func @transform_1(%arg0: i32) -> (i32, i32) {
    %c0_i32 = arith.constant 0 : i32
    %c0_i32_0 = arith.constant 0 : i32
    %c0_i32_1 = arith.constant 0 : i32
    return %c0_i32, %c0_i32_0 : i32, i32
  }
  func.func @transform_2(%arg0: i32) -> (i32, i32) {
    %c0_i32 = arith.constant 0 : i32
    %c0_i32_0 = arith.constant 0 : i32
    %c0_i32_1 = arith.constant 0 : i32
    return %c0_i32, %c0_i32_0 : i32, i32
  }
  func.func @transform_3(%arg0: i32) -> (i32, i32) {
    %c0_i32 = arith.constant 0 : i32
    %c0_i32_0 = arith.constant 0 : i32
    return %arg0, %c0_i32 : i32, i32
  }
}

</mosaic_0001>

<sc_bundles>
// kernel: kernel.4.cloned.1.call-start
scs
__scs_entry_jumppad:
0x0: {  	(pc) =	sbr.rel $0x88, $3  }
0x1: {  	(tag) =	ssettag $0x0;
	lr =	simm.s32 $0x1  }
0x2: {  	[smem:$0x3F9E] =	sst lr;
	_ =	strace $0xD0000000  }
0x3: {  	_ = 	snop  }
0x4: {  	_ = 	snop  }
0x5: {  	_ = 	snop  }
0x6: {  	_ = 	snop  }
0x7: {  	_ = 	snop  }
__scs_overlays_trampoline_lowered:
0x8: {  	[smem:$0x3FAD] =	sst s0  }
0x9: {  	[smem:$0x3FAE] =	sst s1  }
0xa: {  	[smem:$0x3FAF] =	sst s2  }
0xb: {  	[smem:$0x3FB0] =	sst s3  }
0xc: {  	[smem:$0x3FB1] =	sst s4  }
0xd: {  	[smem:$0x3FB2] =	sst s5  }
0xe: {  	[smem:$0x3FB3] =	sst s6  }
0xf: {  	[smem:$0x3FB4] =	sst s7  }
0x10: {  	[smem:$0x3FB5] =	sst s8  }
0x11: {  	[smem:$0x3FB6] =	sst s9;
	s0 =	simm.s32 @!p0 $0x0  }
0x12: {  	s1 =	sld [smem:$0x3F9C];
	s0 =	simm.s32 @p0 $0x1  }
0x13: {  	[smem:$0x3FB7] =	sst s0;
	s0 =	simm.s32 @!p1 $0x0  }
0x14: {  	s2 =	sld [smem:$0x3F9B];
	s0 =	simm.s32 @p1 $0x1  }
0x15: {  	[smem:$0x3FB8] =	sst s0;
	s0 =	simm.s32 @!p2 $0x0  }
0x16: {  	s3 =	sld [smem:$0x3FDB];
	s0 =	simm.s32 @p2 $0x1  }
0x17: {  	s4 =	simm.s32 $0x1BF5;
	[smem:$0x3FBA] =	sst s0  }
0x18: {  	s0 =	sld [smem:$0x3F9D];
	_ =	swait.ge [sflag:s4], $0x0  }
0x19: {  	s7 =	sld [smem:$0x3F9E]  }
0x1a: {  	s8 =	sadd.s32 $0xFFFFE003, lr  }
0x1b: {  	s9 =	sadd.s32 $0xFFFFFEF7, lr;
	s5 =	simm.s32 $0xFFFFFFFF;
	p2 =	slt.u32 s8, $0xFFFFF086  }
0x1c: {  	p1 =	slt.u32 s9, $0xF7A;
	s5 =	simm.s32 @!p2 $0x0  }
0x1d: {  	s5 =	simm.s32 @p1 $0x1;
	p0 =	seq.s32 s7, s2  }
0x1e: {  	s7 =	smul.u32 @!p0 $0xF7A, s2;
	p2 =	seq.s32 @!p0 s5, $0x0  }
0x1f: {  	s9 =	smul.u32 $0xF7A, s1;
	s8 =	simm.s32 @!p0 $0x1BF5;
	p2 =	por !p2, p0  }
0x20: {  	[sflag:s8] =	ssyncset.s32 @!p0 $0xFFFFF086;
	s6 =	sadd.s32 @!p0 s3, s7;
	s7 =	simm.s32 @!p0 $0x108  }
0x21: {  	s3 =	sadd.s32 s3, s9;
	s6 =	sadd.s32 @!p0 $0x88, s6;
	s7 =	simm.s32 @p2 $0x1082  }
0x22: {  	[simem:s7], [sflag:s8] =	dma.local @!p0 [hbm:s6], $0xF7A  }
0x23: {  	s9 =	sor.u32 $0xD0000000, s2;
	s6 =	simm.s32 $0x108;
	_ =	swait.ge @!p0 [sflag:s8], $0x0  }
0x24: {  	s3 =	sadd.s32 $0x88, s3;
	s6 =	simm.s32 @!p1 $0x1082;
	[sflag:s4] =	ssyncset.s32 $0xFFFFF086  }
0x25: {  	[simem:s6], [sflag:s4] =	dma.local [hbm:s3], $0xF7A  }
0x26: {  	[smem:$0x3F9E] =	sst s1;
	(tag) =	ssettag s2;
	_ =	strace s9  }
0x27: {  	s1 =	sld [smem:$0x3FAE]  }
0x28: {  	s2 =	sld [smem:$0x3FAF]  }
0x29: {  	s4 =	sld [smem:$0x3FB1]  }
0x2a: {  	p0 =	seq.s32 s5, $0x0;
	s5 =	sld [smem:$0x3FB2]  }
0x2b: {  	s6 =	sld [smem:$0x3FB3]  }
0x2c: {  	s7 =	sld [smem:$0x3FB4]  }
0x2d: {  	s3 =	simm.s32 $0x108;
	s8 =	sld [smem:$0x3FB5]  }
0x2e: {  	s3 =	simm.s32 @!p0 $0x1082;
	s9 =	sld [smem:$0x3FB6]  }
0x2f: {  	lr =	sadd.s32 s0, s3;
	s0 =	sld [smem:$0x3FAD]  }
0x30: {  	s3 =	sld [smem:$0x3FB0]  }
0x31: {  	[smem:$0x3FB9] =	sst s10  }
0x32: {  	s10 =	sld [smem:$0x3FB7];
	_ =	sdelay $0x3  }
0x33: {  	p0 =	seq.s32 s10, $0x1;
	s10 =	sld [smem:$0x3FB9];
	_ =	sdelay $0x3  }
0x34: {  	[smem:$0x3FB9] =	sst s10  }
0x35: {  	s10 =	sld [smem:$0x3FB8];
	_ =	sdelay $0x3  }
0x36: {  	p1 =	seq.s32 s10, $0x1;
	s10 =	sld [smem:$0x3FB9];
	_ =	sdelay $0x3  }
0x37: {  	[smem:$0x3FB9] =	sst s10  }
0x38: {  	s10 =	sld [smem:$0x3FBA]  }
0x39: {  	_ = 	snop;
	(pc) =	sbr.ind lr, $3  }
0x3a: {  	_ = 	snop  }
0x3b: {  	_ = 	snop  }
0x3c: {  	p2 =	seq.s32 s10, $0x1;
	s10 =	sld [smem:$0x3FB9]  }
0x3d: {  	_ =	shalt  }
0x3e: {  	_ =	shalt  }
0x3f: {  	_ =	shalt  }
0x40: {  	_ =	shalt  }
0x41: {  	_ =	shalt  }
0x42: {  	_ =	shalt  }
0x43: {  	_ =	shalt  }
0x44: {  	_ =	shalt  }
0x45: {  	_ =	shalt  }
0x46: {  	_ =	shalt  }
0x47: {  	_ =	shalt  }
0x48: {  	_ =	shalt  }
0x49: {  	_ =	shalt  }
0x4a: {  	_ =	shalt  }
0x4b: {  	_ =	shalt  }
0x4c: {  	_ =	shalt  }
0x4d: {  	_ =	shalt  }
0x4e: {  	_ =	shalt  }
0x4f: {  	_ =	shalt  }
0x50: {  	_ =	shalt  }
0x51: {  	_ =	shalt  }
0x52: {  	_ =	shalt  }
0x53: {  	_ =	shalt  }
0x54: {  	_ =	shalt  }
0x55: {  	_ =	shalt  }
0x56: {  	_ =	shalt  }
0x57: {  	_ =	shalt  }
0x58: {  	_ =	shalt  }
0x59: {  	_ =	shalt  }
0x5a: {  	_ =	shalt  }
0x5b: {  	_ =	shalt  }
0x5c: {  	_ =	shalt  }
0x5d: {  	_ =	shalt  }
0x5e: {  	_ =	shalt  }
0x5f: {  	_ =	shalt  }
0x60: {  	_ =	shalt  }
0x61: {  	_ =	shalt  }
0x62: {  	_ =	shalt  }
0x63: {  	_ =	shalt  }
0x64: {  	_ =	shalt  }
0x65: {  	_ =	shalt  }
0x66: {  	_ =	shalt  }
0x67: {  	_ =	shalt  }
0x68: {  	_ =	shalt  }
0x69: {  	_ =	shalt  }
0x6a: {  	_ =	shalt  }
0x6b: {  	_ =	shalt  }
0x6c: {  	_ =	shalt  }
0x6d: {  	_ =	shalt  }
0x6e: {  	_ =	shalt  }
0x6f: {  	_ =	shalt  }
0x70: {  	_ =	shalt  }
0x71: {  	_ =	shalt  }
0x72: {  	_ =	shalt  }
0x73: {  	_ =	shalt  }
0x74: {  	_ =	shalt  }
0x75: {  	_ =	shalt  }
0x76: {  	_ =	shalt  }
0x77: {  	_ =	shalt  }
0x78: {  	_ =	shalt  }
0x79: {  	_ =	shalt  }
0x7a: {  	_ =	shalt  }
0x7b: {  	_ =	shalt  }
0x7c: {  	_ =	shalt  }
0x7d: {  	_ =	shalt  }
0x7e: {  	_ =	shalt  }
0x7f: {  	_ =	shalt  }
0x80: {  	_ =	shalt  }
0x81: {  	_ =	shalt  }
0x82: {  	_ =	shalt  }
0x83: {  	_ =	shalt  }
0x84: {  	_ =	shalt  }
0x85: {  	_ =	shalt  }
0x86: {  	_ =	shalt  }
0x87: {  	_ =	shalt  }
.Lfunc_end0:
.L_simem_size_0:
called_computation_lowered:
.L_overlay_start_0:
0x88: {  	s2 =	sld [smem:$0x3FD9]  }
0x89: {  	s3 =	sld [smem:$0x3FFE];
	_ =	sdelay $0x1  }
0x8a: {  	s1 =	srdreg.scid  }
0x8b: {  	s0 =	sand.u32 $0x1, s1  }
0x8c: {  	s17 =	sshll.u32 s0, $0xA;
	s2 =	sadd.s32 s3, s2  }
0x8d: {  	s2 =	sadd.s32 s2, s17  }
0x8e: {  	[smem:$0x3FC5] =	sst s2  }
0x8f: {  	_ = 	snop  }
0x90: {  	s2 =	sld [smem:$0x3FC9]  }
0x91: {  	s18 =	sld [smem:$0x3FC7]  }
0x92: {  	s4 =	sld [smem:$0x3FD0];
	(tm) =	ssettm $0x1  }
0x93: {  	s5 =	sld [smem:$0x3FFB];
	_ =	sdelay $0x3  }
0x94: {  	_ =	strace s5  }
0x95: {  	s5 =	sld [smem:$0x3FFC];
	_ =	sdelay $0x3  }
0x96: {  	_ =	strace s5  }
0x97: {  	s5 =	sld [smem:$0x3FFD];
	_ =	sdelay $0x3  }
0x98: {  	_ =	strace s5  }
0x99: {  	_ =	strace $0x8FFFFFFF  }
0x9a: {  	s19 =	sld [smem:$0x3FDB];
	_ =	sdelay $0x1  }
0x9b: {  	s6 =	simm.s32 $_scs_section_size  }
0x9c: {  	s7 =	simm.s32 $_size__tile_overlayer_lowered;
	s8 =	simm.s32 $_tile_overlayer_lowered  }
0x9d: {  	s22 =	simm.s32 $0x1BFF;
	s21 =	sshll.u32 s8, $0x1;
	s5 =	sadd.s32 s6, s19  }
0x9e: {  	s9 =	simm.s32 $0x0;
	s20 =	sshll.u32 s7, $0x1;
	s7 =	sadd.s32 s21, s5  }
0x9f: {  	[timem:s9], [sflag:s22] =	dma.local [hbm:s7], s20  }
0xa0: {  	_ =	swait.ge [sflag:s22], s20  }
0xa1: {  	s6 =	ssub.s32 $0x0, s20;
	[sflag:s22] =	ssyncset.done $0x0  }
0xa2: {  	[sflag:s22] =	ssyncadd.s32 s6;
	_ =	sdelay $0x1  }
0xa3: {  	s23 =	simm.s32 $0x1B8B  }
0xa4: {  	_ =	swait.ge [sflag:s23], $0x1  }
0xa5: {  	[sflag:s23] =	ssyncset.done $0x0  }
0xa6: {  	s25 =	simm.s32 $0x1B8E;
	s24 =	sld [smem:$0x3FFE];
	[sflag:s23] =	ssyncadd.s32 $0xFFFFFFFF  }
0xa7: {  	s26 =	simm.s32 $execute0_lowered;
	[smem:$0x3FD2] =	sst s25  }
0xa8: {  	s7 =	sshll.u32 s26, $0x1;
	_ =	strace $0x80000046;
	[dreg:$0x1] =	wrdreg $0xFFFFFFFF  }
0xa9: {  	s28 =	simm.s32 $_size_execute0_lowered;
	s5 =	sadd.s32 s5, s7;
	[dreg:$0x0] =	wrdreg $0x0  }
0xaa: {  	s7 =	sshll.u32 s28, $0x1;
	[dreg:$0x2] =	wrdreg s5  }
0xab: {  	[dreg:$0x3] =	wrdreg s7  }
0xac: {  	[dreg:$0x4] =	wrdreg $0xC0  }
0xad: {  	_ =	task [dreg:s9], $0x5FFFF  }
0xae: {  	[dreg:$0x1] =	wrdreg $0xFFFFFFFF  }
0xaf: {  	[dreg:$0x0] =	wrdreg $0x60  }
0xb0: {  	[dreg:$0x2] =	wrdreg s2  }
0xb1: {  	[dreg:$0x3] =	wrdreg s24  }
0xb2: {  	[dreg:$0x4] =	wrdreg s18  }
0xb3: {  	[dreg:$0x5] =	wrdreg s4  }
0xb4: {  	[dreg:$0x6] =	wrdreg $0x9  }
0xb5: {  	_ =	task.clear_ibuf [dreg:s9], $0x7FFFF;
	_ =	strace $0x90000046  }
0xb6: {  	s29 =	simm.s32 $0x9;
	_ =	strace $0x80000048  }
0xb7: {  	_ =	swait.ge [sflag:s29], $0x1  }
0xb8: {  	[sflag:s29] =	ssyncadd.s32 $0xFFFFFFFF  }
0xb9: {  	_ =	strace $0x90000048  }
0xba: {  	_ =	sfence  }
0xbb: {  	s30 =	sld [smem:$0x0];
	_ =	sdelay $0x2  }
0xbc: {  	s31 =	sshll.u32 s1, $0xD;
	s1 =	sshrl.u32 s1, $0x2  }
0xbd: {  	s3 =	sand.u32 $0x4000, s31;
	s1 =	sadd.s32 s1, s30  }
0xbe: {  	s0 =	sor.u32 s3, s0;
	s1 =	sshll.u32 s1, $0x11  }
0xbf: {  	s0 =	sor.u32 s1, s0  }
0xc0: {  	s0 =	sadd.s32 $0x8F2B, s0  }
0xc1: {  	[sflag:s0] =	ssyncadd.remote.s32 $0x1  }
0xc2: {  	_ =	sfence.sel $0xFFFF  }
0xc3: {  	[dreg:$0x0] =	wrdreg $0xFFFFFFFF;
	(pc) =	sbr.abs _section_cstart, $3  }
0xc4: {  	[dreg:$0x1] =	wrdreg $0xFFFFFFFF  }
0xc5: {  	_ =	task.clear_ibuf [dreg:s9], $0x2FFFF;
	_ =	strace $0x9FFFFFFF  }
0xc6: {  	(tm) =	ssettm $0x7FFFFFFF  }
0xc7: {  	_ =	shalt  }
tec
execute0_lowered:
.L_overlay_start_1:
0x0: {  	(tag) =	ssettag $0x1  }
0x1: {  	v0 =	vimm.s32 $0x4780  }
0x2: {  	vm0 =	vcmask $0x300;
	vm1 =	vcmask $0x704;
	v1 =	vimm.s32 $0xCF80  }
0x3: {  	vm2 =	vcmask $0xB08;
	vm4 =	vcmask $0xF0C;
	v0 =	vsel vm0, $0x0, v0  }
0x4: {  	vm5 =	vcmask $0x1310;
	v1 =	vsel vm0, $0x8800, v1;
	v0 =	vsel vm1, $0x80, v0  }
0x5: {  	s5 =	rddreg [dreg:$0x0];
	vm6 =	vcmask $0x1714;
	v1 =	vsel vm1, $0x8880, v1;
	v0 =	vsel vm2, $0x100, v0  }
0x6: {  	s6 =	rddreg [dreg:$0x1];
	vm7 =	vcmask $0x1B18;
	v1 =	vsel vm2, $0x8900, v1;
	v0 =	vsel vm4, $0x180, v0  }
0x7: {  	s0 =	rddreg [dreg:$0x2];
	vm8 =	vcmask $0x1F1C;
	v1 =	vsel vm4, $0x8980, v1;
	v0 =	vsel vm5, $0x200, v0  }
0x8: {  	s8 =	rddreg [dreg:$0x3];
	s3 =	srdreg.scid;
	vm9 =	vcmask $0x2320;
	v1 =	vsel vm5, $0x8A00, v1;
	v0 =	vsel vm6, $0x280, v0  }
0x9: {  	s1 =	rddreg [dreg:$0x4];
	s2 =	stileid.u32;
	vm10 =	vcmask $0x2724;
	v1 =	vsel vm6, $0x8A80, v1;
	v0 =	vsel vm7, $0x300, v0  }
0xa: {  	vm11 =	vcmask $0x2B28;
	s13 =	simm.s32 $0x8400;
	s15 =	simm.s32 $0xC800;
	s17 =	simm.s32 $0x10C00;
	v1 =	vsel vm7, $0x8B00, v1;
	v0 =	vsel vm8, $0x380, v0  }
0xb: {  	vm12 =	vcmask $0x2F2C;
	s18 =	simm.s32 $0x1;
	s19 =	simm.s32 $0x15000;
	s20 =	simm.s32 $0x0;
	v1 =	vsel vm8, $0x8B80, v1;
	v0 =	vsel vm9, $0x4400, v0  }
0xc: {  	vm13 =	vcmask $0x3330;
	s4 =	sand.u32 $0x1, s3;
	s3 =	simm.s32 $0x0;
	s7 =	sshll.u32 s2, $0x7;
	v1 =	vsel vm9, $0xCC00, v1;
	v0 =	vsel vm10, $0x4480, v0  }
0xd: {  	vm14 =	vcmask $0x3734;
	s9 =	sshll.u32 s4, $0x6;
	[smem:$0x7FF] =	sst s3;
	s30 =	ssub.s32 $0x2, s4;
	v1 =	vsel vm10, $0xCC80, v1;
	v0 =	vsel vm11, $0x4500, v0  }
0xe: {  	v2 =	vlaneseq.u32;
	s4 =	sadd.s32 $0x600, s6;
	s6 =	sadd.s32 $0xE00, s6;
	s7 =	sor.u32 s9, s7;
	v1 =	vsel vm11, $0xCD00, v1;
	v0 =	vsel vm12, $0x4580, v0  }
0xf: {  	v63 =	vmul.u32 $0x80, v2;
	_ =	strace $0x80000047;
	s11 =	sshrl.u32 s30, $0x1;
	s10 =	sshll.u32 s7, $0x8;
	v1 =	vsel vm12, $0xCD80, v1;
	v0 =	vsel vm13, $0x4600, v0  }
0x10: {  	vm15 =	vcmask $0x3B38;
	s9 =	ssub.s32 s30, s11;
	s31 =	sshll.u32 s7, $0x4;
	s11 =	simm.s32 $0x4000;
	v1 =	vsel vm13, $0xCE00, v1;
	v0 =	vsel vm14, $0x4680, v0  }
0x11: {  	[tilespmem:$0x1FFD0] =	vst v63;
	s10 =	sadd.s32 s10, s5;
	s8 =	sadd.s32 s8, s31;
	s9 =	smax.u32 s9, $0x1;
	v1 =	vsel vm14, $0xCE80, v1;
	v20 =	vsel vm15, $0x4700, v0  }
0x12: {  	s5 =	sadd.s32 $0x380000, s10;
	s7 =	sadd.s32 $0x382000, s10;
	s10 =	simm.s32 $0x17000;
	v54 =	vsel vm15, $0xCF00, v1;
	[tilespmem:$0x1FFE0] =	vst v20  }
0x13: {  	s12 =	sadd.s32 $0x800, s5;
	s14 =	sadd.s32 $0x1000, s5;
	s16 =	sadd.s32 $0x1800, s5;
	[tilespmem:$0x1FFF0] =	vst v54  }
.LBB2_1:
0x14: {  	[tilespmem:s10], [sflag:$0x1] =	stream.linear.gather [hbm4b:s0+s3], $0x80, $0x38;
	[tilespmem:$0x17080] =	vst v63  }
0x15: {  	_ =	swait.ge [sflag:s18], $0x80  }
0x16: {  	[sflag:s18] =	ssyncset.done $0x0  }
0x17: {  	[sflag:s18] =	ssyncadd.s32 $0xFFFFFF80  }
0x18: {  	v0 =	vld [tilespmem:$0x17000];
	[tilespmem:s11], [sflag:$0x1] =	stream.linear.gather [hbm4b:s5+s3], $0x4000, $0x38  }
0x19: {  	_ = 	snop  }
0x1a: {  	[tilespmem:s13], [sflag:$0x1] =	stream.linear.gather [hbm4b:s12+s3], $0x4000, $0x38;
	[tilespmem:$0x17080] =	vst v63  }
0x1b: {  	_ = 	snop  }
0x1c: {  	[tilespmem:s15], [sflag:$0x1] =	stream.linear.gather [hbm4b:s14+s3], $0x4000, $0x38;
	[tilespmem:$0x17080] =	vst v63  }
0x1d: {  	_ = 	snop  }
0x1e: {  	[tilespmem:s17], [sflag:$0x1] =	stream.linear.gather [hbm4b:s16+s3], $0x4000, $0x38;
	[tilespmem:$0x17080] =	vst v63  }
0x1f: {  	_ =	swait.ge [sflag:s18], $0x10000  }
0x20: {  	v0 =	vadd.f32 $0.0e+00, v0;
	[sflag:s18] =	ssyncset.done $0x0  }
0x21: {  	[sflag:s18] =	ssyncadd.s32 $0xFFFF0000  }
0x22: {  	v2 =	vbroadcast v0, $0xA;
	[tilespmem:s3], [sflag:$0x1] =	stream.linear.gather [hbm4b:s4+s3], $0x4000, $0x38;
	[tilespmem:$0x17080] =	vst v63  }
0x23: {  	s21 =	simm.s32 $0x10;
	s22 =	simm.s32 $0x0;
	v3 =	vmov s18;
	v15 =	vbroadcast v0, $0x0;
	_ =	swait.ge [sflag:s18], $0x4000  }
0x24: {  	s22 =	sand.u32 $0x3F80, s22;
	s23 =	sand.u32 $0x70, s21;
	v6 =	vand.u32 $0x7F, v3;
	v22 =	vbroadcast v0, $0x1;
	[sflag:s18] =	ssyncset.done $0x0;
	[tilespmem:$0x1FF70] =	vst v2;
	v2 =	vbroadcast v0, $0xB  }
0x25: {  	v3 =	vshll.u32 v3, $0x3;
	s23 =	sor.u32 s23, s22;
	v27 =	vbroadcast v0, $0x2;
	v31 =	vbroadcast v0, $0x3;
	[sflag:s18] =	ssyncadd.s32 $0xFFFFC000  }
0x26: {  	v3 =	vand.u32 $0x1C00, v3;
	v61 =	vbroadcast v0, $0x4;
	v1 =	vld [tilespmem:s23+$0x0];
	[tilespmem:$0x1FF80] =	vst v2;
	v2 =	vbroadcast v0, $0xC  }
0x27: {  	v3 =	vor.u32 v6, v3;
	v43 =	vbroadcast v0, $0x5;
	v51 =	vbroadcast v0, $0x6  }
0x28: {  	v12 =	vadd.s32 v20, v3;
	v55 =	vbroadcast v0, $0x7;
	[tilespmem:$0x1FF90] =	vst v2;
	v2 =	vbroadcast v0, $0xD  }
0x29: {  	v53 =	vbroadcast v0, $0x8;
	v56 =	vbroadcast v0, $0x9  }
0x2a: {  	v3 =	vadd.s32 v54, v3;
	[tilespmem:$0x1FFA0] =	vst v2;
	v2 =	vbroadcast v0, $0xE;
	v0 =	vbroadcast v0, $0xF  }
0x2b: {  	s30 =	simm.s32 $0x0;
	v4 =	vbroadcast v1, $0x2;
	v5 =	vbroadcast v1, $0x3  }
0x2c: {  	s31 =	simm.s32 $0x0;
	s23 =	sand.u32 $0x60, s30;
	v7 =	vbroadcast v1, $0x4;
	v8 =	vbroadcast v1, $0x5  }
0x2d: {  	v19 =	vmov s31;
	v28 =	vld.idx.msk [tilespmem:v12+s11+$0x0], $0xffff;
	s22 =	sor.u32 s23, s22;
	v10 =	vbroadcast v1, $0x6;
	v11 =	vbroadcast v1, $0x7  }
0x2e: {  	v12 =	vshll.u32 v19, $0x3;
	v9 =	vld [tilespmem:s22+$0x0];
	v13 =	vbroadcast v1, $0x8;
	v14 =	vbroadcast v1, $0x9  }
0x2f: {  	v30 =	vld.idx.msk [tilespmem:v3+s11+$0x0], $0xffff;
	v3 =	vand.u32 $0x7E, v19;
	v6 =	vbroadcast v1, $0xA;
	v18 =	vbroadcast v1, $0xB  }
0x30: {  	v12 =	vand.u32 $0x1C00, v12;
	v23 =	vbroadcast v1, $0xC;
	v41 =	vbroadcast v1, $0xD  }
0x31: {  	v3 =	vor.u32 v3, v12;
	v47 =	vbroadcast v1, $0xE;
	[tilespmem:$0x1FFC0] =	vst v0;
	v0 =	vbroadcast v1, $0x0  }
0x32: {  	v12 =	vadd.s32 v20, v3;
	[tilespmem:$0x1FFB0] =	vst v2;
	v2 =	vbroadcast v1, $0x1;
	v1 =	vbroadcast v1, $0xF  }
0x33: {  	v3 =	vadd.s32 v54, v3;
	v17 =	vbroadcast v9, $0x1;
	v24 =	vbroadcast v9, $0x2  }
0x34: {  	v25 =	vbroadcast v9, $0x3;
	v34 =	vbroadcast v9, $0x4  }
0x35: {  	v35 =	vbroadcast v9, $0x5;
	v36 =	vbroadcast v9, $0x6  }
0x36: {  	v37 =	vbroadcast v9, $0x7;
	v16 =	vbroadcast v9, $0x8  }
0x37: {  	v26 =	vbroadcast v9, $0x9;
	v63 =	vbroadcast v9, $0xA;
	v59 =	vld.idx.msk [tilespmem:v12+s11+$0x0], $0xffff  }
0x38: {  	v62 =	vbroadcast v9, $0xB;
	v57 =	vbroadcast v9, $0xC;
	v58 =	vld.idx.msk [tilespmem:v3+s11+$0x0], $0xffff  }
0x39: {  	v52 =	vmov v20;
	v21 =	vbroadcast v9, $0xD;
	v20 =	vbroadcast v9, $0xE  }
0x3a: {  	v19 =	vbroadcast v9, $0xF;
	[tilespmem:$0x1FE20] =	vst v1;
	v1 =	vbroadcast v9, $0x0  }
0x3b: {  	v38 =	vmul.f32 v4, v28;
	v39 =	vmul.f32 v4, v30  }
0x3c: {  	v40 =	vmul.f32 v5, v28;
	v3 =	vmul.f32 v1, v59  }
0x3d: {  	v45 =	vmul.f32 v5, v30;
	v1 =	vmul.f32 v1, v58  }
0x3e: {  	v46 =	vmul.f32 v7, v28;
	v29 =	vmul.f32 v0, v28;
	v3 =	vadd.f32 v3, v15  }
0x3f: {  	v48 =	vmul.f32 v7, v30;
	v32 =	vmul.f32 v0, v30;
	v1 =	vadd.f32 v1, v15  }
0x40: {  	v49 =	vmul.f32 v8, v28;
	v42 =	vmul.f32 v10, v28;
	v3 =	vadd.f32 v29, v3  }
0x41: {  	v44 =	vmul.f32 v11, v28;
	v5 =	vmul.f32 v17, v58;
	v1 =	vadd.f32 v32, v1  }
0x42: {  	v60 =	vmul.f32 v47, v28;
	v33 =	vmul.f32 v2, v28;
	[tilespmem:$0x1FE40] =	vst v3  }
0x43: {  	v2 =	vmul.f32 v2, v30;
	[tilespmem:$0x1FE50] =	vst v1;
	v1 =	vmul.f32 v24, v59;
	v3 =	vadd.f32 v5, v22  }
0x44: {  	[tilespmem:$0x1FE30] =	vst v15;
	v0 =	vmul.f32 v8, v30;
	v12 =	vmul.f32 v11, v30  }
0x45: {  	[tilespmem:$0x1FE60] =	vst v22;
	v8 =	vmul.f32 v13, v28;
	v1 =	vadd.f32 v1, v27;
	v2 =	vadd.f32 v2, v3  }
0x46: {  	[tilespmem:$0x1FE90] =	vst v27;
	v9 =	vmul.f32 v13, v30;
	v13 =	vmul.f32 v24, v58  }
0x47: {  	v4 =	vmul.f32 v17, v59;
	[tilespmem:$0x1FE80] =	vst v2;
	v2 =	vmul.f32 v25, v59;
	v1 =	vadd.f32 v38, v1  }
0x48: {  	v11 =	vmul.f32 v14, v30;
	[tilespmem:$0x1FF20] =	vst v0;
	v0 =	vmul.f32 v10, v30;
	v13 =	vadd.f32 v13, v27  }
0x49: {  	v10 =	vmul.f32 v14, v28;
	v7 =	vadd.f32 v4, v22;
	[tilespmem:$0x1FEA0] =	vst v1;
	v1 =	vadd.f32 v2, v31  }
0x4a: {  	[tilespmem:$0x1FEC0] =	vst v31;
	v3 =	vmul.f32 v25, v58;
	v2 =	vadd.f32 v39, v13;
	v13 =	vmul.f32 v34, v59  }
0x4b: {  	[tilespmem:$0x1FEF0] =	vst v61;
	v17 =	vmul.f32 v23, v28;
	v5 =	vadd.f32 v33, v7;
	v33 =	vld [tilespmem:$0x1FFB0];
	v1 =	vadd.f32 v40, v1  }
0x4c: {  	[tilespmem:$0x1FF10] =	vst v43;
	v14 =	vmul.f32 v35, v59;
	v3 =	vadd.f32 v3, v31;
	v31 =	vld [tilespmem:$0x1FF80];
	v13 =	vadd.f32 v13, v61  }
0x4d: {  	v15 =	vmul.f32 v35, v58;
	v39 =	vld [tilespmem:$0x1FFA0];
	[tilespmem:$0x1FED0] =	vst v1;
	v1 =	vmul.f32 v34, v58  }
0x4e: {  	[tilespmem:$0x1FF30] =	vst v51;
	v40 =	vld [tilespmem:$0x1FFC0];
	v38 =	vadd.f32 v46, v13;
	v13 =	vadd.f32 v14, v43;
	v14 =	vmul.f32 v47, v30  }
0x4f: {  	[tilespmem:$0x1FF50] =	vst v53;
	v3 =	vadd.f32 v45, v3;
	v45 =	vmovc v53;
	v46 =	vmov v53;
	v53 =	vld [tilespmem:$0x1FF70];
	v1 =	vadd.f32 v1, v61  }
0x50: {  	v4 =	vmul.f32 v6, v28;
	v6 =	vmul.f32 v6, v30;
	[tilespmem:$0x1FF00] =	vst v14;
	v14 =	vadd.f32 v15, v43;
	v43 =	vld [tilespmem:$0x1FF90]  }
0x51: {  	[tilespmem:$0x1FF40] =	vst v55;
	v35 =	vmul.f32 v37, v59;
	v50 =	vadd.f32 v48, v1;
	v48 =	vadd.f32 v49, v13;
	v13 =	vld [tilespmem:$0x1FF20]  }
0x52: {  	v7 =	vmul.f32 v18, v30;
	v24 =	vmov v56;
	[tilespmem:$0x1FE70] =	vst v5;
	v5 =	vmul.f32 v18, v28  }
0x53: {  	v18 =	vmul.f32 v23, v30;
	v25 =	vmovc v55;
	v27 =	vmov v33;
	[tilespmem:$0x1FEB0] =	vst v2;
	v2 =	vmul.f32 v41, v28  }
0x54: {  	[tilespmem:$0x1FEE0] =	vst v3;
	v3 =	vmul.f32 v41, v30;
	v34 =	vmul.f32 v36, v58;
	v29 =	vmovc v31;
	v15 =	vmov v55  }
0x55: {  	v61 =	vmovc v56;
	v32 =	vmovc v40;
	v1 =	vmul.f32 v36, v59;
	v36 =	vmul.f32 v37, v58;
	v37 =	vmov v39  }
0x56: {  	[tilespmem:$0x1FF60] =	vst v56;
	s23 =	simm.s32 $0x0;
	s22 =	simm.s32 $0x3;
	v41 =	vmovc v43;
	v23 =	vadd.f32 v13, v14;
	v13 =	vmovc v51;
	v14 =	vmov v51;
	v51 =	vmov v53  }
.LBB2_2:
0x57: {  	v1 =	vadd.f32 v1, v13  }
0x58: {  	v55 =	vmul.f32 v16, v59;
	v14 =	vadd.f32 v34, v14;
	v25 =	vadd.f32 v36, v25  }
0x59: {  	v16 =	vmul.f32 v16, v58;
	v56 =	vmul.f32 v26, v59;
	v13 =	vadd.f32 v42, v1  }
0x5a: {  	v14 =	vadd.f32 v0, v14;
	v0 =	vmul.f32 v26, v58;
	v25 =	vadd.f32 v12, v25  }
0x5b: {  	[tilespmem:$0x1FDB0] =	vst v23;
	v1 =	vadd.f32 v55, v45;
	v23 =	vadd.f32 v56, v61  }
0x5c: {  	v12 =	vadd.f32 v16, v46;
	v16 =	vmul.f32 v63, v59;
	v0 =	vadd.f32 v0, v24  }
0x5d: {  	v45 =	vadd.f32 v8, v1;
	v8 =	vadd.f32 v10, v23  }
0x5e: {  	v26 =	vmul.f32 v63, v58;
	v24 =	vadd.f32 v11, v0;
	v0 =	vadd.f32 v16, v51;
	_ =	sdelay $0x1  }
0x5f: {  	[tilespmem:$0x1FDA0] =	vst v8;
	v8 =	vadd.f32 v26, v53;
	v0 =	vadd.f32 v4, v0  }
0x60: {  	v1 =	vmul.f32 v62, v58  }
0x61: {  	[tilespmem:$0x1FD80] =	vst v0;
	v0 =	vadd.f32 v6, v8  }
0x62: {  	v36 =	vmul.f32 v62, v59;
	v1 =	vadd.f32 v1, v31  }
0x63: {  	v46 =	vadd.f32 v9, v12;
	[tilespmem:$0x1FD90] =	vst v0;
	v0 =	vmul.f32 v21, v58  }
0x64: {  	v9 =	vmul.f32 v57, v59;
	v10 =	vadd.f32 v36, v29;
	v1 =	vadd.f32 v7, v1  }
0x65: {  	v0 =	vadd.f32 v0, v39  }
0x66: {  	v11 =	vmul.f32 v57, v58;
	v4 =	vadd.f32 v5, v10;
	[tilespmem:$0x1FDC0] =	vst v1;
	v1 =	vadd.f32 v9, v41  }
0x67: {  	v12 =	vmul.f32 v21, v59;
	v5 =	vmul.f32 v20, v59;
	v0 =	vadd.f32 v3, v0  }
0x68: {  	s23 =	sadd.s32 $0x80, s23;
	[tilespmem:$0x1FDD0] =	vst v4;
	v4 =	vadd.f32 v11, v43;
	v1 =	vadd.f32 v17, v1  }
0x69: {  	s21 =	sadd.s32 $0x20, s21;
	s24 =	sshrl.u32 s23, $0x2;
	v6 =	vadd.f32 v12, v37;
	[tilespmem:$0x1FD70] =	vst v0;
	v0 =	vadd.f32 v5, v27  }
0x6a: {  	s25 =	sand.u32 $0x70, s21;
	s24 =	sand.u32 $0x3F80, s24;
	[tilespmem:$0x1FDF0] =	vst v1;
	v1 =	vadd.f32 v18, v4  }
0x6b: {  	s25 =	sor.u32 s25, s24;
	v2 =	vadd.f32 v2, v6;
	v6 =	vld [tilespmem:$0x1FE20];
	v0 =	vadd.f32 v60, v0  }
0x6c: {  	[tilespmem:$0x1FD40] =	vst v1;
	v1 =	vld [tilespmem:s25+$0x0]  }
0x6d: {  	[tilespmem:$0x1FE10] =	vst v0;
	v0 =	vld [tilespmem:$0x1FF00]  }
0x6e: {  	v7 =	vmul.f32 v20, v58;
	v8 =	vmul.f32 v19, v59  }
0x6f: {  	v4 =	vmul.f32 v19, v58  }
0x70: {  	s30 =	sadd.s32 $0xFFFFFFF0, s21;
	[tilespmem:$0x1FD60] =	vst v2;
	v2 =	vadd.f32 v7, v33;
	v3 =	vmul.f32 v6, v28;
	v5 =	vadd.f32 v8, v32  }
0x71: {  	v4 =	vadd.f32 v4, v40;
	s25 =	sand.u32 $0x60, s30;
	v6 =	vmul.f32 v6, v30  }
0x72: {  	s24 =	sor.u32 s25, s24;
	v7 =	vbroadcast v1, $0x4;
	v0 =	vadd.f32 v0, v2;
	v2 =	vadd.f32 v3, v5  }
0x73: {  	v15 =	vadd.f32 v35, v15;
	v9 =	vld [tilespmem:s24+$0x0];
	v8 =	vbroadcast v1, $0x5;
	v10 =	vbroadcast v1, $0x7  }
0x74: {  	v17 =	vbroadcast v1, $0x8;
	v18 =	vbroadcast v1, $0x9;
	[tilespmem:$0x1FDE0] =	vst v2;
	v2 =	vadd.f32 v6, v4  }
0x75: {  	v34 =	vbroadcast v1, $0xA;
	v35 =	vbroadcast v1, $0xB;
	[tilespmem:$0x1FE00] =	vst v0;
	v0 =	vmov s22  }
0x76: {  	v36 =	vbroadcast v1, $0xC;
	[tilespmem:$0x1FD50] =	vst v2;
	v2 =	vand.u32 $0x7F, v0;
	v0 =	vshll.u32 v0, $0x3  }
0x77: {  	v60 =	vbroadcast v1, $0xD;
	v37 =	vbroadcast v1, $0xE;
	v0 =	vand.u32 $0x1C00, v0  }
0x78: {  	v32 =	vbroadcast v9, $0x1;
	v33 =	vbroadcast v9, $0x2;
	v0 =	vor.u32 v2, v0  }
0x79: {  	v56 =	vmovc v38;
	v38 =	vbroadcast v9, $0x3;
	v39 =	vbroadcast v9, $0x4;
	v11 =	vadd.s32 v52, v0  }
0x7a: {  	v29 =	vbroadcast v9, $0x5;
	v31 =	vbroadcast v9, $0x6;
	v0 =	vadd.s32 v54, v0  }
0x7b: {  	v41 =	vbroadcast v9, $0x7;
	v16 =	vbroadcast v9, $0x8  }
0x7c: {  	v26 =	vbroadcast v9, $0x9;
	v63 =	vbroadcast v9, $0xA  }
0x7d: {  	v62 =	vbroadcast v9, $0xB;
	v57 =	vbroadcast v9, $0xC  }
0x7e: {  	v21 =	vbroadcast v9, $0xD;
	v20 =	vbroadcast v9, $0xE;
	v28 =	vld.idx.msk [tilespmem:v11+s11+$0x0], $0xffff  }
0x7f: {  	v3 =	vbroadcast v1, $0x0;
	v5 =	vbroadcast v1, $0x2;
	v30 =	vld.idx.msk [tilespmem:v0+s11+$0x0], $0xffff  }
0x80: {  	s31 =	sadd.s32 $0xFFFFFFFF, s22;
	v4 =	vbroadcast v1, $0x1;
	v6 =	vbroadcast v1, $0x3  }
0x81: {  	v2 =	vbroadcast v1, $0x6;
	v1 =	vbroadcast v1, $0xF;
	v0 =	vmov s31  }
0x82: {  	v19 =	vbroadcast v9, $0xF;
	v11 =	vand.u32 $0x7E, v0;
	v0 =	vshll.u32 v0, $0x3  }
0x83: {  	[tilespmem:$0x1FE20] =	vst v1;
	v1 =	vbroadcast v9, $0x0;
	v0 =	vand.u32 $0x1C00, v0;
	v43 =	vmul.f32 v3, v28  }
0x84: {  	v22 =	vmovc v52;
	v0 =	vor.u32 v11, v0;
	v40 =	vmul.f32 v3, v30;
	v52 =	vmul.f32 v4, v28  }
0x85: {  	v27 =	vmul.f32 v4, v30;
	v51 =	vmul.f32 v5, v28;
	v3 =	vadd.s32 v22, v0  }
0x86: {  	v53 =	vmul.f32 v5, v30;
	v23 =	vmul.f32 v7, v28  }
0x87: {  	v55 =	vmul.f32 v7, v30;
	v22 =	vmul.f32 v8, v28  }
0x88: {  	v15 =	vadd.f32 v44, v15;
	v47 =	vmul.f32 v8, v30;
	v42 =	vmul.f32 v2, v28  }
0x89: {  	v4 =	vadd.s32 v54, v0;
	v0 =	vmul.f32 v2, v30;
	v44 =	vmul.f32 v10, v28  }
0x8a: {  	v2 =	vmul.f32 v60, v28;
	v59 =	vld.idx.msk [tilespmem:v3+s11+$0x0], $0xffff;
	v3 =	vmul.f32 v60, v30  }
0x8b: {  	v60 =	vmul.f32 v37, v28;
	v37 =	vmul.f32 v37, v30  }
0x8c: {  	v12 =	vmul.f32 v10, v30;
	v8 =	vmul.f32 v17, v28  }
0x8d: {  	v9 =	vmul.f32 v17, v30;
	v10 =	vmul.f32 v18, v28;
	[tilespmem:$0x1FF00] =	vst v37;
	v37 =	vld [tilespmem:$0x1FE70]  }
0x8e: {  	v11 =	vmul.f32 v18, v30;
	v5 =	vmul.f32 v35, v28  }
0x8f: {  	v17 =	vmul.f32 v36, v28;
	v18 =	vmul.f32 v36, v30;
	v36 =	vld [tilespmem:$0x1FE40]  }
0x90: {  	v7 =	vmul.f32 v35, v30;
	v58 =	vld.idx.msk [tilespmem:v4+s11+$0x0], $0xffff;
	v35 =	vmul.f32 v32, v59  }
0x91: {  	v49 =	vmul.f32 v6, v28  }
0x92: {  	v61 =	vmovc v50;
	v50 =	vmul.f32 v6, v30;
	v6 =	vmul.f32 v34, v30;
	v35 =	vadd.f32 v35, v37;
	v37 =	vld [tilespmem:$0x1FE80]  }
0x93: {  	v4 =	vmul.f32 v34, v28;
	v34 =	vmul.f32 v1, v59;
	_ =	sdelay $0x1  }
0x94: {  	v32 =	vmul.f32 v32, v58;
	v34 =	vadd.f32 v34, v36;
	v36 =	vld [tilespmem:$0x1FE50];
	_ =	sdelay $0x1  }
0x95: {  	v32 =	vadd.f32 v32, v37  }
0x96: {  	v1 =	vmul.f32 v1, v58  }
0x97: {  	v27 =	vadd.f32 v27, v32  }
0x98: {  	v1 =	vadd.f32 v1, v36  }
0x99: {  	[tilespmem:$0x1FE80] =	vst v27;
	v27 =	vld [tilespmem:$0x1FEA0]  }
0x9a: {  	v1 =	vadd.f32 v40, v1  }
0x9b: {  	v36 =	vmul.f32 v33, v59  }
0x9c: {  	v37 =	vmul.f32 v38, v59;
	[tilespmem:$0x1FE50] =	vst v1;
	v1 =	vmul.f32 v38, v58;
	v38 =	vadd.f32 v52, v35;
	v52 =	vld [tilespmem:$0x1FEB0];
	_ =	sdelay $0x1  }
0x9d: {  	v27 =	vadd.f32 v36, v27;
	v36 =	vld [tilespmem:$0x1FED0]  }
0x9e: {  	v33 =	vmul.f32 v33, v58;
	[tilespmem:$0x1FE70] =	vst v38;
	v38 =	vld [tilespmem:$0x1FEE0]  }
0x9f: {  	v34 =	vadd.f32 v43, v34;
	v43 =	vld [tilespmem:$0x1FD40]  }
0xa0: {  	v40 =	vld [tilespmem:$0x1FD50];
	v32 =	vadd.f32 v33, v52;
	v27 =	vadd.f32 v51, v27  }
0xa1: {  	[tilespmem:$0x1FE40] =	vst v34;
	v35 =	vmul.f32 v39, v58;
	v33 =	vmul.f32 v39, v59;
	v39 =	vld [tilespmem:$0x1FD70]  }
0xa2: {  	v52 =	vld [tilespmem:$0x1FFE0];
	[tilespmem:$0x1FEA0] =	vst v27;
	v27 =	vadd.f32 v53, v32;
	v34 =	vadd.f32 v37, v36  }
0xa3: {  	v1 =	vadd.f32 v1, v38;
	v51 =	vld [tilespmem:$0x1FD80]  }
0xa4: {  	v53 =	vld [tilespmem:$0x1FD90];
	v36 =	vmul.f32 v29, v59;
	[tilespmem:$0x1FEB0] =	vst v27;
	v27 =	vmul.f32 v29, v58;
	v29 =	vadd.f32 v49, v34  }
0xa5: {  	v1 =	vadd.f32 v50, v1;
	v50 =	vadd.f32 v35, v61;
	v61 =	vld [tilespmem:$0x1FDA0]  }
0xa6: {  	[tilespmem:$0x1FED0] =	vst v29;
	v29 =	vadd.f32 v33, v56;
	v56 =	vld [tilespmem:$0x1FDB0]  }
0xa7: {  	v32 =	vld [tilespmem:$0x1FDE0]  }
0xa8: {  	p0 =	sne.s32 s22, $0x3FF;
	v37 =	vld [tilespmem:$0x1FD60]  }
.Ltmp0:
0xa9: {  	[tilespmem:$0x1FEE0] =	vst v1;
	v1 =	vmul.f32 v31, v59;
	v34 =	vmul.f32 v31, v58;
	v31 =	vld [tilespmem:$0x1FDC0];
	(pc) =	sbr.rel @p0 .LBB2_2-.Ltmp0, $4  }
0xaa: {  	v35 =	vmul.f32 v41, v59;
	v33 =	vadd.f32 v36, v48;
	v36 =	vmul.f32 v41, v58;
	v41 =	vld [tilespmem:$0x1FDF0]  }
0xab: {  	v38 =	vadd.f32 v23, v29;
	v29 =	vld [tilespmem:$0x1FDD0];
	v27 =	vadd.f32 v27, v56  }
0xac: {  	v48 =	vadd.f32 v22, v33;
	v33 =	vld [tilespmem:$0x1FE00]  }
0xad: {  	s22 =	sadd.s32 $0x2, s22;
	v50 =	vadd.f32 v55, v50;
	v23 =	vadd.f32 v47, v27;
	v27 =	vld [tilespmem:$0x1FE10]  }
0xae: {  	v1 =	vadd.f32 v1, v13;
	v13 =	vadd.f32 v34, v14  }
0xaf: {  	v14 =	vadd.f32 v35, v15;
	v15 =	vadd.f32 v36, v25  }
0xb0: {  	v22 =	vmul.f32 v16, v59;
	v16 =	vmul.f32 v16, v58;
	v49 =	vadd.f32 v42, v1  }
0xb1: {  	v1 =	vmul.f32 v26, v59;
	v47 =	vadd.f32 v0, v13;
	v55 =	vadd.f32 v44, v14  }
0xb2: {  	v0 =	vmul.f32 v26, v58;
	v44 =	vadd.f32 v12, v15;
	v12 =	vadd.f32 v22, v45  }
0xb3: {  	v13 =	vadd.f32 v16, v46;
	v14 =	vmul.f32 v63, v59;
	v1 =	vadd.f32 v1, v61  }
0xb4: {  	v15 =	vmul.f32 v63, v58;
	v0 =	vadd.f32 v0, v24;
	v45 =	vadd.f32 v8, v12  }
0xb5: {  	v16 =	vmul.f32 v62, v59;
	v42 =	vadd.f32 v9, v13;
	v46 =	vadd.f32 v10, v1  }
0xb6: {  	v8 =	vmul.f32 v62, v58;
	v24 =	vadd.f32 v11, v0;
	v0 =	vadd.f32 v14, v51  }
0xb7: {  	v12 =	vmul.f32 v21, v59;
	v1 =	vadd.f32 v15, v53;
	v10 =	vadd.f32 v16, v29  }
0xb8: {  	v8 =	vadd.f32 v8, v31;
	v0 =	vadd.f32 v4, v0  }
0xb9: {  	v9 =	vmul.f32 v57, v59;
	v31 =	vadd.f32 v6, v1;
	v6 =	vadd.f32 v12, v37  }
0xba: {  	s21 =	simm.s32 $0x0;
	s24 =	simm.s32 $0x400;
	v11 =	vmul.f32 v57, v58;
	[tilespmem:$0x1FC60] =	vst v0;
	v0 =	vmul.f32 v21, v58  }
0xbb: {  	[tilespmem:s21], [sflag:$0x1] =	stream.linear.gather [hbm4b:s6+s21], $0x4000, $0x38;
	v1 =	vadd.f32 v5, v10;
	v2 =	vadd.f32 v2, v6;
	v6 =	vmov s24;
	[tilespmem:$0x17080] =	vst v63  }
0xbc: {  	s22 =	sand.u32 $0xFE00, s21;
	v4 =	vadd.f32 v11, v43;
	_ =	swait.ge [sflag:s18], $0x4000;
	v11 =	vshll.u32 v6, $0x3;
	v0 =	vadd.f32 v0, v39  }
0xbd: {  	s23 =	sand.u32 $0x60, s21;
	s22 =	sshrl.u32 s22, $0x2;
	v6 =	vand.u32 $0x7E, v6;
	[tilespmem:$0x1FC70] =	vst v1;
	[sflag:s18] =	ssyncset.done $0x0;
	v1 =	vadd.f32 v9, v41;
	v11 =	vand.u32 $0x3C00, v11  }
0xbe: {  	s22 =	sor.u32 s23, s22;
	[sflag:s18] =	ssyncadd.s32 $0xFFFFC000;
	v6 =	vor.u32 v6, v11;
	v25 =	vadd.f32 v3, v0;
	v0 =	vld [tilespmem:$0x1FE20]  }
0xbf: {  	v29 =	vadd.f32 v7, v8;
	v8 =	vld [tilespmem:s22+$0x10];
	v1 =	vadd.f32 v17, v1;
	v13 =	vadd.s32 v52, v6  }
0xc0: {  	v5 =	vmul.f32 v20, v59  }
0xc1: {  	v9 =	vmul.f32 v19, v59;
	[tilespmem:$0x1FC80] =	vst v1;
	v1 =	vmul.f32 v19, v58;
	v19 =	vld [tilespmem:s22+$0x0]  }
0xc2: {  	v27 =	vadd.f32 v5, v27  }
0xc3: {  	v7 =	vmul.f32 v20, v58;
	v26 =	vadd.f32 v18, v4;
	v3 =	vmul.f32 v0, v28  }
0xc4: {  	v4 =	vmul.f32 v0, v30;
	v10 =	vbroadcast v8, $0x0;
	v15 =	vld.idx.msk [tilespmem:v13+s11+$0x0], $0xffff;
	v13 =	vadd.f32 v60, v27  }
0xc5: {  	v12 =	vbroadcast v8, $0x1;
	v16 =	vbroadcast v8, $0x2  }
0xc6: {  	s31 =	simm.s32 $0x401;
	v17 =	vbroadcast v8, $0x3;
	[tilespmem:$0x1FCA0] =	vst v13;
	v13 =	vbroadcast v19, $0x6  }
0xc7: {  	v5 =	vmov s31;
	[tilespmem:$0x1FC90] =	vst v2;
	v11 =	vbroadcast v8, $0x4;
	v0 =	vbroadcast v8, $0xB  }
0xc8: {  	v2 =	vadd.f32 v7, v33;
	v18 =	vbroadcast v8, $0x5;
	[tilespmem:$0x1FD20] =	vst v13;
	v13 =	vbroadcast v19, $0x7  }
0xc9: {  	v6 =	vadd.s32 v54, v6;
	v20 =	vbroadcast v8, $0x6;
	[tilespmem:$0x1FCE0] =	vst v0;
	v0 =	vbroadcast v8, $0xC  }
0xca: {  	v1 =	vadd.f32 v1, v40;
	v39 =	vbroadcast v8, $0x7;
	v37 =	vbroadcast v8, $0x8;
	[tilespmem:$0x1FD30] =	vst v13;
	v13 =	vld [tilespmem:$0x1FF00]  }
0xcb: {  	v7 =	vand.u32 $0x7F, v5;
	v36 =	vbroadcast v8, $0x9;
	[tilespmem:$0x1FCF0] =	vst v0;
	v0 =	vbroadcast v8, $0xD  }
0xcc: {  	v62 =	vbroadcast v8, $0xA;
	v30 =	vbroadcast v8, $0xF;
	v28 =	vadd.f32 v4, v1;
	v4 =	vld [tilespmem:$0x1FE40]  }
0xcd: {  	v5 =	vshll.u32 v5, $0x3;
	[tilespmem:$0x1FD00] =	vst v0;
	v0 =	vbroadcast v8, $0xE;
	v8 =	vbroadcast v19, $0x0  }
0xce: {  	v5 =	vand.u32 $0x3C00, v5  }
0xcf: {  	v5 =	vor.u32 v7, v5;
	v51 =	vld.idx.msk [tilespmem:v6+s11+$0x0], $0xffff;
	v27 =	vadd.f32 v13, v2;
	v2 =	vmul.f32 v8, v15  }
0xd0: {  	v7 =	vadd.s32 v52, v5;
	v6 =	vadd.f32 v9, v32  }
0xd1: {  	v2 =	vadd.f32 v2, v4;
	v4 =	vld [tilespmem:$0x1FE50]  }
0xd2: {  	v3 =	vadd.f32 v3, v6  }
0xd3: {  	v5 =	vadd.s32 v54, v5  }
0xd4: {  	[tilespmem:$0x1FCB0] =	vst v3;
	v3 =	vmul.f32 v8, v51  }
0xd5: {  	v57 =	vld.idx.msk [tilespmem:v7+s11+$0x0], $0xffff  }
0xd6: {  	v3 =	vadd.f32 v3, v4;
	v4 =	vld [tilespmem:$0x1FE70]  }
0xd7: {  	v14 =	vbroadcast v19, $0x1  }
0xd8: {  	v40 =	vld.idx.msk [tilespmem:v5+s11+$0x0], $0xffff  }
0xd9: {  	v6 =	vld [tilespmem:$0x1FE80];
	v5 =	vmul.f32 v14, v15;
	_ =	sdelay $0x1  }
0xda: {  	v4 =	vadd.f32 v5, v4;
	v5 =	vmul.f32 v10, v57  }
0xdb: {  	v1 =	vmul.f32 v14, v51  }
0xdc: {  	v9 =	vbroadcast v19, $0x2;
	v2 =	vadd.f32 v5, v2  }
0xdd: {  	v32 =	vbroadcast v19, $0x3;
	v1 =	vadd.f32 v1, v6;
	v5 =	vmul.f32 v12, v40  }
0xde: {  	v7 =	vld [tilespmem:$0x1FEA0];
	v63 =	vbroadcast v19, $0x4;
	[tilespmem:$0x1FCC0] =	vst v2;
	v2 =	vmul.f32 v12, v57  }
0xdf: {  	v61 =	vbroadcast v19, $0xA;
	v59 =	vbroadcast v19, $0xB;
	v54 =	vadd.f32 v5, v1  }
0xe0: {  	v5 =	vmul.f32 v9, v51;
	v2 =	vadd.f32 v2, v4;
	v4 =	vmul.f32 v9, v15;
	v9 =	vld [tilespmem:$0x1FED0]  }
0xe1: {  	v58 =	vbroadcast v19, $0xC;
	v56 =	vbroadcast v19, $0xD  }
0xe2: {  	v22 =	vmov v52;
	v52 =	vbroadcast v19, $0xE;
	v53 =	vbroadcast v19, $0xF;
	v8 =	vld [tilespmem:$0x1FEB0]  }
0xe3: {  	v14 =	vbroadcast v19, $0x9;
	v4 =	vadd.f32 v4, v7;
	v7 =	vmul.f32 v32, v15  }
0xe4: {  	v34 =	vmul.f32 v11, v57;
	v6 =	vmul.f32 v10, v40  }
0xe5: {  	[tilespmem:$0x1FD10] =	vst v0;
	v0 =	vbroadcast v19, $0x5;
	v13 =	vbroadcast v19, $0x8;
	v7 =	vadd.f32 v7, v9;
	v9 =	vld [tilespmem:$0x1FEE0]  }
0xe6: {  	v33 =	vadd.f32 v6, v3;
	v3 =	vmul.f32 v16, v57;
	v6 =	vmul.f32 v16, v40  }
0xe7: {  	v10 =	vmul.f32 v37, v57;
	v8 =	vadd.f32 v5, v8;
	[tilespmem:$0x1FCD0] =	vst v2;
	v2 =	vmul.f32 v17, v57  }
0xe8: {  	v1 =	vmul.f32 v17, v40;
	v5 =	vmul.f32 v32, v51  }
0xe9: {  	v12 =	vmul.f32 v20, v57;
	v35 =	vadd.f32 v6, v8;
	v41 =	vadd.f32 v2, v7  }
0xea: {  	v7 =	vmul.f32 v0, v15;
	v0 =	vmul.f32 v0, v51;
	v9 =	vadd.f32 v5, v9  }
0xeb: {  	v6 =	vmul.f32 v63, v15;
	v43 =	vadd.f32 v3, v4;
	v3 =	vmul.f32 v37, v40  }
0xec: {  	v19 =	vadd.f32 v0, v23;
	v0 =	vld [tilespmem:$0x1FCF0];
	v37 =	vadd.f32 v1, v9;
	v1 =	vmul.f32 v63, v51  }
0xed: {  	v6 =	vadd.f32 v6, v38;
	v5 =	vmul.f32 v20, v40;
	v20 =	vadd.f32 v7, v48;
	v7 =	vld [tilespmem:$0x1FCE0]  }
0xee: {  	v60 =	vmul.f32 v11, v40;
	v1 =	vadd.f32 v1, v50  }
0xef: {  	v48 =	vadd.f32 v34, v6;
	v6 =	vld [tilespmem:$0x1FD00]  }
0xf0: {  	v32 =	vmul.f32 v18, v40;
	v34 =	vadd.f32 v60, v1;
	v1 =	vld [tilespmem:$0x1FD10]  }
0xf1: {  	v8 =	vmul.f32 v62, v57;
	v17 =	vmul.f32 v62, v40  }
0xf2: {  	v63 =	vmul.f32 v0, v40;
	v9 =	vmul.f32 v7, v57  }
0xf3: {  	v16 =	vmul.f32 v7, v40;
	v7 =	vmul.f32 v0, v57  }
0xf4: {  	v0 =	vmul.f32 v6, v57;
	v38 =	vmul.f32 v6, v40  }
0xf5: {  	v6 =	vmul.f32 v1, v57;
	v62 =	vmul.f32 v1, v40;
	v1 =	vld [tilespmem:$0x1FD20]  }
0xf6: {  	v32 =	vadd.f32 v32, v19;
	v19 =	vld [tilespmem:$0x1FD30]  }
0xf7: {  	v21 =	vmul.f32 v18, v57  }
0xf8: {  	v11 =	vmul.f32 v36, v57;
	v18 =	vmul.f32 v39, v57  }
0xf9: {  	v4 =	vmul.f32 v39, v40;
	v2 =	vmul.f32 v36, v40  }
0xfa: {  	v60 =	vadd.f32 v21, v20;
	v20 =	vmul.f32 v1, v15;
	v1 =	vmul.f32 v1, v51  }
0xfb: {  	s23 =	simm.s32 $0x0;
	s22 =	simm.s32 $0x403;
	v50 =	vmov v22;
	v21 =	vmul.f32 v19, v15;
	v19 =	vmul.f32 v19, v51  }
.LBB2_4:
0xfc: {  	v1 =	vadd.f32 v1, v47;
	_ =	sdelay $0x1  }
0xfd: {  	v1 =	vadd.f32 v5, v1;
	_ =	sdelay $0x1  }
0xfe: {  	[tilespmem:$0x1FBF0] =	vst v1;
	v1 =	vmul.f32 v14, v51  }
0xff: {  	v21 =	vadd.f32 v21, v55  }
0x100: {  	v1 =	vadd.f32 v1, v24  }
0x101: {  	v5 =	vadd.f32 v18, v21  }
0x102: {  	v22 =	vmul.f32 v13, v15;
	v13 =	vmul.f32 v13, v51;
	v1 =	vadd.f32 v2, v1  }
0x103: {  	v20 =	vadd.f32 v20, v49;
	[tilespmem:$0x1FC00] =	vst v5  }
0x104: {  	v5 =	vadd.f32 v13, v42;
	[tilespmem:$0x1FC30] =	vst v1;
	v1 =	vld [tilespmem:$0x1FC60]  }
0x105: {  	v12 =	vadd.f32 v12, v20  }
0x106: {  	v3 =	vadd.f32 v3, v5;
	v5 =	vld [tilespmem:$0x1FC70]  }
0x107: {  	[tilespmem:$0x1FC20] =	vst v12;
	v12 =	vmul.f32 v61, v15  }
0x108: {  	v23 =	vmul.f32 v14, v15;
	v19 =	vadd.f32 v19, v44;
	v14 =	vmul.f32 v61, v51  }
0x109: {  	v18 =	vmul.f32 v59, v15;
	v1 =	vadd.f32 v12, v1  }
0x10a: {  	v4 =	vadd.f32 v4, v19;
	v2 =	vadd.f32 v14, v31  }
0x10b: {  	v5 =	vadd.f32 v18, v5;
	v1 =	vadd.f32 v8, v1  }
0x10c: {  	[tilespmem:$0x1FBB0] =	vst v4;
	v4 =	vadd.f32 v22, v45  }
0x10d: {  	[tilespmem:$0x1FC60] =	vst v1;
	v1 =	vadd.f32 v17, v2;
	v2 =	vadd.f32 v9, v5;
	v5 =	vld [tilespmem:$0x1FC90]  }
0x10e: {  	v13 =	vadd.f32 v23, v46;
	v4 =	vadd.f32 v10, v4  }
0x10f: {  	[tilespmem:$0x1FB80] =	vst v3;
	v3 =	vmul.f32 v59, v51  }
0x110: {  	[tilespmem:$0x1FBC0] =	vst v4;
	v4 =	vadd.f32 v11, v13;
	v11 =	vmul.f32 v56, v15  }
0x111: {  	v3 =	vadd.f32 v3, v29  }
0x112: {  	[tilespmem:$0x1FC10] =	vst v1;
	v1 =	vmul.f32 v56, v51;
	v5 =	vadd.f32 v11, v5  }
0x113: {  	[tilespmem:$0x1FC70] =	vst v2;
	v2 =	vadd.f32 v16, v3  }
0x114: {  	v1 =	vadd.f32 v1, v25;
	v0 =	vadd.f32 v0, v5  }
0x115: {  	[tilespmem:$0x1FBD0] =	vst v2;
	v2 =	vld [tilespmem:$0x1FC80]  }
0x116: {  	[tilespmem:$0x1FC90] =	vst v0;
	v0 =	vadd.f32 v38, v1  }
0x117: {  	[tilespmem:$0x1FBE0] =	vst v4;
	v5 =	vld [tilespmem:$0x1FCB0]  }
0x118: {  	v4 =	vmul.f32 v58, v15;
	[tilespmem:$0x1FC50] =	vst v0;
	v0 =	vld [tilespmem:$0x1FCA0]  }
0x119: {  	s21 =	sadd.s32 $0x80, s21  }
0x11a: {  	s23 =	sadd.s32 $0x20, s23;
	s24 =	sand.u32 $0xFE00, s21;
	v10 =	vmul.f32 v58, v51;
	v2 =	vadd.f32 v4, v2  }
0x11b: {  	s25 =	sand.u32 $0x60, s23;
	s24 =	sshrl.u32 s24, $0x2;
	v9 =	vmul.f32 v53, v15;
	v4 =	vmul.f32 v52, v15  }
0x11c: {  	s24 =	sor.u32 s25, s24;
	v3 =	vadd.f32 v10, v26;
	v2 =	vadd.f32 v7, v2  }
0x11d: {  	v8 =	vmul.f32 v52, v51;
	v5 =	vadd.f32 v9, v5;
	v9 =	vld [tilespmem:s24+$0x0];
	v0 =	vadd.f32 v4, v0  }
0x11e: {  	[tilespmem:$0x1FC80] =	vst v2;
	v2 =	vadd.f32 v63, v3;
	v3 =	vmul.f32 v53, v51  }
0x11f: {  	v1 =	vadd.f32 v8, v27;
	v4 =	vmul.f32 v30, v57;
	v0 =	vadd.f32 v6, v0  }
0x120: {  	[tilespmem:$0x1FB60] =	vst v2;
	v3 =	vadd.f32 v3, v28  }
0x121: {  	v7 =	vmul.f32 v30, v40;
	v2 =	vld [tilespmem:s24+$0x10];
	[tilespmem:$0x1FCA0] =	vst v0;
	v0 =	vadd.f32 v62, v1;
	v1 =	vadd.f32 v4, v5  }
0x122: {  	v24 =	vbroadcast v9, $0x0;
	v25 =	vbroadcast v9, $0x1  }
0x123: {  	v26 =	vbroadcast v9, $0x2;
	v27 =	vbroadcast v9, $0x3;
	[tilespmem:$0x1FCB0] =	vst v1;
	v1 =	vadd.f32 v7, v3  }
0x124: {  	v12 =	vld [tilespmem:$0x1FFF0];
	v28 =	vbroadcast v9, $0x4;
	v29 =	vbroadcast v9, $0x5;
	[tilespmem:$0x1FB70] =	vst v0;
	v0 =	vmov s22  }
0x125: {  	v31 =	vbroadcast v9, $0x6;
	[tilespmem:$0x1FBA0] =	vst v1;
	v1 =	vand.u32 $0x7F, v0;
	v0 =	vshll.u32 v0, $0x3  }
0x126: {  	v4 =	vbroadcast v2, $0x1;
	v5 =	vbroadcast v2, $0x2;
	v0 =	vand.u32 $0x3C00, v0  }
0x127: {  	v6 =	vbroadcast v2, $0x3;
	v8 =	vbroadcast v2, $0x5;
	v0 =	vor.u32 v1, v0  }
0x128: {  	v10 =	vbroadcast v2, $0x7;
	v16 =	vbroadcast v2, $0x8;
	v11 =	vadd.s32 v50, v0  }
0x129: {  	v17 =	vbroadcast v2, $0x9;
	v19 =	vbroadcast v2, $0xA;
	v0 =	vadd.s32 v12, v0  }
0x12a: {  	v20 =	vbroadcast v2, $0xB;
	v21 =	vbroadcast v2, $0xC  }
0x12b: {  	v22 =	vbroadcast v2, $0xD;
	v23 =	vbroadcast v2, $0xE  }
0x12c: {  	v3 =	vbroadcast v2, $0x0;
	v7 =	vbroadcast v2, $0x4  }
0x12d: {  	s31 =	sadd.s32 $0xFFFFFFFF, s22;
	v1 =	vbroadcast v2, $0x6;
	v2 =	vbroadcast v2, $0xF;
	v57 =	vld.idx.msk [tilespmem:v11+s11+$0x0], $0xffff  }
0x12e: {  	v55 =	vmovc v32;
	v32 =	vbroadcast v9, $0x7;
	v13 =	vbroadcast v9, $0x8;
	v40 =	vld.idx.msk [tilespmem:v0+s11+$0x0], $0xffff;
	v0 =	vmov s31  }
0x12f: {  	v14 =	vbroadcast v9, $0x9;
	[tilespmem:$0x1FC40] =	vst v2;
	v2 =	vand.u32 $0x7E, v0;
	v0 =	vshll.u32 v0, $0x3  }
0x130: {  	v61 =	vbroadcast v9, $0xA;
	v59 =	vbroadcast v9, $0xB;
	v0 =	vand.u32 $0x3C00, v0  }
0x131: {  	v58 =	vbroadcast v9, $0xC;
	v56 =	vbroadcast v9, $0xD;
	v0 =	vor.u32 v2, v0  }
0x132: {  	[tilespmem:$0x1FB50] =	vst v33;
	v52 =	vmovc v60;
	v39 =	vbroadcast v9, $0xE;
	v36 =	vbroadcast v9, $0xF;
	v2 =	vadd.s32 v50, v0  }
0x133: {  	v60 =	vmovc v34;
	v0 =	vadd.s32 v12, v0;
	v33 =	vmul.f32 v3, v57;
	v34 =	vmul.f32 v3, v40  }
0x134: {  	[tilespmem:$0x1FB90] =	vst v35;
	v42 =	vmul.f32 v4, v57;
	v35 =	vmul.f32 v4, v40  }
0x135: {  	v44 =	vmul.f32 v5, v57;
	v45 =	vmul.f32 v5, v40  }
0x136: {  	v46 =	vmul.f32 v6, v57;
	v47 =	vmul.f32 v6, v40  }
0x137: {  	v53 =	vmul.f32 v7, v57;
	v50 =	vmul.f32 v8, v57;
	v15 =	vld.idx.msk [tilespmem:v2+s11+$0x0], $0xffff  }
0x138: {  	v30 =	vmul.f32 v8, v40;
	v12 =	vmul.f32 v1, v57;
	v51 =	vld.idx.msk [tilespmem:v0+s11+$0x0], $0xffff  }
0x139: {  	v38 =	vmul.f32 v22, v40;
	v0 =	vmul.f32 v22, v57;
	v22 =	vld [tilespmem:$0x1FCC0]  }
0x13a: {  	v5 =	vmul.f32 v1, v40;
	v18 =	vmul.f32 v10, v57  }
0x13b: {  	v4 =	vmul.f32 v10, v40;
	v10 =	vmul.f32 v16, v57  }
0x13c: {  	v3 =	vmul.f32 v16, v40;
	v1 =	vmul.f32 v24, v15  }
0x13d: {  	v6 =	vmul.f32 v23, v57;
	v62 =	vmul.f32 v23, v40;
	v23 =	vld [tilespmem:$0x1FCD0]  }
0x13e: {  	v11 =	vmul.f32 v17, v57;
	v8 =	vmul.f32 v19, v57;
	v1 =	vadd.f32 v1, v22;
	v22 =	vld [tilespmem:$0x1FB50]  }
0x13f: {  	v9 =	vmul.f32 v20, v57;
	v16 =	vmul.f32 v20, v40  }
0x140: {  	v2 =	vmul.f32 v17, v40;
	v17 =	vmul.f32 v19, v40  }
0x141: {  	v19 =	vmul.f32 v24, v51;
	v20 =	vmul.f32 v25, v15  }
0x142: {  	v49 =	vmul.f32 v7, v40;
	v7 =	vmul.f32 v21, v57;
	v1 =	vadd.f32 v33, v1  }
0x143: {  	v24 =	vmul.f32 v27, v15;
	v20 =	vadd.f32 v20, v23;
	v19 =	vadd.f32 v19, v22  }
0x144: {  	v23 =	vmul.f32 v26, v51;
	[tilespmem:$0x1FCC0] =	vst v1;
	v1 =	vmul.f32 v27, v51;
	v27 =	vld [tilespmem:$0x1FB70]  }
0x145: {  	v22 =	vmul.f32 v26, v15;
	v26 =	vld [tilespmem:$0x1FB60];
	v33 =	vadd.f32 v34, v19;
	v19 =	vadd.f32 v42, v20  }
0x146: {  	v63 =	vmul.f32 v21, v40;
	v21 =	vmul.f32 v25, v51;
	v1 =	vadd.f32 v1, v37;
	v42 =	vld [tilespmem:$0x1FB80]  }
0x147: {  	v20 =	vld [tilespmem:$0x1FB90];
	[tilespmem:$0x1FCD0] =	vst v19;
	v19 =	vadd.f32 v22, v43  }
0x148: {  	v21 =	vadd.f32 v21, v54;
	v37 =	vadd.f32 v47, v1;
	v47 =	vld [tilespmem:$0x1FBF0]  }
0x149: {  	v22 =	vadd.f32 v24, v41;
	v43 =	vadd.f32 v44, v19;
	v44 =	vld [tilespmem:$0x1FBB0]  }
0x14a: {  	v24 =	vmul.f32 v29, v15;
	v19 =	vmul.f32 v29, v51;
	v29 =	vld [tilespmem:$0x1FBD0]  }
0x14b: {  	v54 =	vadd.f32 v35, v21;
	v41 =	vadd.f32 v46, v22;
	v46 =	vld [tilespmem:$0x1FBE0]  }
0x14c: {  	v21 =	vmul.f32 v28, v15;
	v20 =	vadd.f32 v23, v20;
	v23 =	vmul.f32 v28, v51;
	v28 =	vld [tilespmem:$0x1FBA0]  }
0x14d: {  	v25 =	vadd.f32 v19, v55;
	v55 =	vld [tilespmem:$0x1FC00]  }
0x14e: {  	v24 =	vadd.f32 v24, v52;
	v35 =	vadd.f32 v45, v20;
	v45 =	vld [tilespmem:$0x1FBC0]  }
0x14f: {  	p0 =	sne.s32 s22, $0x7FF;
	v1 =	vmul.f32 v31, v51;
	v20 =	vmul.f32 v31, v15;
	v31 =	vld [tilespmem:$0x1FC10]  }
.Ltmp1:
0x150: {  	v23 =	vadd.f32 v23, v60;
	v60 =	vadd.f32 v50, v24;
	v24 =	vld [tilespmem:$0x1FC30];
	(pc) =	sbr.rel @p0 .LBB2_4-.Ltmp1, $4  }
0x151: {  	v22 =	vadd.f32 v21, v48;
	v50 =	vld [tilespmem:$0x1FFE0]  }
0x152: {  	v21 =	vmul.f32 v32, v15;
	v19 =	vmul.f32 v32, v51;
	v32 =	vadd.f32 v30, v25;
	v30 =	vld [tilespmem:$0x1FC40]  }
0x153: {  	v25 =	vld [tilespmem:$0x1FC50]  }
0x154: {  	s22 =	sadd.s32 $0x2, s22;
	v52 =	vmovc v39;
	v48 =	vadd.f32 v53, v22;
	v53 =	vmov v36;
	v34 =	vadd.f32 v49, v23;
	v49 =	vld [tilespmem:$0x1FC20]  }
0x155: {  	_ =	sdelay $0x3  }
0x156: {  	v20 =	vadd.f32 v20, v49;
	_ =	sdelay $0x1  }
0x157: {  	v12 =	vadd.f32 v12, v20;
	v20 =	vmul.f32 v14, v15;
	_ =	sdelay $0x1  }
0x158: {  	v20 =	vadd.f32 v20, v46  }
0x159: {  	v39 =	vld [tilespmem:$0x1FCC0]  }
0x15a: {  	v11 =	vadd.f32 v11, v20;
	v20 =	vld [tilespmem:$0x1FC60]  }
0x15b: {  	v36 =	vld [tilespmem:$0x1FCD0];
	_ =	sdelay $0x1  }
0x15c: {  	v23 =	vmul.f32 v61, v15  }
0x15d: {  	v21 =	vadd.f32 v21, v55;
	v22 =	vmul.f32 v13, v15  }
0x15e: {  	v20 =	vadd.f32 v23, v20;
	v23 =	vld [tilespmem:$0x1FC70]  }
0x15f: {  	v18 =	vadd.f32 v18, v21;
	v21 =	vadd.f32 v22, v45;
	v22 =	vmax.f32 v39, v36  }
0x160: {  	v22 =	vmax.f32 v22, v43  }
0x161: {  	v10 =	vadd.f32 v10, v21;
	v21 =	vmax.f32 v22, v41;
	v22 =	vmul.f32 v59, v15;
	_ =	sdelay $0x1  }
0x162: {  	v22 =	vadd.f32 v22, v23;
	_ =	sdelay $0x1  }
0x163: {  	v9 =	vadd.f32 v9, v22;
	v22 =	vld [tilespmem:$0x1FC80];
	_ =	sdelay $0x2  }
0x164: {  	v23 =	vmul.f32 v58, v15;
	_ =	sdelay $0x1  }
0x165: {  	v22 =	vadd.f32 v23, v22;
	v23 =	vld [tilespmem:$0x1FC90]  }
0x166: {  	v21 =	vmax.f32 v21, v48  }
0x167: {  	v21 =	vmax.f32 v21, v60  }
0x168: {  	v8 =	vadd.f32 v8, v20;
	v20 =	vmax.f32 v21, v12;
	v21 =	vmul.f32 v56, v15;
	_ =	sdelay $0x1  }
0x169: {  	v21 =	vadd.f32 v21, v23;
	_ =	sdelay $0x1  }
0x16a: {  	v21 =	vadd.f32 v0, v21;
	v0 =	vld [tilespmem:$0x1FCA0]  }
0x16b: {  	v7 =	vadd.f32 v7, v22;
	v22 =	vld [tilespmem:$0x1FCB0]  }
0x16c: {  	v20 =	vmax.f32 v20, v18  }
0x16d: {  	v20 =	vmax.f32 v20, v10;
	v23 =	vmul.f32 v52, v15  }
0x16e: {  	v20 =	vmax.f32 v20, v11;
	v15 =	vmul.f32 v53, v15  }
0x16f: {  	v20 =	vmax.f32 v20, v8;
	v0 =	vadd.f32 v23, v0  }
0x170: {  	v20 =	vmax.f32 v20, v9;
	v15 =	vadd.f32 v15, v22;
	v22 =	vmul.f32 v30, v57  }
0x171: {  	v23 =	vadd.f32 v6, v0;
	v0 =	vmax.f32 v20, v7  }
0x172: {  	v15 =	vadd.f32 v22, v15;
	v0 =	vmax.f32 v0, v21  }
0x173: {  	v0 =	vmax.f32 v0, v23  }
0x174: {  	v20 =	vmax.f32 v0, v15  }
0x175: {  	v0 =	vsub.f32 v39, v20  }
0x176: {  	v6 =	vsub.f32 v36, v20  }
0x177: {  	v0 =	vmul.f32 $1.442695020e+00, v0  }
0x178: {  	v22 =	vsub.f32 v43, v20;
	v6 =	vmul.f32 $1.442695020e+00, v6  }
0x179: {  	(erf) = vpow2.f32 v0  }
0x17a: {  	v0 =	vmul.f32 $1.442695020e+00, v22;
	(erf) = vpow2.f32 v6;
	v6 =	vsub.f32 v41, v20;
	_ =	sdelay $0x1  }
0x17b: {  	(erf) = vpow2.f32 v0;
	v0 =	vmul.f32 $1.442695020e+00, v6;
	v6 =	vsub.f32 v48, v20;
	_ =	sdelay $0x1  }
0x17c: {  	(erf) = vpow2.f32 v0;
	v0 =	vmul.f32 $1.442695020e+00, v6;
	v6 =	vsub.f32 v60, v20  }
0x17d: {  	v1 =	vadd.f32 v1, v47;
	v12 =	vsub.f32 v12, v20  }
0x17e: {  	v19 =	vadd.f32 v19, v44;
	(erf) = vpow2.f32 v0;
	v6 =	vmul.f32 $1.442695020e+00, v6  }
0x17f: {  	v1 =	vadd.f32 v5, v1;
	v18 =	vsub.f32 v18, v20;
	v5 =	vmul.f32 $1.442695020e+00, v12  }
0x180: {  	v13 =	vmul.f32 v13, v51;
	v19 =	vadd.f32 v4, v19;
	v0 =	vpop (erf);
	(erf) = vpow2.f32 v6  }
0x181: {  	v14 =	vmul.f32 v14, v51;
	v10 =	vsub.f32 v10, v20;
	v12 =	vmul.f32 $1.442695020e+00, v18;
	v4 =	vpop (erf)  }
0x182: {  	v6 =	vadd.f32 v13, v42;
	(erf) = vpow2.f32 v5;
	v13 =	vadd.f32 v4, v0  }
0x183: {  	v14 =	vadd.f32 v14, v24;
	v11 =	vsub.f32 v11, v20;
	v5 =	vpop (erf)  }
0x184: {  	v10 =	vmul.f32 $1.442695020e+00, v10;
	(erf) = vpow2.f32 v12;
	v12 =	vadd.f32 v13, v5  }
0x185: {  	v8 =	vsub.f32 v8, v20;
	v22 =	vadd.f32 v3, v6;
	v6 =	vmul.f32 v59, v51;
	v3 =	vpop (erf)  }
0x186: {  	(erf) = vpow2.f32 v10;
	v10 =	vmul.f32 $1.442695020e+00, v11;
	v11 =	vadd.f32 v12, v3  }
0x187: {  	v24 =	vadd.f32 v2, v14;
	v9 =	vsub.f32 v9, v20;
	v8 =	vmul.f32 $1.442695020e+00, v8;
	v2 =	vpop (erf)  }
0x188: {  	(erf) = vpow2.f32 v10;
	v10 =	vadd.f32 v11, v2  }
0x189: {  	v11 =	vadd.f32 v6, v29;
	v6 =	vpop (erf);
	(erf) = vpow2.f32 v8;
	v8 =	vmul.f32 $1.442695020e+00, v9  }
0x18a: {  	v9 =	vsub.f32 v7, v20;
	v10 =	vadd.f32 v10, v6  }
0x18b: {  	v14 =	vsub.f32 v21, v20;
	v15 =	vsub.f32 v15, v20;
	v18 =	vmul.f32 v61, v51;
	v7 =	vpop (erf)  }
0x18c: {  	v13 =	vmul.f32 v58, v51;
	v9 =	vmul.f32 $1.442695020e+00, v9;
	v10 =	vadd.f32 v10, v7  }
0x18d: {  	v12 =	vadd.f32 v18, v31;
	v18 =	vadd.f32 v16, v11;
	(erf) = vpow2.f32 v8;
	v8 =	vpop (erf)  }
0x18e: {  	v11 =	vmul.f32 $1.442695020e+00, v14;
	v14 =	vsub.f32 v23, v20;
	v10 =	vadd.f32 v10, v8  }
0x18f: {  	v13 =	vadd.f32 v13, v26;
	v16 =	vmax.f32 v33, v54;
	(erf) = vpow2.f32 v9  }
0x190: {  	v9 =	vpop (erf);
	(erf) = vpow2.f32 v11;
	v11 =	vmul.f32 $1.442695020e+00, v14;
	v14 =	vmax.f32 v16, v35  }
0x191: {  	v17 =	vadd.f32 v17, v12;
	v16 =	vadd.f32 v10, v9;
	v14 =	vmax.f32 v14, v37  }
0x192: {  	v12 =	vmul.f32 v56, v51;
	v10 =	vpop (erf);
	(erf) = vpow2.f32 v11;
	v11 =	vmax.f32 v14, v34  }
0x193: {  	v14 =	vmul.f32 $1.442695020e+00, v15;
	v15 =	vadd.f32 v16, v10;
	v16 =	vmax.f32 v11, v32  }
0x194: {  	v20 =	vadd.f32 v12, v25;
	v12 =	vmax.f32 v16, v1  }
0x195: {  	v23 =	vadd.f32 v63, v13;
	v11 =	vpop (erf)  }
0x196: {  	v13 =	vmul.f32 v53, v51;
	(erf) = vpow2.f32 v14;
	v14 =	vadd.f32 v15, v11  }
0x197: {  	v15 =	vmax.f32 v12, v19;
	v12 =	vpop (erf)  }
0x198: {  	v21 =	vmul.f32 v52, v51;
	v15 =	vmax.f32 v15, v22;
	v14 =	vadd.f32 v14, v12  }
0x199: {  	v15 =	vmax.f32 v15, v24  }
0x19a: {  	v16 =	vadd.f32 v21, v27;
	v21 =	vadd.f32 v13, v28;
	v13 =	vpop (erf);
	v15 =	vmax.f32 v15, v17  }
0x19b: {  	v26 =	vadd.f32 v14, v13;
	v15 =	vmax.f32 v15, v18  }
0x19c: {  	v25 =	vmul.f32 v30, v40;
	v20 =	vadd.f32 v38, v20;
	v15 =	vmax.f32 v15, v23;
	v14 =	vpop (erf)  }
0x19d: {  	v27 =	vadd.f32 v62, v16;
	v16 =	vadd.f32 v26, v14  }
0x19e: {  	v21 =	vadd.f32 v25, v21;
	v25 =	vmax.f32 v15, v20  }
0x19f: {  	v25 =	vmax.f32 v25, v27;
	v15 =	vpop (erf)  }
0x1a0: {  	v25 =	vmax.f32 v25, v21;
	v26 =	vadd.f32 v16, v15  }
0x1a1: {  	v28 =	vsub.f32 v33, v25;
	v16 =	vpop (erf)  }
0x1a2: {  	v29 =	vsub.f32 v54, v25;
	v26 =	vadd.f32 v26, v16  }
0x1a3: {  	v28 =	vmul.f32 $1.442695020e+00, v28  }
0x1a4: {  	(erf) = vrcp.f32 v26;
	v26 =	vmul.f32 $1.442695020e+00, v29;
	v29 =	vsub.f32 v35, v25  }
0x1a5: {  	(erf) = vpow2.f32 v28  }
0x1a6: {  	v28 =	vsub.f32 v37, v25;
	(erf) = vpow2.f32 v26;
	v26 =	vmul.f32 $1.442695020e+00, v29;
	_ =	sdelay $0x1  }
0x1a7: {  	(erf) = vpow2.f32 v26;
	v26 =	vmul.f32 $1.442695020e+00, v28;
	v28 =	vsub.f32 v34, v25;
	_ =	sdelay $0x1  }
0x1a8: {  	(erf) = vpow2.f32 v26;
	v26 =	vmul.f32 $1.442695020e+00, v28;
	v28 =	vsub.f32 v32, v25;
	_ =	sdelay $0x1  }
0x1a9: {  	(erf) = vpow2.f32 v26;
	v26 =	vmul.f32 $1.442695020e+00, v28  }
0x1aa: {  	v1 =	vsub.f32 v1, v25  }
0x1ab: {  	v19 =	vsub.f32 v19, v25;
	v28 =	vpop (erf)  }
0x1ac: {  	v1 =	vmul.f32 $1.442695020e+00, v1;
	v29 =	vpop (erf)  }
0x1ad: {  	v19 =	vmul.f32 $1.442695020e+00, v19;
	(erf) = vpow2.f32 v26;
	v26 =	vpop (erf)  }
0x1ae: {  	(erf) = vpow2.f32 v1;
	v1 =	vsub.f32 v22, v25;
	v22 =	vadd.f32 v26, v29  }
0x1af: {  	(erf) = vpow2.f32 v19;
	v30 =	vpop (erf)  }
0x1b0: {  	v19 =	vsub.f32 v24, v25;
	v1 =	vmul.f32 $1.442695020e+00, v1;
	v22 =	vadd.f32 v22, v30  }
0x1b1: {  	v24 =	vpop (erf)  }
0x1b2: {  	(erf) = vpow2.f32 v1;
	v1 =	vmul.f32 $1.442695020e+00, v19;
	v19 =	vadd.f32 v22, v24;
	_ =	sdelay $0x1  }
0x1b3: {  	v17 =	vsub.f32 v17, v25;
	v22 =	vpop (erf)  }
0x1b4: {  	(erf) = vpow2.f32 v1;
	v1 =	vsub.f32 v18, v25;
	v18 =	vadd.f32 v19, v22  }
0x1b5: {  	v17 =	vmul.f32 $1.442695020e+00, v17;
	v19 =	vpop (erf)  }
0x1b6: {  	v18 =	vadd.f32 v18, v19  }
0x1b7: {  	v1 =	vmul.f32 $1.442695020e+00, v1;
	(erf) = vpow2.f32 v17;
	v17 =	vsub.f32 v23, v25  }
0x1b8: {  	v20 =	vsub.f32 v20, v25;
	v23 =	vpop (erf)  }
0x1b9: {  	(erf) = vpow2.f32 v1;
	v1 =	vmul.f32 $1.442695020e+00, v17;
	v17 =	vadd.f32 v18, v23  }
0x1ba: {  	v18 =	vpop (erf)  }
0x1bb: {  	v20 =	vmul.f32 $1.442695020e+00, v20;
	v17 =	vadd.f32 v17, v18  }
0x1bc: {  	(erf) = vpow2.f32 v1;
	v1 =	vsub.f32 v27, v25;
	v27 =	vpop (erf)  }
0x1bd: {  	(erf) = vpow2.f32 v20;
	v20 =	vsub.f32 v21, v25;
	v17 =	vadd.f32 v17, v27  }
0x1be: {  	v1 =	vmul.f32 $1.442695020e+00, v1;
	v21 =	vpop (erf)  }
0x1bf: {  	v17 =	vadd.f32 v17, v21  }
0x1c0: {  	(erf) = vpow2.f32 v1;
	v1 =	vmul.f32 $1.442695020e+00, v20  }
0x1c1: {  	v58 =	vld [tilespmem:$0x1FFD0];
	v20 =	vpop (erf)  }
0x1c2: {  	(erf) = vpow2.f32 v1;
	v1 =	vadd.f32 v17, v20  }
0x1c3: {  	v17 =	vpop (erf)  }
0x1c4: {  	v1 =	vadd.f32 v1, v17  }
0x1c5: {  	v25 =	vpop (erf)  }
0x1c6: {  	v31 =	vor.u32 $0x1, v58;
	v1 =	vadd.f32 v1, v25  }
0x1c7: {  	v60 =	vor.u32 $0x2, v58;
	v59 =	vpop (erf)  }
0x1c8: {  	v61 =	vor.u32 $0x3, v58;
	v0 =	vmul.f32 v28, v0;
	v1 =	vadd.f32 v1, v59  }
0x1c9: {  	v63 =	vor.u32 $0x4, v58;
	v4 =	vmul.f32 v28, v4;
	v62 =	vpop (erf)  }
0x1ca: {  	[tilespmem:v58+s19+$0x0] =	vst.idx.msk $0xffff, v0;
	v0 =	vmul.f32 v28, v5;
	v5 =	vor.u32 $0x5, v58;
	v1 =	vadd.f32 v1, v62  }
0x1cb: {  	v3 =	vmul.f32 v28, v3;
	[tilespmem:v31+s19+$0x0] =	vst.idx.msk $0xffff, v4;
	v4 =	vor.u32 $0x6, v58;
	v31 =	vpop (erf)  }
0x1cc: {  	[tilespmem:v60+s19+$0x0] =	vst.idx.msk $0xffff, v0;
	v0 =	vmul.f32 v28, v2;
	v2 =	vor.u32 $0x7, v58;
	v1 =	vadd.f32 v1, v31  }
0x1cd: {  	[tilespmem:v61+s19+$0x0] =	vst.idx.msk $0xffff, v3;
	v3 =	vmul.f32 v28, v6;
	v6 =	vor.u32 $0x8, v58  }
0x1ce: {  	[tilespmem:v63+s19+$0x0] =	vst.idx.msk $0xffff, v0;
	v0 =	vmul.f32 v28, v7;
	v7 =	vor.u32 $0x9, v58;
	(erf) = vrcp.f32 v1  }
0x1cf: {  	[tilespmem:v5+s19+$0x0] =	vst.idx.msk $0xffff, v3;
	v3 =	vor.u32 $0xA, v58;
	v1 =	vmul.f32 v28, v8  }
0x1d0: {  	[tilespmem:v4+s19+$0x0] =	vst.idx.msk $0xffff, v0;
	v0 =	vmul.f32 v28, v9;
	v4 =	vor.u32 $0xB, v58  }
0x1d1: {  	[tilespmem:v2+s19+$0x0] =	vst.idx.msk $0xffff, v1;
	v1 =	vmul.f32 v28, v10;
	v2 =	vor.u32 $0xC, v58  }
0x1d2: {  	v5 =	vor.u32 $0xD, v58;
	[tilespmem:v6+s19+$0x0] =	vst.idx.msk $0xffff, v0;
	v0 =	vmul.f32 v28, v11  }
0x1d3: {  	v6 =	vor.u32 $0xE, v58;
	[tilespmem:v7+s19+$0x0] =	vst.idx.msk $0xffff, v1;
	v1 =	vmul.f32 v28, v12  }
0x1d4: {  	[tilespmem:v3+s19+$0x0] =	vst.idx.msk $0xffff, v0;
	v0 =	vmul.f32 v28, v13;
	v3 =	vor.u32 $0xF, v58  }
0x1d5: {  	[tilespmem:v4+s19+$0x0] =	vst.idx.msk $0xffff, v1;
	v1 =	vmul.f32 v28, v14;
	v4 =	vor.u32 $0x800, v58  }
0x1d6: {  	[tilespmem:v2+s19+$0x0] =	vst.idx.msk $0xffff, v0;
	v0 =	vmul.f32 v28, v15;
	v2 =	vor.u32 $0x801, v58  }
0x1d7: {  	v7 =	vor.u32 $0x802, v58;
	[tilespmem:v5+s19+$0x0] =	vst.idx.msk $0xffff, v1;
	v1 =	vmul.f32 v28, v16;
	v5 =	vpop (erf)  }
0x1d8: {  	[tilespmem:v6+s19+$0x0] =	vst.idx.msk $0xffff, v0;
	v6 =	vor.u32 $0x803, v58;
	v0 =	vmul.f32 v5, v29  }
0x1d9: {  	[tilespmem:v3+s19+$0x0] =	vst.idx.msk $0xffff, v1;
	v1 =	vmul.f32 v5, v26;
	v3 =	vor.u32 $0x804, v58  }
0x1da: {  	[tilespmem:v4+s19+$0x0] =	vst.idx.msk $0xffff, v0;
	v0 =	vmul.f32 v5, v30;
	v4 =	vor.u32 $0x805, v58  }
0x1db: {  	[tilespmem:v2+s19+$0x0] =	vst.idx.msk $0xffff, v1;
	v1 =	vmul.f32 v5, v24;
	v2 =	vor.u32 $0x806, v58  }
0x1dc: {  	[tilespmem:v7+s19+$0x0] =	vst.idx.msk $0xffff, v0;
	v0 =	vmul.f32 v5, v22;
	v7 =	vor.u32 $0x807, v58  }
0x1dd: {  	[tilespmem:v6+s19+$0x0] =	vst.idx.msk $0xffff, v1;
	v1 =	vmul.f32 v5, v19;
	v6 =	vor.u32 $0x808, v58  }
0x1de: {  	[tilespmem:v3+s19+$0x0] =	vst.idx.msk $0xffff, v0;
	v0 =	vmul.f32 v5, v23;
	v3 =	vor.u32 $0x809, v58  }
0x1df: {  	[tilespmem:v4+s19+$0x0] =	vst.idx.msk $0xffff, v1;
	v1 =	vmul.f32 v5, v18;
	v4 =	vor.u32 $0x80A, v58  }
0x1e0: {  	[tilespmem:v2+s19+$0x0] =	vst.idx.msk $0xffff, v0;
	v0 =	vmul.f32 v5, v27;
	v2 =	vor.u32 $0x80B, v58  }
0x1e1: {  	[tilespmem:v7+s19+$0x0] =	vst.idx.msk $0xffff, v1;
	v1 =	vmul.f32 v5, v21;
	v7 =	vor.u32 $0x80C, v58  }
0x1e2: {  	[tilespmem:v6+s19+$0x0] =	vst.idx.msk $0xffff, v0;
	v0 =	vmul.f32 v5, v20;
	v6 =	vor.u32 $0x80D, v58  }
0x1e3: {  	[tilespmem:v3+s19+$0x0] =	vst.idx.msk $0xffff, v1;
	v1 =	vmul.f32 v5, v17;
	v3 =	vor.u32 $0x80E, v58  }
0x1e4: {  	[tilespmem:v4+s19+$0x0] =	vst.idx.msk $0xffff, v0;
	v0 =	vmul.f32 v5, v25;
	v4 =	vor.u32 $0x80F, v58  }
0x1e5: {  	[tilespmem:v2+s19+$0x0] =	vst.idx.msk $0xffff, v1;
	v1 =	vmul.f32 v5, v59  }
0x1e6: {  	[tilespmem:v7+s19+$0x0] =	vst.idx.msk $0xffff, v0;
	v0 =	vmul.f32 v5, v62  }
0x1e7: {  	[tilespmem:v6+s19+$0x0] =	vst.idx.msk $0xffff, v1;
	v1 =	vmul.f32 v5, v31  }
0x1e8: {  	[tilespmem:v3+s19+$0x0] =	vst.idx.msk $0xffff, v0  }
0x1e9: {  	s21 =	simm.s32 $0x0;
	[tilespmem:v4+s19+$0x0] =	vst.idx.msk $0xffff, v1  }
0x1ea: {  	[tilespmem:s11], [sflag:$0x1] =	stream.linear.gather [hbm4b:s7+s21], $0x4000, $0x38;
	[tilespmem:$0x17080] =	vst v63  }
0x1eb: {  	s22 =	sadd.s32 $0x800, s7  }
0x1ec: {  	[tilespmem:s13], [sflag:$0x1] =	stream.linear.gather [hbm4b:s22+s21], $0x4000, $0x38;
	[tilespmem:$0x17080] =	vst v63  }
0x1ed: {  	s28 =	sadd.s32 $0x1000, s7  }
0x1ee: {  	[tilespmem:s15], [sflag:$0x1] =	stream.linear.gather [hbm4b:s28+s21], $0x4000, $0x38;
	[tilespmem:$0x17080] =	vst v63  }
0x1ef: {  	s29 =	sadd.s32 $0x1800, s7;
	s23 =	simm.s32 $0x1  }
0x1f0: {  	[tilespmem:s17], [sflag:$0x1] =	stream.linear.gather [hbm4b:s29+s21], $0x4000, $0x38;
	[tilespmem:$0x17080] =	vst v63  }
0x1f1: {  	_ =	swait.ge [sflag:s23], $0x10000  }
0x1f2: {  	[sflag:s23] =	ssyncset.done $0x0  }
0x1f3: {  	[sflag:s23] =	ssyncadd.s32 $0xFFFF0000  }
0x1f4: {  	[tilespmem:s21], [sflag:$0x1] =	stream.linear.gather [hbm4b:s4+s21], $0x4000, $0x38;
	[tilespmem:$0x17080] =	vst v63  }
0x1f5: {  	s24 =	simm.s32 $0x0;
	s22 =	simm.s32 $0x10;
	_ =	swait.ge [sflag:s23], $0x4000  }
0x1f6: {  	s24 =	sand.u32 $0x3F80, s24;
	s25 =	sand.u32 $0x70, s22;
	[sflag:s23] =	ssyncset.done $0x0  }
0x1f7: {  	s25 =	sor.u32 s25, s24;
	[sflag:s23] =	ssyncadd.s32 $0xFFFFC000  }
0x1f8: {  	v0 =	vld [tilespmem:s25+$0x0];
	_ =	sdelay $0x3  }
0x1f9: {  	v1 =	vmov s23;
	v12 =	vld [tilespmem:$0x1FFF0]  }
0x1fa: {  	s30 =	simm.s32 $0x0;
	v4 =	vand.u32 $0x7F, v1;
	v1 =	vshll.u32 v1, $0x3;
	v2 =	vbroadcast v0, $0x0  }
0x1fb: {  	v1 =	vand.u32 $0x1C00, v1;
	s23 =	sand.u32 $0x60, s30;
	v3 =	vbroadcast v0, $0x1;
	v5 =	vbroadcast v0, $0x2  }
0x1fc: {  	v1 =	vor.u32 v4, v1;
	s23 =	sor.u32 s23, s24;
	v6 =	vbroadcast v0, $0x3;
	v7 =	vbroadcast v0, $0x4  }
0x1fd: {  	v11 =	vadd.s32 v50, v1;
	v9 =	vld [tilespmem:s23+$0x0];
	v8 =	vbroadcast v0, $0x5;
	v10 =	vbroadcast v0, $0x6  }
0x1fe: {  	v1 =	vadd.s32 v12, v1;
	v13 =	vbroadcast v0, $0x7;
	v4 =	vbroadcast v0, $0x8  }
0x1ff: {  	v14 =	vbroadcast v0, $0x9;
	v15 =	vbroadcast v0, $0xA  }
0x200: {  	v16 =	vbroadcast v0, $0xB;
	v17 =	vbroadcast v0, $0xC  }
0x201: {  	v18 =	vbroadcast v0, $0xD;
	v19 =	vbroadcast v0, $0xE  }
0x202: {  	v38 =	vld.idx.msk [tilespmem:v11+s11+$0x0], $0xffff;
	v32 =	vbroadcast v0, $0xF;
	v20 =	vbroadcast v9, $0x0  }
0x203: {  	s31 =	simm.s32 $0x0;
	v21 =	vbroadcast v9, $0x1;
	v22 =	vbroadcast v9, $0x2;
	v39 =	vld.idx.msk [tilespmem:v1+s11+$0x0], $0xffff  }
0x204: {  	v0 =	vmov s31;
	v23 =	vbroadcast v9, $0x3;
	v24 =	vbroadcast v9, $0x4  }
0x205: {  	v25 =	vbroadcast v9, $0x5;
	v1 =	vand.u32 $0x7E, v0;
	v0 =	vshll.u32 v0, $0x3  }
0x206: {  	v26 =	vbroadcast v9, $0x6;
	v28 =	vbroadcast v9, $0x7;
	v0 =	vand.u32 $0x1C00, v0  }
0x207: {  	v53 =	vbroadcast v9, $0x8;
	v48 =	vbroadcast v9, $0x9;
	v0 =	vor.u32 v1, v0  }
0x208: {  	v27 =	vmul.f32 v2, v38;
	v29 =	vmul.f32 v2, v39;
	v2 =	vadd.s32 v50, v0  }
0x209: {  	v31 =	vmul.f32 v3, v38;
	v42 =	vmul.f32 v3, v39;
	v3 =	vadd.s32 v12, v0  }
0x20a: {  	v47 =	vbroadcast v9, $0xA;
	v44 =	vbroadcast v9, $0xB  }
0x20b: {  	v43 =	vbroadcast v9, $0xC;
	v30 =	vbroadcast v9, $0xD  }
0x20c: {  	v36 =	vbroadcast v9, $0xE;
	v35 =	vbroadcast v9, $0xF  }
0x20d: {  	v55 =	vmul.f32 v6, v38;
	v57 =	vmul.f32 v7, v38;
	v46 =	vld.idx.msk [tilespmem:v2+s11+$0x0], $0xffff  }
0x20e: {  	v34 =	vmul.f32 v8, v38;
	v49 =	vmul.f32 v17, v38;
	v45 =	vld.idx.msk [tilespmem:v3+s11+$0x0], $0xffff  }
0x20f: {  	v37 =	vmul.f32 v8, v39;
	v12 =	vmul.f32 v10, v38  }
0x210: {  	v11 =	vmul.f32 v10, v39;
	v50 =	vmul.f32 v17, v39;
	v17 =	vld [tilespmem:$0x1FE30]  }
0x211: {  	v0 =	vmul.f32 v13, v38;
	v10 =	vmul.f32 v13, v39  }
0x212: {  	v8 =	vmul.f32 v14, v38;
	v9 =	vmul.f32 v14, v39  }
0x213: {  	v13 =	vmul.f32 v20, v46;
	v14 =	vmul.f32 v20, v45  }
0x214: {  	v1 =	vmul.f32 v5, v38;
	v54 =	vmul.f32 v5, v39  }
0x215: {  	v56 =	vmul.f32 v6, v39;
	v13 =	vadd.f32 v13, v17;
	v14 =	vadd.f32 v14, v17;
	v17 =	vld [tilespmem:$0x1FE60]  }
0x216: {  	v33 =	vmul.f32 v7, v39;
	v6 =	vmul.f32 v4, v38  }
0x217: {  	v7 =	vmul.f32 v4, v39;
	v4 =	vmul.f32 v15, v38  }
0x218: {  	v5 =	vmul.f32 v15, v39;
	v15 =	vmul.f32 v21, v46  }
0x219: {  	v2 =	vmul.f32 v16, v38  }
0x21a: {  	v3 =	vmul.f32 v16, v39;
	v16 =	vmul.f32 v21, v45;
	v15 =	vadd.f32 v15, v17;
	_ =	sdelay $0x1  }
0x21b: {  	v16 =	vadd.f32 v16, v17;
	v15 =	vadd.f32 v31, v15;
	_ =	sdelay $0x1  }
0x21c: {  	[tilespmem:$0x1FAC0] =	vst v15;
	v15 =	vadd.f32 v42, v16;
	_ =	sdelay $0x1  }
0x21d: {  	[tilespmem:$0x1FAD0] =	vst v15;
	v15 =	vld [tilespmem:$0x1FE90]  }
0x21e: {  	v13 =	vadd.f32 v27, v13;
	_ =	sdelay $0x1  }
0x21f: {  	[tilespmem:$0x1FAA0] =	vst v13;
	v13 =	vmul.f32 v22, v46  }
0x220: {  	v16 =	vld [tilespmem:$0x1FEC0]  }
0x221: {  	v14 =	vadd.f32 v29, v14;
	v17 =	vmul.f32 v22, v45;
	v13 =	vadd.f32 v13, v15  }
0x222: {  	v51 =	vmul.f32 v18, v38  }
0x223: {  	[tilespmem:$0x1FAB0] =	vst v14;
	v14 =	vmul.f32 v23, v46;
	v15 =	vadd.f32 v17, v15;
	v1 =	vadd.f32 v1, v13  }
0x224: {  	v52 =	vmul.f32 v18, v39;
	v18 =	vmul.f32 v23, v45  }
0x225: {  	v14 =	vadd.f32 v14, v16;
	[tilespmem:$0x1FAE0] =	vst v1;
	v1 =	vadd.f32 v54, v15  }
0x226: {  	v16 =	vadd.f32 v18, v16  }
0x227: {  	[tilespmem:$0x1FAF0] =	vst v1;
	v1 =	vadd.f32 v55, v14  }
0x228: {  	v63 =	vadd.f32 v56, v16;
	v16 =	vld [tilespmem:$0x1FF10]  }
0x229: {  	[tilespmem:$0x1FB00] =	vst v1;
	v1 =	vld [tilespmem:$0x1FEF0];
	_ =	sdelay $0x1  }
0x22a: {  	v41 =	vmul.f32 v19, v38;
	v13 =	vmul.f32 v25, v45  }
0x22b: {  	v40 =	vmul.f32 v19, v39;
	v19 =	vmul.f32 v24, v46  }
0x22c: {  	v21 =	vld [tilespmem:$0x1FFA0];
	v13 =	vadd.f32 v13, v16  }
0x22d: {  	v29 =	vld [tilespmem:$0x1FF70];
	v18 =	vmul.f32 v24, v45;
	v14 =	vadd.f32 v19, v1  }
0x22e: {  	v27 =	vld [tilespmem:$0x1FF80];
	v13 =	vadd.f32 v37, v13  }
0x22f: {  	v20 =	vmul.f32 v25, v46;
	v23 =	vld [tilespmem:$0x1FF90];
	v15 =	vadd.f32 v18, v1;
	v14 =	vadd.f32 v57, v14  }
0x230: {  	v31 =	vld [tilespmem:$0x1FF60];
	[tilespmem:$0x1FB40] =	vst v13  }
0x231: {  	v13 =	vld [tilespmem:$0x1FF30];
	v18 =	vadd.f32 v20, v16;
	[tilespmem:$0x1FB10] =	vst v14;
	v14 =	vadd.f32 v33, v15  }
0x232: {  	v16 =	vld [tilespmem:$0x1FF40]  }
0x233: {  	v57 =	vld [tilespmem:$0x1FFC0];
	[tilespmem:$0x1FB20] =	vst v14;
	v14 =	vadd.f32 v34, v18  }
0x234: {  	v33 =	vld [tilespmem:$0x1FF50]  }
0x235: {  	[tilespmem:$0x1FB30] =	vst v14;
	v14 =	vld [tilespmem:$0x1FFB0];
	_ =	sdelay $0x2  }
0x236: {  	v42 =	vmovc v29;
	v56 =	vmul.f32 v28, v45;
	v25 =	vmov v31;
	v54 =	vmul.f32 v28, v46  }
0x237: {  	v28 =	vmovc v27;
	v55 =	vmul.f32 v26, v45;
	v1 =	vmul.f32 v26, v46;
	v24 =	vmovc v13;
	v22 =	vmov v16  }
0x238: {  	s23 =	simm.s32 $0x3;
	v18 =	vmovc v23;
	v34 =	vmovc v21;
	v58 =	vmov v57;
	v26 =	vmov v33;
	v15 =	vmov v14  }
.LBB2_6:
0x239: {  	_ =	sdelay $0x1  }
0x23a: {  	v1 =	vadd.f32 v1, v13;
	_ =	sdelay $0x1  }
0x23b: {  	v1 =	vadd.f32 v12, v1  }
0x23c: {  	v54 =	vadd.f32 v54, v16  }
0x23d: {  	v24 =	vadd.f32 v55, v24;
	[tilespmem:$0x1FF30] =	vst v1;
	v1 =	vmul.f32 v48, v45  }
0x23e: {  	v62 =	vmul.f32 v53, v46;
	v0 =	vadd.f32 v0, v54  }
0x23f: {  	v24 =	vadd.f32 v11, v24;
	v11 =	vmul.f32 v47, v46;
	v1 =	vadd.f32 v1, v25  }
0x240: {  	[tilespmem:$0x1FF40] =	vst v0;
	v0 =	vadd.f32 v62, v33  }
0x241: {  	v60 =	vmul.f32 v48, v46;
	v25 =	vadd.f32 v9, v1;
	v1 =	vadd.f32 v11, v29  }
0x242: {  	v37 =	vmul.f32 v53, v45;
	v22 =	vadd.f32 v56, v22;
	v0 =	vadd.f32 v6, v0  }
0x243: {  	v12 =	vadd.f32 v60, v31;
	v62 =	vmul.f32 v44, v46;
	v1 =	vadd.f32 v4, v1  }
0x244: {  	v22 =	vadd.f32 v10, v22;
	v10 =	vadd.f32 v37, v26;
	[tilespmem:$0x1FF50] =	vst v0;
	v0 =	vmul.f32 v44, v45  }
0x245: {  	v6 =	vadd.f32 v8, v12;
	v8 =	vadd.f32 v62, v27;
	[tilespmem:$0x1FF70] =	vst v1;
	v1 =	vmul.f32 v30, v45  }
0x246: {  	v26 =	vadd.f32 v7, v10;
	v7 =	vmul.f32 v43, v46;
	v0 =	vadd.f32 v0, v28  }
0x247: {  	v61 =	vmul.f32 v47, v45;
	v2 =	vadd.f32 v2, v8;
	v1 =	vadd.f32 v1, v34  }
0x248: {  	s21 =	sadd.s32 $0x80, s21;
	v9 =	vmul.f32 v43, v45;
	v28 =	vadd.f32 v3, v0;
	v0 =	vadd.f32 v7, v23  }
0x249: {  	s22 =	sadd.s32 $0x20, s22;
	s24 =	sshrl.u32 s21, $0x2;
	[tilespmem:$0x1FF60] =	vst v6;
	v6 =	vadd.f32 v61, v42;
	v3 =	vmul.f32 v36, v46;
	v1 =	vadd.f32 v52, v1  }
0x24a: {  	s25 =	sand.u32 $0x70, s22;
	s24 =	sand.u32 $0x3F80, s24;
	v10 =	vmul.f32 v30, v46;
	[tilespmem:$0x1FF80] =	vst v2;
	v2 =	vadd.f32 v9, v18;
	v0 =	vadd.f32 v49, v0  }
0x24b: {  	s25 =	sor.u32 s25, s24;
	v42 =	vadd.f32 v5, v6;
	v5 =	vmul.f32 v36, v45;
	[tilespmem:$0x1FA80] =	vst v1;
	v1 =	vadd.f32 v3, v14  }
0x24c: {  	v4 =	vadd.f32 v10, v21;
	v18 =	vadd.f32 v50, v2;
	v2 =	vmul.f32 v35, v45;
	[tilespmem:$0x1FF90] =	vst v0;
	v0 =	vld [tilespmem:s25+$0x0]  }
0x24d: {  	v6 =	vmul.f32 v35, v46;
	v3 =	vadd.f32 v5, v15;
	v1 =	vadd.f32 v41, v1  }
0x24e: {  	v4 =	vadd.f32 v51, v4;
	v2 =	vadd.f32 v2, v58  }
0x24f: {  	v5 =	vadd.f32 v6, v57;
	v6 =	vmul.f32 v32, v39;
	[tilespmem:$0x1FFB0] =	vst v1;
	v1 =	vadd.f32 v40, v3  }
0x250: {  	v13 =	vld [tilespmem:$0x1FFE0];
	[tilespmem:$0x1FFA0] =	vst v4;
	v4 =	vmul.f32 v32, v38  }
0x251: {  	s30 =	sadd.s32 $0xFFFFFFF0, s22;
	v12 =	vld [tilespmem:$0x1FFF0];
	v14 =	vadd.f32 v6, v2;
	v6 =	vbroadcast v0, $0x3;
	[tilespmem:$0x1FA90] =	vst v1;
	v1 =	vmov s23  }
0x252: {  	s25 =	sand.u32 $0x60, s30;
	v7 =	vbroadcast v0, $0x4;
	v2 =	vand.u32 $0x7F, v1;
	v1 =	vshll.u32 v1, $0x3  }
0x253: {  	s24 =	sor.u32 s25, s24;
	v8 =	vbroadcast v0, $0x5;
	v10 =	vbroadcast v0, $0x7;
	v1 =	vand.u32 $0x1C00, v1  }
0x254: {  	v9 =	vld [tilespmem:s24+$0x0];
	v41 =	vbroadcast v0, $0x9;
	v49 =	vbroadcast v0, $0xA;
	v1 =	vor.u32 v2, v1  }
0x255: {  	v50 =	vbroadcast v0, $0xB;
	v51 =	vbroadcast v0, $0xC;
	v11 =	vadd.s32 v13, v1  }
0x256: {  	v52 =	vbroadcast v0, $0xD;
	v54 =	vbroadcast v0, $0xE;
	v1 =	vadd.s32 v12, v1  }
0x257: {  	v15 =	vbroadcast v0, $0xF;
	v3 =	vadd.f32 v4, v5;
	v4 =	vbroadcast v0, $0x1  }
0x258: {  	v5 =	vbroadcast v0, $0x2;
	v40 =	vbroadcast v0, $0x8  }
0x259: {  	v55 =	vbroadcast v9, $0x0;
	v56 =	vbroadcast v9, $0x1  }
0x25a: {  	v57 =	vbroadcast v9, $0x2;
	v58 =	vbroadcast v9, $0x3;
	v38 =	vld.idx.msk [tilespmem:v11+s11+$0x0], $0xffff  }
0x25b: {  	s31 =	sadd.s32 $0xFFFFFFFF, s23;
	v59 =	vbroadcast v9, $0x4;
	v60 =	vbroadcast v9, $0x5;
	v39 =	vld.idx.msk [tilespmem:v1+s11+$0x0], $0xffff  }
0x25c: {  	[tilespmem:$0x1FFC0] =	vst v3;
	v3 =	vbroadcast v0, $0x0;
	v2 =	vbroadcast v0, $0x6;
	v0 =	vmov s31  }
0x25d: {  	v61 =	vbroadcast v9, $0x6;
	v1 =	vand.u32 $0x7E, v0;
	v0 =	vshll.u32 v0, $0x3  }
0x25e: {  	v62 =	vbroadcast v9, $0x7;
	v53 =	vbroadcast v9, $0x8;
	v0 =	vand.u32 $0x1C00, v0  }
0x25f: {  	v48 =	vbroadcast v9, $0x9;
	v47 =	vbroadcast v9, $0xA;
	v0 =	vor.u32 v1, v0  }
0x260: {  	v37 =	vmovc v63;
	v63 =	vmul.f32 v3, v38;
	v19 =	vmul.f32 v3, v39;
	v3 =	vadd.s32 v13, v0  }
0x261: {  	v44 =	vbroadcast v9, $0xB;
	v43 =	vbroadcast v9, $0xC  }
0x262: {  	v30 =	vbroadcast v9, $0xD;
	v36 =	vbroadcast v9, $0xE  }
0x263: {  	v35 =	vbroadcast v9, $0xF;
	v20 =	vmul.f32 v4, v38  }
0x264: {  	v21 =	vmul.f32 v4, v39;
	v16 =	vmul.f32 v6, v38  }
0x265: {  	v17 =	vmul.f32 v6, v39;
	v4 =	vadd.s32 v12, v0;
	v27 =	vmul.f32 v7, v38;
	v46 =	vld.idx.msk [tilespmem:v3+s11+$0x0], $0xffff  }
0x266: {  	v29 =	vmul.f32 v7, v39;
	v31 =	vmul.f32 v8, v38  }
0x267: {  	v32 =	vmul.f32 v8, v39;
	v6 =	vmul.f32 v40, v38;
	v13 =	vld [tilespmem:$0x1FAA0]  }
0x268: {  	v7 =	vmul.f32 v40, v39;
	v8 =	vmul.f32 v41, v38  }
0x269: {  	v9 =	vmul.f32 v41, v39;
	v41 =	vmul.f32 v54, v38  }
0x26a: {  	v40 =	vmul.f32 v54, v39;
	v45 =	vld.idx.msk [tilespmem:v4+s11+$0x0], $0xffff;
	v54 =	vmul.f32 v55, v46;
	_ =	sdelay $0x1  }
0x26b: {  	v54 =	vadd.f32 v54, v13;
	v13 =	vld [tilespmem:$0x1FAB0];
	_ =	sdelay $0x2  }
0x26c: {  	v55 =	vmul.f32 v55, v45;
	_ =	sdelay $0x1  }
0x26d: {  	v55 =	vadd.f32 v55, v13;
	v13 =	vld [tilespmem:$0x1FAC0];
	_ =	sdelay $0x2  }
0x26e: {  	v33 =	vmul.f32 v56, v46;
	_ =	sdelay $0x1  }
0x26f: {  	v33 =	vadd.f32 v33, v13;
	v13 =	vld [tilespmem:$0x1FAD0];
	_ =	sdelay $0x2  }
0x270: {  	v56 =	vmul.f32 v56, v45;
	_ =	sdelay $0x1  }
0x271: {  	v20 =	vadd.f32 v20, v33;
	v56 =	vadd.f32 v56, v13;
	_ =	sdelay $0x1  }
0x272: {  	[tilespmem:$0x1FAC0] =	vst v20;
	v20 =	vadd.f32 v21, v56;
	_ =	sdelay $0x1  }
0x273: {  	[tilespmem:$0x1FAD0] =	vst v20;
	v20 =	vld [tilespmem:$0x1FAE0];
	_ =	sdelay $0x1  }
0x274: {  	v21 =	vld [tilespmem:$0x1FAF0]  }
0x275: {  	v34 =	vmul.f32 v57, v46  }
0x276: {  	v54 =	vadd.f32 v63, v54;
	v63 =	vld [tilespmem:$0x1FB00]  }
0x277: {  	v1 =	vmul.f32 v5, v38;
	v57 =	vmul.f32 v57, v45;
	v20 =	vadd.f32 v34, v20  }
0x278: {  	v23 =	vmul.f32 v5, v39;
	v19 =	vadd.f32 v19, v55  }
0x279: {  	v13 =	vmul.f32 v58, v46;
	v21 =	vadd.f32 v57, v21;
	v1 =	vadd.f32 v1, v20  }
0x27a: {  	[tilespmem:$0x1FAB0] =	vst v19;
	v19 =	vmul.f32 v58, v45  }
0x27b: {  	v13 =	vadd.f32 v13, v63;
	[tilespmem:$0x1FAE0] =	vst v1;
	v1 =	vadd.f32 v23, v21  }
0x27c: {  	v19 =	vadd.f32 v19, v37  }
0x27d: {  	[tilespmem:$0x1FAF0] =	vst v1;
	v1 =	vadd.f32 v16, v13  }
0x27e: {  	v63 =	vadd.f32 v17, v19;
	v17 =	vld [tilespmem:$0x1FB30]  }
0x27f: {  	[tilespmem:$0x1FB00] =	vst v1;
	v1 =	vld [tilespmem:$0x1FB10]  }
0x280: {  	v37 =	vmul.f32 v59, v45;
	v58 =	vmov v14;
	v14 =	vld [tilespmem:$0x1FFB0]  }
0x281: {  	v33 =	vmul.f32 v59, v46;
	v59 =	vmul.f32 v60, v46;
	v19 =	vld [tilespmem:$0x1FB40]  }
0x282: {  	v57 =	vld [tilespmem:$0x1FFC0]  }
0x283: {  	v17 =	vadd.f32 v59, v17;
	v34 =	vld [tilespmem:$0x1FA80]  }
0x284: {  	v20 =	vmul.f32 v60, v45;
	v13 =	vadd.f32 v33, v1;
	v1 =	vld [tilespmem:$0x1FB20]  }
0x285: {  	v12 =	vmul.f32 v2, v38;
	v11 =	vmul.f32 v2, v39;
	v17 =	vadd.f32 v31, v17;
	v31 =	vld [tilespmem:$0x1FF60]  }
0x286: {  	v0 =	vmul.f32 v10, v38;
	v10 =	vmul.f32 v10, v39;
	v23 =	vld [tilespmem:$0x1FF90];
	v19 =	vadd.f32 v20, v19  }
0x287: {  	v5 =	vmul.f32 v49, v39;
	v2 =	vmul.f32 v50, v38;
	v21 =	vld [tilespmem:$0x1FFA0]  }
0x288: {  	p0 =	sne.s32 s23, $0x3FF;
	v4 =	vmul.f32 v49, v38;
	[tilespmem:$0x1FB30] =	vst v17;
	v17 =	vadd.f32 v32, v19;
	v32 =	vmov v15;
	v15 =	vld [tilespmem:$0x1FA90]  }
.Ltmp2:
0x289: {  	v3 =	vmul.f32 v50, v39;
	v33 =	vld [tilespmem:$0x1FF50];
	v13 =	vadd.f32 v27, v13;
	v16 =	vadd.f32 v37, v1;
	(pc) =	sbr.rel @p0 .LBB2_6-.Ltmp2, $4  }
0x28a: {  	v49 =	vmul.f32 v51, v38;
	v50 =	vmul.f32 v51, v39;
	[tilespmem:$0x1FAA0] =	vst v54;
	v27 =	vld [tilespmem:$0x1FF80]  }
0x28b: {  	v51 =	vmul.f32 v52, v38;
	v52 =	vmul.f32 v52, v39;
	[tilespmem:$0x1FB10] =	vst v13;
	v13 =	vld [tilespmem:$0x1FF30];
	v16 =	vadd.f32 v29, v16  }
0x28c: {  	v54 =	vmul.f32 v62, v46;
	v55 =	vmul.f32 v61, v45;
	[tilespmem:$0x1FB40] =	vst v17;
	v29 =	vld [tilespmem:$0x1FF70]  }
0x28d: {  	s23 =	sadd.s32 $0x2, s23;
	v56 =	vmul.f32 v62, v45;
	v1 =	vmul.f32 v61, v46;
	[tilespmem:$0x1FB20] =	vst v16;
	v16 =	vld [tilespmem:$0x1FF40]  }
0x28e: {  	_ =	sdelay $0x1  }
0x28f: {  	v1 =	vadd.f32 v1, v13;
	v13 =	vadd.f32 v55, v24;
	_ =	sdelay $0x1  }
0x290: {  	v16 =	vadd.f32 v54, v16;
	v11 =	vadd.f32 v11, v13  }
0x291: {  	v20 =	vmul.f32 v53, v45;
	v17 =	vadd.f32 v56, v22;
	v12 =	vadd.f32 v12, v1  }
0x292: {  	v1 =	vmul.f32 v48, v46;
	v13 =	vmul.f32 v48, v45;
	[tilespmem:$0x1F990] =	vst v11;
	v11 =	vadd.f32 v0, v16  }
0x293: {  	v19 =	vmul.f32 v53, v46;
	v0 =	vadd.f32 v10, v17;
	v10 =	vadd.f32 v20, v26  }
0x294: {  	v16 =	vmul.f32 v47, v46;
	v1 =	vadd.f32 v1, v31;
	v13 =	vadd.f32 v13, v25  }
0x295: {  	[tilespmem:$0x1F9A0] =	vst v0;
	v0 =	vadd.f32 v19, v33;
	v25 =	vadd.f32 v7, v10  }
0x296: {  	v19 =	vmul.f32 v44, v46;
	v10 =	vadd.f32 v8, v1;
	v1 =	vadd.f32 v16, v29  }
0x297: {  	s21 =	simm.s32 $0x0;
	v17 =	vmul.f32 v47, v45;
	v0 =	vadd.f32 v6, v0  }
0x298: {  	[tilespmem:s21], [sflag:$0x1] =	stream.linear.gather [hbm4b:s6+s21], $0x4000, $0x38;
	v7 =	vmul.f32 v43, v46;
	v8 =	vadd.f32 v19, v27;
	v1 =	vadd.f32 v4, v1;
	[tilespmem:$0x17080] =	vst v63  }
0x299: {  	v24 =	vadd.f32 v9, v13;
	v16 =	vmul.f32 v30, v46;
	[tilespmem:$0x1F9B0] =	vst v0;
	v0 =	vmul.f32 v44, v45  }
0x29a: {  	v13 =	vmul.f32 v43, v45;
	v6 =	vadd.f32 v17, v42;
	[tilespmem:$0x1F9C0] =	vst v1;
	v2 =	vadd.f32 v2, v8  }
0x29b: {  	s24 =	simm.s32 $0x400;
	s22 =	sand.u32 $0xFE00, s21;
	v4 =	vadd.f32 v16, v21;
	v1 =	vmul.f32 v30, v45;
	_ =	swait.ge [sflag:s18], $0x4000;
	v0 =	vadd.f32 v0, v28  }
0x29c: {  	s23 =	sand.u32 $0x60, s21;
	s22 =	sshrl.u32 s22, $0x2;
	v8 =	vmul.f32 v35, v46;
	v28 =	vadd.f32 v5, v6;
	[tilespmem:$0x1F9D0] =	vst v2;
	[sflag:s18] =	ssyncset.done $0x0;
	v2 =	vadd.f32 v13, v18  }
0x29d: {  	s22 =	sor.u32 s23, s22;
	v1 =	vadd.f32 v1, v34;
	v5 =	vmul.f32 v36, v45;
	v13 =	vmov s24;
	v6 =	vld [tilespmem:$0x1FFE0];
	[sflag:s18] =	ssyncadd.s32 $0xFFFFC000  }
0x29e: {  	v22 =	vadd.f32 v3, v0;
	v0 =	vadd.f32 v7, v23;
	v3 =	vmul.f32 v36, v46;
	v7 =	vld [tilespmem:s22+$0x10]  }
0x29f: {  	v16 =	vshll.u32 v13, $0x3;
	v30 =	vadd.f32 v50, v2;
	v2 =	vadd.f32 v51, v4;
	v23 =	vld [tilespmem:s22+$0x0]  }
0x2a0: {  	v13 =	vand.u32 $0x7E, v13;
	v26 =	vadd.f32 v52, v1;
	v1 =	vadd.f32 v3, v14  }
0x2a1: {  	v4 =	vmul.f32 v32, v38;
	v16 =	vand.u32 $0x3C00, v16;
	v0 =	vadd.f32 v49, v0  }
0x2a2: {  	v13 =	vor.u32 v13, v16;
	[tilespmem:$0x1F9F0] =	vst v2;
	v2 =	vadd.f32 v5, v15;
	v1 =	vadd.f32 v41, v1  }
0x2a3: {  	v5 =	vld [tilespmem:$0x1FFF0];
	v18 =	vadd.s32 v6, v13;
	[tilespmem:$0x1F9E0] =	vst v0;
	v0 =	vmul.f32 v35, v45;
	v15 =	vbroadcast v7, $0x0  }
0x2a4: {  	s31 =	simm.s32 $0x401;
	v8 =	vadd.f32 v8, v57;
	v17 =	vbroadcast v7, $0x1;
	[tilespmem:$0x1FA00] =	vst v1;
	v1 =	vbroadcast v23, $0x6  }
0x2a5: {  	v3 =	vmov s31;
	v19 =	vbroadcast v7, $0x2;
	v20 =	vbroadcast v7, $0x3  }
0x2a6: {  	v14 =	vand.u32 $0x7F, v3;
	v16 =	vbroadcast v7, $0x4;
	[tilespmem:$0x1FA50] =	vst v1;
	v1 =	vbroadcast v23, $0x7  }
0x2a7: {  	v3 =	vshll.u32 v3, $0x3;
	v21 =	vbroadcast v7, $0x5;
	v27 =	vbroadcast v7, $0x6  }
0x2a8: {  	v29 =	vbroadcast v7, $0x7;
	v13 =	vadd.s32 v5, v13;
	v50 =	vld.idx.msk [tilespmem:v18+s11+$0x0], $0xffff;
	[tilespmem:$0x1FA70] =	vst v1;
	v1 =	vadd.f32 v4, v8  }
0x2a9: {  	v3 =	vand.u32 $0x3C00, v3;
	v44 =	vbroadcast v7, $0x8;
	v46 =	vbroadcast v7, $0x9  }
0x2aa: {  	v35 =	vadd.f32 v40, v2;
	v47 =	vbroadcast v7, $0xA;
	v51 =	vbroadcast v7, $0xB;
	[tilespmem:$0x1FA10] =	vst v1;
	v1 =	vld [tilespmem:$0x1FAA0]  }
0x2ab: {  	v3 =	vor.u32 v14, v3;
	v56 =	vbroadcast v7, $0xC;
	v45 =	vbroadcast v23, $0x0  }
0x2ac: {  	v9 =	vbroadcast v7, $0xD;
	v38 =	vbroadcast v7, $0xF;
	v43 =	vadd.s32 v6, v3  }
0x2ad: {  	v6 =	vbroadcast v7, $0xE;
	v7 =	vadd.s32 v5, v3;
	v37 =	vld.idx.msk [tilespmem:v13+s11+$0x0], $0xffff;
	v2 =	vmul.f32 v45, v50;
	_ =	sdelay $0x1  }
0x2ae: {  	v2 =	vadd.f32 v2, v1;
	v1 =	vld [tilespmem:$0x1FAB0];
	_ =	sdelay $0x2  }
0x2af: {  	v18 =	vld.idx.msk [tilespmem:v7+s11+$0x0], $0xffff;
	v7 =	vmul.f32 v45, v37;
	_ =	sdelay $0x1  }
0x2b0: {  	v7 =	vadd.f32 v7, v1;
	v1 =	vld [tilespmem:$0x1FAC0]  }
0x2b1: {  	v60 =	vbroadcast v23, $0x1  }
0x2b2: {  	v42 =	vld.idx.msk [tilespmem:v43+s11+$0x0], $0xffff  }
0x2b3: {  	v8 =	vmul.f32 v60, v50;
	_ =	sdelay $0x1  }
0x2b4: {  	v8 =	vadd.f32 v8, v1;
	v1 =	vld [tilespmem:$0x1FAD0]  }
0x2b5: {  	v31 =	vmul.f32 v32, v39;
	v0 =	vadd.f32 v0, v58  }
0x2b6: {  	v13 =	vmul.f32 v15, v42  }
0x2b7: {  	v14 =	vadd.f32 v31, v0;
	v0 =	vmul.f32 v60, v37;
	v15 =	vmul.f32 v15, v18;
	_ =	sdelay $0x1  }
0x2b8: {  	v0 =	vadd.f32 v0, v1;
	v1 =	vadd.f32 v15, v7;
	_ =	sdelay $0x1  }
0x2b9: {  	[tilespmem:$0x1FA20] =	vst v1;
	v1 =	vld [tilespmem:$0x1FAE0]  }
0x2ba: {  	v61 =	vbroadcast v23, $0x2;
	v39 =	vadd.f32 v13, v2;
	v2 =	vmul.f32 v17, v42  }
0x2bb: {  	v62 =	vbroadcast v23, $0x3  }
0x2bc: {  	v57 =	vbroadcast v23, $0x4;
	v40 =	vadd.f32 v2, v8;
	v8 =	vmul.f32 v61, v50  }
0x2bd: {  	v59 =	vbroadcast v23, $0x5;
	v49 =	vbroadcast v23, $0x8  }
0x2be: {  	v48 =	vbroadcast v23, $0x9;
	v41 =	vbroadcast v23, $0xC;
	v8 =	vadd.f32 v8, v1;
	v1 =	vld [tilespmem:$0x1FAF0]  }
0x2bf: {  	v33 =	vbroadcast v23, $0xD;
	v17 =	vmul.f32 v17, v18  }
0x2c0: {  	v32 =	vbroadcast v23, $0xE;
	v3 =	vld [tilespmem:$0x1FB00];
	v31 =	vbroadcast v23, $0xF  }
0x2c1: {  	v43 =	vbroadcast v23, $0xB;
	v0 =	vadd.f32 v17, v0;
	v17 =	vmul.f32 v61, v37  }
0x2c2: {  	v45 =	vbroadcast v23, $0xA;
	v23 =	vmul.f32 v62, v50  }
0x2c3: {  	v7 =	vmul.f32 v19, v42;
	v19 =	vmul.f32 v19, v18;
	v17 =	vadd.f32 v17, v1;
	_ =	sdelay $0x1  }
0x2c4: {  	v23 =	vadd.f32 v23, v3;
	v3 =	vadd.f32 v19, v17;
	_ =	sdelay $0x1  }
0x2c5: {  	v55 =	vmul.f32 v27, v18;
	v2 =	vmul.f32 v20, v42;
	[tilespmem:$0x1FA40] =	vst v3;
	v3 =	vld [tilespmem:$0x1FB10]  }
0x2c6: {  	[tilespmem:$0x1FA30] =	vst v0;
	v0 =	vmul.f32 v20, v18;
	v20 =	vmul.f32 v16, v42  }
0x2c7: {  	v1 =	vmul.f32 v16, v18;
	v16 =	vmul.f32 v62, v37  }
0x2c8: {  	v62 =	vmul.f32 v27, v42;
	v27 =	vadd.f32 v7, v8;
	v7 =	vmul.f32 v57, v50;
	_ =	sdelay $0x1  }
0x2c9: {  	v7 =	vadd.f32 v7, v3;
	v3 =	vld [tilespmem:$0x1FB20]  }
0x2ca: {  	v4 =	vmul.f32 v21, v18;
	v13 =	vmul.f32 v21, v42;
	v21 =	vadd.f32 v16, v63;
	_ =	sdelay $0x1  }
0x2cb: {  	v36 =	vadd.f32 v0, v21;
	v0 =	vmul.f32 v57, v37;
	_ =	sdelay $0x1  }
0x2cc: {  	v19 =	vadd.f32 v0, v3;
	v3 =	vld [tilespmem:$0x1FB30];
	_ =	sdelay $0x2  }
0x2cd: {  	v8 =	vmul.f32 v59, v50;
	_ =	sdelay $0x1  }
0x2ce: {  	v8 =	vadd.f32 v8, v3;
	v3 =	vld [tilespmem:$0x1FB40];
	_ =	sdelay $0x2  }
0x2cf: {  	v0 =	vmul.f32 v59, v37  }
0x2d0: {  	v58 =	vmul.f32 v47, v42  }
0x2d1: {  	v54 =	vmul.f32 v29, v18;
	v60 =	vmul.f32 v44, v42;
	v5 =	vadd.f32 v0, v3  }
0x2d2: {  	v53 =	vmul.f32 v44, v18;
	v52 =	vmul.f32 v47, v18  }
0x2d3: {  	v47 =	vmul.f32 v56, v18;
	v34 =	vadd.f32 v1, v19;
	v1 =	vld [tilespmem:$0x1FA50];
	v3 =	vadd.f32 v4, v5  }
0x2d4: {  	v44 =	vmul.f32 v6, v18;
	v61 =	vmul.f32 v46, v42  }
0x2d5: {  	v63 =	vmul.f32 v29, v42;
	v29 =	vadd.f32 v2, v23;
	v2 =	vmul.f32 v46, v18;
	[tilespmem:$0x1FA60] =	vst v3;
	v3 =	vld [tilespmem:$0x1FA70]  }
0x2d6: {  	v46 =	vmul.f32 v9, v18;
	v57 =	vmul.f32 v56, v42  }
0x2d7: {  	v56 =	vmul.f32 v6, v42;
	v59 =	vmul.f32 v51, v42  }
0x2d8: {  	v21 =	vadd.f32 v20, v7;
	v51 =	vmul.f32 v51, v18;
	v7 =	vmul.f32 v1, v50  }
0x2d9: {  	v1 =	vmul.f32 v1, v37;
	v0 =	vmul.f32 v9, v42  }
0x2da: {  	s23 =	simm.s32 $0x0;
	s22 =	simm.s32 $0x403;
	v23 =	vadd.f32 v13, v8;
	v8 =	vmul.f32 v3, v50;
	v5 =	vmul.f32 v3, v37  }
.LBB2_8:
0x2db: {  	v3 =	vld [tilespmem:$0x1F990];
	_ =	sdelay $0x4  }
0x2dc: {  	v1 =	vadd.f32 v1, v3;
	v3 =	vld [tilespmem:$0x1F9A0];
	_ =	sdelay $0x2  }
0x2dd: {  	v7 =	vadd.f32 v7, v12  }
0x2de: {  	v8 =	vadd.f32 v8, v11  }
0x2df: {  	v5 =	vadd.f32 v5, v3;
	v3 =	vadd.f32 v62, v7;
	_ =	sdelay $0x1  }
0x2e0: {  	[tilespmem:$0x1F900] =	vst v3;
	v3 =	vadd.f32 v63, v8;
	_ =	sdelay $0x1  }
0x2e1: {  	[tilespmem:$0x1F940] =	vst v3;
	v3 =	vadd.f32 v54, v5;
	_ =	sdelay $0x1  }
0x2e2: {  	[tilespmem:$0x1F9A0] =	vst v3;
	v3 =	vld [tilespmem:$0x1F9B0];
	_ =	sdelay $0x1  }
0x2e3: {  	v1 =	vadd.f32 v55, v1  }
0x2e4: {  	v6 =	vmul.f32 v49, v50  }
0x2e5: {  	[tilespmem:$0x1F990] =	vst v1;
	v1 =	vmul.f32 v48, v37  }
0x2e6: {  	[tilespmem:$0x1F920] =	vst v34;
	v34 =	vmul.f32 v49, v37;
	v5 =	vadd.f32 v6, v3  }
0x2e7: {  	v1 =	vadd.f32 v1, v24  }
0x2e8: {  	v9 =	vmul.f32 v48, v50;
	v6 =	vadd.f32 v34, v25;
	v3 =	vadd.f32 v60, v5  }
0x2e9: {  	v1 =	vadd.f32 v2, v1  }
0x2ea: {  	v8 =	vadd.f32 v9, v10;
	[tilespmem:$0x1F9B0] =	vst v3;
	v3 =	vadd.f32 v53, v6  }
0x2eb: {  	[tilespmem:$0x1F8F0] =	vst v1;
	v1 =	vld [tilespmem:$0x1F9C0]  }
0x2ec: {  	[tilespmem:$0x1F910] =	vst v3;
	v3 =	vadd.f32 v61, v8;
	_ =	sdelay $0x1  }
0x2ed: {  	v7 =	vmul.f32 v45, v50;
	[tilespmem:$0x1F930] =	vst v3;
	v3 =	vld [tilespmem:$0x1F9D0];
	_ =	sdelay $0x1  }
0x2ee: {  	v9 =	vmul.f32 v45, v37;
	v1 =	vadd.f32 v7, v1  }
0x2ef: {  	v62 =	vmul.f32 v43, v50  }
0x2f0: {  	v2 =	vadd.f32 v9, v28;
	v1 =	vadd.f32 v58, v1  }
0x2f1: {  	v5 =	vmul.f32 v43, v37;
	v7 =	vadd.f32 v62, v3;
	v3 =	vld [tilespmem:$0x1F9F0]  }
0x2f2: {  	[tilespmem:$0x1F9C0] =	vst v1;
	v1 =	vadd.f32 v52, v2  }
0x2f3: {  	v5 =	vadd.f32 v5, v22;
	v2 =	vadd.f32 v59, v7  }
0x2f4: {  	v9 =	vmul.f32 v33, v50  }
0x2f5: {  	[tilespmem:$0x1F9D0] =	vst v2;
	v2 =	vadd.f32 v51, v5  }
0x2f6: {  	v7 =	vadd.f32 v9, v3  }
0x2f7: {  	[tilespmem:$0x1F960] =	vst v2;
	v2 =	vld [tilespmem:$0x1F9E0]  }
0x2f8: {  	v0 =	vadd.f32 v0, v7;
	_ =	sdelay $0x1  }
0x2f9: {  	v6 =	vmul.f32 v41, v50;
	[tilespmem:$0x1F9F0] =	vst v0;
	v0 =	vld [tilespmem:$0x1FA00]  }
0x2fa: {  	[tilespmem:$0x1F950] =	vst v1;
	v1 =	vmul.f32 v33, v37  }
0x2fb: {  	v8 =	vmul.f32 v41, v37;
	v2 =	vadd.f32 v6, v2  }
0x2fc: {  	v1 =	vadd.f32 v1, v26;
	v3 =	vld [tilespmem:$0x1FA10];
	v6 =	vmul.f32 v32, v50  }
0x2fd: {  	v5 =	vadd.f32 v8, v30;
	v2 =	vadd.f32 v57, v2  }
0x2fe: {  	s21 =	sadd.s32 $0x80, s21;
	v8 =	vmul.f32 v32, v37;
	v0 =	vadd.f32 v6, v0  }
0x2ff: {  	s23 =	sadd.s32 $0x20, s23;
	s24 =	sand.u32 $0xFE00, s21;
	v34 =	vadd.f32 v46, v1;
	v9 =	vmul.f32 v31, v50;
	[tilespmem:$0x1F9E0] =	vst v2;
	v2 =	vadd.f32 v47, v5  }
0x300: {  	s25 =	sand.u32 $0x60, s23;
	s24 =	sshrl.u32 s24, $0x2;
	v1 =	vadd.f32 v8, v35;
	v0 =	vadd.f32 v56, v0  }
0x301: {  	s24 =	sor.u32 s25, s24;
	v7 =	vadd.f32 v9, v3;
	v6 =	vmul.f32 v38, v42;
	[tilespmem:$0x1F970] =	vst v2  }
0x302: {  	v5 =	vmul.f32 v31, v37;
	v2 =	vld [tilespmem:s24+$0x10];
	[tilespmem:$0x1FA00] =	vst v0;
	v0 =	vadd.f32 v44, v1  }
0x303: {  	v26 =	vld [tilespmem:$0x1FFE0];
	v1 =	vadd.f32 v6, v7  }
0x304: {  	v28 =	vld [tilespmem:$0x1FFF0];
	v4 =	vadd.f32 v5, v14;
	[tilespmem:$0x1F980] =	vst v0;
	v0 =	vmov s22  }
0x305: {  	v5 =	vmul.f32 v38, v18;
	[tilespmem:$0x1FA10] =	vst v1;
	v1 =	vand.u32 $0x7F, v0;
	v0 =	vshll.u32 v0, $0x3  }
0x306: {  	v0 =	vand.u32 $0x3C00, v0  }
0x307: {  	v14 =	vadd.f32 v5, v4;
	v5 =	vbroadcast v2, $0x0;
	v0 =	vor.u32 v1, v0  }
0x308: {  	v6 =	vbroadcast v2, $0x1;
	v7 =	vbroadcast v2, $0x2;
	v18 =	vadd.s32 v26, v0  }
0x309: {  	v8 =	vbroadcast v2, $0x3;
	v9 =	vbroadcast v2, $0x4;
	v0 =	vadd.s32 v28, v0  }
0x30a: {  	v63 =	vbroadcast v2, $0x5;
	v44 =	vbroadcast v2, $0x7  }
0x30b: {  	v46 =	vbroadcast v2, $0x8;
	v47 =	vbroadcast v2, $0x9  }
0x30c: {  	v31 =	vld [tilespmem:s24+$0x0];
	v51 =	vbroadcast v2, $0xA;
	v56 =	vbroadcast v2, $0xB  }
0x30d: {  	s31 =	sadd.s32 $0xFFFFFFFF, s22;
	v10 =	vbroadcast v2, $0xC;
	v11 =	vbroadcast v2, $0xD;
	v42 =	vld.idx.msk [tilespmem:v18+s11+$0x0], $0xffff  }
0x30e: {  	v12 =	vbroadcast v2, $0xE;
	v38 =	vbroadcast v2, $0xF;
	v18 =	vld.idx.msk [tilespmem:v0+s11+$0x0], $0xffff;
	v0 =	vmov s31  }
0x30f: {  	v1 =	vbroadcast v2, $0x6;
	v2 =	vand.u32 $0x7E, v0;
	v0 =	vshll.u32 v0, $0x3  }
0x310: {  	v0 =	vand.u32 $0x3C00, v0  }
0x311: {  	v0 =	vor.u32 v2, v0  }
0x312: {  	v3 =	vbroadcast v31, $0x0;
	v2 =	vadd.s32 v26, v0  }
0x313: {  	v4 =	vbroadcast v31, $0x1;
	v0 =	vadd.s32 v28, v0;
	v20 =	vmul.f32 v5, v42  }
0x314: {  	v5 =	vmul.f32 v5, v18;
	v30 =	vmul.f32 v63, v42  }
0x315: {  	v35 =	vmul.f32 v63, v18;
	v62 =	vmul.f32 v1, v42  }
0x316: {  	v55 =	vmul.f32 v1, v18;
	v63 =	vmul.f32 v44, v42  }
0x317: {  	v54 =	vmul.f32 v44, v18;
	v60 =	vmul.f32 v46, v42;
	v50 =	vld.idx.msk [tilespmem:v2+s11+$0x0], $0xffff  }
0x318: {  	v53 =	vmul.f32 v46, v18;
	v61 =	vmul.f32 v47, v42;
	v37 =	vld.idx.msk [tilespmem:v0+s11+$0x0], $0xffff  }
0x319: {  	v58 =	vmul.f32 v51, v42;
	v52 =	vmul.f32 v51, v18  }
0x31a: {  	v46 =	vmul.f32 v11, v18;
	v0 =	vmul.f32 v11, v42;
	v11 =	vld [tilespmem:$0x1FA20]  }
0x31b: {  	v59 =	vmul.f32 v56, v42;
	v51 =	vmul.f32 v56, v18  }
0x31c: {  	v56 =	vmul.f32 v12, v42;
	v44 =	vmul.f32 v12, v18  }
0x31d: {  	v12 =	vld [tilespmem:$0x1FA30];
	v1 =	vmul.f32 v3, v50;
	v3 =	vmul.f32 v3, v37  }
0x31e: {  	v57 =	vmul.f32 v10, v42;
	v2 =	vmul.f32 v47, v18  }
0x31f: {  	v47 =	vmul.f32 v10, v18;
	v1 =	vadd.f32 v1, v39;
	v3 =	vadd.f32 v3, v11  }
0x320: {  	v10 =	vmul.f32 v4, v50;
	v4 =	vmul.f32 v4, v37  }
0x321: {  	v15 =	vbroadcast v31, $0x3;
	v39 =	vadd.f32 v20, v1;
	v1 =	vadd.f32 v5, v3  }
0x322: {  	v24 =	vmul.f32 v6, v42;
	v6 =	vmul.f32 v6, v18;
	v4 =	vadd.f32 v4, v12  }
0x323: {  	[tilespmem:$0x1FA20] =	vst v1;
	v1 =	vmul.f32 v15, v37  }
0x324: {  	v13 =	vbroadcast v31, $0x2;
	v3 =	vadd.f32 v6, v4;
	v4 =	vld [tilespmem:$0x1FA40]  }
0x325: {  	v26 =	vmul.f32 v8, v42;
	v8 =	vmul.f32 v8, v18;
	v1 =	vadd.f32 v1, v36  }
0x326: {  	v16 =	vbroadcast v31, $0x4;
	v17 =	vbroadcast v31, $0x5  }
0x327: {  	v11 =	vmul.f32 v13, v50;
	v12 =	vmul.f32 v13, v37;
	v36 =	vadd.f32 v8, v1;
	v1 =	vld [tilespmem:$0x1F920]  }
0x328: {  	v19 =	vbroadcast v31, $0x6;
	v25 =	vmul.f32 v7, v42;
	v10 =	vadd.f32 v10, v40  }
0x329: {  	v7 =	vmul.f32 v7, v18;
	[tilespmem:$0x1FA30] =	vst v3;
	v3 =	vadd.f32 v11, v27;
	v4 =	vadd.f32 v12, v4  }
0x32a: {  	v40 =	vadd.f32 v24, v10;
	v5 =	vmul.f32 v16, v50;
	v10 =	vmul.f32 v16, v37  }
0x32b: {  	v13 =	vmul.f32 v15, v50;
	v27 =	vadd.f32 v25, v3;
	v3 =	vadd.f32 v7, v4  }
0x32c: {  	v22 =	vbroadcast v31, $0x7;
	v4 =	vadd.f32 v5, v21;
	v5 =	vadd.f32 v10, v1;
	v1 =	vld [tilespmem:$0x1FA60]  }
0x32d: {  	v49 =	vbroadcast v31, $0x8;
	v24 =	vld [tilespmem:$0x1F8F0];
	v6 =	vadd.f32 v13, v29;
	v11 =	vmul.f32 v17, v50  }
0x32e: {  	v48 =	vbroadcast v31, $0x9;
	v45 =	vbroadcast v31, $0xA;
	v25 =	vld [tilespmem:$0x1F910]  }
0x32f: {  	v29 =	vadd.f32 v26, v6;
	v6 =	vadd.f32 v11, v23;
	v11 =	vld [tilespmem:$0x1F940];
	[tilespmem:$0x1FA40] =	vst v3;
	v3 =	vmul.f32 v17, v37  }
0x330: {  	p0 =	sne.s32 s22, $0x7FF;
	v43 =	vbroadcast v31, $0xB;
	v28 =	vmul.f32 v9, v42;
	v12 =	vld [tilespmem:$0x1F900]  }
.Ltmp3:
0x331: {  	v41 =	vbroadcast v31, $0xC;
	v23 =	vadd.f32 v30, v6;
	v30 =	vld [tilespmem:$0x1F970];
	v3 =	vadd.f32 v3, v1;
	(pc) =	sbr.rel @p0 .LBB2_8-.Ltmp3, $4  }
0x332: {  	v33 =	vbroadcast v31, $0xD;
	v9 =	vmul.f32 v9, v18;
	v21 =	vadd.f32 v28, v4;
	v28 =	vld [tilespmem:$0x1F950]  }
0x333: {  	v32 =	vbroadcast v31, $0xE;
	v31 =	vbroadcast v31, $0xF;
	v10 =	vld [tilespmem:$0x1F930];
	v3 =	vadd.f32 v35, v3  }
0x334: {  	v26 =	vmovc v34;
	v8 =	vmul.f32 v22, v50;
	v34 =	vadd.f32 v9, v5;
	v5 =	vmul.f32 v22, v37;
	v22 =	vld [tilespmem:$0x1F960]  }
0x335: {  	s22 =	sadd.s32 $0x2, s22;
	v7 =	vmul.f32 v19, v50;
	v1 =	vmul.f32 v19, v37;
	v35 =	vld [tilespmem:$0x1F980];
	[tilespmem:$0x1FA60] =	vst v3  }
0x336: {  	_ = 	snop  }
0x337: {  	v3 =	vadd.f32 v7, v12  }
0x338: {  	v4 =	vadd.f32 v8, v11;
	v15 =	vld [tilespmem:$0x1F9C0]  }
0x339: {  	v16 =	vld [tilespmem:$0x1F9D0];
	v3 =	vadd.f32 v62, v3;
	v62 =	vmul.f32 v48, v50  }
0x33a: {  	v4 =	vadd.f32 v63, v4;
	v63 =	vld [tilespmem:$0x1F9B0]  }
0x33b: {  	v12 =	vmax.f32 v39, v40;
	v7 =	vadd.f32 v62, v10  }
0x33c: {  	v6 =	vmul.f32 v49, v50;
	v9 =	vmul.f32 v45, v50;
	v8 =	vmax.f32 v12, v27  }
0x33d: {  	v13 =	vmul.f32 v43, v50;
	v8 =	vmax.f32 v8, v29;
	v7 =	vadd.f32 v61, v7;
	v61 =	vld [tilespmem:$0x1F9E0]  }
0x33e: {  	v8 =	vmax.f32 v8, v21;
	v9 =	vadd.f32 v9, v15;
	v62 =	vld [tilespmem:$0x1F9F0]  }
0x33f: {  	v10 =	vadd.f32 v13, v16;
	v8 =	vmax.f32 v8, v23;
	v6 =	vadd.f32 v6, v63  }
0x340: {  	v17 =	vmul.f32 v41, v50;
	v8 =	vmax.f32 v8, v3;
	v12 =	vadd.f32 v58, v9;
	v58 =	vld [tilespmem:$0x1FA00]  }
0x341: {  	v13 =	vadd.f32 v59, v10;
	v59 =	vld [tilespmem:$0x1FA10];
	v6 =	vadd.f32 v60, v6;
	v60 =	vmul.f32 v33, v50  }
0x342: {  	v8 =	vmax.f32 v8, v4;
	v10 =	vadd.f32 v17, v61  }
0x343: {  	v63 =	vmul.f32 v32, v50;
	v9 =	vadd.f32 v60, v62;
	v8 =	vmax.f32 v8, v6  }
0x344: {  	v8 =	vmax.f32 v8, v7;
	v15 =	vadd.f32 v57, v10;
	v57 =	vmul.f32 v31, v50  }
0x345: {  	v16 =	vadd.f32 v0, v9;
	v0 =	vadd.f32 v63, v58;
	v8 =	vmax.f32 v8, v12  }
0x346: {  	v60 =	vmul.f32 v38, v42;
	v8 =	vmax.f32 v8, v13;
	v9 =	vadd.f32 v57, v59  }
0x347: {  	v17 =	vadd.f32 v56, v0;
	v61 =	vmax.f32 v8, v15  }
0x348: {  	v0 =	vmax.f32 v61, v16;
	v19 =	vadd.f32 v60, v9  }
0x349: {  	v0 =	vmax.f32 v0, v17  }
0x34a: {  	v20 =	vmax.f32 v0, v19  }
0x34b: {  	v0 =	vsub.f32 v39, v20  }
0x34c: {  	v62 =	vsub.f32 v40, v20  }
0x34d: {  	v0 =	vmul.f32 $1.442695020e+00, v0  }
0x34e: {  	v63 =	vsub.f32 v27, v20;
	v8 =	vmul.f32 $1.442695020e+00, v62  }
0x34f: {  	v58 =	vld [tilespmem:$0x1F9A0];
	(erf) = vpow2.f32 v0  }
0x350: {  	v57 =	vld [tilespmem:$0x1F990];
	v39 =	vsub.f32 v29, v20;
	v27 =	vmul.f32 $1.442695020e+00, v63;
	(erf) = vpow2.f32 v8;
	_ =	sdelay $0x1  }
0x351: {  	v42 =	vsub.f32 v21, v20;
	v40 =	vmul.f32 $1.442695020e+00, v39;
	(erf) = vpow2.f32 v27;
	_ =	sdelay $0x1  }
0x352: {  	v56 =	vsub.f32 v23, v20;
	v50 =	vmul.f32 $1.442695020e+00, v42;
	(erf) = vpow2.f32 v40  }
0x353: {  	v61 =	vmul.f32 v48, v37;
	v5 =	vadd.f32 v5, v58;
	v1 =	vadd.f32 v1, v57  }
0x354: {  	v3 =	vsub.f32 v3, v20;
	v59 =	vmul.f32 $1.442695020e+00, v56;
	(erf) = vpow2.f32 v50  }
0x355: {  	v60 =	vmul.f32 v49, v37;
	v4 =	vsub.f32 v4, v20;
	v23 =	vadd.f32 v54, v5  }
0x356: {  	v5 =	vadd.f32 v61, v24;
	v3 =	vmul.f32 $1.442695020e+00, v3;
	(erf) = vpow2.f32 v59;
	v0 =	vpop (erf)  }
0x357: {  	v11 =	vsub.f32 v7, v20;
	v48 =	vsub.f32 v13, v20;
	v4 =	vmul.f32 $1.442695020e+00, v4;
	v10 =	vpop (erf)  }
0x358: {  	v62 =	vsub.f32 v6, v20;
	(erf) = vpow2.f32 v3;
	v63 =	vadd.f32 v10, v0  }
0x359: {  	v29 =	vmul.f32 v45, v37;
	v39 =	vsub.f32 v12, v20;
	v8 =	vadd.f32 v60, v25;
	v9 =	vpop (erf)  }
0x35a: {  	v3 =	vmul.f32 $1.442695020e+00, v62;
	(erf) = vpow2.f32 v4;
	v6 =	vadd.f32 v63, v9  }
0x35b: {  	v7 =	vadd.f32 v29, v28;
	v25 =	vadd.f32 v2, v5;
	v2 =	vpop (erf)  }
0x35c: {  	v40 =	vmul.f32 $1.442695020e+00, v11;
	(erf) = vpow2.f32 v3;
	v42 =	vadd.f32 v6, v2  }
0x35d: {  	v45 =	vmul.f32 v43, v37;
	v1 =	vadd.f32 v55, v1;
	v24 =	vadd.f32 v53, v8;
	v8 =	vpop (erf)  }
0x35e: {  	v55 =	vld [tilespmem:$0x1FA20];
	v5 =	vmul.f32 $1.442695020e+00, v39;
	(erf) = vpow2.f32 v40;
	v4 =	vadd.f32 v42, v8  }
0x35f: {  	v56 =	vld [tilespmem:$0x1FA30];
	v13 =	vadd.f32 v52, v7;
	v7 =	vpop (erf);
	v6 =	vadd.f32 v45, v22  }
0x360: {  	v16 =	vsub.f32 v16, v20;
	v59 =	vld [tilespmem:$0x1FA40];
	(erf) = vpow2.f32 v5;
	v4 =	vadd.f32 v4, v7  }
0x361: {  	v49 =	vsub.f32 v15, v20;
	v3 =	vmul.f32 $1.442695020e+00, v48;
	v11 =	vpop (erf)  }
0x362: {  	v52 =	vmul.f32 $1.442695020e+00, v16;
	v4 =	vadd.f32 v4, v11  }
0x363: {  	v62 =	vld [tilespmem:$0x1FA60];
	v15 =	vadd.f32 v51, v6;
	v51 =	vmul.f32 $1.442695020e+00, v49;
	(erf) = vpow2.f32 v3;
	v6 =	vpop (erf)  }
0x364: {  	v60 =	vsub.f32 v19, v20;
	v57 =	vmax.f32 v55, v56;
	v54 =	vadd.f32 v4, v6  }
0x365: {  	v53 =	vsub.f32 v17, v20;
	(erf) = vpow2.f32 v51;
	v12 =	vpop (erf);
	v4 =	vmax.f32 v57, v59  }
0x366: {  	v50 =	vmul.f32 v41, v37;
	v4 =	vmax.f32 v4, v36;
	v3 =	vadd.f32 v54, v12  }
0x367: {  	v58 =	vmul.f32 $1.442695020e+00, v53;
	(erf) = vpow2.f32 v52;
	v21 =	vpop (erf);
	v4 =	vmax.f32 v4, v34  }
0x368: {  	v22 =	vadd.f32 v50, v30;
	v4 =	vmax.f32 v4, v62;
	v3 =	vadd.f32 v3, v21  }
0x369: {  	v16 =	vmul.f32 $1.442695020e+00, v60;
	v5 =	vpop (erf);
	v4 =	vmax.f32 v4, v1  }
0x36a: {  	(erf) = vpow2.f32 v58;
	v4 =	vmax.f32 v4, v23;
	v3 =	vadd.f32 v3, v5  }
0x36b: {  	v61 =	vmul.f32 v33, v37;
	v4 =	vmax.f32 v4, v24  }
0x36c: {  	v63 =	vadd.f32 v47, v22;
	(erf) = vpow2.f32 v16;
	v22 =	vpop (erf);
	v4 =	vmax.f32 v4, v25  }
0x36d: {  	v19 =	vmul.f32 v32, v37;
	v32 =	vadd.f32 v3, v22;
	v4 =	vmax.f32 v4, v13  }
0x36e: {  	v17 =	vadd.f32 v61, v26;
	v20 =	vmul.f32 v31, v37;
	v3 =	vpop (erf)  }
0x36f: {  	v19 =	vadd.f32 v19, v35;
	v37 =	vmul.f32 v38, v18;
	v18 =	vadd.f32 v32, v3  }
0x370: {  	v17 =	vadd.f32 v46, v17;
	v20 =	vadd.f32 v20, v14;
	v38 =	vmax.f32 v4, v15;
	v4 =	vpop (erf)  }
0x371: {  	v19 =	vadd.f32 v44, v19;
	v26 =	vmax.f32 v38, v63;
	v18 =	vadd.f32 v18, v4  }
0x372: {  	v20 =	vadd.f32 v37, v20;
	v26 =	vmax.f32 v26, v17  }
0x373: {  	v14 =	vpop (erf);
	v26 =	vmax.f32 v26, v19  }
0x374: {  	v26 =	vmax.f32 v26, v20;
	v39 =	vadd.f32 v18, v14  }
0x375: {  	v28 =	vsub.f32 v55, v26;
	v18 =	vpop (erf)  }
0x376: {  	v29 =	vsub.f32 v56, v26;
	v27 =	vadd.f32 v39, v18  }
0x377: {  	v28 =	vmul.f32 $1.442695020e+00, v28  }
0x378: {  	v41 =	vsub.f32 v59, v26;
	v40 =	vmul.f32 $1.442695020e+00, v29;
	(erf) = vrcp.f32 v27  }
0x379: {  	(erf) = vpow2.f32 v28  }
0x37a: {  	v43 =	vsub.f32 v36, v26;
	v42 =	vmul.f32 $1.442695020e+00, v41;
	(erf) = vpow2.f32 v40;
	_ =	sdelay $0x1  }
0x37b: {  	v44 =	vmul.f32 $1.442695020e+00, v43;
	(erf) = vpow2.f32 v42  }
0x37c: {  	v45 =	vsub.f32 v34, v26  }
0x37d: {  	(erf) = vpow2.f32 v44  }
0x37e: {  	v47 =	vsub.f32 v62, v26;
	v46 =	vmul.f32 $1.442695020e+00, v45;
	_ =	sdelay $0x1  }
0x37f: {  	v1 =	vsub.f32 v1, v26;
	v48 =	vmul.f32 $1.442695020e+00, v47;
	(erf) = vpow2.f32 v46;
	v28 =	vpop (erf)  }
0x380: {  	v23 =	vsub.f32 v23, v26;
	v29 =	vpop (erf)  }
0x381: {  	v1 =	vmul.f32 $1.442695020e+00, v1;
	(erf) = vpow2.f32 v48;
	v27 =	vpop (erf)  }
0x382: {  	v23 =	vmul.f32 $1.442695020e+00, v23;
	v50 =	vadd.f32 v27, v29  }
0x383: {  	v49 =	vsub.f32 v24, v26;
	(erf) = vpow2.f32 v1;
	v30 =	vpop (erf)  }
0x384: {  	(erf) = vpow2.f32 v23;
	v23 =	vsub.f32 v25, v26;
	v24 =	vadd.f32 v50, v30  }
0x385: {  	v25 =	vpop (erf)  }
0x386: {  	v1 =	vmul.f32 $1.442695020e+00, v49;
	v51 =	vmul.f32 $1.442695020e+00, v23;
	v23 =	vadd.f32 v24, v25;
	_ =	sdelay $0x1  }
0x387: {  	(erf) = vpow2.f32 v1;
	v24 =	vpop (erf)  }
0x388: {  	v13 =	vsub.f32 v13, v26;
	v53 =	vadd.f32 v23, v24  }
0x389: {  	(erf) = vpow2.f32 v51;
	v23 =	vpop (erf)  }
0x38a: {  	v52 =	vsub.f32 v15, v26;
	v13 =	vmul.f32 $1.442695020e+00, v13;
	v15 =	vadd.f32 v53, v23;
	_ =	sdelay $0x1  }
0x38b: {  	v54 =	vsub.f32 v63, v26;
	v1 =	vmul.f32 $1.442695020e+00, v52;
	(erf) = vpow2.f32 v13;
	v16 =	vpop (erf)  }
0x38c: {  	v56 =	vadd.f32 v15, v16  }
0x38d: {  	v17 =	vsub.f32 v17, v26;
	v55 =	vmul.f32 $1.442695020e+00, v54;
	(erf) = vpow2.f32 v1;
	v15 =	vpop (erf)  }
0x38e: {  	v13 =	vadd.f32 v56, v15  }
0x38f: {  	v57 =	vsub.f32 v19, v26;
	v17 =	vmul.f32 $1.442695020e+00, v17;
	(erf) = vpow2.f32 v55;
	v19 =	vpop (erf)  }
0x390: {  	v13 =	vadd.f32 v13, v19  }
0x391: {  	v58 =	vsub.f32 v20, v26;
	v1 =	vmul.f32 $1.442695020e+00, v57;
	(erf) = vpow2.f32 v17;
	v20 =	vpop (erf)  }
0x392: {  	v13 =	vadd.f32 v13, v20  }
0x393: {  	v38 =	vld [tilespmem:$0x1FFD0];
	v59 =	vmul.f32 $1.442695020e+00, v58;
	(erf) = vpow2.f32 v1  }
0x394: {  	v17 =	vpop (erf)  }
0x395: {  	(erf) = vpow2.f32 v59;
	v60 =	vadd.f32 v13, v17  }
0x396: {  	v13 =	vpop (erf)  }
0x397: {  	v1 =	vadd.f32 v60, v13  }
0x398: {  	v61 =	vor.u32 $0x1000, v38;
	v26 =	vpop (erf)  }
0x399: {  	v62 =	vor.u32 $0x1001, v38;
	v1 =	vadd.f32 v1, v26  }
0x39a: {  	v63 =	vor.u32 $0x1002, v38;
	v33 =	vpop (erf)  }
0x39b: {  	v40 =	vor.u32 $0x1003, v38;
	v0 =	vmul.f32 v28, v0;
	v1 =	vadd.f32 v1, v33  }
0x39c: {  	v41 =	vor.u32 $0x1004, v38;
	v10 =	vmul.f32 v28, v10;
	v36 =	vpop (erf)  }
0x39d: {  	v43 =	vor.u32 $0x1005, v38;
	v42 =	vmul.f32 v28, v9;
	[tilespmem:v61+s19+$0x0] =	vst.idx.msk $0xffff, v0;
	v1 =	vadd.f32 v1, v36  }
0x39e: {  	v44 =	vor.u32 $0x1006, v38;
	v2 =	vmul.f32 v28, v2;
	[tilespmem:v62+s19+$0x0] =	vst.idx.msk $0xffff, v10;
	v31 =	vpop (erf)  }
0x39f: {  	v46 =	vor.u32 $0x1007, v38;
	v45 =	vmul.f32 v28, v8;
	[tilespmem:v63+s19+$0x0] =	vst.idx.msk $0xffff, v42;
	v1 =	vadd.f32 v1, v31  }
0x3a0: {  	v48 =	vor.u32 $0x1008, v38;
	v47 =	vmul.f32 v28, v7;
	[tilespmem:v40+s19+$0x0] =	vst.idx.msk $0xffff, v2  }
0x3a1: {  	v49 =	vmul.f32 v28, v11;
	v50 =	vor.u32 $0x1009, v38;
	[tilespmem:v41+s19+$0x0] =	vst.idx.msk $0xffff, v45;
	(erf) = vrcp.f32 v1  }
0x3a2: {  	v52 =	vor.u32 $0x100A, v38;
	v51 =	vmul.f32 v28, v6;
	[tilespmem:v43+s19+$0x0] =	vst.idx.msk $0xffff, v47  }
0x3a3: {  	v54 =	vor.u32 $0x100B, v38;
	[tilespmem:v44+s19+$0x0] =	vst.idx.msk $0xffff, v49;
	v53 =	vmul.f32 v28, v12  }
0x3a4: {  	[tilespmem:v46+s19+$0x0] =	vst.idx.msk $0xffff, v51;
	v55 =	vmul.f32 v28, v21;
	v56 =	vor.u32 $0x100C, v38  }
0x3a5: {  	v58 =	vor.u32 $0x100D, v38;
	v57 =	vmul.f32 v28, v5;
	[tilespmem:v48+s19+$0x0] =	vst.idx.msk $0xffff, v53  }
0x3a6: {  	[tilespmem:v50+s19+$0x0] =	vst.idx.msk $0xffff, v55;
	v59 =	vmul.f32 v28, v22;
	v60 =	vor.u32 $0x100E, v38  }
0x3a7: {  	v61 =	vmul.f32 v28, v3;
	v62 =	vor.u32 $0x100F, v38;
	[tilespmem:v52+s19+$0x0] =	vst.idx.msk $0xffff, v57  }
0x3a8: {  	v9 =	vor.u32 $0x1800, v38;
	v63 =	vmul.f32 v28, v4;
	[tilespmem:v54+s19+$0x0] =	vst.idx.msk $0xffff, v59  }
0x3a9: {  	v11 =	vor.u32 $0x1801, v38;
	v10 =	vmul.f32 v28, v14;
	[tilespmem:v56+s19+$0x0] =	vst.idx.msk $0xffff, v61  }
0x3aa: {  	v12 =	vmul.f32 v28, v18;
	v28 =	vor.u32 $0x1802, v38;
	[tilespmem:v58+s19+$0x0] =	vst.idx.msk $0xffff, v63;
	v14 =	vpop (erf)  }
0x3ab: {  	v34 =	vor.u32 $0x1803, v38;
	[tilespmem:v60+s19+$0x0] =	vst.idx.msk $0xffff, v10;
	v32 =	vmul.f32 v14, v29  }
0x3ac: {  	v37 =	vor.u32 $0x1804, v38;
	[tilespmem:v62+s19+$0x0] =	vst.idx.msk $0xffff, v12;
	v35 =	vmul.f32 v14, v27  }
0x3ad: {  	v40 =	vor.u32 $0x1805, v38;
	v39 =	vmul.f32 v14, v30;
	[tilespmem:v9+s19+$0x0] =	vst.idx.msk $0xffff, v32  }
0x3ae: {  	v42 =	vor.u32 $0x1806, v38;
	v41 =	vmul.f32 v14, v25;
	[tilespmem:v11+s19+$0x0] =	vst.idx.msk $0xffff, v35  }
0x3af: {  	v44 =	vor.u32 $0x1807, v38;
	v43 =	vmul.f32 v14, v24;
	[tilespmem:v28+s19+$0x0] =	vst.idx.msk $0xffff, v39  }
0x3b0: {  	v46 =	vor.u32 $0x1808, v38;
	v45 =	vmul.f32 v14, v23;
	[tilespmem:v34+s19+$0x0] =	vst.idx.msk $0xffff, v41  }
0x3b1: {  	v48 =	vor.u32 $0x1809, v38;
	v47 =	vmul.f32 v14, v16;
	[tilespmem:v37+s19+$0x0] =	vst.idx.msk $0xffff, v43  }
0x3b2: {  	v50 =	vor.u32 $0x180A, v38;
	v49 =	vmul.f32 v14, v15;
	[tilespmem:v40+s19+$0x0] =	vst.idx.msk $0xffff, v45  }
0x3b3: {  	v52 =	vor.u32 $0x180B, v38;
	v51 =	vmul.f32 v14, v19;
	[tilespmem:v42+s19+$0x0] =	vst.idx.msk $0xffff, v47  }
0x3b4: {  	v54 =	vor.u32 $0x180C, v38;
	v53 =	vmul.f32 v14, v20;
	[tilespmem:v44+s19+$0x0] =	vst.idx.msk $0xffff, v49  }
0x3b5: {  	v56 =	vor.u32 $0x180D, v38;
	v55 =	vmul.f32 v14, v17;
	[tilespmem:v46+s19+$0x0] =	vst.idx.msk $0xffff, v51  }
0x3b6: {  	v58 =	vor.u32 $0x180E, v38;
	v57 =	vmul.f32 v14, v13;
	[tilespmem:v48+s19+$0x0] =	vst.idx.msk $0xffff, v53  }
0x3b7: {  	v60 =	vor.u32 $0x180F, v38;
	v59 =	vmul.f32 v14, v26;
	[tilespmem:v50+s19+$0x0] =	vst.idx.msk $0xffff, v55  }
0x3b8: {  	v61 =	vmul.f32 v14, v33;
	[tilespmem:v52+s19+$0x0] =	vst.idx.msk $0xffff, v57  }
0x3b9: {  	v62 =	vmul.f32 v14, v36;
	[tilespmem:v54+s19+$0x0] =	vst.idx.msk $0xffff, v59  }
0x3ba: {  	s20 =	sadd.s32 $0x1, s20;
	v63 =	vmul.f32 v14, v31;
	[tilespmem:v56+s19+$0x0] =	vst.idx.msk $0xffff, v61  }
0x3bb: {  	p0 =	sne.s32 s20, s9;
	[tilespmem:v58+s19+$0x0] =	vst.idx.msk $0xffff, v62  }
.Ltmp4:
0x3bc: {  	[tilespmem:v60+s19+$0x0] =	vst.idx.msk $0xffff, v63;
	(pc) =	sbr.rel @p0 .LBB2_1-.Ltmp4, $4  }
0x3bd: {  	[hbm4b:s8+s3] =	stream.linear.scatter [tilespmem:s19], [sflag:$0x1], $0x2000, $0x38;
	[tilespmem:$0x17080] =	vst v63  }
0x3be: {  	_ =	swait.ge [sflag:s18], $0x2000  }
0x3bf: {  	[sflag:s18] =	ssyncset.done $0x0;
	v20 =	vld [tilespmem:$0x1FFE0]  }
0x3c0: {  	v54 =	vld [tilespmem:$0x1FFF0];
	[sflag:s18] =	ssyncadd.s32 $0xFFFFE000  }
0x3c1: {  	_ =	sfence.sel $0x180000  }
0x3c2: {  	[bflag:$0x0] =	sbarrier.arrive $0xFFFF  }
0x3c3: {  	p0 =	sne.s32 s2, $0x0;
	_ =	strace $0x90000047  }
0x3c4: {  	s0 =	sadd.s32 @!p0 $0x100000, s1;
	[bflag:$0x2] =	sbarrier.arrive $0xFFFF  }
0x3c5: {  	[sflag:s0] =	ssyncadd.tile.s32 @!p0 $0x1;
	_ =	shalt  }
.Lfunc_end2:
_tile_overlayer_lowered:
.L_overlay_start_2:
0x3c6: {  	(tag) =	ssettag $0x2  }
0x3c7: {  	s0 =	rddreg [dreg:$0x0];
	s2 =	stileid.u32  }
0x3c8: {  	s1 =	rddreg [dreg:$0x1];
	p0 =	sne.s32 s2, $0x0  }
0x3c9: {  	s3 =	rddreg [dreg:$0x2];
	[bflag:$0x3] =	sbarrier.arrive $0xFFFF;
	s2 =	simm.s32 @!p0 $0x1C01  }
0x3ca: {  	[timem:s3], [sflag:s2] =	dma.local @!p0 [hbm:s0], s1  }
0x3cb: {  	s0 =	simm.s32 @!p0 $0x1  }
0x3cc: {  	_ =	swait.ge @!p0 [sflag:s0], s1  }
0x3cd: {  	s1 =	ssub.s32 @!p0 $0x0, s1;
	[sflag:s0] =	ssyncset.done @!p0 $0x0  }
0x3ce: {  	[sflag:s0] =	ssyncadd.s32 @!p0 s1  }
0x3cf: {  	[bflag:$0x3] =	sbarrier.arrive $0xFFFF  }
0x3d0: {  	_ =	shalt  }

</sc_bundles>
